<compile_context>
chip_gen: v7x
topology: tpu7x:2x2x1
jax: 0.10.2.dev20260603
libtpu: 0.0.44.dev20260713+nightly
codegen_flags: <defaults>
</compile_context>

<pallas_src>
import dataclasses

import jax
import jax.numpy as jnp
from jax import lax
from jax.experimental import pallas as pl
from jax.experimental.pallas import tpu as pltpu
from jax.experimental.pallas import tpu_sc as plsc

N = 10000
D = 128
G = 64
NCLS = 64
NC, NS = 2, 16
NW = NC * NS
CH = 64
NBUF = 4
NP = 10240
RB = 2048
NBLK = NP // RB

_HI = lax.Precision.HIGHEST

_mesh = plsc.VectorSubcoreMesh(core_axis_name="c", subcore_axis_name="s")

_sc_params = pltpu.CompilerParams()
if "needs_layout_passes" in pltpu.CompilerParams.__dataclass_fields__:
    _sc_params = dataclasses.replace(_sc_params, needs_layout_passes=False)



def _deg_body(col_hbm, out_hbm, acc, cbuf):
    core = lax.axis_index("c")
    sub = lax.axis_index("s")
    wid = core * NS + sub
    nch = col_hbm.shape[1]
    zeros16 = jnp.zeros((16,), jnp.float32)
    ones16 = jnp.ones((16,), jnp.float32)

    @pl.loop(0, NP // 16)
    def _(i):
        acc[pl.ds(i * 16, 16)] = zeros16

    pltpu.sync_copy(col_hbm.at[wid], cbuf)

    @pl.loop(0, nch)
    def _(c):
        for j in range(CH // 16):
            idx = cbuf[c, pl.ds(j * 16, 16)]
            plsc.addupdate_scatter(acc, [idx], ones16)

    pltpu.sync_copy(acc, out_hbm.at[wid])


def _deg(col3):
    nch = col3.shape[1]
    k = pl.kernel(
        _deg_body,
        out_type=jax.ShapeDtypeStruct((NW, NP), jnp.float32),
        mesh=_mesh,
        compiler_params=_sc_params,
        scratch_types=[
            pltpu.VMEM((NP,), jnp.float32),
            pltpu.VMEM((nch, CH), jnp.int32),
        ],
    )
    return k(col3)


def _agg_body(y_hbm, row_hbm, col_hbm, out_hbm, acc, cb4, rb4, *bufsems):
    core = lax.axis_index("c")
    sub = lax.axis_index("s")
    wid = core * NS + sub
    nch = col_hbm.shape[1]
    nsteps = nch // NBUF
    zeros16 = jnp.zeros((16,), jnp.float32)
    mbufs = bufsems[:NBUF]
    gsems = bufsems[NBUF:2 * NBUF]
    ssems = bufsems[2 * NBUF:3 * NBUF]
    rsems = bufsems[3 * NBUF:4 * NBUF]
    csems = bufsems[4 * NBUF:5 * NBUF]
    mb0 = mbufs[0]

    @pl.loop(0, CH)
    def _(r):
        for j in range(D // 16):
            mb0[r, pl.ds(j * 16, 16)] = zeros16

    rpt = NP // NS
    for k in range(rpt // CH):
        pltpu.sync_copy(mb0, acc.at[pl.ds(sub * rpt + k * CH, CH)])
    if rpt % CH:
        pltpu.sync_copy(mb0.at[pl.ds(0, rpt % CH)],
                        acc.at[pl.ds(sub * rpt + (rpt // CH) * CH, rpt % CH)])
    plsc.subcore_barrier()

    for b in range(NBUF):
        pltpu.make_async_copy(col_hbm.at[wid, b], cb4.at[b], csems[b]).start()
        pltpu.sync_copy(row_hbm.at[wid, b], rb4.at[b])
        pltpu.make_async_copy(y_hbm.at[rb4.at[b]], mbufs[b], gsems[b]).start()

    @pl.loop(0, nsteps)
    def _(i):
        c0 = i * NBUF
        scat = []
        for b in range(NBUF):
            pltpu.make_async_copy(y_hbm.at[rb4.at[b]], mbufs[b],
                                  gsems[b]).wait()
            pltpu.make_async_copy(col_hbm.at[wid, c0 + b], cb4.at[b],
                                  csems[b]).wait()
            scat.append(pltpu.async_copy(mbufs[b], acc.at[cb4.at[b]],
                                         ssems[b], add=True))

            @pl.when(i < nsteps - 1)
            def _():
                pltpu.make_async_copy(row_hbm.at[wid, c0 + b + NBUF],
                                      rb4.at[b], rsems[b]).start()

        for b in range(NBUF):
            scat[b].wait()

            @pl.when(i < nsteps - 1)
            def _():
                pltpu.make_async_copy(col_hbm.at[wid, c0 + b + NBUF],
                                      cb4.at[b], csems[b]).start()
                pltpu.make_async_copy(row_hbm.at[wid, c0 + b + NBUF],
                                      rb4.at[b], rsems[b]).wait()
                pltpu.make_async_copy(y_hbm.at[rb4.at[b]], mbufs[b],
                                      gsems[b]).start()

    plsc.subcore_barrier()
    pltpu.sync_copy(acc.at[pl.ds(sub * rpt, rpt)],
                    out_hbm.at[core, pl.ds(sub * rpt, rpt)])


def _agg(y, row3, col3):
    nch = row3.shape[1]
    k = pl.kernel(
        _agg_body,
        out_type=jax.ShapeDtypeStruct((NC, NP, D), jnp.float32),
        mesh=_mesh,
        scratch_types=[
            pltpu.VMEM_SHARED((NP, D), jnp.float32),
            pltpu.VMEM((NBUF, CH), jnp.int32),
            pltpu.VMEM((NBUF, CH), jnp.int32),
        ] + [pltpu.VMEM((CH, D), jnp.float32)] * NBUF
          + [pltpu.SemaphoreType.DMA] * (4 * NBUF),
        name="agg",
    )
    return k(y, row3, col3)



def _prep_body(degp_ref, x_ref, w_ref, dis_ref, y_ref):
    deg = jnp.sum(degp_ref[...], axis=0) + 1.0
    dis = lax.rsqrt(deg)[:, None]
    xw = jnp.dot(x_ref[...], w_ref[...], precision=_HI,
                 preferred_element_type=jnp.float32)
    dis_ref[...] = dis
    y_ref[...] = xw * dis


def _prep(degp, xp, W1):
    return pl.pallas_call(
        _prep_body,
        grid=(NBLK,),
        in_specs=[
            pl.BlockSpec((NW, RB), lambda i: (0, i)),
            pl.BlockSpec((RB, D), lambda i: (i, 0)),
            pl.BlockSpec((D, D), lambda i: (0, 0)),
        ],
        out_specs=[
            pl.BlockSpec((RB, 1), lambda i: (i, 0)),
            pl.BlockSpec((RB, D), lambda i: (i, 0)),
        ],
        out_shape=[
            jax.ShapeDtypeStruct((NP, 1), jnp.float32),
            jax.ShapeDtypeStruct((NP, D), jnp.float32),
        ],
    )(degp, xp, W1)


def _mid_body(p_ref, y1_ref, dis_ref, b1_ref, w2_ref, y2_ref):
    t = p_ref[0] + p_ref[1] + y1_ref[...]
    h = dis_ref[...] * t + b1_ref[...]
    h = jnp.where(h >= 0, h, 0.1 * h)
    y2 = jnp.dot(h, w2_ref[...], precision=_HI,
                 preferred_element_type=jnp.float32)
    y2_ref[...] = y2 * dis_ref[...]


def _mid(p, y1, dis, b1r, W2):
    return pl.pallas_call(
        _mid_body,
        grid=(NBLK,),
        in_specs=[
            pl.BlockSpec((NC, RB, D), lambda i: (0, i, 0)),
            pl.BlockSpec((RB, D), lambda i: (i, 0)),
            pl.BlockSpec((RB, 1), lambda i: (i, 0)),
            pl.BlockSpec((1, D), lambda i: (0, 0)),
            pl.BlockSpec((D, D), lambda i: (0, 0)),
        ],
        out_specs=pl.BlockSpec((RB, D), lambda i: (i, 0)),
        out_shape=jax.ShapeDtypeStruct((NP, D), jnp.float32),
    )(p, y1, dis, b1r, W2)


def _pool_body(q_ref, y2_ref, dis_ref, b2_ref, batch_ref, wl_ref, bl_ref,
               o_ref, s_acc, c_acc):
    i = pl.program_id(0)
    t = q_ref[0] + q_ref[1] + y2_ref[...]
    h2 = dis_ref[...] * t + b2_ref[...]
    h2 = jnp.where(h2 >= 0, h2, 0.1 * h2)
    b = batch_ref[0, 0, :]
    oh = (lax.broadcasted_iota(jnp.int32, (G, RB), 0) == b[None, :]).astype(
        jnp.float32)
    s_blk = jnp.dot(oh, h2, precision=_HI, preferred_element_type=jnp.float32)
    c_blk = jnp.sum(oh, axis=1, keepdims=True)

    @pl.when(i == 0)
    def _():
        s_acc[...] = jnp.zeros_like(s_acc)
        c_acc[...] = jnp.zeros_like(c_acc)

    s_acc[...] += s_blk
    c_acc[...] += c_blk

    @pl.when(i == NBLK - 1)
    def _():
        pooled = s_acc[...] / jnp.maximum(c_acc[...], 1.0)
        out = lax.dot_general(pooled, wl_ref[...], (((1,), (1,)), ((), ())),
                              precision=_HI,
                              preferred_element_type=jnp.float32)
        o_ref[...] = out + bl_ref[...]


def _pool(q, y2, dis, b2r, batch3, W_lin, blr):
    return pl.pallas_call(
        _pool_body,
        grid=(NBLK,),
        in_specs=[
            pl.BlockSpec((NC, RB, D), lambda i: (0, i, 0)),
            pl.BlockSpec((RB, D), lambda i: (i, 0)),
            pl.BlockSpec((RB, 1), lambda i: (i, 0)),
            pl.BlockSpec((1, D), lambda i: (0, 0)),
            pl.BlockSpec((1, 1, RB), lambda i: (i, 0, 0)),
            pl.BlockSpec((NCLS, D), lambda i: (0, 0)),
            pl.BlockSpec((1, NCLS), lambda i: (0, 0)),
        ],
        out_specs=pl.BlockSpec((G, NCLS), lambda i: (0, 0)),
        out_shape=jax.ShapeDtypeStruct((G, NCLS), jnp.float32),
        scratch_shapes=[
            pltpu.VMEM((G, D), jnp.float32),
            pltpu.VMEM((G, 1), jnp.float32),
        ],
    )(q, y2, dis, b2r, batch3, W_lin, blr)



def kernel(x, edge_index, batch, W1, b1, W2, b2, W_lin, b_lin):
    row = edge_index[0]
    col = edge_index[1]
    E = row.shape[0]
    estep = NW * CH * NBUF
    e_pad = -(-E // estep) * estep
    pad = e_pad - E
    ar = jnp.arange(pad, dtype=jnp.int32)
    row_p = jnp.concatenate([row, (ar * 131) % N])
    col_p = jnp.concatenate([col, N + (ar % (NP - N))])
    nch = e_pad // (NW * CH)
    row3 = row_p.reshape(NW, nch, CH)
    col3 = col_p.reshape(NW, nch, CH)
    xp = jnp.concatenate([x, jnp.zeros((NP - N, D), jnp.float32)])
    batch3 = jnp.concatenate(
        [batch, jnp.full((NP - N,), G, jnp.int32)]).reshape(NBLK, 1, RB)

    degp = _deg(col3)
    dis, y1 = _prep(degp, xp, W1)
    p = _agg(y1, row3, col3)
    y2 = _mid(p, y1, dis, b1.reshape(1, D), W2)
    q = _agg(y2, row3, col3)
    out = _pool(q, y2, dis, b2.reshape(1, D), batch3,
                W_lin, b_lin.reshape(1, NCLS))
    return out

# --- scband reference (transcript-rebuilt; emitter-appended) ---
"""Pipeline reference for scband-gcn-67937792688660 (READ-ONLY COPY).

The authoritative reference and input builder live on the scoring server;
editing this copy changes nothing except your own understanding.
"""

import jax, jax.numpy as jnp
import numpy as np

N = 10000
E = 320000
D_IN = 128
D_HID = 128
D_OUT = 128
N_CLASSES = 64
N_GRAPHS = 64


def gcn_conv(x, edge_index, W, b):
    # PyG-style GCNConv: add self-loops, symmetric normalization, scatter-add aggregation
    n = x.shape[0]
    row = edge_index[0]
    col = edge_index[1]
    loop = jnp.arange(n, dtype=row.dtype)
    row = jnp.concatenate([row, loop])
    col = jnp.concatenate([col, loop])
    ones = jnp.ones(row.shape[0], dtype=x.dtype)
    deg = jax.ops.segment_sum(ones, col, num_segments=n)
    deg_inv_sqrt = jnp.where(deg > 0, 1.0 / jnp.sqrt(deg), 0.0)
    norm = deg_inv_sqrt[row] * deg_inv_sqrt[col]
    xw = x @ W  # [n, out]
    msg = xw[row] * norm[:, None]  # gather on SparseCore
    out = jax.ops.segment_sum(msg, col, num_segments=n)  # scatter-add
    return out + b


def setup_inputs(seed: int = 0) -> dict:
    key = jax.random.key(seed)
    ks = jax.random.split(key, 9)
    x = jax.random.normal(ks[0], (N, D_IN), dtype=jnp.float32)
    edge_index = jax.random.randint(ks[1], (2, E), 0, N, dtype=jnp.int32)
    batch = jnp.sort(jax.random.randint(ks[2], (N,), 0, N_GRAPHS, dtype=jnp.int32))
    W1 = jax.random.normal(ks[3], (D_IN, D_HID), dtype=jnp.float32) * (1.0 / np.sqrt(D_IN))
    b1 = jnp.zeros((D_HID,), dtype=jnp.float32)
    W2 = jax.random.normal(ks[4], (D_HID, D_OUT), dtype=jnp.float32) * (1.0 / np.sqrt(D_HID))
    b2 = jnp.zeros((D_OUT,), dtype=jnp.float32)
    W_lin = jax.random.normal(ks[5], (N_CLASSES, D_OUT), dtype=jnp.float32) * (1.0 / np.sqrt(D_OUT))
    b_lin = jnp.zeros((N_CLASSES,), dtype=jnp.float32)
    return {"x": x, "edge_index": edge_index, "batch": batch,
            "W1": W1, "b1": b1, "W2": W2, "b2": b2,
            "W_lin": W_lin, "b_lin": b_lin}


def reference(x, edge_index, batch, W1, b1, W2, b2, W_lin, b_lin):
    h = gcn_conv(x, edge_index, W1, b1)
    h = jax.nn.leaky_relu(h, negative_slope=0.1)
    h = gcn_conv(h, edge_index, W2, b2)
    h = jax.nn.leaky_relu(h, negative_slope=0.1)
    # global_mean_pool over batch segment ids
    s = jax.ops.segment_sum(h, batch, num_segments=N_GRAPHS)
    cnt = jax.ops.segment_sum(jnp.ones((h.shape[0],), dtype=h.dtype), batch, num_segments=N_GRAPHS)
    pooled = s / jnp.clip(cnt, 1.0, None)[:, None]
    # dropout p=0.2 is identity in eval mode
    out = pooled @ W_lin.T + b_lin
    return out

if __name__ == "__main__":
    import jax
    _d = setup_inputs()
    print(jax.jit(kernel)(*tuple(_d.values())))

</pallas_src>

<mosaic_0001>
#map = affine_map<(d0, d1) -> (0, 0, 0)>
#map1 = affine_map<(d0, d1) -> (0, 0)>
module attributes {stable_mosaic.version = 14 : i64} {
  func.func @_deg_body(%arg0: i32, %arg1: i32, %arg2: memref<32x160x64xi32, #tpu.memory_space<hbm>>, %arg3: memref<32x10240xf32, #tpu.memory_space<hbm>>, %arg4: memref<10240xf32, #tpu.memory_space<vmem>>, %arg5: memref<160x64xi32, #tpu.memory_space<vmem>>) attributes {dimension_semantics = [#tpu.dimension_semantics<core_parallel>, #tpu.dimension_semantics<subcore_parallel>], iteration_bounds = array<i64: 2, 16>, scalar_prefetch = 0 : i64, scratch_operands = 2 : i64, tpu.core_type = #tpu.core_type<sc_vector_subcore>, window_params = [{transform_indices = #map}, {transform_indices = #map1}]} {
    %mul3A = arith.constant 16 : i32
    %mul3A_0 = arith.muli %arg0, %mul3A : i32
    %add3A = arith.addi %mul3A_0, %arg1 : i32
    %broadcast_in_dim3A = arith.constant 0.000000e+00 : f32
    %broadcast_in_dim3A_1 = vector.broadcast %broadcast_in_dim3A : f32 to vector<16xf32>
    %broadcast_in_dim3A_2 = arith.constant 1.000000e+00 : f32
    %broadcast_in_dim3A_3 = vector.broadcast %broadcast_in_dim3A_2 : f32 to vector<16xf32>
    %scan3A = arith.constant 0 : i32
    %scan3A_4 = arith.constant 640 : i32
    %scan3A_5 = arith.addi %scan3A, %scan3A_4 : i32
    %scan3A_6 = arith.constant 1 : i32
    scf.for %scan3A_13 = %scan3A to %scan3A_5 step %scan3A_6  : i32 {
      %mul3A_14 = arith.constant 1 : i32
      %mul3A_15 = arith.muli %scan3A_13, %mul3A_14 : i32
      %add3A_16 = arith.constant 0 : i32
      %add3A_17 = arith.addi %add3A_16, %mul3A_15 : i32
      %mul3A_18 = arith.constant 16 : i32
      %mul3A_19 = arith.muli %add3A_17, %mul3A_18 : i32
      %swap3A = arith.index_cast %mul3A_19 : i32 to index
      %swap3A_20 = tpu.vector_load %arg4[%swap3A] {strides = array<i32>} : memref<10240xf32, #tpu.memory_space<vmem>>, vector<16xf32>,
      tpu.vector_store %arg4[%swap3A], %broadcast_in_dim3A_1 {strides = array<i32>} : memref<10240xf32, #tpu.memory_space<vmem>>, vector<16xf32>,
    }
    %scan3A_7 = arith.constant 640 : i32
    "tpu.region"() ({
      %run_scoped3A = tpu.sem_alloc : memref<!tpu.dma_semaphore, #tpu.memory_space<semaphore_mem>>
      %dma_start3A = arith.constant 0 : i32
      %dma_start3A_13 = arith.constant 0 : i32
      %dma_start3A_14 = tpu.memref_slice %arg2[%add3A, %dma_start3A, %dma_start3A_13] : memref<32x160x64xi32, #tpu.memory_space<hbm>> -> memref<1x160x64xi32, #tpu.memory_space<hbm>>
      %dma_start3A_15 = tpu.memref_squeeze %dma_start3A_14 : memref<1x160x64xi32, #tpu.memory_space<hbm>> -> memref<160x64xi32, #tpu.memory_space<hbm>>
      %dma_start3A_16 = arith.constant 0 : i32
      %dma_start3A_17 = arith.constant 0 : i32
      %dma_start3A_18 = tpu.memref_slice %arg2[%add3A, %dma_start3A_16, %dma_start3A_17] : memref<32x160x64xi32, #tpu.memory_space<hbm>> -> memref<1x160x64xi32, #tpu.memory_space<hbm>>
      %dma_start3A_19 = tpu.memref_squeeze %dma_start3A_18 : memref<1x160x64xi32, #tpu.memory_space<hbm>> -> memref<160x64xi32, #tpu.memory_space<hbm>>
      tpu.enqueue_dma source(%dma_start3A_19 : memref<160x64xi32, #tpu.memory_space<hbm>>) target(%arg5 : memref<160x64xi32, #tpu.memory_space<vmem>>) target_semaphore(%run_scoped3A : memref<!tpu.dma_semaphore, #tpu.memory_space<semaphore_mem>>)
      %dma_wait3A = arith.constant 0 : i32
      %dma_wait3A_20 = arith.constant 0 : i32
      %dma_wait3A_21 = tpu.memref_slice %arg2[%add3A, %dma_wait3A, %dma_wait3A_20] : memref<32x160x64xi32, #tpu.memory_space<hbm>> -> memref<1x160x64xi32, #tpu.memory_space<hbm>>
      %dma_wait3A_22 = tpu.memref_squeeze %dma_wait3A_21 : memref<1x160x64xi32, #tpu.memory_space<hbm>> -> memref<160x64xi32, #tpu.memory_space<hbm>>
      %dma_wait3A_23 = arith.constant 0 : i32
      %dma_wait3A_24 = arith.constant 0 : i32
      %dma_wait3A_25 = tpu.memref_slice %arg2[%add3A, %dma_wait3A_23, %dma_wait3A_24] : memref<32x160x64xi32, #tpu.memory_space<hbm>> -> memref<1x160x64xi32, #tpu.memory_space<hbm>>
      %dma_wait3A_26 = tpu.memref_squeeze %dma_wait3A_25 : memref<1x160x64xi32, #tpu.memory_space<hbm>> -> memref<160x64xi32, #tpu.memory_space<hbm>>
      tpu.wait_dma2 semaphore(%run_scoped3A : memref<!tpu.dma_semaphore, #tpu.memory_space<semaphore_mem>>) src(%dma_wait3A_26 : memref<160x64xi32, #tpu.memory_space<hbm>>) dst(%arg5 : memref<160x64xi32, #tpu.memory_space<vmem>>)
      tpu.yield
    }) : () -> ()
    %scan3A_8 = arith.constant 0 : i32
    %scan3A_9 = arith.constant 160 : i32
    %scan3A_10 = arith.addi %scan3A_8, %scan3A_9 : i32
    %scan3A_11 = arith.constant 1 : i32
    scf.for %scan3A_13 = %scan3A_8 to %scan3A_10 step %scan3A_11  : i32 {
      %mul3A_14 = arith.constant 1 : i32
      %mul3A_15 = arith.muli %scan3A_13, %mul3A_14 : i32
      %add3A_16 = arith.constant 0 : i32
      %add3A_17 = arith.addi %add3A_16, %mul3A_15 : i32
      %get3A = arith.index_cast %add3A_17 : i32 to index
      %get3A_18 = arith.constant 0 : index
      %get3A_19 = tpu.vector_load %arg5[%get3A, %get3A_18] {strides = array<i32>} : memref<160x64xi32, #tpu.memory_space<vmem>>, vector<16xi32>,
      tpu.vector_store_idx %arg4[%get3A_19], %broadcast_in_dim3A_3 {add = true} : memref<10240xf32, #tpu.memory_space<vmem>>[vector<16xi32>], vector<16xf32>,
      %get3A_20 = arith.index_cast %add3A_17 : i32 to index
      %get3A_21 = arith.constant 16 : index
      %get3A_22 = tpu.vector_load %arg5[%get3A_20, %get3A_21] {strides = array<i32>} : memref<160x64xi32, #tpu.memory_space<vmem>>, vector<16xi32>,
      tpu.vector_store_idx %arg4[%get3A_22], %broadcast_in_dim3A_3 {add = true} : memref<10240xf32, #tpu.memory_space<vmem>>[vector<16xi32>], vector<16xf32>,
      %get3A_23 = arith.index_cast %add3A_17 : i32 to index
      %get3A_24 = arith.constant 32 : index
      %get3A_25 = tpu.vector_load %arg5[%get3A_23, %get3A_24] {strides = array<i32>} : memref<160x64xi32, #tpu.memory_space<vmem>>, vector<16xi32>,
      tpu.vector_store_idx %arg4[%get3A_25], %broadcast_in_dim3A_3 {add = true} : memref<10240xf32, #tpu.memory_space<vmem>>[vector<16xi32>], vector<16xf32>,
      %get3A_26 = arith.index_cast %add3A_17 : i32 to index
      %get3A_27 = arith.constant 48 : index
      %get3A_28 = tpu.vector_load %arg5[%get3A_26, %get3A_27] {strides = array<i32>} : memref<160x64xi32, #tpu.memory_space<vmem>>, vector<16xi32>,
      tpu.vector_store_idx %arg4[%get3A_28], %broadcast_in_dim3A_3 {add = true} : memref<10240xf32, #tpu.memory_space<vmem>>[vector<16xi32>], vector<16xf32>,
    }
    %scan3A_12 = arith.constant 160 : i32
    "tpu.region"() ({
      %run_scoped3A = tpu.sem_alloc : memref<!tpu.dma_semaphore, #tpu.memory_space<semaphore_mem>>
      %dma_start3A = arith.constant 0 : i32
      %dma_start3A_13 = tpu.memref_slice %arg3[%add3A, %dma_start3A] : memref<32x10240xf32, #tpu.memory_space<hbm>> -> memref<1x10240xf32, #tpu.memory_space<hbm>>
      %dma_start3A_14 = tpu.memref_squeeze %dma_start3A_13 : memref<1x10240xf32, #tpu.memory_space<hbm>> -> memref<10240xf32, #tpu.memory_space<hbm>>
      %dma_start3A_15 = arith.constant 0 : i32
      %dma_start3A_16 = tpu.memref_slice %arg3[%add3A, %dma_start3A_15] : memref<32x10240xf32, #tpu.memory_space<hbm>> -> memref<1x10240xf32, #tpu.memory_space<hbm>>
      %dma_start3A_17 = tpu.memref_squeeze %dma_start3A_16 : memref<1x10240xf32, #tpu.memory_space<hbm>> -> memref<10240xf32, #tpu.memory_space<hbm>>
      tpu.enqueue_dma source(%arg4 : memref<10240xf32, #tpu.memory_space<vmem>>) target(%dma_start3A_17 : memref<10240xf32, #tpu.memory_space<hbm>>) target_semaphore(%run_scoped3A : memref<!tpu.dma_semaphore, #tpu.memory_space<semaphore_mem>>)
      %dma_wait3A = arith.constant 0 : i32
      %dma_wait3A_18 = tpu.memref_slice %arg3[%add3A, %dma_wait3A] : memref<32x10240xf32, #tpu.memory_space<hbm>> -> memref<1x10240xf32, #tpu.memory_space<hbm>>
      %dma_wait3A_19 = tpu.memref_squeeze %dma_wait3A_18 : memref<1x10240xf32, #tpu.memory_space<hbm>> -> memref<10240xf32, #tpu.memory_space<hbm>>
      %dma_wait3A_20 = arith.constant 0 : i32
      %dma_wait3A_21 = tpu.memref_slice %arg3[%add3A, %dma_wait3A_20] : memref<32x10240xf32, #tpu.memory_space<hbm>> -> memref<1x10240xf32, #tpu.memory_space<hbm>>
      %dma_wait3A_22 = tpu.memref_squeeze %dma_wait3A_21 : memref<1x10240xf32, #tpu.memory_space<hbm>> -> memref<10240xf32, #tpu.memory_space<hbm>>
      tpu.wait_dma2 semaphore(%run_scoped3A : memref<!tpu.dma_semaphore, #tpu.memory_space<semaphore_mem>>) src(%arg4 : memref<10240xf32, #tpu.memory_space<vmem>>) dst(%dma_wait3A_22 : memref<10240xf32, #tpu.memory_space<hbm>>)
      tpu.yield
    }) : () -> ()
    return
  }
}

#map = affine_map<(d0, d1) -> (0, 0)>
#map1 = affine_map<(d0, d1) -> (0, 0, 0)>
module attributes {stable_mosaic.version = 14 : i64} {
  func.func @agg(%arg0: i32, %arg1: i32, %arg2: memref<10240x128xf32, #tpu.memory_space<hbm>>, %arg3: memref<32x160x64xi32, #tpu.memory_space<hbm>>, %arg4: memref<32x160x64xi32, #tpu.memory_space<hbm>>, %arg5: memref<2x10240x128xf32, #tpu.memory_space<hbm>>, %arg6: memref<10240x128xf32, #tpu.memory_space<vmem_shared>>, %arg7: memref<4x64xi32, #tpu.memory_space<vmem>>, %arg8: memref<4x64xi32, #tpu.memory_space<vmem>>, %arg9: memref<64x128xf32, #tpu.memory_space<vmem>>, %arg10: memref<64x128xf32, #tpu.memory_space<vmem>>, %arg11: memref<64x128xf32, #tpu.memory_space<vmem>>, %arg12: memref<64x128xf32, #tpu.memory_space<vmem>>, %arg13: memref<!tpu.dma_semaphore, #tpu.memory_space<semaphore_mem>>, %arg14: memref<!tpu.dma_semaphore, #tpu.memory_space<semaphore_mem>>, %arg15: memref<!tpu.dma_semaphore, #tpu.memory_space<semaphore_mem>>, %arg16: memref<!tpu.dma_semaphore, #tpu.memory_space<semaphore_mem>>, %arg17: memref<!tpu.dma_semaphore, #tpu.memory_space<semaphore_mem>>, %arg18: memref<!tpu.dma_semaphore, #tpu.memory_space<semaphore_mem>>, %arg19: memref<!tpu.dma_semaphore, #tpu.memory_space<semaphore_mem>>, %arg20: memref<!tpu.dma_semaphore, #tpu.memory_space<semaphore_mem>>, %arg21: memref<!tpu.dma_semaphore, #tpu.memory_space<semaphore_mem>>, %arg22: memref<!tpu.dma_semaphore, #tpu.memory_space<semaphore_mem>>, %arg23: memref<!tpu.dma_semaphore, #tpu.memory_space<semaphore_mem>>, %arg24: memref<!tpu.dma_semaphore, #tpu.memory_space<semaphore_mem>>, %arg25: memref<!tpu.dma_semaphore, #tpu.memory_space<semaphore_mem>>, %arg26: memref<!tpu.dma_semaphore, #tpu.memory_space<semaphore_mem>>, %arg27: memref<!tpu.dma_semaphore, #tpu.memory_space<semaphore_mem>>, %arg28: memref<!tpu.dma_semaphore, #tpu.memory_space<semaphore_mem>>) attributes {dimension_semantics = [#tpu.dimension_semantics<core_parallel>, #tpu.dimension_semantics<subcore_parallel>], iteration_bounds = array<i64: 2, 16>, scalar_prefetch = 0 : i64, scratch_operands = 23 : i64, tpu.core_type = #tpu.core_type<sc_vector_subcore>, window_params = [{transform_indices = #map}, {transform_indices = #map1}, {transform_indices = #map1}, {transform_indices = #map1}]} {
    %mul3A = arith.constant 16 : i32
    %mul3A_0 = arith.muli %arg0, %mul3A : i32
    %add3A = arith.addi %mul3A_0, %arg1 : i32
    %broadcast_in_dim3A = arith.constant 0.000000e+00 : f32
    %broadcast_in_dim3A_1 = vector.broadcast %broadcast_in_dim3A : f32 to vector<16xf32>
    %scan3A = arith.constant 0 : i32
    %scan3A_2 = arith.constant 64 : i32
    %scan3A_3 = arith.addi %scan3A, %scan3A_2 : i32
    %scan3A_4 = arith.constant 1 : i32
    scf.for %scan3A_146 = %scan3A to %scan3A_3 step %scan3A_4  : i32 {
      %mul3A_147 = arith.constant 1 : i32
      %mul3A_148 = arith.muli %scan3A_146, %mul3A_147 : i32
      %add3A_149 = arith.constant 0 : i32
      %add3A_150 = arith.addi %add3A_149, %mul3A_148 : i32
      %swap3A = arith.index_cast %add3A_150 : i32 to index
      %swap3A_151 = arith.constant 0 : index
      %swap3A_152 = tpu.vector_load %arg9[%swap3A, %swap3A_151] {strides = array<i32>} : memref<64x128xf32, #tpu.memory_space<vmem>>, vector<1x16xf32>,
      %swap3A_153 = vector.shape_cast %swap3A_152 : vector<1x16xf32> to vector<16xf32>
      %swap3A_154 = vector.shape_cast %broadcast_in_dim3A_1 : vector<16xf32> to vector<1x16xf32>
      tpu.vector_store %arg9[%swap3A, %swap3A_151], %swap3A_154 {strides = array<i32>} : memref<64x128xf32, #tpu.memory_space<vmem>>, vector<1x16xf32>,
      %swap3A_155 = arith.index_cast %add3A_150 : i32 to index
      %swap3A_156 = arith.constant 16 : index
      %swap3A_157 = tpu.vector_load %arg9[%swap3A_155, %swap3A_156] {strides = array<i32>} : memref<64x128xf32, #tpu.memory_space<vmem>>, vector<1x16xf32>,
      %swap3A_158 = vector.shape_cast %swap3A_157 : vector<1x16xf32> to vector<16xf32>
      %swap3A_159 = vector.shape_cast %broadcast_in_dim3A_1 : vector<16xf32> to vector<1x16xf32>
      tpu.vector_store %arg9[%swap3A_155, %swap3A_156], %swap3A_159 {strides = array<i32>} : memref<64x128xf32, #tpu.memory_space<vmem>>, vector<1x16xf32>,
      %swap3A_160 = arith.index_cast %add3A_150 : i32 to index
      %swap3A_161 = arith.constant 32 : index
      %swap3A_162 = tpu.vector_load %arg9[%swap3A_160, %swap3A_161] {strides = array<i32>} : memref<64x128xf32, #tpu.memory_space<vmem>>, vector<1x16xf32>,
      %swap3A_163 = vector.shape_cast %swap3A_162 : vector<1x16xf32> to vector<16xf32>
      %swap3A_164 = vector.shape_cast %broadcast_in_dim3A_1 : vector<16xf32> to vector<1x16xf32>
      tpu.vector_store %arg9[%swap3A_160, %swap3A_161], %swap3A_164 {strides = array<i32>} : memref<64x128xf32, #tpu.memory_space<vmem>>, vector<1x16xf32>,
      %swap3A_165 = arith.index_cast %add3A_150 : i32 to index
      %swap3A_166 = arith.constant 48 : index
      %swap3A_167 = tpu.vector_load %arg9[%swap3A_165, %swap3A_166] {strides = array<i32>} : memref<64x128xf32, #tpu.memory_space<vmem>>, vector<1x16xf32>,
      %swap3A_168 = vector.shape_cast %swap3A_167 : vector<1x16xf32> to vector<16xf32>
      %swap3A_169 = vector.shape_cast %broadcast_in_dim3A_1 : vector<16xf32> to vector<1x16xf32>
      tpu.vector_store %arg9[%swap3A_165, %swap3A_166], %swap3A_169 {strides = array<i32>} : memref<64x128xf32, #tpu.memory_space<vmem>>, vector<1x16xf32>,
      %swap3A_170 = arith.index_cast %add3A_150 : i32 to index
      %swap3A_171 = arith.constant 64 : index
      %swap3A_172 = tpu.vector_load %arg9[%swap3A_170, %swap3A_171] {strides = array<i32>} : memref<64x128xf32, #tpu.memory_space<vmem>>, vector<1x16xf32>,
      %swap3A_173 = vector.shape_cast %swap3A_172 : vector<1x16xf32> to vector<16xf32>
      %swap3A_174 = vector.shape_cast %broadcast_in_dim3A_1 : vector<16xf32> to vector<1x16xf32>
      tpu.vector_store %arg9[%swap3A_170, %swap3A_171], %swap3A_174 {strides = array<i32>} : memref<64x128xf32, #tpu.memory_space<vmem>>, vector<1x16xf32>,
      %swap3A_175 = arith.index_cast %add3A_150 : i32 to index
      %swap3A_176 = arith.constant 80 : index
      %swap3A_177 = tpu.vector_load %arg9[%swap3A_175, %swap3A_176] {strides = array<i32>} : memref<64x128xf32, #tpu.memory_space<vmem>>, vector<1x16xf32>,
      %swap3A_178 = vector.shape_cast %swap3A_177 : vector<1x16xf32> to vector<16xf32>
      %swap3A_179 = vector.shape_cast %broadcast_in_dim3A_1 : vector<16xf32> to vector<1x16xf32>
      tpu.vector_store %arg9[%swap3A_175, %swap3A_176], %swap3A_179 {strides = array<i32>} : memref<64x128xf32, #tpu.memory_space<vmem>>, vector<1x16xf32>,
      %swap3A_180 = arith.index_cast %add3A_150 : i32 to index
      %swap3A_181 = arith.constant 96 : index
      %swap3A_182 = tpu.vector_load %arg9[%swap3A_180, %swap3A_181] {strides = array<i32>} : memref<64x128xf32, #tpu.memory_space<vmem>>, vector<1x16xf32>,
      %swap3A_183 = vector.shape_cast %swap3A_182 : vector<1x16xf32> to vector<16xf32>
      %swap3A_184 = vector.shape_cast %broadcast_in_dim3A_1 : vector<16xf32> to vector<1x16xf32>
      tpu.vector_store %arg9[%swap3A_180, %swap3A_181], %swap3A_184 {strides = array<i32>} : memref<64x128xf32, #tpu.memory_space<vmem>>, vector<1x16xf32>,
      %swap3A_185 = arith.index_cast %add3A_150 : i32 to index
      %swap3A_186 = arith.constant 112 : index
      %swap3A_187 = tpu.vector_load %arg9[%swap3A_185, %swap3A_186] {strides = array<i32>} : memref<64x128xf32, #tpu.memory_space<vmem>>, vector<1x16xf32>,
      %swap3A_188 = vector.shape_cast %swap3A_187 : vector<1x16xf32> to vector<16xf32>
      %swap3A_189 = vector.shape_cast %broadcast_in_dim3A_1 : vector<16xf32> to vector<1x16xf32>
      tpu.vector_store %arg9[%swap3A_185, %swap3A_186], %swap3A_189 {strides = array<i32>} : memref<64x128xf32, #tpu.memory_space<vmem>>, vector<1x16xf32>,
    }
    %scan3A_5 = arith.constant 64 : i32
    %mul3A_6 = arith.constant 640 : i32
    %mul3A_7 = arith.muli %arg1, %mul3A_6 : i32
    %add3A_8 = arith.constant 0 : i32
    %add3A_9 = arith.addi %mul3A_7, %add3A_8 : i32
    "tpu.region"() ({
      %run_scoped3A_146 = tpu.sem_alloc : memref<!tpu.dma_semaphore, #tpu.memory_space<semaphore_mem>>
      %dma_start3A_147 = arith.constant 0 : i32
      %dma_start3A_148 = tpu.memref_slice %arg6[%add3A_9, %dma_start3A_147] : memref<10240x128xf32, #tpu.memory_space<vmem_shared>> -> memref<64x128xf32, #tpu.memory_space<vmem_shared>>
      %dma_start3A_149 = arith.constant 0 : i32
      %dma_start3A_150 = tpu.memref_slice %arg6[%add3A_9, %dma_start3A_149] : memref<10240x128xf32, #tpu.memory_space<vmem_shared>> -> memref<64x128xf32, #tpu.memory_space<vmem_shared>>
      tpu.enqueue_dma source(%arg9 : memref<64x128xf32, #tpu.memory_space<vmem>>) target(%dma_start3A_150 : memref<64x128xf32, #tpu.memory_space<vmem_shared>>) target_semaphore(%run_scoped3A_146 : memref<!tpu.dma_semaphore, #tpu.memory_space<semaphore_mem>>)
      %dma_wait3A = arith.constant 0 : i32
      %dma_wait3A_151 = tpu.memref_slice %arg6[%add3A_9, %dma_wait3A] : memref<10240x128xf32, #tpu.memory_space<vmem_shared>> -> memref<64x128xf32, #tpu.memory_space<vmem_shared>>
      %dma_wait3A_152 = arith.constant 0 : i32
      %dma_wait3A_153 = tpu.memref_slice %arg6[%add3A_9, %dma_wait3A_152] : memref<10240x128xf32, #tpu.memory_space<vmem_shared>> -> memref<64x128xf32, #tpu.memory_space<vmem_shared>>
      tpu.wait_dma2 semaphore(%run_scoped3A_146 : memref<!tpu.dma_semaphore, #tpu.memory_space<semaphore_mem>>) src(%arg9 : memref<64x128xf32, #tpu.memory_space<vmem>>) dst(%dma_wait3A_153 : memref<64x128xf32, #tpu.memory_space<vmem_shared>>)
      tpu.yield
    }) : () -> ()
    %mul3A_10 = arith.constant 640 : i32
    %mul3A_11 = arith.muli %arg1, %mul3A_10 : i32
    %add3A_12 = arith.constant 64 : i32
    %add3A_13 = arith.addi %mul3A_11, %add3A_12 : i32
    "tpu.region"() ({
      %run_scoped3A_146 = tpu.sem_alloc : memref<!tpu.dma_semaphore, #tpu.memory_space<semaphore_mem>>
      %dma_start3A_147 = arith.constant 0 : i32
      %dma_start3A_148 = tpu.memref_slice %arg6[%add3A_13, %dma_start3A_147] : memref<10240x128xf32, #tpu.memory_space<vmem_shared>> -> memref<64x128xf32, #tpu.memory_space<vmem_shared>>
      %dma_start3A_149 = arith.constant 0 : i32
      %dma_start3A_150 = tpu.memref_slice %arg6[%add3A_13, %dma_start3A_149] : memref<10240x128xf32, #tpu.memory_space<vmem_shared>> -> memref<64x128xf32, #tpu.memory_space<vmem_shared>>
      tpu.enqueue_dma source(%arg9 : memref<64x128xf32, #tpu.memory_space<vmem>>) target(%dma_start3A_150 : memref<64x128xf32, #tpu.memory_space<vmem_shared>>) target_semaphore(%run_scoped3A_146 : memref<!tpu.dma_semaphore, #tpu.memory_space<semaphore_mem>>)
      %dma_wait3A = arith.constant 0 : i32
      %dma_wait3A_151 = tpu.memref_slice %arg6[%add3A_13, %dma_wait3A] : memref<10240x128xf32, #tpu.memory_space<vmem_shared>> -> memref<64x128xf32, #tpu.memory_space<vmem_shared>>
      %dma_wait3A_152 = arith.constant 0 : i32
      %dma_wait3A_153 = tpu.memref_slice %arg6[%add3A_13, %dma_wait3A_152] : memref<10240x128xf32, #tpu.memory_space<vmem_shared>> -> memref<64x128xf32, #tpu.memory_space<vmem_shared>>
      tpu.wait_dma2 semaphore(%run_scoped3A_146 : memref<!tpu.dma_semaphore, #tpu.memory_space<semaphore_mem>>) src(%arg9 : memref<64x128xf32, #tpu.memory_space<vmem>>) dst(%dma_wait3A_153 : memref<64x128xf32, #tpu.memory_space<vmem_shared>>)
      tpu.yield
    }) : () -> ()
    %mul3A_14 = arith.constant 640 : i32
    %mul3A_15 = arith.muli %arg1, %mul3A_14 : i32
    %add3A_16 = arith.constant 128 : i32
    %add3A_17 = arith.addi %mul3A_15, %add3A_16 : i32
    "tpu.region"() ({
      %run_scoped3A_146 = tpu.sem_alloc : memref<!tpu.dma_semaphore, #tpu.memory_space<semaphore_mem>>
      %dma_start3A_147 = arith.constant 0 : i32
      %dma_start3A_148 = tpu.memref_slice %arg6[%add3A_17, %dma_start3A_147] : memref<10240x128xf32, #tpu.memory_space<vmem_shared>> -> memref<64x128xf32, #tpu.memory_space<vmem_shared>>
      %dma_start3A_149 = arith.constant 0 : i32
      %dma_start3A_150 = tpu.memref_slice %arg6[%add3A_17, %dma_start3A_149] : memref<10240x128xf32, #tpu.memory_space<vmem_shared>> -> memref<64x128xf32, #tpu.memory_space<vmem_shared>>
      tpu.enqueue_dma source(%arg9 : memref<64x128xf32, #tpu.memory_space<vmem>>) target(%dma_start3A_150 : memref<64x128xf32, #tpu.memory_space<vmem_shared>>) target_semaphore(%run_scoped3A_146 : memref<!tpu.dma_semaphore, #tpu.memory_space<semaphore_mem>>)
      %dma_wait3A = arith.constant 0 : i32
      %dma_wait3A_151 = tpu.memref_slice %arg6[%add3A_17, %dma_wait3A] : memref<10240x128xf32, #tpu.memory_space<vmem_shared>> -> memref<64x128xf32, #tpu.memory_space<vmem_shared>>
      %dma_wait3A_152 = arith.constant 0 : i32
      %dma_wait3A_153 = tpu.memref_slice %arg6[%add3A_17, %dma_wait3A_152] : memref<10240x128xf32, #tpu.memory_space<vmem_shared>> -> memref<64x128xf32, #tpu.memory_space<vmem_shared>>
      tpu.wait_dma2 semaphore(%run_scoped3A_146 : memref<!tpu.dma_semaphore, #tpu.memory_space<semaphore_mem>>) src(%arg9 : memref<64x128xf32, #tpu.memory_space<vmem>>) dst(%dma_wait3A_153 : memref<64x128xf32, #tpu.memory_space<vmem_shared>>)
      tpu.yield
    }) : () -> ()
    %mul3A_18 = arith.constant 640 : i32
    %mul3A_19 = arith.muli %arg1, %mul3A_18 : i32
    %add3A_20 = arith.constant 192 : i32
    %add3A_21 = arith.addi %mul3A_19, %add3A_20 : i32
    "tpu.region"() ({
      %run_scoped3A_146 = tpu.sem_alloc : memref<!tpu.dma_semaphore, #tpu.memory_space<semaphore_mem>>
      %dma_start3A_147 = arith.constant 0 : i32
      %dma_start3A_148 = tpu.memref_slice %arg6[%add3A_21, %dma_start3A_147] : memref<10240x128xf32, #tpu.memory_space<vmem_shared>> -> memref<64x128xf32, #tpu.memory_space<vmem_shared>>
      %dma_start3A_149 = arith.constant 0 : i32
      %dma_start3A_150 = tpu.memref_slice %arg6[%add3A_21, %dma_start3A_149] : memref<10240x128xf32, #tpu.memory_space<vmem_shared>> -> memref<64x128xf32, #tpu.memory_space<vmem_shared>>
      tpu.enqueue_dma source(%arg9 : memref<64x128xf32, #tpu.memory_space<vmem>>) target(%dma_start3A_150 : memref<64x128xf32, #tpu.memory_space<vmem_shared>>) target_semaphore(%run_scoped3A_146 : memref<!tpu.dma_semaphore, #tpu.memory_space<semaphore_mem>>)
      %dma_wait3A = arith.constant 0 : i32
      %dma_wait3A_151 = tpu.memref_slice %arg6[%add3A_21, %dma_wait3A] : memref<10240x128xf32, #tpu.memory_space<vmem_shared>> -> memref<64x128xf32, #tpu.memory_space<vmem_shared>>
      %dma_wait3A_152 = arith.constant 0 : i32
      %dma_wait3A_153 = tpu.memref_slice %arg6[%add3A_21, %dma_wait3A_152] : memref<10240x128xf32, #tpu.memory_space<vmem_shared>> -> memref<64x128xf32, #tpu.memory_space<vmem_shared>>
      tpu.wait_dma2 semaphore(%run_scoped3A_146 : memref<!tpu.dma_semaphore, #tpu.memory_space<semaphore_mem>>) src(%arg9 : memref<64x128xf32, #tpu.memory_space<vmem>>) dst(%dma_wait3A_153 : memref<64x128xf32, #tpu.memory_space<vmem_shared>>)
      tpu.yield
    }) : () -> ()
    %mul3A_22 = arith.constant 640 : i32
    %mul3A_23 = arith.muli %arg1, %mul3A_22 : i32
    %add3A_24 = arith.constant 256 : i32
    %add3A_25 = arith.addi %mul3A_23, %add3A_24 : i32
    "tpu.region"() ({
      %run_scoped3A_146 = tpu.sem_alloc : memref<!tpu.dma_semaphore, #tpu.memory_space<semaphore_mem>>
      %dma_start3A_147 = arith.constant 0 : i32
      %dma_start3A_148 = tpu.memref_slice %arg6[%add3A_25, %dma_start3A_147] : memref<10240x128xf32, #tpu.memory_space<vmem_shared>> -> memref<64x128xf32, #tpu.memory_space<vmem_shared>>
      %dma_start3A_149 = arith.constant 0 : i32
      %dma_start3A_150 = tpu.memref_slice %arg6[%add3A_25, %dma_start3A_149] : memref<10240x128xf32, #tpu.memory_space<vmem_shared>> -> memref<64x128xf32, #tpu.memory_space<vmem_shared>>
      tpu.enqueue_dma source(%arg9 : memref<64x128xf32, #tpu.memory_space<vmem>>) target(%dma_start3A_150 : memref<64x128xf32, #tpu.memory_space<vmem_shared>>) target_semaphore(%run_scoped3A_146 : memref<!tpu.dma_semaphore, #tpu.memory_space<semaphore_mem>>)
      %dma_wait3A = arith.constant 0 : i32
      %dma_wait3A_151 = tpu.memref_slice %arg6[%add3A_25, %dma_wait3A] : memref<10240x128xf32, #tpu.memory_space<vmem_shared>> -> memref<64x128xf32, #tpu.memory_space<vmem_shared>>
      %dma_wait3A_152 = arith.constant 0 : i32
      %dma_wait3A_153 = tpu.memref_slice %arg6[%add3A_25, %dma_wait3A_152] : memref<10240x128xf32, #tpu.memory_space<vmem_shared>> -> memref<64x128xf32, #tpu.memory_space<vmem_shared>>
      tpu.wait_dma2 semaphore(%run_scoped3A_146 : memref<!tpu.dma_semaphore, #tpu.memory_space<semaphore_mem>>) src(%arg9 : memref<64x128xf32, #tpu.memory_space<vmem>>) dst(%dma_wait3A_153 : memref<64x128xf32, #tpu.memory_space<vmem_shared>>)
      tpu.yield
    }) : () -> ()
    %mul3A_26 = arith.constant 640 : i32
    %mul3A_27 = arith.muli %arg1, %mul3A_26 : i32
    %add3A_28 = arith.constant 320 : i32
    %add3A_29 = arith.addi %mul3A_27, %add3A_28 : i32
    "tpu.region"() ({
      %run_scoped3A_146 = tpu.sem_alloc : memref<!tpu.dma_semaphore, #tpu.memory_space<semaphore_mem>>
      %dma_start3A_147 = arith.constant 0 : i32
      %dma_start3A_148 = tpu.memref_slice %arg6[%add3A_29, %dma_start3A_147] : memref<10240x128xf32, #tpu.memory_space<vmem_shared>> -> memref<64x128xf32, #tpu.memory_space<vmem_shared>>
      %dma_start3A_149 = arith.constant 0 : i32
      %dma_start3A_150 = tpu.memref_slice %arg6[%add3A_29, %dma_start3A_149] : memref<10240x128xf32, #tpu.memory_space<vmem_shared>> -> memref<64x128xf32, #tpu.memory_space<vmem_shared>>
      tpu.enqueue_dma source(%arg9 : memref<64x128xf32, #tpu.memory_space<vmem>>) target(%dma_start3A_150 : memref<64x128xf32, #tpu.memory_space<vmem_shared>>) target_semaphore(%run_scoped3A_146 : memref<!tpu.dma_semaphore, #tpu.memory_space<semaphore_mem>>)
      %dma_wait3A = arith.constant 0 : i32
      %dma_wait3A_151 = tpu.memref_slice %arg6[%add3A_29, %dma_wait3A] : memref<10240x128xf32, #tpu.memory_space<vmem_shared>> -> memref<64x128xf32, #tpu.memory_space<vmem_shared>>
      %dma_wait3A_152 = arith.constant 0 : i32
      %dma_wait3A_153 = tpu.memref_slice %arg6[%add3A_29, %dma_wait3A_152] : memref<10240x128xf32, #tpu.memory_space<vmem_shared>> -> memref<64x128xf32, #tpu.memory_space<vmem_shared>>
      tpu.wait_dma2 semaphore(%run_scoped3A_146 : memref<!tpu.dma_semaphore, #tpu.memory_space<semaphore_mem>>) src(%arg9 : memref<64x128xf32, #tpu.memory_space<vmem>>) dst(%dma_wait3A_153 : memref<64x128xf32, #tpu.memory_space<vmem_shared>>)
      tpu.yield
    }) : () -> ()
    %mul3A_30 = arith.constant 640 : i32
    %mul3A_31 = arith.muli %arg1, %mul3A_30 : i32
    %add3A_32 = arith.constant 384 : i32
    %add3A_33 = arith.addi %mul3A_31, %add3A_32 : i32
    "tpu.region"() ({
      %run_scoped3A_146 = tpu.sem_alloc : memref<!tpu.dma_semaphore, #tpu.memory_space<semaphore_mem>>
      %dma_start3A_147 = arith.constant 0 : i32
      %dma_start3A_148 = tpu.memref_slice %arg6[%add3A_33, %dma_start3A_147] : memref<10240x128xf32, #tpu.memory_space<vmem_shared>> -> memref<64x128xf32, #tpu.memory_space<vmem_shared>>
      %dma_start3A_149 = arith.constant 0 : i32
      %dma_start3A_150 = tpu.memref_slice %arg6[%add3A_33, %dma_start3A_149] : memref<10240x128xf32, #tpu.memory_space<vmem_shared>> -> memref<64x128xf32, #tpu.memory_space<vmem_shared>>
      tpu.enqueue_dma source(%arg9 : memref<64x128xf32, #tpu.memory_space<vmem>>) target(%dma_start3A_150 : memref<64x128xf32, #tpu.memory_space<vmem_shared>>) target_semaphore(%run_scoped3A_146 : memref<!tpu.dma_semaphore, #tpu.memory_space<semaphore_mem>>)
      %dma_wait3A = arith.constant 0 : i32
      %dma_wait3A_151 = tpu.memref_slice %arg6[%add3A_33, %dma_wait3A] : memref<10240x128xf32, #tpu.memory_space<vmem_shared>> -> memref<64x128xf32, #tpu.memory_space<vmem_shared>>
      %dma_wait3A_152 = arith.constant 0 : i32
      %dma_wait3A_153 = tpu.memref_slice %arg6[%add3A_33, %dma_wait3A_152] : memref<10240x128xf32, #tpu.memory_space<vmem_shared>> -> memref<64x128xf32, #tpu.memory_space<vmem_shared>>
      tpu.wait_dma2 semaphore(%run_scoped3A_146 : memref<!tpu.dma_semaphore, #tpu.memory_space<semaphore_mem>>) src(%arg9 : memref<64x128xf32, #tpu.memory_space<vmem>>) dst(%dma_wait3A_153 : memref<64x128xf32, #tpu.memory_space<vmem_shared>>)
      tpu.yield
    }) : () -> ()
    %mul3A_34 = arith.constant 640 : i32
    %mul3A_35 = arith.muli %arg1, %mul3A_34 : i32
    %add3A_36 = arith.constant 448 : i32
    %add3A_37 = arith.addi %mul3A_35, %add3A_36 : i32
    "tpu.region"() ({
      %run_scoped3A_146 = tpu.sem_alloc : memref<!tpu.dma_semaphore, #tpu.memory_space<semaphore_mem>>
      %dma_start3A_147 = arith.constant 0 : i32
      %dma_start3A_148 = tpu.memref_slice %arg6[%add3A_37, %dma_start3A_147] : memref<10240x128xf32, #tpu.memory_space<vmem_shared>> -> memref<64x128xf32, #tpu.memory_space<vmem_shared>>
      %dma_start3A_149 = arith.constant 0 : i32
      %dma_start3A_150 = tpu.memref_slice %arg6[%add3A_37, %dma_start3A_149] : memref<10240x128xf32, #tpu.memory_space<vmem_shared>> -> memref<64x128xf32, #tpu.memory_space<vmem_shared>>
      tpu.enqueue_dma source(%arg9 : memref<64x128xf32, #tpu.memory_space<vmem>>) target(%dma_start3A_150 : memref<64x128xf32, #tpu.memory_space<vmem_shared>>) target_semaphore(%run_scoped3A_146 : memref<!tpu.dma_semaphore, #tpu.memory_space<semaphore_mem>>)
      %dma_wait3A = arith.constant 0 : i32
      %dma_wait3A_151 = tpu.memref_slice %arg6[%add3A_37, %dma_wait3A] : memref<10240x128xf32, #tpu.memory_space<vmem_shared>> -> memref<64x128xf32, #tpu.memory_space<vmem_shared>>
      %dma_wait3A_152 = arith.constant 0 : i32
      %dma_wait3A_153 = tpu.memref_slice %arg6[%add3A_37, %dma_wait3A_152] : memref<10240x128xf32, #tpu.memory_space<vmem_shared>> -> memref<64x128xf32, #tpu.memory_space<vmem_shared>>
      tpu.wait_dma2 semaphore(%run_scoped3A_146 : memref<!tpu.dma_semaphore, #tpu.memory_space<semaphore_mem>>) src(%arg9 : memref<64x128xf32, #tpu.memory_space<vmem>>) dst(%dma_wait3A_153 : memref<64x128xf32, #tpu.memory_space<vmem_shared>>)
      tpu.yield
    }) : () -> ()
    %mul3A_38 = arith.constant 640 : i32
    %mul3A_39 = arith.muli %arg1, %mul3A_38 : i32
    %add3A_40 = arith.constant 512 : i32
    %add3A_41 = arith.addi %mul3A_39, %add3A_40 : i32
    "tpu.region"() ({
      %run_scoped3A_146 = tpu.sem_alloc : memref<!tpu.dma_semaphore, #tpu.memory_space<semaphore_mem>>
      %dma_start3A_147 = arith.constant 0 : i32
      %dma_start3A_148 = tpu.memref_slice %arg6[%add3A_41, %dma_start3A_147] : memref<10240x128xf32, #tpu.memory_space<vmem_shared>> -> memref<64x128xf32, #tpu.memory_space<vmem_shared>>
      %dma_start3A_149 = arith.constant 0 : i32
      %dma_start3A_150 = tpu.memref_slice %arg6[%add3A_41, %dma_start3A_149] : memref<10240x128xf32, #tpu.memory_space<vmem_shared>> -> memref<64x128xf32, #tpu.memory_space<vmem_shared>>
      tpu.enqueue_dma source(%arg9 : memref<64x128xf32, #tpu.memory_space<vmem>>) target(%dma_start3A_150 : memref<64x128xf32, #tpu.memory_space<vmem_shared>>) target_semaphore(%run_scoped3A_146 : memref<!tpu.dma_semaphore, #tpu.memory_space<semaphore_mem>>)
      %dma_wait3A = arith.constant 0 : i32
      %dma_wait3A_151 = tpu.memref_slice %arg6[%add3A_41, %dma_wait3A] : memref<10240x128xf32, #tpu.memory_space<vmem_shared>> -> memref<64x128xf32, #tpu.memory_space<vmem_shared>>
      %dma_wait3A_152 = arith.constant 0 : i32
      %dma_wait3A_153 = tpu.memref_slice %arg6[%add3A_41, %dma_wait3A_152] : memref<10240x128xf32, #tpu.memory_space<vmem_shared>> -> memref<64x128xf32, #tpu.memory_space<vmem_shared>>
      tpu.wait_dma2 semaphore(%run_scoped3A_146 : memref<!tpu.dma_semaphore, #tpu.memory_space<semaphore_mem>>) src(%arg9 : memref<64x128xf32, #tpu.memory_space<vmem>>) dst(%dma_wait3A_153 : memref<64x128xf32, #tpu.memory_space<vmem_shared>>)
      tpu.yield
    }) : () -> ()
    %mul3A_42 = arith.constant 640 : i32
    %mul3A_43 = arith.muli %arg1, %mul3A_42 : i32
    %add3A_44 = arith.constant 576 : i32
    %add3A_45 = arith.addi %mul3A_43, %add3A_44 : i32
    "tpu.region"() ({
      %run_scoped3A_146 = tpu.sem_alloc : memref<!tpu.dma_semaphore, #tpu.memory_space<semaphore_mem>>
      %dma_start3A_147 = arith.constant 0 : i32
      %dma_start3A_148 = tpu.memref_slice %arg6[%add3A_45, %dma_start3A_147] : memref<10240x128xf32, #tpu.memory_space<vmem_shared>> -> memref<64x128xf32, #tpu.memory_space<vmem_shared>>
      %dma_start3A_149 = arith.constant 0 : i32
      %dma_start3A_150 = tpu.memref_slice %arg6[%add3A_45, %dma_start3A_149] : memref<10240x128xf32, #tpu.memory_space<vmem_shared>> -> memref<64x128xf32, #tpu.memory_space<vmem_shared>>
      tpu.enqueue_dma source(%arg9 : memref<64x128xf32, #tpu.memory_space<vmem>>) target(%dma_start3A_150 : memref<64x128xf32, #tpu.memory_space<vmem_shared>>) target_semaphore(%run_scoped3A_146 : memref<!tpu.dma_semaphore, #tpu.memory_space<semaphore_mem>>)
      %dma_wait3A = arith.constant 0 : i32
      %dma_wait3A_151 = tpu.memref_slice %arg6[%add3A_45, %dma_wait3A] : memref<10240x128xf32, #tpu.memory_space<vmem_shared>> -> memref<64x128xf32, #tpu.memory_space<vmem_shared>>
      %dma_wait3A_152 = arith.constant 0 : i32
      %dma_wait3A_153 = tpu.memref_slice %arg6[%add3A_45, %dma_wait3A_152] : memref<10240x128xf32, #tpu.memory_space<vmem_shared>> -> memref<64x128xf32, #tpu.memory_space<vmem_shared>>
      tpu.wait_dma2 semaphore(%run_scoped3A_146 : memref<!tpu.dma_semaphore, #tpu.memory_space<semaphore_mem>>) src(%arg9 : memref<64x128xf32, #tpu.memory_space<vmem>>) dst(%dma_wait3A_153 : memref<64x128xf32, #tpu.memory_space<vmem_shared>>)
      tpu.yield
    }) : () -> ()
    %barrier3A = arith.constant 0 : index
    tpu.barrier barrier_id(%barrier3A)
    %dma_start3A = arith.constant 0 : i32
    %dma_start3A_46 = arith.constant 0 : i32
    %dma_start3A_47 = arith.constant 0 : i32
    %dma_start3A_48 = tpu.memref_slice %arg7[%dma_start3A_46, %dma_start3A_47] : memref<4x64xi32, #tpu.memory_space<vmem>> -> memref<1x64xi32, #tpu.memory_space<vmem>>
    %dma_start3A_49 = tpu.memref_squeeze %dma_start3A_48 : memref<1x64xi32, #tpu.memory_space<vmem>> -> memref<64xi32, #tpu.memory_space<vmem>>
    %dma_start3A_50 = arith.constant 0 : i32
    %dma_start3A_51 = tpu.memref_slice %arg4[%add3A, %dma_start3A, %dma_start3A_50] : memref<32x160x64xi32, #tpu.memory_space<hbm>> -> memref<1x1x64xi32, #tpu.memory_space<hbm>>
    %dma_start3A_52 = tpu.memref_squeeze %dma_start3A_51 : memref<1x1x64xi32, #tpu.memory_space<hbm>> -> memref<64xi32, #tpu.memory_space<hbm>>
    %dma_start3A_53 = arith.constant 0 : i32
    %dma_start3A_54 = tpu.memref_slice %arg7[%dma_start3A_46, %dma_start3A_53] : memref<4x64xi32, #tpu.memory_space<vmem>> -> memref<1x64xi32, #tpu.memory_space<vmem>>
    %dma_start3A_55 = tpu.memref_squeeze %dma_start3A_54 : memref<1x64xi32, #tpu.memory_space<vmem>> -> memref<64xi32, #tpu.memory_space<vmem>>
    %dma_start3A_56 = arith.constant 0 : i32
    %dma_start3A_57 = tpu.memref_slice %arg4[%add3A, %dma_start3A, %dma_start3A_56] : memref<32x160x64xi32, #tpu.memory_space<hbm>> -> memref<1x1x64xi32, #tpu.memory_space<hbm>>
    %dma_start3A_58 = tpu.memref_squeeze %dma_start3A_57 : memref<1x1x64xi32, #tpu.memory_space<hbm>> -> memref<64xi32, #tpu.memory_space<hbm>>
    tpu.enqueue_dma source(%dma_start3A_58 : memref<64xi32, #tpu.memory_space<hbm>>) target(%dma_start3A_55 : memref<64xi32, #tpu.memory_space<vmem>>) target_semaphore(%arg25 : memref<!tpu.dma_semaphore, #tpu.memory_space<semaphore_mem>>)
    %run_scoped3A = arith.constant 0 : i32
    %run_scoped3A_59 = arith.constant 0 : i32
    "tpu.region"() ({
      %run_scoped3A_146 = tpu.sem_alloc : memref<!tpu.dma_semaphore, #tpu.memory_space<semaphore_mem>>
      %dma_start3A_147 = arith.constant 0 : i32
      %dma_start3A_148 = tpu.memref_slice %arg8[%run_scoped3A_59, %dma_start3A_147] : memref<4x64xi32, #tpu.memory_space<vmem>> -> memref<1x64xi32, #tpu.memory_space<vmem>>
      %dma_start3A_149 = tpu.memref_squeeze %dma_start3A_148 : memref<1x64xi32, #tpu.memory_space<vmem>> -> memref<64xi32, #tpu.memory_space<vmem>>
      %dma_start3A_150 = arith.constant 0 : i32
      %dma_start3A_151 = tpu.memref_slice %arg3[%add3A, %run_scoped3A, %dma_start3A_150] : memref<32x160x64xi32, #tpu.memory_space<hbm>> -> memref<1x1x64xi32, #tpu.memory_space<hbm>>
      %dma_start3A_152 = tpu.memref_squeeze %dma_start3A_151 : memref<1x1x64xi32, #tpu.memory_space<hbm>> -> memref<64xi32, #tpu.memory_space<hbm>>
      %dma_start3A_153 = arith.constant 0 : i32
      %dma_start3A_154 = tpu.memref_slice %arg8[%run_scoped3A_59, %dma_start3A_153] : memref<4x64xi32, #tpu.memory_space<vmem>> -> memref<1x64xi32, #tpu.memory_space<vmem>>
      %dma_start3A_155 = tpu.memref_squeeze %dma_start3A_154 : memref<1x64xi32, #tpu.memory_space<vmem>> -> memref<64xi32, #tpu.memory_space<vmem>>
      %dma_start3A_156 = arith.constant 0 : i32
      %dma_start3A_157 = tpu.memref_slice %arg3[%add3A, %run_scoped3A, %dma_start3A_156] : memref<32x160x64xi32, #tpu.memory_space<hbm>> -> memref<1x1x64xi32, #tpu.memory_space<hbm>>
      %dma_start3A_158 = tpu.memref_squeeze %dma_start3A_157 : memref<1x1x64xi32, #tpu.memory_space<hbm>> -> memref<64xi32, #tpu.memory_space<hbm>>
      tpu.enqueue_dma source(%dma_start3A_158 : memref<64xi32, #tpu.memory_space<hbm>>) target(%dma_start3A_155 : memref<64xi32, #tpu.memory_space<vmem>>) target_semaphore(%run_scoped3A_146 : memref<!tpu.dma_semaphore, #tpu.memory_space<semaphore_mem>>)
      %dma_wait3A = arith.constant 0 : i32
      %dma_wait3A_159 = tpu.memref_slice %arg8[%run_scoped3A_59, %dma_wait3A] : memref<4x64xi32, #tpu.memory_space<vmem>> -> memref<1x64xi32, #tpu.memory_space<vmem>>
      %dma_wait3A_160 = tpu.memref_squeeze %dma_wait3A_159 : memref<1x64xi32, #tpu.memory_space<vmem>> -> memref<64xi32, #tpu.memory_space<vmem>>
      %dma_wait3A_161 = arith.constant 0 : i32
      %dma_wait3A_162 = tpu.memref_slice %arg3[%add3A, %run_scoped3A, %dma_wait3A_161] : memref<32x160x64xi32, #tpu.memory_space<hbm>> -> memref<1x1x64xi32, #tpu.memory_space<hbm>>
      %dma_wait3A_163 = tpu.memref_squeeze %dma_wait3A_162 : memref<1x1x64xi32, #tpu.memory_space<hbm>> -> memref<64xi32, #tpu.memory_space<hbm>>
      %dma_wait3A_164 = arith.constant 0 : i32
      %dma_wait3A_165 = tpu.memref_slice %arg8[%run_scoped3A_59, %dma_wait3A_164] : memref<4x64xi32, #tpu.memory_space<vmem>> -> memref<1x64xi32, #tpu.memory_space<vmem>>
      %dma_wait3A_166 = tpu.memref_squeeze %dma_wait3A_165 : memref<1x64xi32, #tpu.memory_space<vmem>> -> memref<64xi32, #tpu.memory_space<vmem>>
      %dma_wait3A_167 = arith.constant 0 : i32
      %dma_wait3A_168 = tpu.memref_slice %arg3[%add3A, %run_scoped3A, %dma_wait3A_167] : memref<32x160x64xi32, #tpu.memory_space<hbm>> -> memref<1x1x64xi32, #tpu.memory_space<hbm>>
      %dma_wait3A_169 = tpu.memref_squeeze %dma_wait3A_168 : memref<1x1x64xi32, #tpu.memory_space<hbm>> -> memref<64xi32, #tpu.memory_space<hbm>>
      tpu.wait_dma2 semaphore(%run_scoped3A_146 : memref<!tpu.dma_semaphore, #tpu.memory_space<semaphore_mem>>) src(%dma_wait3A_169 : memref<64xi32, #tpu.memory_space<hbm>>) dst(%dma_wait3A_166 : memref<64xi32, #tpu.memory_space<vmem>>)
      tpu.yield
    }) : () -> ()
    %dma_start3A_60 = arith.constant 0 : i32
    %dma_start3A_61 = arith.constant 0 : i32
    %dma_start3A_62 = tpu.memref_slice %arg8[%dma_start3A_60, %dma_start3A_61] : memref<4x64xi32, #tpu.memory_space<vmem>> -> memref<1x64xi32, #tpu.memory_space<vmem>>
    %dma_start3A_63 = tpu.memref_squeeze %dma_start3A_62 : memref<1x64xi32, #tpu.memory_space<vmem>> -> memref<64xi32, #tpu.memory_space<vmem>>
    %dma_start3A_64 = arith.constant 0 : i32
    %dma_start3A_65 = arith.constant 0 : i32
    %dma_start3A_66 = tpu.memref_slice %arg2[%dma_start3A_64, %dma_start3A_65] : memref<10240x128xf32, #tpu.memory_space<hbm>> -> memref<10240x128xf32, #tpu.memory_space<hbm>>
    tpu.enqueue_indirect_dma source(%dma_start3A_66 : memref<10240x128xf32, #tpu.memory_space<hbm>>) target(%arg9 : memref<64x128xf32, #tpu.memory_space<vmem>>) offsets(%dma_start3A_63 : memref<64xi32, #tpu.memory_space<vmem>>) semaphore(%arg13 : memref<!tpu.dma_semaphore, #tpu.memory_space<semaphore_mem>>)
    %dma_start3A_67 = arith.constant 1 : i32
    %dma_start3A_68 = arith.constant 1 : i32
    %dma_start3A_69 = arith.constant 0 : i32
    %dma_start3A_70 = tpu.memref_slice %arg7[%dma_start3A_68, %dma_start3A_69] : memref<4x64xi32, #tpu.memory_space<vmem>> -> memref<1x64xi32, #tpu.memory_space<vmem>>
    %dma_start3A_71 = tpu.memref_squeeze %dma_start3A_70 : memref<1x64xi32, #tpu.memory_space<vmem>> -> memref<64xi32, #tpu.memory_space<vmem>>
    %dma_start3A_72 = arith.constant 0 : i32
    %dma_start3A_73 = tpu.memref_slice %arg4[%add3A, %dma_start3A_67, %dma_start3A_72] : memref<32x160x64xi32, #tpu.memory_space<hbm>> -> memref<1x1x64xi32, #tpu.memory_space<hbm>>
    %dma_start3A_74 = tpu.memref_squeeze %dma_start3A_73 : memref<1x1x64xi32, #tpu.memory_space<hbm>> -> memref<64xi32, #tpu.memory_space<hbm>>
    %dma_start3A_75 = arith.constant 0 : i32
    %dma_start3A_76 = tpu.memref_slice %arg7[%dma_start3A_68, %dma_start3A_75] : memref<4x64xi32, #tpu.memory_space<vmem>> -> memref<1x64xi32, #tpu.memory_space<vmem>>
    %dma_start3A_77 = tpu.memref_squeeze %dma_start3A_76 : memref<1x64xi32, #tpu.memory_space<vmem>> -> memref<64xi32, #tpu.memory_space<vmem>>
    %dma_start3A_78 = arith.constant 0 : i32
    %dma_start3A_79 = tpu.memref_slice %arg4[%add3A, %dma_start3A_67, %dma_start3A_78] : memref<32x160x64xi32, #tpu.memory_space<hbm>> -> memref<1x1x64xi32, #tpu.memory_space<hbm>>
    %dma_start3A_80 = tpu.memref_squeeze %dma_start3A_79 : memref<1x1x64xi32, #tpu.memory_space<hbm>> -> memref<64xi32, #tpu.memory_space<hbm>>
    tpu.enqueue_dma source(%dma_start3A_80 : memref<64xi32, #tpu.memory_space<hbm>>) target(%dma_start3A_77 : memref<64xi32, #tpu.memory_space<vmem>>) target_semaphore(%arg26 : memref<!tpu.dma_semaphore, #tpu.memory_space<semaphore_mem>>)
    %run_scoped3A_81 = arith.constant 1 : i32
    %run_scoped3A_82 = arith.constant 1 : i32
    "tpu.region"() ({
      %run_scoped3A_146 = tpu.sem_alloc : memref<!tpu.dma_semaphore, #tpu.memory_space<semaphore_mem>>
      %dma_start3A_147 = arith.constant 0 : i32
      %dma_start3A_148 = tpu.memref_slice %arg8[%run_scoped3A_82, %dma_start3A_147] : memref<4x64xi32, #tpu.memory_space<vmem>> -> memref<1x64xi32, #tpu.memory_space<vmem>>
      %dma_start3A_149 = tpu.memref_squeeze %dma_start3A_148 : memref<1x64xi32, #tpu.memory_space<vmem>> -> memref<64xi32, #tpu.memory_space<vmem>>
      %dma_start3A_150 = arith.constant 0 : i32
      %dma_start3A_151 = tpu.memref_slice %arg3[%add3A, %run_scoped3A_81, %dma_start3A_150] : memref<32x160x64xi32, #tpu.memory_space<hbm>> -> memref<1x1x64xi32, #tpu.memory_space<hbm>>
      %dma_start3A_152 = tpu.memref_squeeze %dma_start3A_151 : memref<1x1x64xi32, #tpu.memory_space<hbm>> -> memref<64xi32, #tpu.memory_space<hbm>>
      %dma_start3A_153 = arith.constant 0 : i32
      %dma_start3A_154 = tpu.memref_slice %arg8[%run_scoped3A_82, %dma_start3A_153] : memref<4x64xi32, #tpu.memory_space<vmem>> -> memref<1x64xi32, #tpu.memory_space<vmem>>
      %dma_start3A_155 = tpu.memref_squeeze %dma_start3A_154 : memref<1x64xi32, #tpu.memory_space<vmem>> -> memref<64xi32, #tpu.memory_space<vmem>>
      %dma_start3A_156 = arith.constant 0 : i32
      %dma_start3A_157 = tpu.memref_slice %arg3[%add3A, %run_scoped3A_81, %dma_start3A_156] : memref<32x160x64xi32, #tpu.memory_space<hbm>> -> memref<1x1x64xi32, #tpu.memory_space<hbm>>
      %dma_start3A_158 = tpu.memref_squeeze %dma_start3A_157 : memref<1x1x64xi32, #tpu.memory_space<hbm>> -> memref<64xi32, #tpu.memory_space<hbm>>
      tpu.enqueue_dma source(%dma_start3A_158 : memref<64xi32, #tpu.memory_space<hbm>>) target(%dma_start3A_155 : memref<64xi32, #tpu.memory_space<vmem>>) target_semaphore(%run_scoped3A_146 : memref<!tpu.dma_semaphore, #tpu.memory_space<semaphore_mem>>)
      %dma_wait3A = arith.constant 0 : i32
      %dma_wait3A_159 = tpu.memref_slice %arg8[%run_scoped3A_82, %dma_wait3A] : memref<4x64xi32, #tpu.memory_space<vmem>> -> memref<1x64xi32, #tpu.memory_space<vmem>>
      %dma_wait3A_160 = tpu.memref_squeeze %dma_wait3A_159 : memref<1x64xi32, #tpu.memory_space<vmem>> -> memref<64xi32, #tpu.memory_space<vmem>>
      %dma_wait3A_161 = arith.constant 0 : i32
      %dma_wait3A_162 = tpu.memref_slice %arg3[%add3A, %run_scoped3A_81, %dma_wait3A_161] : memref<32x160x64xi32, #tpu.memory_space<hbm>> -> memref<1x1x64xi32, #tpu.memory_space<hbm>>
      %dma_wait3A_163 = tpu.memref_squeeze %dma_wait3A_162 : memref<1x1x64xi32, #tpu.memory_space<hbm>> -> memref<64xi32, #tpu.memory_space<hbm>>
      %dma_wait3A_164 = arith.constant 0 : i32
      %dma_wait3A_165 = tpu.memref_slice %arg8[%run_scoped3A_82, %dma_wait3A_164] : memref<4x64xi32, #tpu.memory_space<vmem>> -> memref<1x64xi32, #tpu.memory_space<vmem>>
      %dma_wait3A_166 = tpu.memref_squeeze %dma_wait3A_165 : memref<1x64xi32, #tpu.memory_space<vmem>> -> memref<64xi32, #tpu.memory_space<vmem>>
      %dma_wait3A_167 = arith.constant 0 : i32
      %dma_wait3A_168 = tpu.memref_slice %arg3[%add3A, %run_scoped3A_81, %dma_wait3A_167] : memref<32x160x64xi32, #tpu.memory_space<hbm>> -> memref<1x1x64xi32, #tpu.memory_space<hbm>>
      %dma_wait3A_169 = tpu.memref_squeeze %dma_wait3A_168 : memref<1x1x64xi32, #tpu.memory_space<hbm>> -> memref<64xi32, #tpu.memory_space<hbm>>
      tpu.wait_dma2 semaphore(%run_scoped3A_146 : memref<!tpu.dma_semaphore, #tpu.memory_space<semaphore_mem>>) src(%dma_wait3A_169 : memref<64xi32, #tpu.memory_space<hbm>>) dst(%dma_wait3A_166 : memref<64xi32, #tpu.memory_space<vmem>>)
      tpu.yield
    }) : () -> ()
    %dma_start3A_83 = arith.constant 1 : i32
    %dma_start3A_84 = arith.constant 0 : i32
    %dma_start3A_85 = tpu.memref_slice %arg8[%dma_start3A_83, %dma_start3A_84] : memref<4x64xi32, #tpu.memory_space<vmem>> -> memref<1x64xi32, #tpu.memory_space<vmem>>
    %dma_start3A_86 = tpu.memref_squeeze %dma_start3A_85 : memref<1x64xi32, #tpu.memory_space<vmem>> -> memref<64xi32, #tpu.memory_space<vmem>>
    %dma_start3A_87 = arith.constant 0 : i32
    %dma_start3A_88 = arith.constant 0 : i32
    %dma_start3A_89 = tpu.memref_slice %arg2[%dma_start3A_87, %dma_start3A_88] : memref<10240x128xf32, #tpu.memory_space<hbm>> -> memref<10240x128xf32, #tpu.memory_space<hbm>>
    tpu.enqueue_indirect_dma source(%dma_start3A_89 : memref<10240x128xf32, #tpu.memory_space<hbm>>) target(%arg10 : memref<64x128xf32, #tpu.memory_space<vmem>>) offsets(%dma_start3A_86 : memref<64xi32, #tpu.memory_space<vmem>>) semaphore(%arg14 : memref<!tpu.dma_semaphore, #tpu.memory_space<semaphore_mem>>)
    %dma_start3A_90 = arith.constant 2 : i32
    %dma_start3A_91 = arith.constant 2 : i32
    %dma_start3A_92 = arith.constant 0 : i32
    %dma_start3A_93 = tpu.memref_slice %arg7[%dma_start3A_91, %dma_start3A_92] : memref<4x64xi32, #tpu.memory_space<vmem>> -> memref<1x64xi32, #tpu.memory_space<vmem>>
    %dma_start3A_94 = tpu.memref_squeeze %dma_start3A_93 : memref<1x64xi32, #tpu.memory_space<vmem>> -> memref<64xi32, #tpu.memory_space<vmem>>
    %dma_start3A_95 = arith.constant 0 : i32
    %dma_start3A_96 = tpu.memref_slice %arg4[%add3A, %dma_start3A_90, %dma_start3A_95] : memref<32x160x64xi32, #tpu.memory_space<hbm>> -> memref<1x1x64xi32, #tpu.memory_space<hbm>>
    %dma_start3A_97 = tpu.memref_squeeze %dma_start3A_96 : memref<1x1x64xi32, #tpu.memory_space<hbm>> -> memref<64xi32, #tpu.memory_space<hbm>>
    %dma_start3A_98 = arith.constant 0 : i32
    %dma_start3A_99 = tpu.memref_slice %arg7[%dma_start3A_91, %dma_start3A_98] : memref<4x64xi32, #tpu.memory_space<vmem>> -> memref<1x64xi32, #tpu.memory_space<vmem>>
    %dma_start3A_100 = tpu.memref_squeeze %dma_start3A_99 : memref<1x64xi32, #tpu.memory_space<vmem>> -> memref<64xi32, #tpu.memory_space<vmem>>
    %dma_start3A_101 = arith.constant 0 : i32
    %dma_start3A_102 = tpu.memref_slice %arg4[%add3A, %dma_start3A_90, %dma_start3A_101] : memref<32x160x64xi32, #tpu.memory_space<hbm>> -> memref<1x1x64xi32, #tpu.memory_space<hbm>>
    %dma_start3A_103 = tpu.memref_squeeze %dma_start3A_102 : memref<1x1x64xi32, #tpu.memory_space<hbm>> -> memref<64xi32, #tpu.memory_space<hbm>>
    tpu.enqueue_dma source(%dma_start3A_103 : memref<64xi32, #tpu.memory_space<hbm>>) target(%dma_start3A_100 : memref<64xi32, #tpu.memory_space<vmem>>) target_semaphore(%arg27 : memref<!tpu.dma_semaphore, #tpu.memory_space<semaphore_mem>>)
    %run_scoped3A_104 = arith.constant 2 : i32
    %run_scoped3A_105 = arith.constant 2 : i32
    "tpu.region"() ({
      %run_scoped3A_146 = tpu.sem_alloc : memref<!tpu.dma_semaphore, #tpu.memory_space<semaphore_mem>>
      %dma_start3A_147 = arith.constant 0 : i32
      %dma_start3A_148 = tpu.memref_slice %arg8[%run_scoped3A_105, %dma_start3A_147] : memref<4x64xi32, #tpu.memory_space<vmem>> -> memref<1x64xi32, #tpu.memory_space<vmem>>
      %dma_start3A_149 = tpu.memref_squeeze %dma_start3A_148 : memref<1x64xi32, #tpu.memory_space<vmem>> -> memref<64xi32, #tpu.memory_space<vmem>>
      %dma_start3A_150 = arith.constant 0 : i32
      %dma_start3A_151 = tpu.memref_slice %arg3[%add3A, %run_scoped3A_104, %dma_start3A_150] : memref<32x160x64xi32, #tpu.memory_space<hbm>> -> memref<1x1x64xi32, #tpu.memory_space<hbm>>
      %dma_start3A_152 = tpu.memref_squeeze %dma_start3A_151 : memref<1x1x64xi32, #tpu.memory_space<hbm>> -> memref<64xi32, #tpu.memory_space<hbm>>
      %dma_start3A_153 = arith.constant 0 : i32
      %dma_start3A_154 = tpu.memref_slice %arg8[%run_scoped3A_105, %dma_start3A_153] : memref<4x64xi32, #tpu.memory_space<vmem>> -> memref<1x64xi32, #tpu.memory_space<vmem>>
      %dma_start3A_155 = tpu.memref_squeeze %dma_start3A_154 : memref<1x64xi32, #tpu.memory_space<vmem>> -> memref<64xi32, #tpu.memory_space<vmem>>
      %dma_start3A_156 = arith.constant 0 : i32
      %dma_start3A_157 = tpu.memref_slice %arg3[%add3A, %run_scoped3A_104, %dma_start3A_156] : memref<32x160x64xi32, #tpu.memory_space<hbm>> -> memref<1x1x64xi32, #tpu.memory_space<hbm>>
      %dma_start3A_158 = tpu.memref_squeeze %dma_start3A_157 : memref<1x1x64xi32, #tpu.memory_space<hbm>> -> memref<64xi32, #tpu.memory_space<hbm>>
      tpu.enqueue_dma source(%dma_start3A_158 : memref<64xi32, #tpu.memory_space<hbm>>) target(%dma_start3A_155 : memref<64xi32, #tpu.memory_space<vmem>>) target_semaphore(%run_scoped3A_146 : memref<!tpu.dma_semaphore, #tpu.memory_space<semaphore_mem>>)
      %dma_wait3A = arith.constant 0 : i32
      %dma_wait3A_159 = tpu.memref_slice %arg8[%run_scoped3A_105, %dma_wait3A] : memref<4x64xi32, #tpu.memory_space<vmem>> -> memref<1x64xi32, #tpu.memory_space<vmem>>
      %dma_wait3A_160 = tpu.memref_squeeze %dma_wait3A_159 : memref<1x64xi32, #tpu.memory_space<vmem>> -> memref<64xi32, #tpu.memory_space<vmem>>
      %dma_wait3A_161 = arith.constant 0 : i32
      %dma_wait3A_162 = tpu.memref_slice %arg3[%add3A, %run_scoped3A_104, %dma_wait3A_161] : memref<32x160x64xi32, #tpu.memory_space<hbm>> -> memref<1x1x64xi32, #tpu.memory_space<hbm>>
      %dma_wait3A_163 = tpu.memref_squeeze %dma_wait3A_162 : memref<1x1x64xi32, #tpu.memory_space<hbm>> -> memref<64xi32, #tpu.memory_space<hbm>>
      %dma_wait3A_164 = arith.constant 0 : i32
      %dma_wait3A_165 = tpu.memref_slice %arg8[%run_scoped3A_105, %dma_wait3A_164] : memref<4x64xi32, #tpu.memory_space<vmem>> -> memref<1x64xi32, #tpu.memory_space<vmem>>
      %dma_wait3A_166 = tpu.memref_squeeze %dma_wait3A_165 : memref<1x64xi32, #tpu.memory_space<vmem>> -> memref<64xi32, #tpu.memory_space<vmem>>
      %dma_wait3A_167 = arith.constant 0 : i32
      %dma_wait3A_168 = tpu.memref_slice %arg3[%add3A, %run_scoped3A_104, %dma_wait3A_167] : memref<32x160x64xi32, #tpu.memory_space<hbm>> -> memref<1x1x64xi32, #tpu.memory_space<hbm>>
      %dma_wait3A_169 = tpu.memref_squeeze %dma_wait3A_168 : memref<1x1x64xi32, #tpu.memory_space<hbm>> -> memref<64xi32, #tpu.memory_space<hbm>>
      tpu.wait_dma2 semaphore(%run_scoped3A_146 : memref<!tpu.dma_semaphore, #tpu.memory_space<semaphore_mem>>) src(%dma_wait3A_169 : memref<64xi32, #tpu.memory_space<hbm>>) dst(%dma_wait3A_166 : memref<64xi32, #tpu.memory_space<vmem>>)
      tpu.yield
    }) : () -> ()
    %dma_start3A_106 = arith.constant 2 : i32
    %dma_start3A_107 = arith.constant 0 : i32
    %dma_start3A_108 = tpu.memref_slice %arg8[%dma_start3A_106, %dma_start3A_107] : memref<4x64xi32, #tpu.memory_space<vmem>> -> memref<1x64xi32, #tpu.memory_space<vmem>>
    %dma_start3A_109 = tpu.memref_squeeze %dma_start3A_108 : memref<1x64xi32, #tpu.memory_space<vmem>> -> memref<64xi32, #tpu.memory_space<vmem>>
    %dma_start3A_110 = arith.constant 0 : i32
    %dma_start3A_111 = arith.constant 0 : i32
    %dma_start3A_112 = tpu.memref_slice %arg2[%dma_start3A_110, %dma_start3A_111] : memref<10240x128xf32, #tpu.memory_space<hbm>> -> memref<10240x128xf32, #tpu.memory_space<hbm>>
    tpu.enqueue_indirect_dma source(%dma_start3A_112 : memref<10240x128xf32, #tpu.memory_space<hbm>>) target(%arg11 : memref<64x128xf32, #tpu.memory_space<vmem>>) offsets(%dma_start3A_109 : memref<64xi32, #tpu.memory_space<vmem>>) semaphore(%arg15 : memref<!tpu.dma_semaphore, #tpu.memory_space<semaphore_mem>>)
    %dma_start3A_113 = arith.constant 3 : i32
    %dma_start3A_114 = arith.constant 3 : i32
    %dma_start3A_115 = arith.constant 0 : i32
    %dma_start3A_116 = tpu.memref_slice %arg7[%dma_start3A_114, %dma_start3A_115] : memref<4x64xi32, #tpu.memory_space<vmem>> -> memref<1x64xi32, #tpu.memory_space<vmem>>
    %dma_start3A_117 = tpu.memref_squeeze %dma_start3A_116 : memref<1x64xi32, #tpu.memory_space<vmem>> -> memref<64xi32, #tpu.memory_space<vmem>>
    %dma_start3A_118 = arith.constant 0 : i32
    %dma_start3A_119 = tpu.memref_slice %arg4[%add3A, %dma_start3A_113, %dma_start3A_118] : memref<32x160x64xi32, #tpu.memory_space<hbm>> -> memref<1x1x64xi32, #tpu.memory_space<hbm>>
    %dma_start3A_120 = tpu.memref_squeeze %dma_start3A_119 : memref<1x1x64xi32, #tpu.memory_space<hbm>> -> memref<64xi32, #tpu.memory_space<hbm>>
    %dma_start3A_121 = arith.constant 0 : i32
    %dma_start3A_122 = tpu.memref_slice %arg7[%dma_start3A_114, %dma_start3A_121] : memref<4x64xi32, #tpu.memory_space<vmem>> -> memref<1x64xi32, #tpu.memory_space<vmem>>
    %dma_start3A_123 = tpu.memref_squeeze %dma_start3A_122 : memref<1x64xi32, #tpu.memory_space<vmem>> -> memref<64xi32, #tpu.memory_space<vmem>>
    %dma_start3A_124 = arith.constant 0 : i32
    %dma_start3A_125 = tpu.memref_slice %arg4[%add3A, %dma_start3A_113, %dma_start3A_124] : memref<32x160x64xi32, #tpu.memory_space<hbm>> -> memref<1x1x64xi32, #tpu.memory_space<hbm>>
    %dma_start3A_126 = tpu.memref_squeeze %dma_start3A_125 : memref<1x1x64xi32, #tpu.memory_space<hbm>> -> memref<64xi32, #tpu.memory_space<hbm>>
    tpu.enqueue_dma source(%dma_start3A_126 : memref<64xi32, #tpu.memory_space<hbm>>) target(%dma_start3A_123 : memref<64xi32, #tpu.memory_space<vmem>>) target_semaphore(%arg28 : memref<!tpu.dma_semaphore, #tpu.memory_space<semaphore_mem>>)
    %run_scoped3A_127 = arith.constant 3 : i32
    %run_scoped3A_128 = arith.constant 3 : i32
    "tpu.region"() ({
      %run_scoped3A_146 = tpu.sem_alloc : memref<!tpu.dma_semaphore, #tpu.memory_space<semaphore_mem>>
      %dma_start3A_147 = arith.constant 0 : i32
      %dma_start3A_148 = tpu.memref_slice %arg8[%run_scoped3A_128, %dma_start3A_147] : memref<4x64xi32, #tpu.memory_space<vmem>> -> memref<1x64xi32, #tpu.memory_space<vmem>>
      %dma_start3A_149 = tpu.memref_squeeze %dma_start3A_148 : memref<1x64xi32, #tpu.memory_space<vmem>> -> memref<64xi32, #tpu.memory_space<vmem>>
      %dma_start3A_150 = arith.constant 0 : i32
      %dma_start3A_151 = tpu.memref_slice %arg3[%add3A, %run_scoped3A_127, %dma_start3A_150] : memref<32x160x64xi32, #tpu.memory_space<hbm>> -> memref<1x1x64xi32, #tpu.memory_space<hbm>>
      %dma_start3A_152 = tpu.memref_squeeze %dma_start3A_151 : memref<1x1x64xi32, #tpu.memory_space<hbm>> -> memref<64xi32, #tpu.memory_space<hbm>>
      %dma_start3A_153 = arith.constant 0 : i32
      %dma_start3A_154 = tpu.memref_slice %arg8[%run_scoped3A_128, %dma_start3A_153] : memref<4x64xi32, #tpu.memory_space<vmem>> -> memref<1x64xi32, #tpu.memory_space<vmem>>
      %dma_start3A_155 = tpu.memref_squeeze %dma_start3A_154 : memref<1x64xi32, #tpu.memory_space<vmem>> -> memref<64xi32, #tpu.memory_space<vmem>>
      %dma_start3A_156 = arith.constant 0 : i32
      %dma_start3A_157 = tpu.memref_slice %arg3[%add3A, %run_scoped3A_127, %dma_start3A_156] : memref<32x160x64xi32, #tpu.memory_space<hbm>> -> memref<1x1x64xi32, #tpu.memory_space<hbm>>
      %dma_start3A_158 = tpu.memref_squeeze %dma_start3A_157 : memref<1x1x64xi32, #tpu.memory_space<hbm>> -> memref<64xi32, #tpu.memory_space<hbm>>
      tpu.enqueue_dma source(%dma_start3A_158 : memref<64xi32, #tpu.memory_space<hbm>>) target(%dma_start3A_155 : memref<64xi32, #tpu.memory_space<vmem>>) target_semaphore(%run_scoped3A_146 : memref<!tpu.dma_semaphore, #tpu.memory_space<semaphore_mem>>)
      %dma_wait3A = arith.constant 0 : i32
      %dma_wait3A_159 = tpu.memref_slice %arg8[%run_scoped3A_128, %dma_wait3A] : memref<4x64xi32, #tpu.memory_space<vmem>> -> memref<1x64xi32, #tpu.memory_space<vmem>>
      %dma_wait3A_160 = tpu.memref_squeeze %dma_wait3A_159 : memref<1x64xi32, #tpu.memory_space<vmem>> -> memref<64xi32, #tpu.memory_space<vmem>>
      %dma_wait3A_161 = arith.constant 0 : i32
      %dma_wait3A_162 = tpu.memref_slice %arg3[%add3A, %run_scoped3A_127, %dma_wait3A_161] : memref<32x160x64xi32, #tpu.memory_space<hbm>> -> memref<1x1x64xi32, #tpu.memory_space<hbm>>
      %dma_wait3A_163 = tpu.memref_squeeze %dma_wait3A_162 : memref<1x1x64xi32, #tpu.memory_space<hbm>> -> memref<64xi32, #tpu.memory_space<hbm>>
      %dma_wait3A_164 = arith.constant 0 : i32
      %dma_wait3A_165 = tpu.memref_slice %arg8[%run_scoped3A_128, %dma_wait3A_164] : memref<4x64xi32, #tpu.memory_space<vmem>> -> memref<1x64xi32, #tpu.memory_space<vmem>>
      %dma_wait3A_166 = tpu.memref_squeeze %dma_wait3A_165 : memref<1x64xi32, #tpu.memory_space<vmem>> -> memref<64xi32, #tpu.memory_space<vmem>>
      %dma_wait3A_167 = arith.constant 0 : i32
      %dma_wait3A_168 = tpu.memref_slice %arg3[%add3A, %run_scoped3A_127, %dma_wait3A_167] : memref<32x160x64xi32, #tpu.memory_space<hbm>> -> memref<1x1x64xi32, #tpu.memory_space<hbm>>
      %dma_wait3A_169 = tpu.memref_squeeze %dma_wait3A_168 : memref<1x1x64xi32, #tpu.memory_space<hbm>> -> memref<64xi32, #tpu.memory_space<hbm>>
      tpu.wait_dma2 semaphore(%run_scoped3A_146 : memref<!tpu.dma_semaphore, #tpu.memory_space<semaphore_mem>>) src(%dma_wait3A_169 : memref<64xi32, #tpu.memory_space<hbm>>) dst(%dma_wait3A_166 : memref<64xi32, #tpu.memory_space<vmem>>)
      tpu.yield
    }) : () -> ()
    %dma_start3A_129 = arith.constant 3 : i32
    %dma_start3A_130 = arith.constant 0 : i32
    %dma_start3A_131 = tpu.memref_slice %arg8[%dma_start3A_129, %dma_start3A_130] : memref<4x64xi32, #tpu.memory_space<vmem>> -> memref<1x64xi32, #tpu.memory_space<vmem>>
    %dma_start3A_132 = tpu.memref_squeeze %dma_start3A_131 : memref<1x64xi32, #tpu.memory_space<vmem>> -> memref<64xi32, #tpu.memory_space<vmem>>
    %dma_start3A_133 = arith.constant 0 : i32
    %dma_start3A_134 = arith.constant 0 : i32
    %dma_start3A_135 = tpu.memref_slice %arg2[%dma_start3A_133, %dma_start3A_134] : memref<10240x128xf32, #tpu.memory_space<hbm>> -> memref<10240x128xf32, #tpu.memory_space<hbm>>
    tpu.enqueue_indirect_dma source(%dma_start3A_135 : memref<10240x128xf32, #tpu.memory_space<hbm>>) target(%arg12 : memref<64x128xf32, #tpu.memory_space<vmem>>) offsets(%dma_start3A_132 : memref<64xi32, #tpu.memory_space<vmem>>) semaphore(%arg16 : memref<!tpu.dma_semaphore, #tpu.memory_space<semaphore_mem>>)
    %scan3A_136 = arith.constant 0 : i32
    %scan3A_137 = arith.constant 40 : i32
    %scan3A_138 = arith.addi %scan3A_136, %scan3A_137 : i32
    %scan3A_139 = arith.constant 1 : i32
    scf.for %scan3A_146 = %scan3A_136 to %scan3A_138 step %scan3A_139  : i32 {
      %mul3A_147 = arith.constant 1 : i32
      %mul3A_148 = arith.muli %scan3A_146, %mul3A_147 : i32
      %add3A_149 = arith.constant 0 : i32
      %add3A_150 = arith.addi %add3A_149, %mul3A_148 : i32
      %mul3A_151 = arith.constant 4 : i32
      %mul3A_152 = arith.muli %add3A_150, %mul3A_151 : i32
      %dma_wait3A = arith.constant 0 : i32
      %dma_wait3A_153 = arith.constant 0 : i32
      %dma_wait3A_154 = tpu.memref_slice %arg8[%dma_wait3A, %dma_wait3A_153] : memref<4x64xi32, #tpu.memory_space<vmem>> -> memref<1x64xi32, #tpu.memory_space<vmem>>
      %dma_wait3A_155 = tpu.memref_squeeze %dma_wait3A_154 : memref<1x64xi32, #tpu.memory_space<vmem>> -> memref<64xi32, #tpu.memory_space<vmem>>
      %dma_wait3A_156 = arith.constant 0 : i32
      %dma_wait3A_157 = arith.constant 0 : i32
      %dma_wait3A_158 = tpu.memref_slice %arg2[%dma_wait3A_156, %dma_wait3A_157] : memref<10240x128xf32, #tpu.memory_space<hbm>> -> memref<10240x128xf32, #tpu.memory_space<hbm>>
      tpu.wait_indirect_dma semaphore(%arg13 : memref<!tpu.dma_semaphore, #tpu.memory_space<semaphore_mem>>) src(%dma_wait3A_158 : memref<10240x128xf32, #tpu.memory_space<hbm>>) dst(%arg9 : memref<64x128xf32, #tpu.memory_space<vmem>>)
      %add3A_159 = arith.constant 0 : i32
      %add3A_160 = arith.addi %mul3A_152, %add3A_159 : i32
      %dma_wait3A_161 = arith.constant 0 : i32
      %dma_wait3A_162 = arith.constant 0 : i32
      %dma_wait3A_163 = tpu.memref_slice %arg7[%dma_wait3A_161, %dma_wait3A_162] : memref<4x64xi32, #tpu.memory_space<vmem>> -> memref<1x64xi32, #tpu.memory_space<vmem>>
      %dma_wait3A_164 = tpu.memref_squeeze %dma_wait3A_163 : memref<1x64xi32, #tpu.memory_space<vmem>> -> memref<64xi32, #tpu.memory_space<vmem>>
      %dma_wait3A_165 = arith.constant 0 : i32
      %dma_wait3A_166 = tpu.memref_slice %arg4[%add3A, %add3A_160, %dma_wait3A_165] : memref<32x160x64xi32, #tpu.memory_space<hbm>> -> memref<1x1x64xi32, #tpu.memory_space<hbm>>
      %dma_wait3A_167 = tpu.memref_squeeze %dma_wait3A_166 : memref<1x1x64xi32, #tpu.memory_space<hbm>> -> memref<64xi32, #tpu.memory_space<hbm>>
      %dma_wait3A_168 = arith.constant 0 : i32
      %dma_wait3A_169 = tpu.memref_slice %arg7[%dma_wait3A_161, %dma_wait3A_168] : memref<4x64xi32, #tpu.memory_space<vmem>> -> memref<1x64xi32, #tpu.memory_space<vmem>>
      %dma_wait3A_170 = tpu.memref_squeeze %dma_wait3A_169 : memref<1x64xi32, #tpu.memory_space<vmem>> -> memref<64xi32, #tpu.memory_space<vmem>>
      %dma_wait3A_171 = arith.constant 0 : i32
      %dma_wait3A_172 = tpu.memref_slice %arg4[%add3A, %add3A_160, %dma_wait3A_171] : memref<32x160x64xi32, #tpu.memory_space<hbm>> -> memref<1x1x64xi32, #tpu.memory_space<hbm>>
      %dma_wait3A_173 = tpu.memref_squeeze %dma_wait3A_172 : memref<1x1x64xi32, #tpu.memory_space<hbm>> -> memref<64xi32, #tpu.memory_space<hbm>>
      tpu.wait_dma2 semaphore(%arg25 : memref<!tpu.dma_semaphore, #tpu.memory_space<semaphore_mem>>) src(%dma_wait3A_173 : memref<64xi32, #tpu.memory_space<hbm>>) dst(%dma_wait3A_170 : memref<64xi32, #tpu.memory_space<vmem>>)
      %dma_start3A_174 = arith.constant 0 : i32
      %dma_start3A_175 = arith.constant 0 : i32
      %dma_start3A_176 = tpu.memref_slice %arg7[%dma_start3A_174, %dma_start3A_175] : memref<4x64xi32, #tpu.memory_space<vmem>> -> memref<1x64xi32, #tpu.memory_space<vmem>>
      %dma_start3A_177 = tpu.memref_squeeze %dma_start3A_176 : memref<1x64xi32, #tpu.memory_space<vmem>> -> memref<64xi32, #tpu.memory_space<vmem>>
      %dma_start3A_178 = arith.constant 0 : i32
      %dma_start3A_179 = arith.constant 0 : i32
      %dma_start3A_180 = tpu.memref_slice %arg6[%dma_start3A_178, %dma_start3A_179] : memref<10240x128xf32, #tpu.memory_space<vmem_shared>> -> memref<10240x128xf32, #tpu.memory_space<vmem_shared>>
      tpu.enqueue_indirect_dma source(%arg9 : memref<64x128xf32, #tpu.memory_space<vmem>>) target(%dma_start3A_180 : memref<10240x128xf32, #tpu.memory_space<vmem_shared>>) offsets(%dma_start3A_177 : memref<64xi32, #tpu.memory_space<vmem>>) semaphore(%arg17 : memref<!tpu.dma_semaphore, #tpu.memory_space<semaphore_mem>>) {add = true}
      %lt3A = arith.constant 39 : i32
      %lt3A_181 = arith.cmpi slt, %add3A_150, %lt3A : i32
      %convert_element_type3A = arith.extui %lt3A_181 : i1 to i32
      %cond3A = arith.constant 0 : i32
      %cond3A_182 = arith.cmpi ne, %convert_element_type3A, %cond3A : i32
      scf.if %cond3A_182 {
        %add3A_333 = arith.constant 0 : i32
        %add3A_334 = arith.addi %mul3A_152, %add3A_333 : i32
        %add3A_335 = arith.constant 4 : i32
        %add3A_336 = arith.addi %add3A_334, %add3A_335 : i32
        %dma_start3A_337 = arith.constant 0 : i32
        %dma_start3A_338 = arith.constant 0 : i32
        %dma_start3A_339 = tpu.memref_slice %arg8[%dma_start3A_337, %dma_start3A_338] : memref<4x64xi32, #tpu.memory_space<vmem>> -> memref<1x64xi32, #tpu.memory_space<vmem>>
        %dma_start3A_340 = tpu.memref_squeeze %dma_start3A_339 : memref<1x64xi32, #tpu.memory_space<vmem>> -> memref<64xi32, #tpu.memory_space<vmem>>
        %dma_start3A_341 = arith.constant 0 : i32
        %dma_start3A_342 = tpu.memref_slice %arg3[%add3A, %add3A_336, %dma_start3A_341] : memref<32x160x64xi32, #tpu.memory_space<hbm>> -> memref<1x1x64xi32, #tpu.memory_space<hbm>>
        %dma_start3A_343 = tpu.memref_squeeze %dma_start3A_342 : memref<1x1x64xi32, #tpu.memory_space<hbm>> -> memref<64xi32, #tpu.memory_space<hbm>>
        %dma_start3A_344 = arith.constant 0 : i32
        %dma_start3A_345 = tpu.memref_slice %arg8[%dma_start3A_337, %dma_start3A_344] : memref<4x64xi32, #tpu.memory_space<vmem>> -> memref<1x64xi32, #tpu.memory_space<vmem>>
        %dma_start3A_346 = tpu.memref_squeeze %dma_start3A_345 : memref<1x64xi32, #tpu.memory_space<vmem>> -> memref<64xi32, #tpu.memory_space<vmem>>
        %dma_start3A_347 = arith.constant 0 : i32
        %dma_start3A_348 = tpu.memref_slice %arg3[%add3A, %add3A_336, %dma_start3A_347] : memref<32x160x64xi32, #tpu.memory_space<hbm>> -> memref<1x1x64xi32, #tpu.memory_space<hbm>>
        %dma_start3A_349 = tpu.memref_squeeze %dma_start3A_348 : memref<1x1x64xi32, #tpu.memory_space<hbm>> -> memref<64xi32, #tpu.memory_space<hbm>>
        tpu.enqueue_dma source(%dma_start3A_349 : memref<64xi32, #tpu.memory_space<hbm>>) target(%dma_start3A_346 : memref<64xi32, #tpu.memory_space<vmem>>) target_semaphore(%arg21 : memref<!tpu.dma_semaphore, #tpu.memory_space<semaphore_mem>>)
      } else {
      }
      %dma_wait3A_183 = arith.constant 1 : i32
      %dma_wait3A_184 = arith.constant 0 : i32
      %dma_wait3A_185 = tpu.memref_slice %arg8[%dma_wait3A_183, %dma_wait3A_184] : memref<4x64xi32, #tpu.memory_space<vmem>> -> memref<1x64xi32, #tpu.memory_space<vmem>>
      %dma_wait3A_186 = tpu.memref_squeeze %dma_wait3A_185 : memref<1x64xi32, #tpu.memory_space<vmem>> -> memref<64xi32, #tpu.memory_space<vmem>>
      %dma_wait3A_187 = arith.constant 0 : i32
      %dma_wait3A_188 = arith.constant 0 : i32
      %dma_wait3A_189 = tpu.memref_slice %arg2[%dma_wait3A_187, %dma_wait3A_188] : memref<10240x128xf32, #tpu.memory_space<hbm>> -> memref<10240x128xf32, #tpu.memory_space<hbm>>
      tpu.wait_indirect_dma semaphore(%arg14 : memref<!tpu.dma_semaphore, #tpu.memory_space<semaphore_mem>>) src(%dma_wait3A_189 : memref<10240x128xf32, #tpu.memory_space<hbm>>) dst(%arg10 : memref<64x128xf32, #tpu.memory_space<vmem>>)
      %add3A_190 = arith.constant 1 : i32
      %add3A_191 = arith.addi %mul3A_152, %add3A_190 : i32
      %dma_wait3A_192 = arith.constant 1 : i32
      %dma_wait3A_193 = arith.constant 0 : i32
      %dma_wait3A_194 = tpu.memref_slice %arg7[%dma_wait3A_192, %dma_wait3A_193] : memref<4x64xi32, #tpu.memory_space<vmem>> -> memref<1x64xi32, #tpu.memory_space<vmem>>
      %dma_wait3A_195 = tpu.memref_squeeze %dma_wait3A_194 : memref<1x64xi32, #tpu.memory_space<vmem>> -> memref<64xi32, #tpu.memory_space<vmem>>
      %dma_wait3A_196 = arith.constant 0 : i32
      %dma_wait3A_197 = tpu.memref_slice %arg4[%add3A, %add3A_191, %dma_wait3A_196] : memref<32x160x64xi32, #tpu.memory_space<hbm>> -> memref<1x1x64xi32, #tpu.memory_space<hbm>>
      %dma_wait3A_198 = tpu.memref_squeeze %dma_wait3A_197 : memref<1x1x64xi32, #tpu.memory_space<hbm>> -> memref<64xi32, #tpu.memory_space<hbm>>
      %dma_wait3A_199 = arith.constant 0 : i32
      %dma_wait3A_200 = tpu.memref_slice %arg7[%dma_wait3A_192, %dma_wait3A_199] : memref<4x64xi32, #tpu.memory_space<vmem>> -> memref<1x64xi32, #tpu.memory_space<vmem>>
      %dma_wait3A_201 = tpu.memref_squeeze %dma_wait3A_200 : memref<1x64xi32, #tpu.memory_space<vmem>> -> memref<64xi32, #tpu.memory_space<vmem>>
      %dma_wait3A_202 = arith.constant 0 : i32
      %dma_wait3A_203 = tpu.memref_slice %arg4[%add3A, %add3A_191, %dma_wait3A_202] : memref<32x160x64xi32, #tpu.memory_space<hbm>> -> memref<1x1x64xi32, #tpu.memory_space<hbm>>
      %dma_wait3A_204 = tpu.memref_squeeze %dma_wait3A_203 : memref<1x1x64xi32, #tpu.memory_space<hbm>> -> memref<64xi32, #tpu.memory_space<hbm>>
      tpu.wait_dma2 semaphore(%arg26 : memref<!tpu.dma_semaphore, #tpu.memory_space<semaphore_mem>>) src(%dma_wait3A_204 : memref<64xi32, #tpu.memory_space<hbm>>) dst(%dma_wait3A_201 : memref<64xi32, #tpu.memory_space<vmem>>)
      %dma_start3A_205 = arith.constant 1 : i32
      %dma_start3A_206 = arith.constant 0 : i32
      %dma_start3A_207 = tpu.memref_slice %arg7[%dma_start3A_205, %dma_start3A_206] : memref<4x64xi32, #tpu.memory_space<vmem>> -> memref<1x64xi32, #tpu.memory_space<vmem>>
      %dma_start3A_208 = tpu.memref_squeeze %dma_start3A_207 : memref<1x64xi32, #tpu.memory_space<vmem>> -> memref<64xi32, #tpu.memory_space<vmem>>
      %dma_start3A_209 = arith.constant 0 : i32
      %dma_start3A_210 = arith.constant 0 : i32
      %dma_start3A_211 = tpu.memref_slice %arg6[%dma_start3A_209, %dma_start3A_210] : memref<10240x128xf32, #tpu.memory_space<vmem_shared>> -> memref<10240x128xf32, #tpu.memory_space<vmem_shared>>
      tpu.enqueue_indirect_dma source(%arg10 : memref<64x128xf32, #tpu.memory_space<vmem>>) target(%dma_start3A_211 : memref<10240x128xf32, #tpu.memory_space<vmem_shared>>) offsets(%dma_start3A_208 : memref<64xi32, #tpu.memory_space<vmem>>) semaphore(%arg18 : memref<!tpu.dma_semaphore, #tpu.memory_space<semaphore_mem>>) {add = true}
      %lt3A_212 = arith.constant 39 : i32
      %lt3A_213 = arith.cmpi slt, %add3A_150, %lt3A_212 : i32
      %convert_element_type3A_214 = arith.extui %lt3A_213 : i1 to i32
      %cond3A_215 = arith.constant 0 : i32
      %cond3A_216 = arith.cmpi ne, %convert_element_type3A_214, %cond3A_215 : i32
      scf.if %cond3A_216 {
        %add3A_333 = arith.constant 1 : i32
        %add3A_334 = arith.addi %mul3A_152, %add3A_333 : i32
        %add3A_335 = arith.constant 4 : i32
        %add3A_336 = arith.addi %add3A_334, %add3A_335 : i32
        %dma_start3A_337 = arith.constant 1 : i32
        %dma_start3A_338 = arith.constant 0 : i32
        %dma_start3A_339 = tpu.memref_slice %arg8[%dma_start3A_337, %dma_start3A_338] : memref<4x64xi32, #tpu.memory_space<vmem>> -> memref<1x64xi32, #tpu.memory_space<vmem>>
        %dma_start3A_340 = tpu.memref_squeeze %dma_start3A_339 : memref<1x64xi32, #tpu.memory_space<vmem>> -> memref<64xi32, #tpu.memory_space<vmem>>
        %dma_start3A_341 = arith.constant 0 : i32
        %dma_start3A_342 = tpu.memref_slice %arg3[%add3A, %add3A_336, %dma_start3A_341] : memref<32x160x64xi32, #tpu.memory_space<hbm>> -> memref<1x1x64xi32, #tpu.memory_space<hbm>>
        %dma_start3A_343 = tpu.memref_squeeze %dma_start3A_342 : memref<1x1x64xi32, #tpu.memory_space<hbm>> -> memref<64xi32, #tpu.memory_space<hbm>>
        %dma_start3A_344 = arith.constant 0 : i32
        %dma_start3A_345 = tpu.memref_slice %arg8[%dma_start3A_337, %dma_start3A_344] : memref<4x64xi32, #tpu.memory_space<vmem>> -> memref<1x64xi32, #tpu.memory_space<vmem>>
        %dma_start3A_346 = tpu.memref_squeeze %dma_start3A_345 : memref<1x64xi32, #tpu.memory_space<vmem>> -> memref<64xi32, #tpu.memory_space<vmem>>
        %dma_start3A_347 = arith.constant 0 : i32
        %dma_start3A_348 = tpu.memref_slice %arg3[%add3A, %add3A_336, %dma_start3A_347] : memref<32x160x64xi32, #tpu.memory_space<hbm>> -> memref<1x1x64xi32, #tpu.memory_space<hbm>>
        %dma_start3A_349 = tpu.memref_squeeze %dma_start3A_348 : memref<1x1x64xi32, #tpu.memory_space<hbm>> -> memref<64xi32, #tpu.memory_space<hbm>>
        tpu.enqueue_dma source(%dma_start3A_349 : memref<64xi32, #tpu.memory_space<hbm>>) target(%dma_start3A_346 : memref<64xi32, #tpu.memory_space<vmem>>) target_semaphore(%arg22 : memref<!tpu.dma_semaphore, #tpu.memory_space<semaphore_mem>>)
      } else {
      }
      %dma_wait3A_217 = arith.constant 2 : i32
      %dma_wait3A_218 = arith.constant 0 : i32
      %dma_wait3A_219 = tpu.memref_slice %arg8[%dma_wait3A_217, %dma_wait3A_218] : memref<4x64xi32, #tpu.memory_space<vmem>> -> memref<1x64xi32, #tpu.memory_space<vmem>>
      %dma_wait3A_220 = tpu.memref_squeeze %dma_wait3A_219 : memref<1x64xi32, #tpu.memory_space<vmem>> -> memref<64xi32, #tpu.memory_space<vmem>>
      %dma_wait3A_221 = arith.constant 0 : i32
      %dma_wait3A_222 = arith.constant 0 : i32
      %dma_wait3A_223 = tpu.memref_slice %arg2[%dma_wait3A_221, %dma_wait3A_222] : memref<10240x128xf32, #tpu.memory_space<hbm>> -> memref<10240x128xf32, #tpu.memory_space<hbm>>
      tpu.wait_indirect_dma semaphore(%arg15 : memref<!tpu.dma_semaphore, #tpu.memory_space<semaphore_mem>>) src(%dma_wait3A_223 : memref<10240x128xf32, #tpu.memory_space<hbm>>) dst(%arg11 : memref<64x128xf32, #tpu.memory_space<vmem>>)
      %add3A_224 = arith.constant 2 : i32
      %add3A_225 = arith.addi %mul3A_152, %add3A_224 : i32
      %dma_wait3A_226 = arith.constant 2 : i32
      %dma_wait3A_227 = arith.constant 0 : i32
      %dma_wait3A_228 = tpu.memref_slice %arg7[%dma_wait3A_226, %dma_wait3A_227] : memref<4x64xi32, #tpu.memory_space<vmem>> -> memref<1x64xi32, #tpu.memory_space<vmem>>
      %dma_wait3A_229 = tpu.memref_squeeze %dma_wait3A_228 : memref<1x64xi32, #tpu.memory_space<vmem>> -> memref<64xi32, #tpu.memory_space<vmem>>
      %dma_wait3A_230 = arith.constant 0 : i32
      %dma_wait3A_231 = tpu.memref_slice %arg4[%add3A, %add3A_225, %dma_wait3A_230] : memref<32x160x64xi32, #tpu.memory_space<hbm>> -> memref<1x1x64xi32, #tpu.memory_space<hbm>>
      %dma_wait3A_232 = tpu.memref_squeeze %dma_wait3A_231 : memref<1x1x64xi32, #tpu.memory_space<hbm>> -> memref<64xi32, #tpu.memory_space<hbm>>
      %dma_wait3A_233 = arith.constant 0 : i32
      %dma_wait3A_234 = tpu.memref_slice %arg7[%dma_wait3A_226, %dma_wait3A_233] : memref<4x64xi32, #tpu.memory_space<vmem>> -> memref<1x64xi32, #tpu.memory_space<vmem>>
      %dma_wait3A_235 = tpu.memref_squeeze %dma_wait3A_234 : memref<1x64xi32, #tpu.memory_space<vmem>> -> memref<64xi32, #tpu.memory_space<vmem>>
      %dma_wait3A_236 = arith.constant 0 : i32
      %dma_wait3A_237 = tpu.memref_slice %arg4[%add3A, %add3A_225, %dma_wait3A_236] : memref<32x160x64xi32, #tpu.memory_space<hbm>> -> memref<1x1x64xi32, #tpu.memory_space<hbm>>
      %dma_wait3A_238 = tpu.memref_squeeze %dma_wait3A_237 : memref<1x1x64xi32, #tpu.memory_space<hbm>> -> memref<64xi32, #tpu.memory_space<hbm>>
      tpu.wait_dma2 semaphore(%arg27 : memref<!tpu.dma_semaphore, #tpu.memory_space<semaphore_mem>>) src(%dma_wait3A_238 : memref<64xi32, #tpu.memory_space<hbm>>) dst(%dma_wait3A_235 : memref<64xi32, #tpu.memory_space<vmem>>)
      %dma_start3A_239 = arith.constant 2 : i32
      %dma_start3A_240 = arith.constant 0 : i32
      %dma_start3A_241 = tpu.memref_slice %arg7[%dma_start3A_239, %dma_start3A_240] : memref<4x64xi32, #tpu.memory_space<vmem>> -> memref<1x64xi32, #tpu.memory_space<vmem>>
      %dma_start3A_242 = tpu.memref_squeeze %dma_start3A_241 : memref<1x64xi32, #tpu.memory_space<vmem>> -> memref<64xi32, #tpu.memory_space<vmem>>
      %dma_start3A_243 = arith.constant 0 : i32
      %dma_start3A_244 = arith.constant 0 : i32
      %dma_start3A_245 = tpu.memref_slice %arg6[%dma_start3A_243, %dma_start3A_244] : memref<10240x128xf32, #tpu.memory_space<vmem_shared>> -> memref<10240x128xf32, #tpu.memory_space<vmem_shared>>
      tpu.enqueue_indirect_dma source(%arg11 : memref<64x128xf32, #tpu.memory_space<vmem>>) target(%dma_start3A_245 : memref<10240x128xf32, #tpu.memory_space<vmem_shared>>) offsets(%dma_start3A_242 : memref<64xi32, #tpu.memory_space<vmem>>) semaphore(%arg19 : memref<!tpu.dma_semaphore, #tpu.memory_space<semaphore_mem>>) {add = true}
      %lt3A_246 = arith.constant 39 : i32
      %lt3A_247 = arith.cmpi slt, %add3A_150, %lt3A_246 : i32
      %convert_element_type3A_248 = arith.extui %lt3A_247 : i1 to i32
      %cond3A_249 = arith.constant 0 : i32
      %cond3A_250 = arith.cmpi ne, %convert_element_type3A_248, %cond3A_249 : i32
      scf.if %cond3A_250 {
        %add3A_333 = arith.constant 2 : i32
        %add3A_334 = arith.addi %mul3A_152, %add3A_333 : i32
        %add3A_335 = arith.constant 4 : i32
        %add3A_336 = arith.addi %add3A_334, %add3A_335 : i32
        %dma_start3A_337 = arith.constant 2 : i32
        %dma_start3A_338 = arith.constant 0 : i32
        %dma_start3A_339 = tpu.memref_slice %arg8[%dma_start3A_337, %dma_start3A_338] : memref<4x64xi32, #tpu.memory_space<vmem>> -> memref<1x64xi32, #tpu.memory_space<vmem>>
        %dma_start3A_340 = tpu.memref_squeeze %dma_start3A_339 : memref<1x64xi32, #tpu.memory_space<vmem>> -> memref<64xi32, #tpu.memory_space<vmem>>
        %dma_start3A_341 = arith.constant 0 : i32
        %dma_start3A_342 = tpu.memref_slice %arg3[%add3A, %add3A_336, %dma_start3A_341] : memref<32x160x64xi32, #tpu.memory_space<hbm>> -> memref<1x1x64xi32, #tpu.memory_space<hbm>>
        %dma_start3A_343 = tpu.memref_squeeze %dma_start3A_342 : memref<1x1x64xi32, #tpu.memory_space<hbm>> -> memref<64xi32, #tpu.memory_space<hbm>>
        %dma_start3A_344 = arith.constant 0 : i32
        %dma_start3A_345 = tpu.memref_slice %arg8[%dma_start3A_337, %dma_start3A_344] : memref<4x64xi32, #tpu.memory_space<vmem>> -> memref<1x64xi32, #tpu.memory_space<vmem>>
        %dma_start3A_346 = tpu.memref_squeeze %dma_start3A_345 : memref<1x64xi32, #tpu.memory_space<vmem>> -> memref<64xi32, #tpu.memory_space<vmem>>
        %dma_start3A_347 = arith.constant 0 : i32
        %dma_start3A_348 = tpu.memref_slice %arg3[%add3A, %add3A_336, %dma_start3A_347] : memref<32x160x64xi32, #tpu.memory_space<hbm>> -> memref<1x1x64xi32, #tpu.memory_space<hbm>>
        %dma_start3A_349 = tpu.memref_squeeze %dma_start3A_348 : memref<1x1x64xi32, #tpu.memory_space<hbm>> -> memref<64xi32, #tpu.memory_space<hbm>>
        tpu.enqueue_dma source(%dma_start3A_349 : memref<64xi32, #tpu.memory_space<hbm>>) target(%dma_start3A_346 : memref<64xi32, #tpu.memory_space<vmem>>) target_semaphore(%arg23 : memref<!tpu.dma_semaphore, #tpu.memory_space<semaphore_mem>>)
      } else {
      }
      %dma_wait3A_251 = arith.constant 3 : i32
      %dma_wait3A_252 = arith.constant 0 : i32
      %dma_wait3A_253 = tpu.memref_slice %arg8[%dma_wait3A_251, %dma_wait3A_252] : memref<4x64xi32, #tpu.memory_space<vmem>> -> memref<1x64xi32, #tpu.memory_space<vmem>>
      %dma_wait3A_254 = tpu.memref_squeeze %dma_wait3A_253 : memref<1x64xi32, #tpu.memory_space<vmem>> -> memref<64xi32, #tpu.memory_space<vmem>>
      %dma_wait3A_255 = arith.constant 0 : i32
      %dma_wait3A_256 = arith.constant 0 : i32
      %dma_wait3A_257 = tpu.memref_slice %arg2[%dma_wait3A_255, %dma_wait3A_256] : memref<10240x128xf32, #tpu.memory_space<hbm>> -> memref<10240x128xf32, #tpu.memory_space<hbm>>
      tpu.wait_indirect_dma semaphore(%arg16 : memref<!tpu.dma_semaphore, #tpu.memory_space<semaphore_mem>>) src(%dma_wait3A_257 : memref<10240x128xf32, #tpu.memory_space<hbm>>) dst(%arg12 : memref<64x128xf32, #tpu.memory_space<vmem>>)
      %add3A_258 = arith.constant 3 : i32
      %add3A_259 = arith.addi %mul3A_152, %add3A_258 : i32
      %dma_wait3A_260 = arith.constant 3 : i32
      %dma_wait3A_261 = arith.constant 0 : i32
      %dma_wait3A_262 = tpu.memref_slice %arg7[%dma_wait3A_260, %dma_wait3A_261] : memref<4x64xi32, #tpu.memory_space<vmem>> -> memref<1x64xi32, #tpu.memory_space<vmem>>
      %dma_wait3A_263 = tpu.memref_squeeze %dma_wait3A_262 : memref<1x64xi32, #tpu.memory_space<vmem>> -> memref<64xi32, #tpu.memory_space<vmem>>
      %dma_wait3A_264 = arith.constant 0 : i32
      %dma_wait3A_265 = tpu.memref_slice %arg4[%add3A, %add3A_259, %dma_wait3A_264] : memref<32x160x64xi32, #tpu.memory_space<hbm>> -> memref<1x1x64xi32, #tpu.memory_space<hbm>>
      %dma_wait3A_266 = tpu.memref_squeeze %dma_wait3A_265 : memref<1x1x64xi32, #tpu.memory_space<hbm>> -> memref<64xi32, #tpu.memory_space<hbm>>
      %dma_wait3A_267 = arith.constant 0 : i32
      %dma_wait3A_268 = tpu.memref_slice %arg7[%dma_wait3A_260, %dma_wait3A_267] : memref<4x64xi32, #tpu.memory_space<vmem>> -> memref<1x64xi32, #tpu.memory_space<vmem>>
      %dma_wait3A_269 = tpu.memref_squeeze %dma_wait3A_268 : memref<1x64xi32, #tpu.memory_space<vmem>> -> memref<64xi32, #tpu.memory_space<vmem>>
      %dma_wait3A_270 = arith.constant 0 : i32
      %dma_wait3A_271 = tpu.memref_slice %arg4[%add3A, %add3A_259, %dma_wait3A_270] : memref<32x160x64xi32, #tpu.memory_space<hbm>> -> memref<1x1x64xi32, #tpu.memory_space<hbm>>
      %dma_wait3A_272 = tpu.memref_squeeze %dma_wait3A_271 : memref<1x1x64xi32, #tpu.memory_space<hbm>> -> memref<64xi32, #tpu.memory_space<hbm>>
      tpu.wait_dma2 semaphore(%arg28 : memref<!tpu.dma_semaphore, #tpu.memory_space<semaphore_mem>>) src(%dma_wait3A_272 : memref<64xi32, #tpu.memory_space<hbm>>) dst(%dma_wait3A_269 : memref<64xi32, #tpu.memory_space<vmem>>)
      %dma_start3A_273 = arith.constant 3 : i32
      %dma_start3A_274 = arith.constant 0 : i32
      %dma_start3A_275 = tpu.memref_slice %arg7[%dma_start3A_273, %dma_start3A_274] : memref<4x64xi32, #tpu.memory_space<vmem>> -> memref<1x64xi32, #tpu.memory_space<vmem>>
      %dma_start3A_276 = tpu.memref_squeeze %dma_start3A_275 : memref<1x64xi32, #tpu.memory_space<vmem>> -> memref<64xi32, #tpu.memory_space<vmem>>
      %dma_start3A_277 = arith.constant 0 : i32
      %dma_start3A_278 = arith.constant 0 : i32
      %dma_start3A_279 = tpu.memref_slice %arg6[%dma_start3A_277, %dma_start3A_278] : memref<10240x128xf32, #tpu.memory_space<vmem_shared>> -> memref<10240x128xf32, #tpu.memory_space<vmem_shared>>
      tpu.enqueue_indirect_dma source(%arg12 : memref<64x128xf32, #tpu.memory_space<vmem>>) target(%dma_start3A_279 : memref<10240x128xf32, #tpu.memory_space<vmem_shared>>) offsets(%dma_start3A_276 : memref<64xi32, #tpu.memory_space<vmem>>) semaphore(%arg20 : memref<!tpu.dma_semaphore, #tpu.memory_space<semaphore_mem>>) {add = true}
      %lt3A_280 = arith.constant 39 : i32
      %lt3A_281 = arith.cmpi slt, %add3A_150, %lt3A_280 : i32
      %convert_element_type3A_282 = arith.extui %lt3A_281 : i1 to i32
      %cond3A_283 = arith.constant 0 : i32
      %cond3A_284 = arith.cmpi ne, %convert_element_type3A_282, %cond3A_283 : i32
      scf.if %cond3A_284 {
        %add3A_333 = arith.constant 3 : i32
        %add3A_334 = arith.addi %mul3A_152, %add3A_333 : i32
        %add3A_335 = arith.constant 4 : i32
        %add3A_336 = arith.addi %add3A_334, %add3A_335 : i32
        %dma_start3A_337 = arith.constant 3 : i32
        %dma_start3A_338 = arith.constant 0 : i32
        %dma_start3A_339 = tpu.memref_slice %arg8[%dma_start3A_337, %dma_start3A_338] : memref<4x64xi32, #tpu.memory_space<vmem>> -> memref<1x64xi32, #tpu.memory_space<vmem>>
        %dma_start3A_340 = tpu.memref_squeeze %dma_start3A_339 : memref<1x64xi32, #tpu.memory_space<vmem>> -> memref<64xi32, #tpu.memory_space<vmem>>
        %dma_start3A_341 = arith.constant 0 : i32
        %dma_start3A_342 = tpu.memref_slice %arg3[%add3A, %add3A_336, %dma_start3A_341] : memref<32x160x64xi32, #tpu.memory_space<hbm>> -> memref<1x1x64xi32, #tpu.memory_space<hbm>>
        %dma_start3A_343 = tpu.memref_squeeze %dma_start3A_342 : memref<1x1x64xi32, #tpu.memory_space<hbm>> -> memref<64xi32, #tpu.memory_space<hbm>>
        %dma_start3A_344 = arith.constant 0 : i32
        %dma_start3A_345 = tpu.memref_slice %arg8[%dma_start3A_337, %dma_start3A_344] : memref<4x64xi32, #tpu.memory_space<vmem>> -> memref<1x64xi32, #tpu.memory_space<vmem>>
        %dma_start3A_346 = tpu.memref_squeeze %dma_start3A_345 : memref<1x64xi32, #tpu.memory_space<vmem>> -> memref<64xi32, #tpu.memory_space<vmem>>
        %dma_start3A_347 = arith.constant 0 : i32
        %dma_start3A_348 = tpu.memref_slice %arg3[%add3A, %add3A_336, %dma_start3A_347] : memref<32x160x64xi32, #tpu.memory_space<hbm>> -> memref<1x1x64xi32, #tpu.memory_space<hbm>>
        %dma_start3A_349 = tpu.memref_squeeze %dma_start3A_348 : memref<1x1x64xi32, #tpu.memory_space<hbm>> -> memref<64xi32, #tpu.memory_space<hbm>>
        tpu.enqueue_dma source(%dma_start3A_349 : memref<64xi32, #tpu.memory_space<hbm>>) target(%dma_start3A_346 : memref<64xi32, #tpu.memory_space<vmem>>) target_semaphore(%arg24 : memref<!tpu.dma_semaphore, #tpu.memory_space<semaphore_mem>>)
      } else {
      }
      %dma_wait3A_285 = arith.constant 0 : i32
      %dma_wait3A_286 = arith.constant 0 : i32
      %dma_wait3A_287 = tpu.memref_slice %arg7[%dma_wait3A_285, %dma_wait3A_286] : memref<4x64xi32, #tpu.memory_space<vmem>> -> memref<1x64xi32, #tpu.memory_space<vmem>>
      %dma_wait3A_288 = tpu.memref_squeeze %dma_wait3A_287 : memref<1x64xi32, #tpu.memory_space<vmem>> -> memref<64xi32, #tpu.memory_space<vmem>>
      %dma_wait3A_289 = arith.constant 0 : i32
      %dma_wait3A_290 = arith.constant 0 : i32
      %dma_wait3A_291 = tpu.memref_slice %arg6[%dma_wait3A_289, %dma_wait3A_290] : memref<10240x128xf32, #tpu.memory_space<vmem_shared>> -> memref<10240x128xf32, #tpu.memory_space<vmem_shared>>
      tpu.wait_indirect_dma semaphore(%arg17 : memref<!tpu.dma_semaphore, #tpu.memory_space<semaphore_mem>>) src(%arg9 : memref<64x128xf32, #tpu.memory_space<vmem>>) dst(%dma_wait3A_291 : memref<10240x128xf32, #tpu.memory_space<vmem_shared>>)
      %lt3A_292 = arith.constant 39 : i32
      %lt3A_293 = arith.cmpi slt, %add3A_150, %lt3A_292 : i32
      %convert_element_type3A_294 = arith.extui %lt3A_293 : i1 to i32
      %cond3A_295 = arith.constant 0 : i32
      %cond3A_296 = arith.cmpi ne, %convert_element_type3A_294, %cond3A_295 : i32
      scf.if %cond3A_296 {
        %add3A_333 = arith.constant 0 : i32
        %add3A_334 = arith.addi %mul3A_152, %add3A_333 : i32
        %add3A_335 = arith.constant 4 : i32
        %add3A_336 = arith.addi %add3A_334, %add3A_335 : i32
        %dma_start3A_337 = arith.constant 0 : i32
        %dma_start3A_338 = arith.constant 0 : i32
        %dma_start3A_339 = tpu.memref_slice %arg7[%dma_start3A_337, %dma_start3A_338] : memref<4x64xi32, #tpu.memory_space<vmem>> -> memref<1x64xi32, #tpu.memory_space<vmem>>
        %dma_start3A_340 = tpu.memref_squeeze %dma_start3A_339 : memref<1x64xi32, #tpu.memory_space<vmem>> -> memref<64xi32, #tpu.memory_space<vmem>>
        %dma_start3A_341 = arith.constant 0 : i32
        %dma_start3A_342 = tpu.memref_slice %arg4[%add3A, %add3A_336, %dma_start3A_341] : memref<32x160x64xi32, #tpu.memory_space<hbm>> -> memref<1x1x64xi32, #tpu.memory_space<hbm>>
        %dma_start3A_343 = tpu.memref_squeeze %dma_start3A_342 : memref<1x1x64xi32, #tpu.memory_space<hbm>> -> memref<64xi32, #tpu.memory_space<hbm>>
        %dma_start3A_344 = arith.constant 0 : i32
        %dma_start3A_345 = tpu.memref_slice %arg7[%dma_start3A_337, %dma_start3A_344] : memref<4x64xi32, #tpu.memory_space<vmem>> -> memref<1x64xi32, #tpu.memory_space<vmem>>
        %dma_start3A_346 = tpu.memref_squeeze %dma_start3A_345 : memref<1x64xi32, #tpu.memory_space<vmem>> -> memref<64xi32, #tpu.memory_space<vmem>>
        %dma_start3A_347 = arith.constant 0 : i32
        %dma_start3A_348 = tpu.memref_slice %arg4[%add3A, %add3A_336, %dma_start3A_347] : memref<32x160x64xi32, #tpu.memory_space<hbm>> -> memref<1x1x64xi32, #tpu.memory_space<hbm>>
        %dma_start3A_349 = tpu.memref_squeeze %dma_start3A_348 : memref<1x1x64xi32, #tpu.memory_space<hbm>> -> memref<64xi32, #tpu.memory_space<hbm>>
        tpu.enqueue_dma source(%dma_start3A_349 : memref<64xi32, #tpu.memory_space<hbm>>) target(%dma_start3A_346 : memref<64xi32, #tpu.memory_space<vmem>>) target_semaphore(%arg25 : memref<!tpu.dma_semaphore, #tpu.memory_space<semaphore_mem>>)
        %add3A_350 = arith.constant 0 : i32
        %add3A_351 = arith.addi %mul3A_152, %add3A_350 : i32
        %add3A_352 = arith.constant 4 : i32
        %add3A_353 = arith.addi %add3A_351, %add3A_352 : i32
        %dma_wait3A_354 = arith.constant 0 : i32
        %dma_wait3A_355 = arith.constant 0 : i32
        %dma_wait3A_356 = tpu.memref_slice %arg8[%dma_wait3A_354, %dma_wait3A_355] : memref<4x64xi32, #tpu.memory_space<vmem>> -> memref<1x64xi32, #tpu.memory_space<vmem>>
        %dma_wait3A_357 = tpu.memref_squeeze %dma_wait3A_356 : memref<1x64xi32, #tpu.memory_space<vmem>> -> memref<64xi32, #tpu.memory_space<vmem>>
        %dma_wait3A_358 = arith.constant 0 : i32
        %dma_wait3A_359 = tpu.memref_slice %arg3[%add3A, %add3A_353, %dma_wait3A_358] : memref<32x160x64xi32, #tpu.memory_space<hbm>> -> memref<1x1x64xi32, #tpu.memory_space<hbm>>
        %dma_wait3A_360 = tpu.memref_squeeze %dma_wait3A_359 : memref<1x1x64xi32, #tpu.memory_space<hbm>> -> memref<64xi32, #tpu.memory_space<hbm>>
        %dma_wait3A_361 = arith.constant 0 : i32
        %dma_wait3A_362 = tpu.memref_slice %arg8[%dma_wait3A_354, %dma_wait3A_361] : memref<4x64xi32, #tpu.memory_space<vmem>> -> memref<1x64xi32, #tpu.memory_space<vmem>>
        %dma_wait3A_363 = tpu.memref_squeeze %dma_wait3A_362 : memref<1x64xi32, #tpu.memory_space<vmem>> -> memref<64xi32, #tpu.memory_space<vmem>>
        %dma_wait3A_364 = arith.constant 0 : i32
        %dma_wait3A_365 = tpu.memref_slice %arg3[%add3A, %add3A_353, %dma_wait3A_364] : memref<32x160x64xi32, #tpu.memory_space<hbm>> -> memref<1x1x64xi32, #tpu.memory_space<hbm>>
        %dma_wait3A_366 = tpu.memref_squeeze %dma_wait3A_365 : memref<1x1x64xi32, #tpu.memory_space<hbm>> -> memref<64xi32, #tpu.memory_space<hbm>>
        tpu.wait_dma2 semaphore(%arg21 : memref<!tpu.dma_semaphore, #tpu.memory_space<semaphore_mem>>) src(%dma_wait3A_366 : memref<64xi32, #tpu.memory_space<hbm>>) dst(%dma_wait3A_363 : memref<64xi32, #tpu.memory_space<vmem>>)
        %dma_start3A_367 = arith.constant 0 : i32
        %dma_start3A_368 = arith.constant 0 : i32
        %dma_start3A_369 = tpu.memref_slice %arg8[%dma_start3A_367, %dma_start3A_368] : memref<4x64xi32, #tpu.memory_space<vmem>> -> memref<1x64xi32, #tpu.memory_space<vmem>>
        %dma_start3A_370 = tpu.memref_squeeze %dma_start3A_369 : memref<1x64xi32, #tpu.memory_space<vmem>> -> memref<64xi32, #tpu.memory_space<vmem>>
        %dma_start3A_371 = arith.constant 0 : i32
        %dma_start3A_372 = arith.constant 0 : i32
        %dma_start3A_373 = tpu.memref_slice %arg2[%dma_start3A_371, %dma_start3A_372] : memref<10240x128xf32, #tpu.memory_space<hbm>> -> memref<10240x128xf32, #tpu.memory_space<hbm>>
        tpu.enqueue_indirect_dma source(%dma_start3A_373 : memref<10240x128xf32, #tpu.memory_space<hbm>>) target(%arg9 : memref<64x128xf32, #tpu.memory_space<vmem>>) offsets(%dma_start3A_370 : memref<64xi32, #tpu.memory_space<vmem>>) semaphore(%arg13 : memref<!tpu.dma_semaphore, #tpu.memory_space<semaphore_mem>>)
      } else {
      }
      %dma_wait3A_297 = arith.constant 1 : i32
      %dma_wait3A_298 = arith.constant 0 : i32
      %dma_wait3A_299 = tpu.memref_slice %arg7[%dma_wait3A_297, %dma_wait3A_298] : memref<4x64xi32, #tpu.memory_space<vmem>> -> memref<1x64xi32, #tpu.memory_space<vmem>>
      %dma_wait3A_300 = tpu.memref_squeeze %dma_wait3A_299 : memref<1x64xi32, #tpu.memory_space<vmem>> -> memref<64xi32, #tpu.memory_space<vmem>>
      %dma_wait3A_301 = arith.constant 0 : i32
      %dma_wait3A_302 = arith.constant 0 : i32
      %dma_wait3A_303 = tpu.memref_slice %arg6[%dma_wait3A_301, %dma_wait3A_302] : memref<10240x128xf32, #tpu.memory_space<vmem_shared>> -> memref<10240x128xf32, #tpu.memory_space<vmem_shared>>
      tpu.wait_indirect_dma semaphore(%arg18 : memref<!tpu.dma_semaphore, #tpu.memory_space<semaphore_mem>>) src(%arg10 : memref<64x128xf32, #tpu.memory_space<vmem>>) dst(%dma_wait3A_303 : memref<10240x128xf32, #tpu.memory_space<vmem_shared>>)
      %lt3A_304 = arith.constant 39 : i32
      %lt3A_305 = arith.cmpi slt, %add3A_150, %lt3A_304 : i32
      %convert_element_type3A_306 = arith.extui %lt3A_305 : i1 to i32
      %cond3A_307 = arith.constant 0 : i32
      %cond3A_308 = arith.cmpi ne, %convert_element_type3A_306, %cond3A_307 : i32
      scf.if %cond3A_308 {
        %add3A_333 = arith.constant 1 : i32
        %add3A_334 = arith.addi %mul3A_152, %add3A_333 : i32
        %add3A_335 = arith.constant 4 : i32
        %add3A_336 = arith.addi %add3A_334, %add3A_335 : i32
        %dma_start3A_337 = arith.constant 1 : i32
        %dma_start3A_338 = arith.constant 0 : i32
        %dma_start3A_339 = tpu.memref_slice %arg7[%dma_start3A_337, %dma_start3A_338] : memref<4x64xi32, #tpu.memory_space<vmem>> -> memref<1x64xi32, #tpu.memory_space<vmem>>
        %dma_start3A_340 = tpu.memref_squeeze %dma_start3A_339 : memref<1x64xi32, #tpu.memory_space<vmem>> -> memref<64xi32, #tpu.memory_space<vmem>>
        %dma_start3A_341 = arith.constant 0 : i32
        %dma_start3A_342 = tpu.memref_slice %arg4[%add3A, %add3A_336, %dma_start3A_341] : memref<32x160x64xi32, #tpu.memory_space<hbm>> -> memref<1x1x64xi32, #tpu.memory_space<hbm>>
        %dma_start3A_343 = tpu.memref_squeeze %dma_start3A_342 : memref<1x1x64xi32, #tpu.memory_space<hbm>> -> memref<64xi32, #tpu.memory_space<hbm>>
        %dma_start3A_344 = arith.constant 0 : i32
        %dma_start3A_345 = tpu.memref_slice %arg7[%dma_start3A_337, %dma_start3A_344] : memref<4x64xi32, #tpu.memory_space<vmem>> -> memref<1x64xi32, #tpu.memory_space<vmem>>
        %dma_start3A_346 = tpu.memref_squeeze %dma_start3A_345 : memref<1x64xi32, #tpu.memory_space<vmem>> -> memref<64xi32, #tpu.memory_space<vmem>>
        %dma_start3A_347 = arith.constant 0 : i32
        %dma_start3A_348 = tpu.memref_slice %arg4[%add3A, %add3A_336, %dma_start3A_347] : memref<32x160x64xi32, #tpu.memory_space<hbm>> -> memref<1x1x64xi32, #tpu.memory_space<hbm>>
        %dma_start3A_349 = tpu.memref_squeeze %dma_start3A_348 : memref<1x1x64xi32, #tpu.memory_space<hbm>> -> memref<64xi32, #tpu.memory_space<hbm>>
        tpu.enqueue_dma source(%dma_start3A_349 : memref<64xi32, #tpu.memory_space<hbm>>) target(%dma_start3A_346 : memref<64xi32, #tpu.memory_space<vmem>>) target_semaphore(%arg26 : memref<!tpu.dma_semaphore, #tpu.memory_space<semaphore_mem>>)
        %add3A_350 = arith.constant 1 : i32
        %add3A_351 = arith.addi %mul3A_152, %add3A_350 : i32
        %add3A_352 = arith.constant 4 : i32
        %add3A_353 = arith.addi %add3A_351, %add3A_352 : i32
        %dma_wait3A_354 = arith.constant 1 : i32
        %dma_wait3A_355 = arith.constant 0 : i32
        %dma_wait3A_356 = tpu.memref_slice %arg8[%dma_wait3A_354, %dma_wait3A_355] : memref<4x64xi32, #tpu.memory_space<vmem>> -> memref<1x64xi32, #tpu.memory_space<vmem>>
        %dma_wait3A_357 = tpu.memref_squeeze %dma_wait3A_356 : memref<1x64xi32, #tpu.memory_space<vmem>> -> memref<64xi32, #tpu.memory_space<vmem>>
        %dma_wait3A_358 = arith.constant 0 : i32
        %dma_wait3A_359 = tpu.memref_slice %arg3[%add3A, %add3A_353, %dma_wait3A_358] : memref<32x160x64xi32, #tpu.memory_space<hbm>> -> memref<1x1x64xi32, #tpu.memory_space<hbm>>
        %dma_wait3A_360 = tpu.memref_squeeze %dma_wait3A_359 : memref<1x1x64xi32, #tpu.memory_space<hbm>> -> memref<64xi32, #tpu.memory_space<hbm>>
        %dma_wait3A_361 = arith.constant 0 : i32
        %dma_wait3A_362 = tpu.memref_slice %arg8[%dma_wait3A_354, %dma_wait3A_361] : memref<4x64xi32, #tpu.memory_space<vmem>> -> memref<1x64xi32, #tpu.memory_space<vmem>>
        %dma_wait3A_363 = tpu.memref_squeeze %dma_wait3A_362 : memref<1x64xi32, #tpu.memory_space<vmem>> -> memref<64xi32, #tpu.memory_space<vmem>>
        %dma_wait3A_364 = arith.constant 0 : i32
        %dma_wait3A_365 = tpu.memref_slice %arg3[%add3A, %add3A_353, %dma_wait3A_364] : memref<32x160x64xi32, #tpu.memory_space<hbm>> -> memref<1x1x64xi32, #tpu.memory_space<hbm>>
        %dma_wait3A_366 = tpu.memref_squeeze %dma_wait3A_365 : memref<1x1x64xi32, #tpu.memory_space<hbm>> -> memref<64xi32, #tpu.memory_space<hbm>>
        tpu.wait_dma2 semaphore(%arg22 : memref<!tpu.dma_semaphore, #tpu.memory_space<semaphore_mem>>) src(%dma_wait3A_366 : memref<64xi32, #tpu.memory_space<hbm>>) dst(%dma_wait3A_363 : memref<64xi32, #tpu.memory_space<vmem>>)
        %dma_start3A_367 = arith.constant 1 : i32
        %dma_start3A_368 = arith.constant 0 : i32
        %dma_start3A_369 = tpu.memref_slice %arg8[%dma_start3A_367, %dma_start3A_368] : memref<4x64xi32, #tpu.memory_space<vmem>> -> memref<1x64xi32, #tpu.memory_space<vmem>>
        %dma_start3A_370 = tpu.memref_squeeze %dma_start3A_369 : memref<1x64xi32, #tpu.memory_space<vmem>> -> memref<64xi32, #tpu.memory_space<vmem>>
        %dma_start3A_371 = arith.constant 0 : i32
        %dma_start3A_372 = arith.constant 0 : i32
        %dma_start3A_373 = tpu.memref_slice %arg2[%dma_start3A_371, %dma_start3A_372] : memref<10240x128xf32, #tpu.memory_space<hbm>> -> memref<10240x128xf32, #tpu.memory_space<hbm>>
        tpu.enqueue_indirect_dma source(%dma_start3A_373 : memref<10240x128xf32, #tpu.memory_space<hbm>>) target(%arg10 : memref<64x128xf32, #tpu.memory_space<vmem>>) offsets(%dma_start3A_370 : memref<64xi32, #tpu.memory_space<vmem>>) semaphore(%arg14 : memref<!tpu.dma_semaphore, #tpu.memory_space<semaphore_mem>>)
      } else {
      }
      %dma_wait3A_309 = arith.constant 2 : i32
      %dma_wait3A_310 = arith.constant 0 : i32
      %dma_wait3A_311 = tpu.memref_slice %arg7[%dma_wait3A_309, %dma_wait3A_310] : memref<4x64xi32, #tpu.memory_space<vmem>> -> memref<1x64xi32, #tpu.memory_space<vmem>>
      %dma_wait3A_312 = tpu.memref_squeeze %dma_wait3A_311 : memref<1x64xi32, #tpu.memory_space<vmem>> -> memref<64xi32, #tpu.memory_space<vmem>>
      %dma_wait3A_313 = arith.constant 0 : i32
      %dma_wait3A_314 = arith.constant 0 : i32
      %dma_wait3A_315 = tpu.memref_slice %arg6[%dma_wait3A_313, %dma_wait3A_314] : memref<10240x128xf32, #tpu.memory_space<vmem_shared>> -> memref<10240x128xf32, #tpu.memory_space<vmem_shared>>
      tpu.wait_indirect_dma semaphore(%arg19 : memref<!tpu.dma_semaphore, #tpu.memory_space<semaphore_mem>>) src(%arg11 : memref<64x128xf32, #tpu.memory_space<vmem>>) dst(%dma_wait3A_315 : memref<10240x128xf32, #tpu.memory_space<vmem_shared>>)
      %lt3A_316 = arith.constant 39 : i32
      %lt3A_317 = arith.cmpi slt, %add3A_150, %lt3A_316 : i32
      %convert_element_type3A_318 = arith.extui %lt3A_317 : i1 to i32
      %cond3A_319 = arith.constant 0 : i32
      %cond3A_320 = arith.cmpi ne, %convert_element_type3A_318, %cond3A_319 : i32
      scf.if %cond3A_320 {
        %add3A_333 = arith.constant 2 : i32
        %add3A_334 = arith.addi %mul3A_152, %add3A_333 : i32
        %add3A_335 = arith.constant 4 : i32
        %add3A_336 = arith.addi %add3A_334, %add3A_335 : i32
        %dma_start3A_337 = arith.constant 2 : i32
        %dma_start3A_338 = arith.constant 0 : i32
        %dma_start3A_339 = tpu.memref_slice %arg7[%dma_start3A_337, %dma_start3A_338] : memref<4x64xi32, #tpu.memory_space<vmem>> -> memref<1x64xi32, #tpu.memory_space<vmem>>
        %dma_start3A_340 = tpu.memref_squeeze %dma_start3A_339 : memref<1x64xi32, #tpu.memory_space<vmem>> -> memref<64xi32, #tpu.memory_space<vmem>>
        %dma_start3A_341 = arith.constant 0 : i32
        %dma_start3A_342 = tpu.memref_slice %arg4[%add3A, %add3A_336, %dma_start3A_341] : memref<32x160x64xi32, #tpu.memory_space<hbm>> -> memref<1x1x64xi32, #tpu.memory_space<hbm>>
        %dma_start3A_343 = tpu.memref_squeeze %dma_start3A_342 : memref<1x1x64xi32, #tpu.memory_space<hbm>> -> memref<64xi32, #tpu.memory_space<hbm>>
        %dma_start3A_344 = arith.constant 0 : i32
        %dma_start3A_345 = tpu.memref_slice %arg7[%dma_start3A_337, %dma_start3A_344] : memref<4x64xi32, #tpu.memory_space<vmem>> -> memref<1x64xi32, #tpu.memory_space<vmem>>
        %dma_start3A_346 = tpu.memref_squeeze %dma_start3A_345 : memref<1x64xi32, #tpu.memory_space<vmem>> -> memref<64xi32, #tpu.memory_space<vmem>>
        %dma_start3A_347 = arith.constant 0 : i32
        %dma_start3A_348 = tpu.memref_slice %arg4[%add3A, %add3A_336, %dma_start3A_347] : memref<32x160x64xi32, #tpu.memory_space<hbm>> -> memref<1x1x64xi32, #tpu.memory_space<hbm>>
        %dma_start3A_349 = tpu.memref_squeeze %dma_start3A_348 : memref<1x1x64xi32, #tpu.memory_space<hbm>> -> memref<64xi32, #tpu.memory_space<hbm>>
        tpu.enqueue_dma source(%dma_start3A_349 : memref<64xi32, #tpu.memory_space<hbm>>) target(%dma_start3A_346 : memref<64xi32, #tpu.memory_space<vmem>>) target_semaphore(%arg27 : memref<!tpu.dma_semaphore, #tpu.memory_space<semaphore_mem>>)
        %add3A_350 = arith.constant 2 : i32
        %add3A_351 = arith.addi %mul3A_152, %add3A_350 : i32
        %add3A_352 = arith.constant 4 : i32
        %add3A_353 = arith.addi %add3A_351, %add3A_352 : i32
        %dma_wait3A_354 = arith.constant 2 : i32
        %dma_wait3A_355 = arith.constant 0 : i32
        %dma_wait3A_356 = tpu.memref_slice %arg8[%dma_wait3A_354, %dma_wait3A_355] : memref<4x64xi32, #tpu.memory_space<vmem>> -> memref<1x64xi32, #tpu.memory_space<vmem>>
        %dma_wait3A_357 = tpu.memref_squeeze %dma_wait3A_356 : memref<1x64xi32, #tpu.memory_space<vmem>> -> memref<64xi32, #tpu.memory_space<vmem>>
        %dma_wait3A_358 = arith.constant 0 : i32
        %dma_wait3A_359 = tpu.memref_slice %arg3[%add3A, %add3A_353, %dma_wait3A_358] : memref<32x160x64xi32, #tpu.memory_space<hbm>> -> memref<1x1x64xi32, #tpu.memory_space<hbm>>
        %dma_wait3A_360 = tpu.memref_squeeze %dma_wait3A_359 : memref<1x1x64xi32, #tpu.memory_space<hbm>> -> memref<64xi32, #tpu.memory_space<hbm>>
        %dma_wait3A_361 = arith.constant 0 : i32
        %dma_wait3A_362 = tpu.memref_slice %arg8[%dma_wait3A_354, %dma_wait3A_361] : memref<4x64xi32, #tpu.memory_space<vmem>> -> memref<1x64xi32, #tpu.memory_space<vmem>>
        %dma_wait3A_363 = tpu.memref_squeeze %dma_wait3A_362 : memref<1x64xi32, #tpu.memory_space<vmem>> -> memref<64xi32, #tpu.memory_space<vmem>>
        %dma_wait3A_364 = arith.constant 0 : i32
        %dma_wait3A_365 = tpu.memref_slice %arg3[%add3A, %add3A_353, %dma_wait3A_364] : memref<32x160x64xi32, #tpu.memory_space<hbm>> -> memref<1x1x64xi32, #tpu.memory_space<hbm>>
        %dma_wait3A_366 = tpu.memref_squeeze %dma_wait3A_365 : memref<1x1x64xi32, #tpu.memory_space<hbm>> -> memref<64xi32, #tpu.memory_space<hbm>>
        tpu.wait_dma2 semaphore(%arg23 : memref<!tpu.dma_semaphore, #tpu.memory_space<semaphore_mem>>) src(%dma_wait3A_366 : memref<64xi32, #tpu.memory_space<hbm>>) dst(%dma_wait3A_363 : memref<64xi32, #tpu.memory_space<vmem>>)
        %dma_start3A_367 = arith.constant 2 : i32
        %dma_start3A_368 = arith.constant 0 : i32
        %dma_start3A_369 = tpu.memref_slice %arg8[%dma_start3A_367, %dma_start3A_368] : memref<4x64xi32, #tpu.memory_space<vmem>> -> memref<1x64xi32, #tpu.memory_space<vmem>>
        %dma_start3A_370 = tpu.memref_squeeze %dma_start3A_369 : memref<1x64xi32, #tpu.memory_space<vmem>> -> memref<64xi32, #tpu.memory_space<vmem>>
        %dma_start3A_371 = arith.constant 0 : i32
        %dma_start3A_372 = arith.constant 0 : i32
        %dma_start3A_373 = tpu.memref_slice %arg2[%dma_start3A_371, %dma_start3A_372] : memref<10240x128xf32, #tpu.memory_space<hbm>> -> memref<10240x128xf32, #tpu.memory_space<hbm>>
        tpu.enqueue_indirect_dma source(%dma_start3A_373 : memref<10240x128xf32, #tpu.memory_space<hbm>>) target(%arg11 : memref<64x128xf32, #tpu.memory_space<vmem>>) offsets(%dma_start3A_370 : memref<64xi32, #tpu.memory_space<vmem>>) semaphore(%arg15 : memref<!tpu.dma_semaphore, #tpu.memory_space<semaphore_mem>>)
      } else {
      }
      %dma_wait3A_321 = arith.constant 3 : i32
      %dma_wait3A_322 = arith.constant 0 : i32
      %dma_wait3A_323 = tpu.memref_slice %arg7[%dma_wait3A_321, %dma_wait3A_322] : memref<4x64xi32, #tpu.memory_space<vmem>> -> memref<1x64xi32, #tpu.memory_space<vmem>>
      %dma_wait3A_324 = tpu.memref_squeeze %dma_wait3A_323 : memref<1x64xi32, #tpu.memory_space<vmem>> -> memref<64xi32, #tpu.memory_space<vmem>>
      %dma_wait3A_325 = arith.constant 0 : i32
      %dma_wait3A_326 = arith.constant 0 : i32
      %dma_wait3A_327 = tpu.memref_slice %arg6[%dma_wait3A_325, %dma_wait3A_326] : memref<10240x128xf32, #tpu.memory_space<vmem_shared>> -> memref<10240x128xf32, #tpu.memory_space<vmem_shared>>
      tpu.wait_indirect_dma semaphore(%arg20 : memref<!tpu.dma_semaphore, #tpu.memory_space<semaphore_mem>>) src(%arg12 : memref<64x128xf32, #tpu.memory_space<vmem>>) dst(%dma_wait3A_327 : memref<10240x128xf32, #tpu.memory_space<vmem_shared>>)
      %lt3A_328 = arith.constant 39 : i32
      %lt3A_329 = arith.cmpi slt, %add3A_150, %lt3A_328 : i32
      %convert_element_type3A_330 = arith.extui %lt3A_329 : i1 to i32
      %cond3A_331 = arith.constant 0 : i32
      %cond3A_332 = arith.cmpi ne, %convert_element_type3A_330, %cond3A_331 : i32
      scf.if %cond3A_332 {
        %add3A_333 = arith.constant 3 : i32
        %add3A_334 = arith.addi %mul3A_152, %add3A_333 : i32
        %add3A_335 = arith.constant 4 : i32
        %add3A_336 = arith.addi %add3A_334, %add3A_335 : i32
        %dma_start3A_337 = arith.constant 3 : i32
        %dma_start3A_338 = arith.constant 0 : i32
        %dma_start3A_339 = tpu.memref_slice %arg7[%dma_start3A_337, %dma_start3A_338] : memref<4x64xi32, #tpu.memory_space<vmem>> -> memref<1x64xi32, #tpu.memory_space<vmem>>
        %dma_start3A_340 = tpu.memref_squeeze %dma_start3A_339 : memref<1x64xi32, #tpu.memory_space<vmem>> -> memref<64xi32, #tpu.memory_space<vmem>>
        %dma_start3A_341 = arith.constant 0 : i32
        %dma_start3A_342 = tpu.memref_slice %arg4[%add3A, %add3A_336, %dma_start3A_341] : memref<32x160x64xi32, #tpu.memory_space<hbm>> -> memref<1x1x64xi32, #tpu.memory_space<hbm>>
        %dma_start3A_343 = tpu.memref_squeeze %dma_start3A_342 : memref<1x1x64xi32, #tpu.memory_space<hbm>> -> memref<64xi32, #tpu.memory_space<hbm>>
        %dma_start3A_344 = arith.constant 0 : i32
        %dma_start3A_345 = tpu.memref_slice %arg7[%dma_start3A_337, %dma_start3A_344] : memref<4x64xi32, #tpu.memory_space<vmem>> -> memref<1x64xi32, #tpu.memory_space<vmem>>
        %dma_start3A_346 = tpu.memref_squeeze %dma_start3A_345 : memref<1x64xi32, #tpu.memory_space<vmem>> -> memref<64xi32, #tpu.memory_space<vmem>>
        %dma_start3A_347 = arith.constant 0 : i32
        %dma_start3A_348 = tpu.memref_slice %arg4[%add3A, %add3A_336, %dma_start3A_347] : memref<32x160x64xi32, #tpu.memory_space<hbm>> -> memref<1x1x64xi32, #tpu.memory_space<hbm>>
        %dma_start3A_349 = tpu.memref_squeeze %dma_start3A_348 : memref<1x1x64xi32, #tpu.memory_space<hbm>> -> memref<64xi32, #tpu.memory_space<hbm>>
        tpu.enqueue_dma source(%dma_start3A_349 : memref<64xi32, #tpu.memory_space<hbm>>) target(%dma_start3A_346 : memref<64xi32, #tpu.memory_space<vmem>>) target_semaphore(%arg28 : memref<!tpu.dma_semaphore, #tpu.memory_space<semaphore_mem>>)
        %add3A_350 = arith.constant 3 : i32
        %add3A_351 = arith.addi %mul3A_152, %add3A_350 : i32
        %add3A_352 = arith.constant 4 : i32
        %add3A_353 = arith.addi %add3A_351, %add3A_352 : i32
        %dma_wait3A_354 = arith.constant 3 : i32
        %dma_wait3A_355 = arith.constant 0 : i32
        %dma_wait3A_356 = tpu.memref_slice %arg8[%dma_wait3A_354, %dma_wait3A_355] : memref<4x64xi32, #tpu.memory_space<vmem>> -> memref<1x64xi32, #tpu.memory_space<vmem>>
        %dma_wait3A_357 = tpu.memref_squeeze %dma_wait3A_356 : memref<1x64xi32, #tpu.memory_space<vmem>> -> memref<64xi32, #tpu.memory_space<vmem>>
        %dma_wait3A_358 = arith.constant 0 : i32
        %dma_wait3A_359 = tpu.memref_slice %arg3[%add3A, %add3A_353, %dma_wait3A_358] : memref<32x160x64xi32, #tpu.memory_space<hbm>> -> memref<1x1x64xi32, #tpu.memory_space<hbm>>
        %dma_wait3A_360 = tpu.memref_squeeze %dma_wait3A_359 : memref<1x1x64xi32, #tpu.memory_space<hbm>> -> memref<64xi32, #tpu.memory_space<hbm>>
        %dma_wait3A_361 = arith.constant 0 : i32
        %dma_wait3A_362 = tpu.memref_slice %arg8[%dma_wait3A_354, %dma_wait3A_361] : memref<4x64xi32, #tpu.memory_space<vmem>> -> memref<1x64xi32, #tpu.memory_space<vmem>>
        %dma_wait3A_363 = tpu.memref_squeeze %dma_wait3A_362 : memref<1x64xi32, #tpu.memory_space<vmem>> -> memref<64xi32, #tpu.memory_space<vmem>>
        %dma_wait3A_364 = arith.constant 0 : i32
        %dma_wait3A_365 = tpu.memref_slice %arg3[%add3A, %add3A_353, %dma_wait3A_364] : memref<32x160x64xi32, #tpu.memory_space<hbm>> -> memref<1x1x64xi32, #tpu.memory_space<hbm>>
        %dma_wait3A_366 = tpu.memref_squeeze %dma_wait3A_365 : memref<1x1x64xi32, #tpu.memory_space<hbm>> -> memref<64xi32, #tpu.memory_space<hbm>>
        tpu.wait_dma2 semaphore(%arg24 : memref<!tpu.dma_semaphore, #tpu.memory_space<semaphore_mem>>) src(%dma_wait3A_366 : memref<64xi32, #tpu.memory_space<hbm>>) dst(%dma_wait3A_363 : memref<64xi32, #tpu.memory_space<vmem>>)
        %dma_start3A_367 = arith.constant 3 : i32
        %dma_start3A_368 = arith.constant 0 : i32
        %dma_start3A_369 = tpu.memref_slice %arg8[%dma_start3A_367, %dma_start3A_368] : memref<4x64xi32, #tpu.memory_space<vmem>> -> memref<1x64xi32, #tpu.memory_space<vmem>>
        %dma_start3A_370 = tpu.memref_squeeze %dma_start3A_369 : memref<1x64xi32, #tpu.memory_space<vmem>> -> memref<64xi32, #tpu.memory_space<vmem>>
        %dma_start3A_371 = arith.constant 0 : i32
        %dma_start3A_372 = arith.constant 0 : i32
        %dma_start3A_373 = tpu.memref_slice %arg2[%dma_start3A_371, %dma_start3A_372] : memref<10240x128xf32, #tpu.memory_space<hbm>> -> memref<10240x128xf32, #tpu.memory_space<hbm>>
        tpu.enqueue_indirect_dma source(%dma_start3A_373 : memref<10240x128xf32, #tpu.memory_space<hbm>>) target(%arg12 : memref<64x128xf32, #tpu.memory_space<vmem>>) offsets(%dma_start3A_370 : memref<64xi32, #tpu.memory_space<vmem>>) semaphore(%arg16 : memref<!tpu.dma_semaphore, #tpu.memory_space<semaphore_mem>>)
      } else {
      }
    }
    %scan3A_140 = arith.constant 40 : i32
    %barrier3A_141 = arith.constant 0 : index
    tpu.barrier barrier_id(%barrier3A_141)
    %mul3A_142 = arith.constant 640 : i32
    %mul3A_143 = arith.muli %arg1, %mul3A_142 : i32
    %mul3A_144 = arith.constant 640 : i32
    %mul3A_145 = arith.muli %arg1, %mul3A_144 : i32
    "tpu.region"() ({
      %run_scoped3A_146 = tpu.sem_alloc : memref<!tpu.dma_semaphore, #tpu.memory_space<semaphore_mem>>
      %dma_start3A_147 = arith.constant 0 : i32
      %dma_start3A_148 = tpu.memref_slice %arg5[%arg0, %mul3A_145, %dma_start3A_147] : memref<2x10240x128xf32, #tpu.memory_space<hbm>> -> memref<1x640x128xf32, #tpu.memory_space<hbm>>
      %dma_start3A_149 = tpu.memref_squeeze %dma_start3A_148 : memref<1x640x128xf32, #tpu.memory_space<hbm>> -> memref<640x128xf32, #tpu.memory_space<hbm>>
      %dma_start3A_150 = arith.constant 0 : i32
      %dma_start3A_151 = tpu.memref_slice %arg6[%mul3A_143, %dma_start3A_150] : memref<10240x128xf32, #tpu.memory_space<vmem_shared>> -> memref<640x128xf32, #tpu.memory_space<vmem_shared>>
      tpu.enqueue_dma source(%dma_start3A_151 : memref<640x128xf32, #tpu.memory_space<vmem_shared>>) target(%dma_start3A_149 : memref<640x128xf32, #tpu.memory_space<hbm>>) target_semaphore(%run_scoped3A_146 : memref<!tpu.dma_semaphore, #tpu.memory_space<semaphore_mem>>)
      %dma_wait3A = arith.constant 0 : i32
      %dma_wait3A_152 = tpu.memref_slice %arg5[%arg0, %mul3A_145, %dma_wait3A] : memref<2x10240x128xf32, #tpu.memory_space<hbm>> -> memref<1x640x128xf32, #tpu.memory_space<hbm>>
      %dma_wait3A_153 = tpu.memref_squeeze %dma_wait3A_152 : memref<1x640x128xf32, #tpu.memory_space<hbm>> -> memref<640x128xf32, #tpu.memory_space<hbm>>
      %dma_wait3A_154 = arith.constant 0 : i32
      %dma_wait3A_155 = tpu.memref_slice %arg6[%mul3A_143, %dma_wait3A_154] : memref<10240x128xf32, #tpu.memory_space<vmem_shared>> -> memref<640x128xf32, #tpu.memory_space<vmem_shared>>
      tpu.wait_dma2 semaphore(%run_scoped3A_146 : memref<!tpu.dma_semaphore, #tpu.memory_space<semaphore_mem>>) src(%dma_wait3A_155 : memref<640x128xf32, #tpu.memory_space<vmem_shared>>) dst(%dma_wait3A_153 : memref<640x128xf32, #tpu.memory_space<hbm>>)
      tpu.yield
    }) : () -> ()
    return
  }
}

#map = affine_map<(d0, d1) -> (0, 0)>
#map1 = affine_map<(d0, d1) -> (0, 0, 0)>
module attributes {stable_mosaic.version = 14 : i64} {
  func.func @agg(%arg0: i32, %arg1: i32, %arg2: memref<10240x128xf32, #tpu.memory_space<hbm>>, %arg3: memref<32x160x64xi32, #tpu.memory_space<hbm>>, %arg4: memref<32x160x64xi32, #tpu.memory_space<hbm>>, %arg5: memref<2x10240x128xf32, #tpu.memory_space<hbm>>, %arg6: memref<10240x128xf32, #tpu.memory_space<vmem_shared>>, %arg7: memref<4x64xi32, #tpu.memory_space<vmem>>, %arg8: memref<4x64xi32, #tpu.memory_space<vmem>>, %arg9: memref<64x128xf32, #tpu.memory_space<vmem>>, %arg10: memref<64x128xf32, #tpu.memory_space<vmem>>, %arg11: memref<64x128xf32, #tpu.memory_space<vmem>>, %arg12: memref<64x128xf32, #tpu.memory_space<vmem>>, %arg13: memref<!tpu.dma_semaphore, #tpu.memory_space<semaphore_mem>>, %arg14: memref<!tpu.dma_semaphore, #tpu.memory_space<semaphore_mem>>, %arg15: memref<!tpu.dma_semaphore, #tpu.memory_space<semaphore_mem>>, %arg16: memref<!tpu.dma_semaphore, #tpu.memory_space<semaphore_mem>>, %arg17: memref<!tpu.dma_semaphore, #tpu.memory_space<semaphore_mem>>, %arg18: memref<!tpu.dma_semaphore, #tpu.memory_space<semaphore_mem>>, %arg19: memref<!tpu.dma_semaphore, #tpu.memory_space<semaphore_mem>>, %arg20: memref<!tpu.dma_semaphore, #tpu.memory_space<semaphore_mem>>, %arg21: memref<!tpu.dma_semaphore, #tpu.memory_space<semaphore_mem>>, %arg22: memref<!tpu.dma_semaphore, #tpu.memory_space<semaphore_mem>>, %arg23: memref<!tpu.dma_semaphore, #tpu.memory_space<semaphore_mem>>, %arg24: memref<!tpu.dma_semaphore, #tpu.memory_space<semaphore_mem>>, %arg25: memref<!tpu.dma_semaphore, #tpu.memory_space<semaphore_mem>>, %arg26: memref<!tpu.dma_semaphore, #tpu.memory_space<semaphore_mem>>, %arg27: memref<!tpu.dma_semaphore, #tpu.memory_space<semaphore_mem>>, %arg28: memref<!tpu.dma_semaphore, #tpu.memory_space<semaphore_mem>>) attributes {dimension_semantics = [#tpu.dimension_semantics<core_parallel>, #tpu.dimension_semantics<subcore_parallel>], iteration_bounds = array<i64: 2, 16>, scalar_prefetch = 0 : i64, scratch_operands = 23 : i64, tpu.core_type = #tpu.core_type<sc_vector_subcore>, window_params = [{transform_indices = #map}, {transform_indices = #map1}, {transform_indices = #map1}, {transform_indices = #map1}]} {
    %mul3A = arith.constant 16 : i32
    %mul3A_0 = arith.muli %arg0, %mul3A : i32
    %add3A = arith.addi %mul3A_0, %arg1 : i32
    %broadcast_in_dim3A = arith.constant 0.000000e+00 : f32
    %broadcast_in_dim3A_1 = vector.broadcast %broadcast_in_dim3A : f32 to vector<16xf32>
    %scan3A = arith.constant 0 : i32
    %scan3A_2 = arith.constant 64 : i32
    %scan3A_3 = arith.addi %scan3A, %scan3A_2 : i32
    %scan3A_4 = arith.constant 1 : i32
    scf.for %scan3A_146 = %scan3A to %scan3A_3 step %scan3A_4  : i32 {
      %mul3A_147 = arith.constant 1 : i32
      %mul3A_148 = arith.muli %scan3A_146, %mul3A_147 : i32
      %add3A_149 = arith.constant 0 : i32
      %add3A_150 = arith.addi %add3A_149, %mul3A_148 : i32
      %swap3A = arith.index_cast %add3A_150 : i32 to index
      %swap3A_151 = arith.constant 0 : index
      %swap3A_152 = tpu.vector_load %arg9[%swap3A, %swap3A_151] {strides = array<i32>} : memref<64x128xf32, #tpu.memory_space<vmem>>, vector<1x16xf32>,
      %swap3A_153 = vector.shape_cast %swap3A_152 : vector<1x16xf32> to vector<16xf32>
      %swap3A_154 = vector.shape_cast %broadcast_in_dim3A_1 : vector<16xf32> to vector<1x16xf32>
      tpu.vector_store %arg9[%swap3A, %swap3A_151], %swap3A_154 {strides = array<i32>} : memref<64x128xf32, #tpu.memory_space<vmem>>, vector<1x16xf32>,
      %swap3A_155 = arith.index_cast %add3A_150 : i32 to index
      %swap3A_156 = arith.constant 16 : index
      %swap3A_157 = tpu.vector_load %arg9[%swap3A_155, %swap3A_156] {strides = array<i32>} : memref<64x128xf32, #tpu.memory_space<vmem>>, vector<1x16xf32>,
      %swap3A_158 = vector.shape_cast %swap3A_157 : vector<1x16xf32> to vector<16xf32>
      %swap3A_159 = vector.shape_cast %broadcast_in_dim3A_1 : vector<16xf32> to vector<1x16xf32>
      tpu.vector_store %arg9[%swap3A_155, %swap3A_156], %swap3A_159 {strides = array<i32>} : memref<64x128xf32, #tpu.memory_space<vmem>>, vector<1x16xf32>,
      %swap3A_160 = arith.index_cast %add3A_150 : i32 to index
      %swap3A_161 = arith.constant 32 : index
      %swap3A_162 = tpu.vector_load %arg9[%swap3A_160, %swap3A_161] {strides = array<i32>} : memref<64x128xf32, #tpu.memory_space<vmem>>, vector<1x16xf32>,
      %swap3A_163 = vector.shape_cast %swap3A_162 : vector<1x16xf32> to vector<16xf32>
      %swap3A_164 = vector.shape_cast %broadcast_in_dim3A_1 : vector<16xf32> to vector<1x16xf32>
      tpu.vector_store %arg9[%swap3A_160, %swap3A_161], %swap3A_164 {strides = array<i32>} : memref<64x128xf32, #tpu.memory_space<vmem>>, vector<1x16xf32>,
      %swap3A_165 = arith.index_cast %add3A_150 : i32 to index
      %swap3A_166 = arith.constant 48 : index
      %swap3A_167 = tpu.vector_load %arg9[%swap3A_165, %swap3A_166] {strides = array<i32>} : memref<64x128xf32, #tpu.memory_space<vmem>>, vector<1x16xf32>,
      %swap3A_168 = vector.shape_cast %swap3A_167 : vector<1x16xf32> to vector<16xf32>
      %swap3A_169 = vector.shape_cast %broadcast_in_dim3A_1 : vector<16xf32> to vector<1x16xf32>
      tpu.vector_store %arg9[%swap3A_165, %swap3A_166], %swap3A_169 {strides = array<i32>} : memref<64x128xf32, #tpu.memory_space<vmem>>, vector<1x16xf32>,
      %swap3A_170 = arith.index_cast %add3A_150 : i32 to index
      %swap3A_171 = arith.constant 64 : index
      %swap3A_172 = tpu.vector_load %arg9[%swap3A_170, %swap3A_171] {strides = array<i32>} : memref<64x128xf32, #tpu.memory_space<vmem>>, vector<1x16xf32>,
      %swap3A_173 = vector.shape_cast %swap3A_172 : vector<1x16xf32> to vector<16xf32>
      %swap3A_174 = vector.shape_cast %broadcast_in_dim3A_1 : vector<16xf32> to vector<1x16xf32>
      tpu.vector_store %arg9[%swap3A_170, %swap3A_171], %swap3A_174 {strides = array<i32>} : memref<64x128xf32, #tpu.memory_space<vmem>>, vector<1x16xf32>,
      %swap3A_175 = arith.index_cast %add3A_150 : i32 to index
      %swap3A_176 = arith.constant 80 : index
      %swap3A_177 = tpu.vector_load %arg9[%swap3A_175, %swap3A_176] {strides = array<i32>} : memref<64x128xf32, #tpu.memory_space<vmem>>, vector<1x16xf32>,
      %swap3A_178 = vector.shape_cast %swap3A_177 : vector<1x16xf32> to vector<16xf32>
      %swap3A_179 = vector.shape_cast %broadcast_in_dim3A_1 : vector<16xf32> to vector<1x16xf32>
      tpu.vector_store %arg9[%swap3A_175, %swap3A_176], %swap3A_179 {strides = array<i32>} : memref<64x128xf32, #tpu.memory_space<vmem>>, vector<1x16xf32>,
      %swap3A_180 = arith.index_cast %add3A_150 : i32 to index
      %swap3A_181 = arith.constant 96 : index
      %swap3A_182 = tpu.vector_load %arg9[%swap3A_180, %swap3A_181] {strides = array<i32>} : memref<64x128xf32, #tpu.memory_space<vmem>>, vector<1x16xf32>,
      %swap3A_183 = vector.shape_cast %swap3A_182 : vector<1x16xf32> to vector<16xf32>
      %swap3A_184 = vector.shape_cast %broadcast_in_dim3A_1 : vector<16xf32> to vector<1x16xf32>
      tpu.vector_store %arg9[%swap3A_180, %swap3A_181], %swap3A_184 {strides = array<i32>} : memref<64x128xf32, #tpu.memory_space<vmem>>, vector<1x16xf32>,
      %swap3A_185 = arith.index_cast %add3A_150 : i32 to index
      %swap3A_186 = arith.constant 112 : index
      %swap3A_187 = tpu.vector_load %arg9[%swap3A_185, %swap3A_186] {strides = array<i32>} : memref<64x128xf32, #tpu.memory_space<vmem>>, vector<1x16xf32>,
      %swap3A_188 = vector.shape_cast %swap3A_187 : vector<1x16xf32> to vector<16xf32>
      %swap3A_189 = vector.shape_cast %broadcast_in_dim3A_1 : vector<16xf32> to vector<1x16xf32>
      tpu.vector_store %arg9[%swap3A_185, %swap3A_186], %swap3A_189 {strides = array<i32>} : memref<64x128xf32, #tpu.memory_space<vmem>>, vector<1x16xf32>,
    }
    %scan3A_5 = arith.constant 64 : i32
    %mul3A_6 = arith.constant 640 : i32
    %mul3A_7 = arith.muli %arg1, %mul3A_6 : i32
    %add3A_8 = arith.constant 0 : i32
    %add3A_9 = arith.addi %mul3A_7, %add3A_8 : i32
    "tpu.region"() ({
      %run_scoped3A_146 = tpu.sem_alloc : memref<!tpu.dma_semaphore, #tpu.memory_space<semaphore_mem>>
      %dma_start3A_147 = arith.constant 0 : i32
      %dma_start3A_148 = tpu.memref_slice %arg6[%add3A_9, %dma_start3A_147] : memref<10240x128xf32, #tpu.memory_space<vmem_shared>> -> memref<64x128xf32, #tpu.memory_space<vmem_shared>>
      %dma_start3A_149 = arith.constant 0 : i32
      %dma_start3A_150 = tpu.memref_slice %arg6[%add3A_9, %dma_start3A_149] : memref<10240x128xf32, #tpu.memory_space<vmem_shared>> -> memref<64x128xf32, #tpu.memory_space<vmem_shared>>
      tpu.enqueue_dma source(%arg9 : memref<64x128xf32, #tpu.memory_space<vmem>>) target(%dma_start3A_150 : memref<64x128xf32, #tpu.memory_space<vmem_shared>>) target_semaphore(%run_scoped3A_146 : memref<!tpu.dma_semaphore, #tpu.memory_space<semaphore_mem>>)
      %dma_wait3A = arith.constant 0 : i32
      %dma_wait3A_151 = tpu.memref_slice %arg6[%add3A_9, %dma_wait3A] : memref<10240x128xf32, #tpu.memory_space<vmem_shared>> -> memref<64x128xf32, #tpu.memory_space<vmem_shared>>
      %dma_wait3A_152 = arith.constant 0 : i32
      %dma_wait3A_153 = tpu.memref_slice %arg6[%add3A_9, %dma_wait3A_152] : memref<10240x128xf32, #tpu.memory_space<vmem_shared>> -> memref<64x128xf32, #tpu.memory_space<vmem_shared>>
      tpu.wait_dma2 semaphore(%run_scoped3A_146 : memref<!tpu.dma_semaphore, #tpu.memory_space<semaphore_mem>>) src(%arg9 : memref<64x128xf32, #tpu.memory_space<vmem>>) dst(%dma_wait3A_153 : memref<64x128xf32, #tpu.memory_space<vmem_shared>>)
      tpu.yield
    }) : () -> ()
    %mul3A_10 = arith.constant 640 : i32
    %mul3A_11 = arith.muli %arg1, %mul3A_10 : i32
    %add3A_12 = arith.constant 64 : i32
    %add3A_13 = arith.addi %mul3A_11, %add3A_12 : i32
    "tpu.region"() ({
      %run_scoped3A_146 = tpu.sem_alloc : memref<!tpu.dma_semaphore, #tpu.memory_space<semaphore_mem>>
      %dma_start3A_147 = arith.constant 0 : i32
      %dma_start3A_148 = tpu.memref_slice %arg6[%add3A_13, %dma_start3A_147] : memref<10240x128xf32, #tpu.memory_space<vmem_shared>> -> memref<64x128xf32, #tpu.memory_space<vmem_shared>>
      %dma_start3A_149 = arith.constant 0 : i32
      %dma_start3A_150 = tpu.memref_slice %arg6[%add3A_13, %dma_start3A_149] : memref<10240x128xf32, #tpu.memory_space<vmem_shared>> -> memref<64x128xf32, #tpu.memory_space<vmem_shared>>
      tpu.enqueue_dma source(%arg9 : memref<64x128xf32, #tpu.memory_space<vmem>>) target(%dma_start3A_150 : memref<64x128xf32, #tpu.memory_space<vmem_shared>>) target_semaphore(%run_scoped3A_146 : memref<!tpu.dma_semaphore, #tpu.memory_space<semaphore_mem>>)
      %dma_wait3A = arith.constant 0 : i32
      %dma_wait3A_151 = tpu.memref_slice %arg6[%add3A_13, %dma_wait3A] : memref<10240x128xf32, #tpu.memory_space<vmem_shared>> -> memref<64x128xf32, #tpu.memory_space<vmem_shared>>
      %dma_wait3A_152 = arith.constant 0 : i32
      %dma_wait3A_153 = tpu.memref_slice %arg6[%add3A_13, %dma_wait3A_152] : memref<10240x128xf32, #tpu.memory_space<vmem_shared>> -> memref<64x128xf32, #tpu.memory_space<vmem_shared>>
      tpu.wait_dma2 semaphore(%run_scoped3A_146 : memref<!tpu.dma_semaphore, #tpu.memory_space<semaphore_mem>>) src(%arg9 : memref<64x128xf32, #tpu.memory_space<vmem>>) dst(%dma_wait3A_153 : memref<64x128xf32, #tpu.memory_space<vmem_shared>>)
      tpu.yield
    }) : () -> ()
    %mul3A_14 = arith.constant 640 : i32
    %mul3A_15 = arith.muli %arg1, %mul3A_14 : i32
    %add3A_16 = arith.constant 128 : i32
    %add3A_17 = arith.addi %mul3A_15, %add3A_16 : i32
    "tpu.region"() ({
      %run_scoped3A_146 = tpu.sem_alloc : memref<!tpu.dma_semaphore, #tpu.memory_space<semaphore_mem>>
      %dma_start3A_147 = arith.constant 0 : i32
      %dma_start3A_148 = tpu.memref_slice %arg6[%add3A_17, %dma_start3A_147] : memref<10240x128xf32, #tpu.memory_space<vmem_shared>> -> memref<64x128xf32, #tpu.memory_space<vmem_shared>>
      %dma_start3A_149 = arith.constant 0 : i32
      %dma_start3A_150 = tpu.memref_slice %arg6[%add3A_17, %dma_start3A_149] : memref<10240x128xf32, #tpu.memory_space<vmem_shared>> -> memref<64x128xf32, #tpu.memory_space<vmem_shared>>
      tpu.enqueue_dma source(%arg9 : memref<64x128xf32, #tpu.memory_space<vmem>>) target(%dma_start3A_150 : memref<64x128xf32, #tpu.memory_space<vmem_shared>>) target_semaphore(%run_scoped3A_146 : memref<!tpu.dma_semaphore, #tpu.memory_space<semaphore_mem>>)
      %dma_wait3A = arith.constant 0 : i32
      %dma_wait3A_151 = tpu.memref_slice %arg6[%add3A_17, %dma_wait3A] : memref<10240x128xf32, #tpu.memory_space<vmem_shared>> -> memref<64x128xf32, #tpu.memory_space<vmem_shared>>
      %dma_wait3A_152 = arith.constant 0 : i32
      %dma_wait3A_153 = tpu.memref_slice %arg6[%add3A_17, %dma_wait3A_152] : memref<10240x128xf32, #tpu.memory_space<vmem_shared>> -> memref<64x128xf32, #tpu.memory_space<vmem_shared>>
      tpu.wait_dma2 semaphore(%run_scoped3A_146 : memref<!tpu.dma_semaphore, #tpu.memory_space<semaphore_mem>>) src(%arg9 : memref<64x128xf32, #tpu.memory_space<vmem>>) dst(%dma_wait3A_153 : memref<64x128xf32, #tpu.memory_space<vmem_shared>>)
      tpu.yield
    }) : () -> ()
    %mul3A_18 = arith.constant 640 : i32
    %mul3A_19 = arith.muli %arg1, %mul3A_18 : i32
    %add3A_20 = arith.constant 192 : i32
    %add3A_21 = arith.addi %mul3A_19, %add3A_20 : i32
    "tpu.region"() ({
      %run_scoped3A_146 = tpu.sem_alloc : memref<!tpu.dma_semaphore, #tpu.memory_space<semaphore_mem>>
      %dma_start3A_147 = arith.constant 0 : i32
      %dma_start3A_148 = tpu.memref_slice %arg6[%add3A_21, %dma_start3A_147] : memref<10240x128xf32, #tpu.memory_space<vmem_shared>> -> memref<64x128xf32, #tpu.memory_space<vmem_shared>>
      %dma_start3A_149 = arith.constant 0 : i32
      %dma_start3A_150 = tpu.memref_slice %arg6[%add3A_21, %dma_start3A_149] : memref<10240x128xf32, #tpu.memory_space<vmem_shared>> -> memref<64x128xf32, #tpu.memory_space<vmem_shared>>
      tpu.enqueue_dma source(%arg9 : memref<64x128xf32, #tpu.memory_space<vmem>>) target(%dma_start3A_150 : memref<64x128xf32, #tpu.memory_space<vmem_shared>>) target_semaphore(%run_scoped3A_146 : memref<!tpu.dma_semaphore, #tpu.memory_space<semaphore_mem>>)
      %dma_wait3A = arith.constant 0 : i32
      %dma_wait3A_151 = tpu.memref_slice %arg6[%add3A_21, %dma_wait3A] : memref<10240x128xf32, #tpu.memory_space<vmem_shared>> -> memref<64x128xf32, #tpu.memory_space<vmem_shared>>
      %dma_wait3A_152 = arith.constant 0 : i32
      %dma_wait3A_153 = tpu.memref_slice %arg6[%add3A_21, %dma_wait3A_152] : memref<10240x128xf32, #tpu.memory_space<vmem_shared>> -> memref<64x128xf32, #tpu.memory_space<vmem_shared>>
      tpu.wait_dma2 semaphore(%run_scoped3A_146 : memref<!tpu.dma_semaphore, #tpu.memory_space<semaphore_mem>>) src(%arg9 : memref<64x128xf32, #tpu.memory_space<vmem>>) dst(%dma_wait3A_153 : memref<64x128xf32, #tpu.memory_space<vmem_shared>>)
      tpu.yield
    }) : () -> ()
    %mul3A_22 = arith.constant 640 : i32
    %mul3A_23 = arith.muli %arg1, %mul3A_22 : i32
    %add3A_24 = arith.constant 256 : i32
    %add3A_25 = arith.addi %mul3A_23, %add3A_24 : i32
    "tpu.region"() ({
      %run_scoped3A_146 = tpu.sem_alloc : memref<!tpu.dma_semaphore, #tpu.memory_space<semaphore_mem>>
      %dma_start3A_147 = arith.constant 0 : i32
      %dma_start3A_148 = tpu.memref_slice %arg6[%add3A_25, %dma_start3A_147] : memref<10240x128xf32, #tpu.memory_space<vmem_shared>> -> memref<64x128xf32, #tpu.memory_space<vmem_shared>>
      %dma_start3A_149 = arith.constant 0 : i32
      %dma_start3A_150 = tpu.memref_slice %arg6[%add3A_25, %dma_start3A_149] : memref<10240x128xf32, #tpu.memory_space<vmem_shared>> -> memref<64x128xf32, #tpu.memory_space<vmem_shared>>
      tpu.enqueue_dma source(%arg9 : memref<64x128xf32, #tpu.memory_space<vmem>>) target(%dma_start3A_150 : memref<64x128xf32, #tpu.memory_space<vmem_shared>>) target_semaphore(%run_scoped3A_146 : memref<!tpu.dma_semaphore, #tpu.memory_space<semaphore_mem>>)
      %dma_wait3A = arith.constant 0 : i32
      %dma_wait3A_151 = tpu.memref_slice %arg6[%add3A_25, %dma_wait3A] : memref<10240x128xf32, #tpu.memory_space<vmem_shared>> -> memref<64x128xf32, #tpu.memory_space<vmem_shared>>
      %dma_wait3A_152 = arith.constant 0 : i32
      %dma_wait3A_153 = tpu.memref_slice %arg6[%add3A_25, %dma_wait3A_152] : memref<10240x128xf32, #tpu.memory_space<vmem_shared>> -> memref<64x128xf32, #tpu.memory_space<vmem_shared>>
      tpu.wait_dma2 semaphore(%run_scoped3A_146 : memref<!tpu.dma_semaphore, #tpu.memory_space<semaphore_mem>>) src(%arg9 : memref<64x128xf32, #tpu.memory_space<vmem>>) dst(%dma_wait3A_153 : memref<64x128xf32, #tpu.memory_space<vmem_shared>>)
      tpu.yield
    }) : () -> ()
    %mul3A_26 = arith.constant 640 : i32
    %mul3A_27 = arith.muli %arg1, %mul3A_26 : i32
    %add3A_28 = arith.constant 320 : i32
    %add3A_29 = arith.addi %mul3A_27, %add3A_28 : i32
    "tpu.region"() ({
      %run_scoped3A_146 = tpu.sem_alloc : memref<!tpu.dma_semaphore, #tpu.memory_space<semaphore_mem>>
      %dma_start3A_147 = arith.constant 0 : i32
      %dma_start3A_148 = tpu.memref_slice %arg6[%add3A_29, %dma_start3A_147] : memref<10240x128xf32, #tpu.memory_space<vmem_shared>> -> memref<64x128xf32, #tpu.memory_space<vmem_shared>>
      %dma_start3A_149 = arith.constant 0 : i32
      %dma_start3A_150 = tpu.memref_slice %arg6[%add3A_29, %dma_start3A_149] : memref<10240x128xf32, #tpu.memory_space<vmem_shared>> -> memref<64x128xf32, #tpu.memory_space<vmem_shared>>
      tpu.enqueue_dma source(%arg9 : memref<64x128xf32, #tpu.memory_space<vmem>>) target(%dma_start3A_150 : memref<64x128xf32, #tpu.memory_space<vmem_shared>>) target_semaphore(%run_scoped3A_146 : memref<!tpu.dma_semaphore, #tpu.memory_space<semaphore_mem>>)
      %dma_wait3A = arith.constant 0 : i32
      %dma_wait3A_151 = tpu.memref_slice %arg6[%add3A_29, %dma_wait3A] : memref<10240x128xf32, #tpu.memory_space<vmem_shared>> -> memref<64x128xf32, #tpu.memory_space<vmem_shared>>
      %dma_wait3A_152 = arith.constant 0 : i32
      %dma_wait3A_153 = tpu.memref_slice %arg6[%add3A_29, %dma_wait3A_152] : memref<10240x128xf32, #tpu.memory_space<vmem_shared>> -> memref<64x128xf32, #tpu.memory_space<vmem_shared>>
      tpu.wait_dma2 semaphore(%run_scoped3A_146 : memref<!tpu.dma_semaphore, #tpu.memory_space<semaphore_mem>>) src(%arg9 : memref<64x128xf32, #tpu.memory_space<vmem>>) dst(%dma_wait3A_153 : memref<64x128xf32, #tpu.memory_space<vmem_shared>>)
      tpu.yield
    }) : () -> ()
    %mul3A_30 = arith.constant 640 : i32
    %mul3A_31 = arith.muli %arg1, %mul3A_30 : i32
    %add3A_32 = arith.constant 384 : i32
    %add3A_33 = arith.addi %mul3A_31, %add3A_32 : i32
    "tpu.region"() ({
      %run_scoped3A_146 = tpu.sem_alloc : memref<!tpu.dma_semaphore, #tpu.memory_space<semaphore_mem>>
      %dma_start3A_147 = arith.constant 0 : i32
      %dma_start3A_148 = tpu.memref_slice %arg6[%add3A_33, %dma_start3A_147] : memref<10240x128xf32, #tpu.memory_space<vmem_shared>> -> memref<64x128xf32, #tpu.memory_space<vmem_shared>>
      %dma_start3A_149 = arith.constant 0 : i32
      %dma_start3A_150 = tpu.memref_slice %arg6[%add3A_33, %dma_start3A_149] : memref<10240x128xf32, #tpu.memory_space<vmem_shared>> -> memref<64x128xf32, #tpu.memory_space<vmem_shared>>
      tpu.enqueue_dma source(%arg9 : memref<64x128xf32, #tpu.memory_space<vmem>>) target(%dma_start3A_150 : memref<64x128xf32, #tpu.memory_space<vmem_shared>>) target_semaphore(%run_scoped3A_146 : memref<!tpu.dma_semaphore, #tpu.memory_space<semaphore_mem>>)
      %dma_wait3A = arith.constant 0 : i32
      %dma_wait3A_151 = tpu.memref_slice %arg6[%add3A_33, %dma_wait3A] : memref<10240x128xf32, #tpu.memory_space<vmem_shared>> -> memref<64x128xf32, #tpu.memory_space<vmem_shared>>
      %dma_wait3A_152 = arith.constant 0 : i32
      %dma_wait3A_153 = tpu.memref_slice %arg6[%add3A_33, %dma_wait3A_152] : memref<10240x128xf32, #tpu.memory_space<vmem_shared>> -> memref<64x128xf32, #tpu.memory_space<vmem_shared>>
      tpu.wait_dma2 semaphore(%run_scoped3A_146 : memref<!tpu.dma_semaphore, #tpu.memory_space<semaphore_mem>>) src(%arg9 : memref<64x128xf32, #tpu.memory_space<vmem>>) dst(%dma_wait3A_153 : memref<64x128xf32, #tpu.memory_space<vmem_shared>>)
      tpu.yield
    }) : () -> ()
    %mul3A_34 = arith.constant 640 : i32
    %mul3A_35 = arith.muli %arg1, %mul3A_34 : i32
    %add3A_36 = arith.constant 448 : i32
    %add3A_37 = arith.addi %mul3A_35, %add3A_36 : i32
    "tpu.region"() ({
      %run_scoped3A_146 = tpu.sem_alloc : memref<!tpu.dma_semaphore, #tpu.memory_space<semaphore_mem>>
      %dma_start3A_147 = arith.constant 0 : i32
      %dma_start3A_148 = tpu.memref_slice %arg6[%add3A_37, %dma_start3A_147] : memref<10240x128xf32, #tpu.memory_space<vmem_shared>> -> memref<64x128xf32, #tpu.memory_space<vmem_shared>>
      %dma_start3A_149 = arith.constant 0 : i32
      %dma_start3A_150 = tpu.memref_slice %arg6[%add3A_37, %dma_start3A_149] : memref<10240x128xf32, #tpu.memory_space<vmem_shared>> -> memref<64x128xf32, #tpu.memory_space<vmem_shared>>
      tpu.enqueue_dma source(%arg9 : memref<64x128xf32, #tpu.memory_space<vmem>>) target(%dma_start3A_150 : memref<64x128xf32, #tpu.memory_space<vmem_shared>>) target_semaphore(%run_scoped3A_146 : memref<!tpu.dma_semaphore, #tpu.memory_space<semaphore_mem>>)
      %dma_wait3A = arith.constant 0 : i32
      %dma_wait3A_151 = tpu.memref_slice %arg6[%add3A_37, %dma_wait3A] : memref<10240x128xf32, #tpu.memory_space<vmem_shared>> -> memref<64x128xf32, #tpu.memory_space<vmem_shared>>
      %dma_wait3A_152 = arith.constant 0 : i32
      %dma_wait3A_153 = tpu.memref_slice %arg6[%add3A_37, %dma_wait3A_152] : memref<10240x128xf32, #tpu.memory_space<vmem_shared>> -> memref<64x128xf32, #tpu.memory_space<vmem_shared>>
      tpu.wait_dma2 semaphore(%run_scoped3A_146 : memref<!tpu.dma_semaphore, #tpu.memory_space<semaphore_mem>>) src(%arg9 : memref<64x128xf32, #tpu.memory_space<vmem>>) dst(%dma_wait3A_153 : memref<64x128xf32, #tpu.memory_space<vmem_shared>>)
      tpu.yield
    }) : () -> ()
    %mul3A_38 = arith.constant 640 : i32
    %mul3A_39 = arith.muli %arg1, %mul3A_38 : i32
    %add3A_40 = arith.constant 512 : i32
    %add3A_41 = arith.addi %mul3A_39, %add3A_40 : i32
    "tpu.region"() ({
      %run_scoped3A_146 = tpu.sem_alloc : memref<!tpu.dma_semaphore, #tpu.memory_space<semaphore_mem>>
      %dma_start3A_147 = arith.constant 0 : i32
      %dma_start3A_148 = tpu.memref_slice %arg6[%add3A_41, %dma_start3A_147] : memref<10240x128xf32, #tpu.memory_space<vmem_shared>> -> memref<64x128xf32, #tpu.memory_space<vmem_shared>>
      %dma_start3A_149 = arith.constant 0 : i32
      %dma_start3A_150 = tpu.memref_slice %arg6[%add3A_41, %dma_start3A_149] : memref<10240x128xf32, #tpu.memory_space<vmem_shared>> -> memref<64x128xf32, #tpu.memory_space<vmem_shared>>
      tpu.enqueue_dma source(%arg9 : memref<64x128xf32, #tpu.memory_space<vmem>>) target(%dma_start3A_150 : memref<64x128xf32, #tpu.memory_space<vmem_shared>>) target_semaphore(%run_scoped3A_146 : memref<!tpu.dma_semaphore, #tpu.memory_space<semaphore_mem>>)
      %dma_wait3A = arith.constant 0 : i32
      %dma_wait3A_151 = tpu.memref_slice %arg6[%add3A_41, %dma_wait3A] : memref<10240x128xf32, #tpu.memory_space<vmem_shared>> -> memref<64x128xf32, #tpu.memory_space<vmem_shared>>
      %dma_wait3A_152 = arith.constant 0 : i32
      %dma_wait3A_153 = tpu.memref_slice %arg6[%add3A_41, %dma_wait3A_152] : memref<10240x128xf32, #tpu.memory_space<vmem_shared>> -> memref<64x128xf32, #tpu.memory_space<vmem_shared>>
      tpu.wait_dma2 semaphore(%run_scoped3A_146 : memref<!tpu.dma_semaphore, #tpu.memory_space<semaphore_mem>>) src(%arg9 : memref<64x128xf32, #tpu.memory_space<vmem>>) dst(%dma_wait3A_153 : memref<64x128xf32, #tpu.memory_space<vmem_shared>>)
      tpu.yield
    }) : () -> ()
    %mul3A_42 = arith.constant 640 : i32
    %mul3A_43 = arith.muli %arg1, %mul3A_42 : i32
    %add3A_44 = arith.constant 576 : i32
    %add3A_45 = arith.addi %mul3A_43, %add3A_44 : i32
    "tpu.region"() ({
      %run_scoped3A_146 = tpu.sem_alloc : memref<!tpu.dma_semaphore, #tpu.memory_space<semaphore_mem>>
      %dma_start3A_147 = arith.constant 0 : i32
      %dma_start3A_148 = tpu.memref_slice %arg6[%add3A_45, %dma_start3A_147] : memref<10240x128xf32, #tpu.memory_space<vmem_shared>> -> memref<64x128xf32, #tpu.memory_space<vmem_shared>>
      %dma_start3A_149 = arith.constant 0 : i32
      %dma_start3A_150 = tpu.memref_slice %arg6[%add3A_45, %dma_start3A_149] : memref<10240x128xf32, #tpu.memory_space<vmem_shared>> -> memref<64x128xf32, #tpu.memory_space<vmem_shared>>
      tpu.enqueue_dma source(%arg9 : memref<64x128xf32, #tpu.memory_space<vmem>>) target(%dma_start3A_150 : memref<64x128xf32, #tpu.memory_space<vmem_shared>>) target_semaphore(%run_scoped3A_146 : memref<!tpu.dma_semaphore, #tpu.memory_space<semaphore_mem>>)
      %dma_wait3A = arith.constant 0 : i32
      %dma_wait3A_151 = tpu.memref_slice %arg6[%add3A_45, %dma_wait3A] : memref<10240x128xf32, #tpu.memory_space<vmem_shared>> -> memref<64x128xf32, #tpu.memory_space<vmem_shared>>
      %dma_wait3A_152 = arith.constant 0 : i32
      %dma_wait3A_153 = tpu.memref_slice %arg6[%add3A_45, %dma_wait3A_152] : memref<10240x128xf32, #tpu.memory_space<vmem_shared>> -> memref<64x128xf32, #tpu.memory_space<vmem_shared>>
      tpu.wait_dma2 semaphore(%run_scoped3A_146 : memref<!tpu.dma_semaphore, #tpu.memory_space<semaphore_mem>>) src(%arg9 : memref<64x128xf32, #tpu.memory_space<vmem>>) dst(%dma_wait3A_153 : memref<64x128xf32, #tpu.memory_space<vmem_shared>>)
      tpu.yield
    }) : () -> ()
    %barrier3A = arith.constant 0 : index
    tpu.barrier barrier_id(%barrier3A)
    %dma_start3A = arith.constant 0 : i32
    %dma_start3A_46 = arith.constant 0 : i32
    %dma_start3A_47 = arith.constant 0 : i32
    %dma_start3A_48 = tpu.memref_slice %arg7[%dma_start3A_46, %dma_start3A_47] : memref<4x64xi32, #tpu.memory_space<vmem>> -> memref<1x64xi32, #tpu.memory_space<vmem>>
    %dma_start3A_49 = tpu.memref_squeeze %dma_start3A_48 : memref<1x64xi32, #tpu.memory_space<vmem>> -> memref<64xi32, #tpu.memory_space<vmem>>
    %dma_start3A_50 = arith.constant 0 : i32
    %dma_start3A_51 = tpu.memref_slice %arg4[%add3A, %dma_start3A, %dma_start3A_50] : memref<32x160x64xi32, #tpu.memory_space<hbm>> -> memref<1x1x64xi32, #tpu.memory_space<hbm>>
    %dma_start3A_52 = tpu.memref_squeeze %dma_start3A_51 : memref<1x1x64xi32, #tpu.memory_space<hbm>> -> memref<64xi32, #tpu.memory_space<hbm>>
    %dma_start3A_53 = arith.constant 0 : i32
    %dma_start3A_54 = tpu.memref_slice %arg7[%dma_start3A_46, %dma_start3A_53] : memref<4x64xi32, #tpu.memory_space<vmem>> -> memref<1x64xi32, #tpu.memory_space<vmem>>
    %dma_start3A_55 = tpu.memref_squeeze %dma_start3A_54 : memref<1x64xi32, #tpu.memory_space<vmem>> -> memref<64xi32, #tpu.memory_space<vmem>>
    %dma_start3A_56 = arith.constant 0 : i32
    %dma_start3A_57 = tpu.memref_slice %arg4[%add3A, %dma_start3A, %dma_start3A_56] : memref<32x160x64xi32, #tpu.memory_space<hbm>> -> memref<1x1x64xi32, #tpu.memory_space<hbm>>
    %dma_start3A_58 = tpu.memref_squeeze %dma_start3A_57 : memref<1x1x64xi32, #tpu.memory_space<hbm>> -> memref<64xi32, #tpu.memory_space<hbm>>
    tpu.enqueue_dma source(%dma_start3A_58 : memref<64xi32, #tpu.memory_space<hbm>>) target(%dma_start3A_55 : memref<64xi32, #tpu.memory_space<vmem>>) target_semaphore(%arg25 : memref<!tpu.dma_semaphore, #tpu.memory_space<semaphore_mem>>)
    %run_scoped3A = arith.constant 0 : i32
    %run_scoped3A_59 = arith.constant 0 : i32
    "tpu.region"() ({
      %run_scoped3A_146 = tpu.sem_alloc : memref<!tpu.dma_semaphore, #tpu.memory_space<semaphore_mem>>
      %dma_start3A_147 = arith.constant 0 : i32
      %dma_start3A_148 = tpu.memref_slice %arg8[%run_scoped3A_59, %dma_start3A_147] : memref<4x64xi32, #tpu.memory_space<vmem>> -> memref<1x64xi32, #tpu.memory_space<vmem>>
      %dma_start3A_149 = tpu.memref_squeeze %dma_start3A_148 : memref<1x64xi32, #tpu.memory_space<vmem>> -> memref<64xi32, #tpu.memory_space<vmem>>
      %dma_start3A_150 = arith.constant 0 : i32
      %dma_start3A_151 = tpu.memref_slice %arg3[%add3A, %run_scoped3A, %dma_start3A_150] : memref<32x160x64xi32, #tpu.memory_space<hbm>> -> memref<1x1x64xi32, #tpu.memory_space<hbm>>
      %dma_start3A_152 = tpu.memref_squeeze %dma_start3A_151 : memref<1x1x64xi32, #tpu.memory_space<hbm>> -> memref<64xi32, #tpu.memory_space<hbm>>
      %dma_start3A_153 = arith.constant 0 : i32
      %dma_start3A_154 = tpu.memref_slice %arg8[%run_scoped3A_59, %dma_start3A_153] : memref<4x64xi32, #tpu.memory_space<vmem>> -> memref<1x64xi32, #tpu.memory_space<vmem>>
      %dma_start3A_155 = tpu.memref_squeeze %dma_start3A_154 : memref<1x64xi32, #tpu.memory_space<vmem>> -> memref<64xi32, #tpu.memory_space<vmem>>
      %dma_start3A_156 = arith.constant 0 : i32
      %dma_start3A_157 = tpu.memref_slice %arg3[%add3A, %run_scoped3A, %dma_start3A_156] : memref<32x160x64xi32, #tpu.memory_space<hbm>> -> memref<1x1x64xi32, #tpu.memory_space<hbm>>
      %dma_start3A_158 = tpu.memref_squeeze %dma_start3A_157 : memref<1x1x64xi32, #tpu.memory_space<hbm>> -> memref<64xi32, #tpu.memory_space<hbm>>
      tpu.enqueue_dma source(%dma_start3A_158 : memref<64xi32, #tpu.memory_space<hbm>>) target(%dma_start3A_155 : memref<64xi32, #tpu.memory_space<vmem>>) target_semaphore(%run_scoped3A_146 : memref<!tpu.dma_semaphore, #tpu.memory_space<semaphore_mem>>)
      %dma_wait3A = arith.constant 0 : i32
      %dma_wait3A_159 = tpu.memref_slice %arg8[%run_scoped3A_59, %dma_wait3A] : memref<4x64xi32, #tpu.memory_space<vmem>> -> memref<1x64xi32, #tpu.memory_space<vmem>>
      %dma_wait3A_160 = tpu.memref_squeeze %dma_wait3A_159 : memref<1x64xi32, #tpu.memory_space<vmem>> -> memref<64xi32, #tpu.memory_space<vmem>>
      %dma_wait3A_161 = arith.constant 0 : i32
      %dma_wait3A_162 = tpu.memref_slice %arg3[%add3A, %run_scoped3A, %dma_wait3A_161] : memref<32x160x64xi32, #tpu.memory_space<hbm>> -> memref<1x1x64xi32, #tpu.memory_space<hbm>>
      %dma_wait3A_163 = tpu.memref_squeeze %dma_wait3A_162 : memref<1x1x64xi32, #tpu.memory_space<hbm>> -> memref<64xi32, #tpu.memory_space<hbm>>
      %dma_wait3A_164 = arith.constant 0 : i32
      %dma_wait3A_165 = tpu.memref_slice %arg8[%run_scoped3A_59, %dma_wait3A_164] : memref<4x64xi32, #tpu.memory_space<vmem>> -> memref<1x64xi32, #tpu.memory_space<vmem>>
      %dma_wait3A_166 = tpu.memref_squeeze %dma_wait3A_165 : memref<1x64xi32, #tpu.memory_space<vmem>> -> memref<64xi32, #tpu.memory_space<vmem>>
      %dma_wait3A_167 = arith.constant 0 : i32
      %dma_wait3A_168 = tpu.memref_slice %arg3[%add3A, %run_scoped3A, %dma_wait3A_167] : memref<32x160x64xi32, #tpu.memory_space<hbm>> -> memref<1x1x64xi32, #tpu.memory_space<hbm>>
      %dma_wait3A_169 = tpu.memref_squeeze %dma_wait3A_168 : memref<1x1x64xi32, #tpu.memory_space<hbm>> -> memref<64xi32, #tpu.memory_space<hbm>>
      tpu.wait_dma2 semaphore(%run_scoped3A_146 : memref<!tpu.dma_semaphore, #tpu.memory_space<semaphore_mem>>) src(%dma_wait3A_169 : memref<64xi32, #tpu.memory_space<hbm>>) dst(%dma_wait3A_166 : memref<64xi32, #tpu.memory_space<vmem>>)
      tpu.yield
    }) : () -> ()
    %dma_start3A_60 = arith.constant 0 : i32
    %dma_start3A_61 = arith.constant 0 : i32
    %dma_start3A_62 = tpu.memref_slice %arg8[%dma_start3A_60, %dma_start3A_61] : memref<4x64xi32, #tpu.memory_space<vmem>> -> memref<1x64xi32, #tpu.memory_space<vmem>>
    %dma_start3A_63 = tpu.memref_squeeze %dma_start3A_62 : memref<1x64xi32, #tpu.memory_space<vmem>> -> memref<64xi32, #tpu.memory_space<vmem>>
    %dma_start3A_64 = arith.constant 0 : i32
    %dma_start3A_65 = arith.constant 0 : i32
    %dma_start3A_66 = tpu.memref_slice %arg2[%dma_start3A_64, %dma_start3A_65] : memref<10240x128xf32, #tpu.memory_space<hbm>> -> memref<10240x128xf32, #tpu.memory_space<hbm>>
    tpu.enqueue_indirect_dma source(%dma_start3A_66 : memref<10240x128xf32, #tpu.memory_space<hbm>>) target(%arg9 : memref<64x128xf32, #tpu.memory_space<vmem>>) offsets(%dma_start3A_63 : memref<64xi32, #tpu.memory_space<vmem>>) semaphore(%arg13 : memref<!tpu.dma_semaphore, #tpu.memory_space<semaphore_mem>>)
    %dma_start3A_67 = arith.constant 1 : i32
    %dma_start3A_68 = arith.constant 1 : i32
    %dma_start3A_69 = arith.constant 0 : i32
    %dma_start3A_70 = tpu.memref_slice %arg7[%dma_start3A_68, %dma_start3A_69] : memref<4x64xi32, #tpu.memory_space<vmem>> -> memref<1x64xi32, #tpu.memory_space<vmem>>
    %dma_start3A_71 = tpu.memref_squeeze %dma_start3A_70 : memref<1x64xi32, #tpu.memory_space<vmem>> -> memref<64xi32, #tpu.memory_space<vmem>>
    %dma_start3A_72 = arith.constant 0 : i32
    %dma_start3A_73 = tpu.memref_slice %arg4[%add3A, %dma_start3A_67, %dma_start3A_72] : memref<32x160x64xi32, #tpu.memory_space<hbm>> -> memref<1x1x64xi32, #tpu.memory_space<hbm>>
    %dma_start3A_74 = tpu.memref_squeeze %dma_start3A_73 : memref<1x1x64xi32, #tpu.memory_space<hbm>> -> memref<64xi32, #tpu.memory_space<hbm>>
    %dma_start3A_75 = arith.constant 0 : i32
    %dma_start3A_76 = tpu.memref_slice %arg7[%dma_start3A_68, %dma_start3A_75] : memref<4x64xi32, #tpu.memory_space<vmem>> -> memref<1x64xi32, #tpu.memory_space<vmem>>
    %dma_start3A_77 = tpu.memref_squeeze %dma_start3A_76 : memref<1x64xi32, #tpu.memory_space<vmem>> -> memref<64xi32, #tpu.memory_space<vmem>>
    %dma_start3A_78 = arith.constant 0 : i32
    %dma_start3A_79 = tpu.memref_slice %arg4[%add3A, %dma_start3A_67, %dma_start3A_78] : memref<32x160x64xi32, #tpu.memory_space<hbm>> -> memref<1x1x64xi32, #tpu.memory_space<hbm>>
    %dma_start3A_80 = tpu.memref_squeeze %dma_start3A_79 : memref<1x1x64xi32, #tpu.memory_space<hbm>> -> memref<64xi32, #tpu.memory_space<hbm>>
    tpu.enqueue_dma source(%dma_start3A_80 : memref<64xi32, #tpu.memory_space<hbm>>) target(%dma_start3A_77 : memref<64xi32, #tpu.memory_space<vmem>>) target_semaphore(%arg26 : memref<!tpu.dma_semaphore, #tpu.memory_space<semaphore_mem>>)
    %run_scoped3A_81 = arith.constant 1 : i32
    %run_scoped3A_82 = arith.constant 1 : i32
    "tpu.region"() ({
      %run_scoped3A_146 = tpu.sem_alloc : memref<!tpu.dma_semaphore, #tpu.memory_space<semaphore_mem>>
      %dma_start3A_147 = arith.constant 0 : i32
      %dma_start3A_148 = tpu.memref_slice %arg8[%run_scoped3A_82, %dma_start3A_147] : memref<4x64xi32, #tpu.memory_space<vmem>> -> memref<1x64xi32, #tpu.memory_space<vmem>>
      %dma_start3A_149 = tpu.memref_squeeze %dma_start3A_148 : memref<1x64xi32, #tpu.memory_space<vmem>> -> memref<64xi32, #tpu.memory_space<vmem>>
      %dma_start3A_150 = arith.constant 0 : i32
      %dma_start3A_151 = tpu.memref_slice %arg3[%add3A, %run_scoped3A_81, %dma_start3A_150] : memref<32x160x64xi32, #tpu.memory_space<hbm>> -> memref<1x1x64xi32, #tpu.memory_space<hbm>>
      %dma_start3A_152 = tpu.memref_squeeze %dma_start3A_151 : memref<1x1x64xi32, #tpu.memory_space<hbm>> -> memref<64xi32, #tpu.memory_space<hbm>>
      %dma_start3A_153 = arith.constant 0 : i32
      %dma_start3A_154 = tpu.memref_slice %arg8[%run_scoped3A_82, %dma_start3A_153] : memref<4x64xi32, #tpu.memory_space<vmem>> -> memref<1x64xi32, #tpu.memory_space<vmem>>
      %dma_start3A_155 = tpu.memref_squeeze %dma_start3A_154 : memref<1x64xi32, #tpu.memory_space<vmem>> -> memref<64xi32, #tpu.memory_space<vmem>>
      %dma_start3A_156 = arith.constant 0 : i32
      %dma_start3A_157 = tpu.memref_slice %arg3[%add3A, %run_scoped3A_81, %dma_start3A_156] : memref<32x160x64xi32, #tpu.memory_space<hbm>> -> memref<1x1x64xi32, #tpu.memory_space<hbm>>
      %dma_start3A_158 = tpu.memref_squeeze %dma_start3A_157 : memref<1x1x64xi32, #tpu.memory_space<hbm>> -> memref<64xi32, #tpu.memory_space<hbm>>
      tpu.enqueue_dma source(%dma_start3A_158 : memref<64xi32, #tpu.memory_space<hbm>>) target(%dma_start3A_155 : memref<64xi32, #tpu.memory_space<vmem>>) target_semaphore(%run_scoped3A_146 : memref<!tpu.dma_semaphore, #tpu.memory_space<semaphore_mem>>)
      %dma_wait3A = arith.constant 0 : i32
      %dma_wait3A_159 = tpu.memref_slice %arg8[%run_scoped3A_82, %dma_wait3A] : memref<4x64xi32, #tpu.memory_space<vmem>> -> memref<1x64xi32, #tpu.memory_space<vmem>>
      %dma_wait3A_160 = tpu.memref_squeeze %dma_wait3A_159 : memref<1x64xi32, #tpu.memory_space<vmem>> -> memref<64xi32, #tpu.memory_space<vmem>>
      %dma_wait3A_161 = arith.constant 0 : i32
      %dma_wait3A_162 = tpu.memref_slice %arg3[%add3A, %run_scoped3A_81, %dma_wait3A_161] : memref<32x160x64xi32, #tpu.memory_space<hbm>> -> memref<1x1x64xi32, #tpu.memory_space<hbm>>
      %dma_wait3A_163 = tpu.memref_squeeze %dma_wait3A_162 : memref<1x1x64xi32, #tpu.memory_space<hbm>> -> memref<64xi32, #tpu.memory_space<hbm>>
      %dma_wait3A_164 = arith.constant 0 : i32
      %dma_wait3A_165 = tpu.memref_slice %arg8[%run_scoped3A_82, %dma_wait3A_164] : memref<4x64xi32, #tpu.memory_space<vmem>> -> memref<1x64xi32, #tpu.memory_space<vmem>>
      %dma_wait3A_166 = tpu.memref_squeeze %dma_wait3A_165 : memref<1x64xi32, #tpu.memory_space<vmem>> -> memref<64xi32, #tpu.memory_space<vmem>>
      %dma_wait3A_167 = arith.constant 0 : i32
      %dma_wait3A_168 = tpu.memref_slice %arg3[%add3A, %run_scoped3A_81, %dma_wait3A_167] : memref<32x160x64xi32, #tpu.memory_space<hbm>> -> memref<1x1x64xi32, #tpu.memory_space<hbm>>
      %dma_wait3A_169 = tpu.memref_squeeze %dma_wait3A_168 : memref<1x1x64xi32, #tpu.memory_space<hbm>> -> memref<64xi32, #tpu.memory_space<hbm>>
      tpu.wait_dma2 semaphore(%run_scoped3A_146 : memref<!tpu.dma_semaphore, #tpu.memory_space<semaphore_mem>>) src(%dma_wait3A_169 : memref<64xi32, #tpu.memory_space<hbm>>) dst(%dma_wait3A_166 : memref<64xi32, #tpu.memory_space<vmem>>)
      tpu.yield
    }) : () -> ()
    %dma_start3A_83 = arith.constant 1 : i32
    %dma_start3A_84 = arith.constant 0 : i32
    %dma_start3A_85 = tpu.memref_slice %arg8[%dma_start3A_83, %dma_start3A_84] : memref<4x64xi32, #tpu.memory_space<vmem>> -> memref<1x64xi32, #tpu.memory_space<vmem>>
    %dma_start3A_86 = tpu.memref_squeeze %dma_start3A_85 : memref<1x64xi32, #tpu.memory_space<vmem>> -> memref<64xi32, #tpu.memory_space<vmem>>
    %dma_start3A_87 = arith.constant 0 : i32
    %dma_start3A_88 = arith.constant 0 : i32
    %dma_start3A_89 = tpu.memref_slice %arg2[%dma_start3A_87, %dma_start3A_88] : memref<10240x128xf32, #tpu.memory_space<hbm>> -> memref<10240x128xf32, #tpu.memory_space<hbm>>
    tpu.enqueue_indirect_dma source(%dma_start3A_89 : memref<10240x128xf32, #tpu.memory_space<hbm>>) target(%arg10 : memref<64x128xf32, #tpu.memory_space<vmem>>) offsets(%dma_start3A_86 : memref<64xi32, #tpu.memory_space<vmem>>) semaphore(%arg14 : memref<!tpu.dma_semaphore, #tpu.memory_space<semaphore_mem>>)
    %dma_start3A_90 = arith.constant 2 : i32
    %dma_start3A_91 = arith.constant 2 : i32
    %dma_start3A_92 = arith.constant 0 : i32
    %dma_start3A_93 = tpu.memref_slice %arg7[%dma_start3A_91, %dma_start3A_92] : memref<4x64xi32, #tpu.memory_space<vmem>> -> memref<1x64xi32, #tpu.memory_space<vmem>>
    %dma_start3A_94 = tpu.memref_squeeze %dma_start3A_93 : memref<1x64xi32, #tpu.memory_space<vmem>> -> memref<64xi32, #tpu.memory_space<vmem>>
    %dma_start3A_95 = arith.constant 0 : i32
    %dma_start3A_96 = tpu.memref_slice %arg4[%add3A, %dma_start3A_90, %dma_start3A_95] : memref<32x160x64xi32, #tpu.memory_space<hbm>> -> memref<1x1x64xi32, #tpu.memory_space<hbm>>
    %dma_start3A_97 = tpu.memref_squeeze %dma_start3A_96 : memref<1x1x64xi32, #tpu.memory_space<hbm>> -> memref<64xi32, #tpu.memory_space<hbm>>
    %dma_start3A_98 = arith.constant 0 : i32
    %dma_start3A_99 = tpu.memref_slice %arg7[%dma_start3A_91, %dma_start3A_98] : memref<4x64xi32, #tpu.memory_space<vmem>> -> memref<1x64xi32, #tpu.memory_space<vmem>>
    %dma_start3A_100 = tpu.memref_squeeze %dma_start3A_99 : memref<1x64xi32, #tpu.memory_space<vmem>> -> memref<64xi32, #tpu.memory_space<vmem>>
    %dma_start3A_101 = arith.constant 0 : i32
    %dma_start3A_102 = tpu.memref_slice %arg4[%add3A, %dma_start3A_90, %dma_start3A_101] : memref<32x160x64xi32, #tpu.memory_space<hbm>> -> memref<1x1x64xi32, #tpu.memory_space<hbm>>
    %dma_start3A_103 = tpu.memref_squeeze %dma_start3A_102 : memref<1x1x64xi32, #tpu.memory_space<hbm>> -> memref<64xi32, #tpu.memory_space<hbm>>
    tpu.enqueue_dma source(%dma_start3A_103 : memref<64xi32, #tpu.memory_space<hbm>>) target(%dma_start3A_100 : memref<64xi32, #tpu.memory_space<vmem>>) target_semaphore(%arg27 : memref<!tpu.dma_semaphore, #tpu.memory_space<semaphore_mem>>)
    %run_scoped3A_104 = arith.constant 2 : i32
    %run_scoped3A_105 = arith.constant 2 : i32
    "tpu.region"() ({
      %run_scoped3A_146 = tpu.sem_alloc : memref<!tpu.dma_semaphore, #tpu.memory_space<semaphore_mem>>
      %dma_start3A_147 = arith.constant 0 : i32
      %dma_start3A_148 = tpu.memref_slice %arg8[%run_scoped3A_105, %dma_start3A_147] : memref<4x64xi32, #tpu.memory_space<vmem>> -> memref<1x64xi32, #tpu.memory_space<vmem>>
      %dma_start3A_149 = tpu.memref_squeeze %dma_start3A_148 : memref<1x64xi32, #tpu.memory_space<vmem>> -> memref<64xi32, #tpu.memory_space<vmem>>
      %dma_start3A_150 = arith.constant 0 : i32
      %dma_start3A_151 = tpu.memref_slice %arg3[%add3A, %run_scoped3A_104, %dma_start3A_150] : memref<32x160x64xi32, #tpu.memory_space<hbm>> -> memref<1x1x64xi32, #tpu.memory_space<hbm>>
      %dma_start3A_152 = tpu.memref_squeeze %dma_start3A_151 : memref<1x1x64xi32, #tpu.memory_space<hbm>> -> memref<64xi32, #tpu.memory_space<hbm>>
      %dma_start3A_153 = arith.constant 0 : i32
      %dma_start3A_154 = tpu.memref_slice %arg8[%run_scoped3A_105, %dma_start3A_153] : memref<4x64xi32, #tpu.memory_space<vmem>> -> memref<1x64xi32, #tpu.memory_space<vmem>>
      %dma_start3A_155 = tpu.memref_squeeze %dma_start3A_154 : memref<1x64xi32, #tpu.memory_space<vmem>> -> memref<64xi32, #tpu.memory_space<vmem>>
      %dma_start3A_156 = arith.constant 0 : i32
      %dma_start3A_157 = tpu.memref_slice %arg3[%add3A, %run_scoped3A_104, %dma_start3A_156] : memref<32x160x64xi32, #tpu.memory_space<hbm>> -> memref<1x1x64xi32, #tpu.memory_space<hbm>>
      %dma_start3A_158 = tpu.memref_squeeze %dma_start3A_157 : memref<1x1x64xi32, #tpu.memory_space<hbm>> -> memref<64xi32, #tpu.memory_space<hbm>>
      tpu.enqueue_dma source(%dma_start3A_158 : memref<64xi32, #tpu.memory_space<hbm>>) target(%dma_start3A_155 : memref<64xi32, #tpu.memory_space<vmem>>) target_semaphore(%run_scoped3A_146 : memref<!tpu.dma_semaphore, #tpu.memory_space<semaphore_mem>>)
      %dma_wait3A = arith.constant 0 : i32
      %dma_wait3A_159 = tpu.memref_slice %arg8[%run_scoped3A_105, %dma_wait3A] : memref<4x64xi32, #tpu.memory_space<vmem>> -> memref<1x64xi32, #tpu.memory_space<vmem>>
      %dma_wait3A_160 = tpu.memref_squeeze %dma_wait3A_159 : memref<1x64xi32, #tpu.memory_space<vmem>> -> memref<64xi32, #tpu.memory_space<vmem>>
      %dma_wait3A_161 = arith.constant 0 : i32
      %dma_wait3A_162 = tpu.memref_slice %arg3[%add3A, %run_scoped3A_104, %dma_wait3A_161] : memref<32x160x64xi32, #tpu.memory_space<hbm>> -> memref<1x1x64xi32, #tpu.memory_space<hbm>>
      %dma_wait3A_163 = tpu.memref_squeeze %dma_wait3A_162 : memref<1x1x64xi32, #tpu.memory_space<hbm>> -> memref<64xi32, #tpu.memory_space<hbm>>
      %dma_wait3A_164 = arith.constant 0 : i32
      %dma_wait3A_165 = tpu.memref_slice %arg8[%run_scoped3A_105, %dma_wait3A_164] : memref<4x64xi32, #tpu.memory_space<vmem>> -> memref<1x64xi32, #tpu.memory_space<vmem>>
      %dma_wait3A_166 = tpu.memref_squeeze %dma_wait3A_165 : memref<1x64xi32, #tpu.memory_space<vmem>> -> memref<64xi32, #tpu.memory_space<vmem>>
      %dma_wait3A_167 = arith.constant 0 : i32
      %dma_wait3A_168 = tpu.memref_slice %arg3[%add3A, %run_scoped3A_104, %dma_wait3A_167] : memref<32x160x64xi32, #tpu.memory_space<hbm>> -> memref<1x1x64xi32, #tpu.memory_space<hbm>>
      %dma_wait3A_169 = tpu.memref_squeeze %dma_wait3A_168 : memref<1x1x64xi32, #tpu.memory_space<hbm>> -> memref<64xi32, #tpu.memory_space<hbm>>
      tpu.wait_dma2 semaphore(%run_scoped3A_146 : memref<!tpu.dma_semaphore, #tpu.memory_space<semaphore_mem>>) src(%dma_wait3A_169 : memref<64xi32, #tpu.memory_space<hbm>>) dst(%dma_wait3A_166 : memref<64xi32, #tpu.memory_space<vmem>>)
      tpu.yield
    }) : () -> ()
    %dma_start3A_106 = arith.constant 2 : i32
    %dma_start3A_107 = arith.constant 0 : i32
    %dma_start3A_108 = tpu.memref_slice %arg8[%dma_start3A_106, %dma_start3A_107] : memref<4x64xi32, #tpu.memory_space<vmem>> -> memref<1x64xi32, #tpu.memory_space<vmem>>
    %dma_start3A_109 = tpu.memref_squeeze %dma_start3A_108 : memref<1x64xi32, #tpu.memory_space<vmem>> -> memref<64xi32, #tpu.memory_space<vmem>>
    %dma_start3A_110 = arith.constant 0 : i32
    %dma_start3A_111 = arith.constant 0 : i32
    %dma_start3A_112 = tpu.memref_slice %arg2[%dma_start3A_110, %dma_start3A_111] : memref<10240x128xf32, #tpu.memory_space<hbm>> -> memref<10240x128xf32, #tpu.memory_space<hbm>>
    tpu.enqueue_indirect_dma source(%dma_start3A_112 : memref<10240x128xf32, #tpu.memory_space<hbm>>) target(%arg11 : memref<64x128xf32, #tpu.memory_space<vmem>>) offsets(%dma_start3A_109 : memref<64xi32, #tpu.memory_space<vmem>>) semaphore(%arg15 : memref<!tpu.dma_semaphore, #tpu.memory_space<semaphore_mem>>)
    %dma_start3A_113 = arith.constant 3 : i32
    %dma_start3A_114 = arith.constant 3 : i32
    %dma_start3A_115 = arith.constant 0 : i32
    %dma_start3A_116 = tpu.memref_slice %arg7[%dma_start3A_114, %dma_start3A_115] : memref<4x64xi32, #tpu.memory_space<vmem>> -> memref<1x64xi32, #tpu.memory_space<vmem>>
    %dma_start3A_117 = tpu.memref_squeeze %dma_start3A_116 : memref<1x64xi32, #tpu.memory_space<vmem>> -> memref<64xi32, #tpu.memory_space<vmem>>
    %dma_start3A_118 = arith.constant 0 : i32
    %dma_start3A_119 = tpu.memref_slice %arg4[%add3A, %dma_start3A_113, %dma_start3A_118] : memref<32x160x64xi32, #tpu.memory_space<hbm>> -> memref<1x1x64xi32, #tpu.memory_space<hbm>>
    %dma_start3A_120 = tpu.memref_squeeze %dma_start3A_119 : memref<1x1x64xi32, #tpu.memory_space<hbm>> -> memref<64xi32, #tpu.memory_space<hbm>>
    %dma_start3A_121 = arith.constant 0 : i32
    %dma_start3A_122 = tpu.memref_slice %arg7[%dma_start3A_114, %dma_start3A_121] : memref<4x64xi32, #tpu.memory_space<vmem>> -> memref<1x64xi32, #tpu.memory_space<vmem>>
    %dma_start3A_123 = tpu.memref_squeeze %dma_start3A_122 : memref<1x64xi32, #tpu.memory_space<vmem>> -> memref<64xi32, #tpu.memory_space<vmem>>
    %dma_start3A_124 = arith.constant 0 : i32
    %dma_start3A_125 = tpu.memref_slice %arg4[%add3A, %dma_start3A_113, %dma_start3A_124] : memref<32x160x64xi32, #tpu.memory_space<hbm>> -> memref<1x1x64xi32, #tpu.memory_space<hbm>>
    %dma_start3A_126 = tpu.memref_squeeze %dma_start3A_125 : memref<1x1x64xi32, #tpu.memory_space<hbm>> -> memref<64xi32, #tpu.memory_space<hbm>>
    tpu.enqueue_dma source(%dma_start3A_126 : memref<64xi32, #tpu.memory_space<hbm>>) target(%dma_start3A_123 : memref<64xi32, #tpu.memory_space<vmem>>) target_semaphore(%arg28 : memref<!tpu.dma_semaphore, #tpu.memory_space<semaphore_mem>>)
    %run_scoped3A_127 = arith.constant 3 : i32
    %run_scoped3A_128 = arith.constant 3 : i32
    "tpu.region"() ({
      %run_scoped3A_146 = tpu.sem_alloc : memref<!tpu.dma_semaphore, #tpu.memory_space<semaphore_mem>>
      %dma_start3A_147 = arith.constant 0 : i32
      %dma_start3A_148 = tpu.memref_slice %arg8[%run_scoped3A_128, %dma_start3A_147] : memref<4x64xi32, #tpu.memory_space<vmem>> -> memref<1x64xi32, #tpu.memory_space<vmem>>
      %dma_start3A_149 = tpu.memref_squeeze %dma_start3A_148 : memref<1x64xi32, #tpu.memory_space<vmem>> -> memref<64xi32, #tpu.memory_space<vmem>>
      %dma_start3A_150 = arith.constant 0 : i32
      %dma_start3A_151 = tpu.memref_slice %arg3[%add3A, %run_scoped3A_127, %dma_start3A_150] : memref<32x160x64xi32, #tpu.memory_space<hbm>> -> memref<1x1x64xi32, #tpu.memory_space<hbm>>
      %dma_start3A_152 = tpu.memref_squeeze %dma_start3A_151 : memref<1x1x64xi32, #tpu.memory_space<hbm>> -> memref<64xi32, #tpu.memory_space<hbm>>
      %dma_start3A_153 = arith.constant 0 : i32
      %dma_start3A_154 = tpu.memref_slice %arg8[%run_scoped3A_128, %dma_start3A_153] : memref<4x64xi32, #tpu.memory_space<vmem>> -> memref<1x64xi32, #tpu.memory_space<vmem>>
      %dma_start3A_155 = tpu.memref_squeeze %dma_start3A_154 : memref<1x64xi32, #tpu.memory_space<vmem>> -> memref<64xi32, #tpu.memory_space<vmem>>
      %dma_start3A_156 = arith.constant 0 : i32
      %dma_start3A_157 = tpu.memref_slice %arg3[%add3A, %run_scoped3A_127, %dma_start3A_156] : memref<32x160x64xi32, #tpu.memory_space<hbm>> -> memref<1x1x64xi32, #tpu.memory_space<hbm>>
      %dma_start3A_158 = tpu.memref_squeeze %dma_start3A_157 : memref<1x1x64xi32, #tpu.memory_space<hbm>> -> memref<64xi32, #tpu.memory_space<hbm>>
      tpu.enqueue_dma source(%dma_start3A_158 : memref<64xi32, #tpu.memory_space<hbm>>) target(%dma_start3A_155 : memref<64xi32, #tpu.memory_space<vmem>>) target_semaphore(%run_scoped3A_146 : memref<!tpu.dma_semaphore, #tpu.memory_space<semaphore_mem>>)
      %dma_wait3A = arith.constant 0 : i32
      %dma_wait3A_159 = tpu.memref_slice %arg8[%run_scoped3A_128, %dma_wait3A] : memref<4x64xi32, #tpu.memory_space<vmem>> -> memref<1x64xi32, #tpu.memory_space<vmem>>
      %dma_wait3A_160 = tpu.memref_squeeze %dma_wait3A_159 : memref<1x64xi32, #tpu.memory_space<vmem>> -> memref<64xi32, #tpu.memory_space<vmem>>
      %dma_wait3A_161 = arith.constant 0 : i32
      %dma_wait3A_162 = tpu.memref_slice %arg3[%add3A, %run_scoped3A_127, %dma_wait3A_161] : memref<32x160x64xi32, #tpu.memory_space<hbm>> -> memref<1x1x64xi32, #tpu.memory_space<hbm>>
      %dma_wait3A_163 = tpu.memref_squeeze %dma_wait3A_162 : memref<1x1x64xi32, #tpu.memory_space<hbm>> -> memref<64xi32, #tpu.memory_space<hbm>>
      %dma_wait3A_164 = arith.constant 0 : i32
      %dma_wait3A_165 = tpu.memref_slice %arg8[%run_scoped3A_128, %dma_wait3A_164] : memref<4x64xi32, #tpu.memory_space<vmem>> -> memref<1x64xi32, #tpu.memory_space<vmem>>
      %dma_wait3A_166 = tpu.memref_squeeze %dma_wait3A_165 : memref<1x64xi32, #tpu.memory_space<vmem>> -> memref<64xi32, #tpu.memory_space<vmem>>
      %dma_wait3A_167 = arith.constant 0 : i32
      %dma_wait3A_168 = tpu.memref_slice %arg3[%add3A, %run_scoped3A_127, %dma_wait3A_167] : memref<32x160x64xi32, #tpu.memory_space<hbm>> -> memref<1x1x64xi32, #tpu.memory_space<hbm>>
      %dma_wait3A_169 = tpu.memref_squeeze %dma_wait3A_168 : memref<1x1x64xi32, #tpu.memory_space<hbm>> -> memref<64xi32, #tpu.memory_space<hbm>>
      tpu.wait_dma2 semaphore(%run_scoped3A_146 : memref<!tpu.dma_semaphore, #tpu.memory_space<semaphore_mem>>) src(%dma_wait3A_169 : memref<64xi32, #tpu.memory_space<hbm>>) dst(%dma_wait3A_166 : memref<64xi32, #tpu.memory_space<vmem>>)
      tpu.yield
    }) : () -> ()
    %dma_start3A_129 = arith.constant 3 : i32
    %dma_start3A_130 = arith.constant 0 : i32
    %dma_start3A_131 = tpu.memref_slice %arg8[%dma_start3A_129, %dma_start3A_130] : memref<4x64xi32, #tpu.memory_space<vmem>> -> memref<1x64xi32, #tpu.memory_space<vmem>>
    %dma_start3A_132 = tpu.memref_squeeze %dma_start3A_131 : memref<1x64xi32, #tpu.memory_space<vmem>> -> memref<64xi32, #tpu.memory_space<vmem>>
    %dma_start3A_133 = arith.constant 0 : i32
    %dma_start3A_134 = arith.constant 0 : i32
    %dma_start3A_135 = tpu.memref_slice %arg2[%dma_start3A_133, %dma_start3A_134] : memref<10240x128xf32, #tpu.memory_space<hbm>> -> memref<10240x128xf32, #tpu.memory_space<hbm>>
    tpu.enqueue_indirect_dma source(%dma_start3A_135 : memref<10240x128xf32, #tpu.memory_space<hbm>>) target(%arg12 : memref<64x128xf32, #tpu.memory_space<vmem>>) offsets(%dma_start3A_132 : memref<64xi32, #tpu.memory_space<vmem>>) semaphore(%arg16 : memref<!tpu.dma_semaphore, #tpu.memory_space<semaphore_mem>>)
    %scan3A_136 = arith.constant 0 : i32
    %scan3A_137 = arith.constant 40 : i32
    %scan3A_138 = arith.addi %scan3A_136, %scan3A_137 : i32
    %scan3A_139 = arith.constant 1 : i32
    scf.for %scan3A_146 = %scan3A_136 to %scan3A_138 step %scan3A_139  : i32 {
      %mul3A_147 = arith.constant 1 : i32
      %mul3A_148 = arith.muli %scan3A_146, %mul3A_147 : i32
      %add3A_149 = arith.constant 0 : i32
      %add3A_150 = arith.addi %add3A_149, %mul3A_148 : i32
      %mul3A_151 = arith.constant 4 : i32
      %mul3A_152 = arith.muli %add3A_150, %mul3A_151 : i32
      %dma_wait3A = arith.constant 0 : i32
      %dma_wait3A_153 = arith.constant 0 : i32
      %dma_wait3A_154 = tpu.memref_slice %arg8[%dma_wait3A, %dma_wait3A_153] : memref<4x64xi32, #tpu.memory_space<vmem>> -> memref<1x64xi32, #tpu.memory_space<vmem>>
      %dma_wait3A_155 = tpu.memref_squeeze %dma_wait3A_154 : memref<1x64xi32, #tpu.memory_space<vmem>> -> memref<64xi32, #tpu.memory_space<vmem>>
      %dma_wait3A_156 = arith.constant 0 : i32
      %dma_wait3A_157 = arith.constant 0 : i32
      %dma_wait3A_158 = tpu.memref_slice %arg2[%dma_wait3A_156, %dma_wait3A_157] : memref<10240x128xf32, #tpu.memory_space<hbm>> -> memref<10240x128xf32, #tpu.memory_space<hbm>>
      tpu.wait_indirect_dma semaphore(%arg13 : memref<!tpu.dma_semaphore, #tpu.memory_space<semaphore_mem>>) src(%dma_wait3A_158 : memref<10240x128xf32, #tpu.memory_space<hbm>>) dst(%arg9 : memref<64x128xf32, #tpu.memory_space<vmem>>)
      %add3A_159 = arith.constant 0 : i32
      %add3A_160 = arith.addi %mul3A_152, %add3A_159 : i32
      %dma_wait3A_161 = arith.constant 0 : i32
      %dma_wait3A_162 = arith.constant 0 : i32
      %dma_wait3A_163 = tpu.memref_slice %arg7[%dma_wait3A_161, %dma_wait3A_162] : memref<4x64xi32, #tpu.memory_space<vmem>> -> memref<1x64xi32, #tpu.memory_space<vmem>>
      %dma_wait3A_164 = tpu.memref_squeeze %dma_wait3A_163 : memref<1x64xi32, #tpu.memory_space<vmem>> -> memref<64xi32, #tpu.memory_space<vmem>>
      %dma_wait3A_165 = arith.constant 0 : i32
      %dma_wait3A_166 = tpu.memref_slice %arg4[%add3A, %add3A_160, %dma_wait3A_165] : memref<32x160x64xi32, #tpu.memory_space<hbm>> -> memref<1x1x64xi32, #tpu.memory_space<hbm>>
      %dma_wait3A_167 = tpu.memref_squeeze %dma_wait3A_166 : memref<1x1x64xi32, #tpu.memory_space<hbm>> -> memref<64xi32, #tpu.memory_space<hbm>>
      %dma_wait3A_168 = arith.constant 0 : i32
      %dma_wait3A_169 = tpu.memref_slice %arg7[%dma_wait3A_161, %dma_wait3A_168] : memref<4x64xi32, #tpu.memory_space<vmem>> -> memref<1x64xi32, #tpu.memory_space<vmem>>
      %dma_wait3A_170 = tpu.memref_squeeze %dma_wait3A_169 : memref<1x64xi32, #tpu.memory_space<vmem>> -> memref<64xi32, #tpu.memory_space<vmem>>
      %dma_wait3A_171 = arith.constant 0 : i32
      %dma_wait3A_172 = tpu.memref_slice %arg4[%add3A, %add3A_160, %dma_wait3A_171] : memref<32x160x64xi32, #tpu.memory_space<hbm>> -> memref<1x1x64xi32, #tpu.memory_space<hbm>>
      %dma_wait3A_173 = tpu.memref_squeeze %dma_wait3A_172 : memref<1x1x64xi32, #tpu.memory_space<hbm>> -> memref<64xi32, #tpu.memory_space<hbm>>
      tpu.wait_dma2 semaphore(%arg25 : memref<!tpu.dma_semaphore, #tpu.memory_space<semaphore_mem>>) src(%dma_wait3A_173 : memref<64xi32, #tpu.memory_space<hbm>>) dst(%dma_wait3A_170 : memref<64xi32, #tpu.memory_space<vmem>>)
      %dma_start3A_174 = arith.constant 0 : i32
      %dma_start3A_175 = arith.constant 0 : i32
      %dma_start3A_176 = tpu.memref_slice %arg7[%dma_start3A_174, %dma_start3A_175] : memref<4x64xi32, #tpu.memory_space<vmem>> -> memref<1x64xi32, #tpu.memory_space<vmem>>
      %dma_start3A_177 = tpu.memref_squeeze %dma_start3A_176 : memref<1x64xi32, #tpu.memory_space<vmem>> -> memref<64xi32, #tpu.memory_space<vmem>>
      %dma_start3A_178 = arith.constant 0 : i32
      %dma_start3A_179 = arith.constant 0 : i32
      %dma_start3A_180 = tpu.memref_slice %arg6[%dma_start3A_178, %dma_start3A_179] : memref<10240x128xf32, #tpu.memory_space<vmem_shared>> -> memref<10240x128xf32, #tpu.memory_space<vmem_shared>>
      tpu.enqueue_indirect_dma source(%arg9 : memref<64x128xf32, #tpu.memory_space<vmem>>) target(%dma_start3A_180 : memref<10240x128xf32, #tpu.memory_space<vmem_shared>>) offsets(%dma_start3A_177 : memref<64xi32, #tpu.memory_space<vmem>>) semaphore(%arg17 : memref<!tpu.dma_semaphore, #tpu.memory_space<semaphore_mem>>) {add = true}
      %lt3A = arith.constant 39 : i32
      %lt3A_181 = arith.cmpi slt, %add3A_150, %lt3A : i32
      %convert_element_type3A = arith.extui %lt3A_181 : i1 to i32
      %cond3A = arith.constant 0 : i32
      %cond3A_182 = arith.cmpi ne, %convert_element_type3A, %cond3A : i32
      scf.if %cond3A_182 {
        %add3A_333 = arith.constant 0 : i32
        %add3A_334 = arith.addi %mul3A_152, %add3A_333 : i32
        %add3A_335 = arith.constant 4 : i32
        %add3A_336 = arith.addi %add3A_334, %add3A_335 : i32
        %dma_start3A_337 = arith.constant 0 : i32
        %dma_start3A_338 = arith.constant 0 : i32
        %dma_start3A_339 = tpu.memref_slice %arg8[%dma_start3A_337, %dma_start3A_338] : memref<4x64xi32, #tpu.memory_space<vmem>> -> memref<1x64xi32, #tpu.memory_space<vmem>>
        %dma_start3A_340 = tpu.memref_squeeze %dma_start3A_339 : memref<1x64xi32, #tpu.memory_space<vmem>> -> memref<64xi32, #tpu.memory_space<vmem>>
        %dma_start3A_341 = arith.constant 0 : i32
        %dma_start3A_342 = tpu.memref_slice %arg3[%add3A, %add3A_336, %dma_start3A_341] : memref<32x160x64xi32, #tpu.memory_space<hbm>> -> memref<1x1x64xi32, #tpu.memory_space<hbm>>
        %dma_start3A_343 = tpu.memref_squeeze %dma_start3A_342 : memref<1x1x64xi32, #tpu.memory_space<hbm>> -> memref<64xi32, #tpu.memory_space<hbm>>
        %dma_start3A_344 = arith.constant 0 : i32
        %dma_start3A_345 = tpu.memref_slice %arg8[%dma_start3A_337, %dma_start3A_344] : memref<4x64xi32, #tpu.memory_space<vmem>> -> memref<1x64xi32, #tpu.memory_space<vmem>>
        %dma_start3A_346 = tpu.memref_squeeze %dma_start3A_345 : memref<1x64xi32, #tpu.memory_space<vmem>> -> memref<64xi32, #tpu.memory_space<vmem>>
        %dma_start3A_347 = arith.constant 0 : i32
        %dma_start3A_348 = tpu.memref_slice %arg3[%add3A, %add3A_336, %dma_start3A_347] : memref<32x160x64xi32, #tpu.memory_space<hbm>> -> memref<1x1x64xi32, #tpu.memory_space<hbm>>
        %dma_start3A_349 = tpu.memref_squeeze %dma_start3A_348 : memref<1x1x64xi32, #tpu.memory_space<hbm>> -> memref<64xi32, #tpu.memory_space<hbm>>
        tpu.enqueue_dma source(%dma_start3A_349 : memref<64xi32, #tpu.memory_space<hbm>>) target(%dma_start3A_346 : memref<64xi32, #tpu.memory_space<vmem>>) target_semaphore(%arg21 : memref<!tpu.dma_semaphore, #tpu.memory_space<semaphore_mem>>)
      } else {
      }
      %dma_wait3A_183 = arith.constant 1 : i32
      %dma_wait3A_184 = arith.constant 0 : i32
      %dma_wait3A_185 = tpu.memref_slice %arg8[%dma_wait3A_183, %dma_wait3A_184] : memref<4x64xi32, #tpu.memory_space<vmem>> -> memref<1x64xi32, #tpu.memory_space<vmem>>
      %dma_wait3A_186 = tpu.memref_squeeze %dma_wait3A_185 : memref<1x64xi32, #tpu.memory_space<vmem>> -> memref<64xi32, #tpu.memory_space<vmem>>
      %dma_wait3A_187 = arith.constant 0 : i32
      %dma_wait3A_188 = arith.constant 0 : i32
      %dma_wait3A_189 = tpu.memref_slice %arg2[%dma_wait3A_187, %dma_wait3A_188] : memref<10240x128xf32, #tpu.memory_space<hbm>> -> memref<10240x128xf32, #tpu.memory_space<hbm>>
      tpu.wait_indirect_dma semaphore(%arg14 : memref<!tpu.dma_semaphore, #tpu.memory_space<semaphore_mem>>) src(%dma_wait3A_189 : memref<10240x128xf32, #tpu.memory_space<hbm>>) dst(%arg10 : memref<64x128xf32, #tpu.memory_space<vmem>>)
      %add3A_190 = arith.constant 1 : i32
      %add3A_191 = arith.addi %mul3A_152, %add3A_190 : i32
      %dma_wait3A_192 = arith.constant 1 : i32
      %dma_wait3A_193 = arith.constant 0 : i32
      %dma_wait3A_194 = tpu.memref_slice %arg7[%dma_wait3A_192, %dma_wait3A_193] : memref<4x64xi32, #tpu.memory_space<vmem>> -> memref<1x64xi32, #tpu.memory_space<vmem>>
      %dma_wait3A_195 = tpu.memref_squeeze %dma_wait3A_194 : memref<1x64xi32, #tpu.memory_space<vmem>> -> memref<64xi32, #tpu.memory_space<vmem>>
      %dma_wait3A_196 = arith.constant 0 : i32
      %dma_wait3A_197 = tpu.memref_slice %arg4[%add3A, %add3A_191, %dma_wait3A_196] : memref<32x160x64xi32, #tpu.memory_space<hbm>> -> memref<1x1x64xi32, #tpu.memory_space<hbm>>
      %dma_wait3A_198 = tpu.memref_squeeze %dma_wait3A_197 : memref<1x1x64xi32, #tpu.memory_space<hbm>> -> memref<64xi32, #tpu.memory_space<hbm>>
      %dma_wait3A_199 = arith.constant 0 : i32
      %dma_wait3A_200 = tpu.memref_slice %arg7[%dma_wait3A_192, %dma_wait3A_199] : memref<4x64xi32, #tpu.memory_space<vmem>> -> memref<1x64xi32, #tpu.memory_space<vmem>>
      %dma_wait3A_201 = tpu.memref_squeeze %dma_wait3A_200 : memref<1x64xi32, #tpu.memory_space<vmem>> -> memref<64xi32, #tpu.memory_space<vmem>>
      %dma_wait3A_202 = arith.constant 0 : i32
      %dma_wait3A_203 = tpu.memref_slice %arg4[%add3A, %add3A_191, %dma_wait3A_202] : memref<32x160x64xi32, #tpu.memory_space<hbm>> -> memref<1x1x64xi32, #tpu.memory_space<hbm>>
      %dma_wait3A_204 = tpu.memref_squeeze %dma_wait3A_203 : memref<1x1x64xi32, #tpu.memory_space<hbm>> -> memref<64xi32, #tpu.memory_space<hbm>>
      tpu.wait_dma2 semaphore(%arg26 : memref<!tpu.dma_semaphore, #tpu.memory_space<semaphore_mem>>) src(%dma_wait3A_204 : memref<64xi32, #tpu.memory_space<hbm>>) dst(%dma_wait3A_201 : memref<64xi32, #tpu.memory_space<vmem>>)
      %dma_start3A_205 = arith.constant 1 : i32
      %dma_start3A_206 = arith.constant 0 : i32
      %dma_start3A_207 = tpu.memref_slice %arg7[%dma_start3A_205, %dma_start3A_206] : memref<4x64xi32, #tpu.memory_space<vmem>> -> memref<1x64xi32, #tpu.memory_space<vmem>>
      %dma_start3A_208 = tpu.memref_squeeze %dma_start3A_207 : memref<1x64xi32, #tpu.memory_space<vmem>> -> memref<64xi32, #tpu.memory_space<vmem>>
      %dma_start3A_209 = arith.constant 0 : i32
      %dma_start3A_210 = arith.constant 0 : i32
      %dma_start3A_211 = tpu.memref_slice %arg6[%dma_start3A_209, %dma_start3A_210] : memref<10240x128xf32, #tpu.memory_space<vmem_shared>> -> memref<10240x128xf32, #tpu.memory_space<vmem_shared>>
      tpu.enqueue_indirect_dma source(%arg10 : memref<64x128xf32, #tpu.memory_space<vmem>>) target(%dma_start3A_211 : memref<10240x128xf32, #tpu.memory_space<vmem_shared>>) offsets(%dma_start3A_208 : memref<64xi32, #tpu.memory_space<vmem>>) semaphore(%arg18 : memref<!tpu.dma_semaphore, #tpu.memory_space<semaphore_mem>>) {add = true}
      %lt3A_212 = arith.constant 39 : i32
      %lt3A_213 = arith.cmpi slt, %add3A_150, %lt3A_212 : i32
      %convert_element_type3A_214 = arith.extui %lt3A_213 : i1 to i32
      %cond3A_215 = arith.constant 0 : i32
      %cond3A_216 = arith.cmpi ne, %convert_element_type3A_214, %cond3A_215 : i32
      scf.if %cond3A_216 {
        %add3A_333 = arith.constant 1 : i32
        %add3A_334 = arith.addi %mul3A_152, %add3A_333 : i32
        %add3A_335 = arith.constant 4 : i32
        %add3A_336 = arith.addi %add3A_334, %add3A_335 : i32
        %dma_start3A_337 = arith.constant 1 : i32
        %dma_start3A_338 = arith.constant 0 : i32
        %dma_start3A_339 = tpu.memref_slice %arg8[%dma_start3A_337, %dma_start3A_338] : memref<4x64xi32, #tpu.memory_space<vmem>> -> memref<1x64xi32, #tpu.memory_space<vmem>>
        %dma_start3A_340 = tpu.memref_squeeze %dma_start3A_339 : memref<1x64xi32, #tpu.memory_space<vmem>> -> memref<64xi32, #tpu.memory_space<vmem>>
        %dma_start3A_341 = arith.constant 0 : i32
        %dma_start3A_342 = tpu.memref_slice %arg3[%add3A, %add3A_336, %dma_start3A_341] : memref<32x160x64xi32, #tpu.memory_space<hbm>> -> memref<1x1x64xi32, #tpu.memory_space<hbm>>
        %dma_start3A_343 = tpu.memref_squeeze %dma_start3A_342 : memref<1x1x64xi32, #tpu.memory_space<hbm>> -> memref<64xi32, #tpu.memory_space<hbm>>
        %dma_start3A_344 = arith.constant 0 : i32
        %dma_start3A_345 = tpu.memref_slice %arg8[%dma_start3A_337, %dma_start3A_344] : memref<4x64xi32, #tpu.memory_space<vmem>> -> memref<1x64xi32, #tpu.memory_space<vmem>>
        %dma_start3A_346 = tpu.memref_squeeze %dma_start3A_345 : memref<1x64xi32, #tpu.memory_space<vmem>> -> memref<64xi32, #tpu.memory_space<vmem>>
        %dma_start3A_347 = arith.constant 0 : i32
        %dma_start3A_348 = tpu.memref_slice %arg3[%add3A, %add3A_336, %dma_start3A_347] : memref<32x160x64xi32, #tpu.memory_space<hbm>> -> memref<1x1x64xi32, #tpu.memory_space<hbm>>
        %dma_start3A_349 = tpu.memref_squeeze %dma_start3A_348 : memref<1x1x64xi32, #tpu.memory_space<hbm>> -> memref<64xi32, #tpu.memory_space<hbm>>
        tpu.enqueue_dma source(%dma_start3A_349 : memref<64xi32, #tpu.memory_space<hbm>>) target(%dma_start3A_346 : memref<64xi32, #tpu.memory_space<vmem>>) target_semaphore(%arg22 : memref<!tpu.dma_semaphore, #tpu.memory_space<semaphore_mem>>)
      } else {
      }
      %dma_wait3A_217 = arith.constant 2 : i32
      %dma_wait3A_218 = arith.constant 0 : i32
      %dma_wait3A_219 = tpu.memref_slice %arg8[%dma_wait3A_217, %dma_wait3A_218] : memref<4x64xi32, #tpu.memory_space<vmem>> -> memref<1x64xi32, #tpu.memory_space<vmem>>
      %dma_wait3A_220 = tpu.memref_squeeze %dma_wait3A_219 : memref<1x64xi32, #tpu.memory_space<vmem>> -> memref<64xi32, #tpu.memory_space<vmem>>
      %dma_wait3A_221 = arith.constant 0 : i32
      %dma_wait3A_222 = arith.constant 0 : i32
      %dma_wait3A_223 = tpu.memref_slice %arg2[%dma_wait3A_221, %dma_wait3A_222] : memref<10240x128xf32, #tpu.memory_space<hbm>> -> memref<10240x128xf32, #tpu.memory_space<hbm>>
      tpu.wait_indirect_dma semaphore(%arg15 : memref<!tpu.dma_semaphore, #tpu.memory_space<semaphore_mem>>) src(%dma_wait3A_223 : memref<10240x128xf32, #tpu.memory_space<hbm>>) dst(%arg11 : memref<64x128xf32, #tpu.memory_space<vmem>>)
      %add3A_224 = arith.constant 2 : i32
      %add3A_225 = arith.addi %mul3A_152, %add3A_224 : i32
      %dma_wait3A_226 = arith.constant 2 : i32
      %dma_wait3A_227 = arith.constant 0 : i32
      %dma_wait3A_228 = tpu.memref_slice %arg7[%dma_wait3A_226, %dma_wait3A_227] : memref<4x64xi32, #tpu.memory_space<vmem>> -> memref<1x64xi32, #tpu.memory_space<vmem>>
      %dma_wait3A_229 = tpu.memref_squeeze %dma_wait3A_228 : memref<1x64xi32, #tpu.memory_space<vmem>> -> memref<64xi32, #tpu.memory_space<vmem>>
      %dma_wait3A_230 = arith.constant 0 : i32
      %dma_wait3A_231 = tpu.memref_slice %arg4[%add3A, %add3A_225, %dma_wait3A_230] : memref<32x160x64xi32, #tpu.memory_space<hbm>> -> memref<1x1x64xi32, #tpu.memory_space<hbm>>
      %dma_wait3A_232 = tpu.memref_squeeze %dma_wait3A_231 : memref<1x1x64xi32, #tpu.memory_space<hbm>> -> memref<64xi32, #tpu.memory_space<hbm>>
      %dma_wait3A_233 = arith.constant 0 : i32
      %dma_wait3A_234 = tpu.memref_slice %arg7[%dma_wait3A_226, %dma_wait3A_233] : memref<4x64xi32, #tpu.memory_space<vmem>> -> memref<1x64xi32, #tpu.memory_space<vmem>>
      %dma_wait3A_235 = tpu.memref_squeeze %dma_wait3A_234 : memref<1x64xi32, #tpu.memory_space<vmem>> -> memref<64xi32, #tpu.memory_space<vmem>>
      %dma_wait3A_236 = arith.constant 0 : i32
      %dma_wait3A_237 = tpu.memref_slice %arg4[%add3A, %add3A_225, %dma_wait3A_236] : memref<32x160x64xi32, #tpu.memory_space<hbm>> -> memref<1x1x64xi32, #tpu.memory_space<hbm>>
      %dma_wait3A_238 = tpu.memref_squeeze %dma_wait3A_237 : memref<1x1x64xi32, #tpu.memory_space<hbm>> -> memref<64xi32, #tpu.memory_space<hbm>>
      tpu.wait_dma2 semaphore(%arg27 : memref<!tpu.dma_semaphore, #tpu.memory_space<semaphore_mem>>) src(%dma_wait3A_238 : memref<64xi32, #tpu.memory_space<hbm>>) dst(%dma_wait3A_235 : memref<64xi32, #tpu.memory_space<vmem>>)
      %dma_start3A_239 = arith.constant 2 : i32
      %dma_start3A_240 = arith.constant 0 : i32
      %dma_start3A_241 = tpu.memref_slice %arg7[%dma_start3A_239, %dma_start3A_240] : memref<4x64xi32, #tpu.memory_space<vmem>> -> memref<1x64xi32, #tpu.memory_space<vmem>>
      %dma_start3A_242 = tpu.memref_squeeze %dma_start3A_241 : memref<1x64xi32, #tpu.memory_space<vmem>> -> memref<64xi32, #tpu.memory_space<vmem>>
      %dma_start3A_243 = arith.constant 0 : i32
      %dma_start3A_244 = arith.constant 0 : i32
      %dma_start3A_245 = tpu.memref_slice %arg6[%dma_start3A_243, %dma_start3A_244] : memref<10240x128xf32, #tpu.memory_space<vmem_shared>> -> memref<10240x128xf32, #tpu.memory_space<vmem_shared>>
      tpu.enqueue_indirect_dma source(%arg11 : memref<64x128xf32, #tpu.memory_space<vmem>>) target(%dma_start3A_245 : memref<10240x128xf32, #tpu.memory_space<vmem_shared>>) offsets(%dma_start3A_242 : memref<64xi32, #tpu.memory_space<vmem>>) semaphore(%arg19 : memref<!tpu.dma_semaphore, #tpu.memory_space<semaphore_mem>>) {add = true}
      %lt3A_246 = arith.constant 39 : i32
      %lt3A_247 = arith.cmpi slt, %add3A_150, %lt3A_246 : i32
      %convert_element_type3A_248 = arith.extui %lt3A_247 : i1 to i32
      %cond3A_249 = arith.constant 0 : i32
      %cond3A_250 = arith.cmpi ne, %convert_element_type3A_248, %cond3A_249 : i32
      scf.if %cond3A_250 {
        %add3A_333 = arith.constant 2 : i32
        %add3A_334 = arith.addi %mul3A_152, %add3A_333 : i32
        %add3A_335 = arith.constant 4 : i32
        %add3A_336 = arith.addi %add3A_334, %add3A_335 : i32
        %dma_start3A_337 = arith.constant 2 : i32
        %dma_start3A_338 = arith.constant 0 : i32
        %dma_start3A_339 = tpu.memref_slice %arg8[%dma_start3A_337, %dma_start3A_338] : memref<4x64xi32, #tpu.memory_space<vmem>> -> memref<1x64xi32, #tpu.memory_space<vmem>>
        %dma_start3A_340 = tpu.memref_squeeze %dma_start3A_339 : memref<1x64xi32, #tpu.memory_space<vmem>> -> memref<64xi32, #tpu.memory_space<vmem>>
        %dma_start3A_341 = arith.constant 0 : i32
        %dma_start3A_342 = tpu.memref_slice %arg3[%add3A, %add3A_336, %dma_start3A_341] : memref<32x160x64xi32, #tpu.memory_space<hbm>> -> memref<1x1x64xi32, #tpu.memory_space<hbm>>
        %dma_start3A_343 = tpu.memref_squeeze %dma_start3A_342 : memref<1x1x64xi32, #tpu.memory_space<hbm>> -> memref<64xi32, #tpu.memory_space<hbm>>
        %dma_start3A_344 = arith.constant 0 : i32
        %dma_start3A_345 = tpu.memref_slice %arg8[%dma_start3A_337, %dma_start3A_344] : memref<4x64xi32, #tpu.memory_space<vmem>> -> memref<1x64xi32, #tpu.memory_space<vmem>>
        %dma_start3A_346 = tpu.memref_squeeze %dma_start3A_345 : memref<1x64xi32, #tpu.memory_space<vmem>> -> memref<64xi32, #tpu.memory_space<vmem>>
        %dma_start3A_347 = arith.constant 0 : i32
        %dma_start3A_348 = tpu.memref_slice %arg3[%add3A, %add3A_336, %dma_start3A_347] : memref<32x160x64xi32, #tpu.memory_space<hbm>> -> memref<1x1x64xi32, #tpu.memory_space<hbm>>
        %dma_start3A_349 = tpu.memref_squeeze %dma_start3A_348 : memref<1x1x64xi32, #tpu.memory_space<hbm>> -> memref<64xi32, #tpu.memory_space<hbm>>
        tpu.enqueue_dma source(%dma_start3A_349 : memref<64xi32, #tpu.memory_space<hbm>>) target(%dma_start3A_346 : memref<64xi32, #tpu.memory_space<vmem>>) target_semaphore(%arg23 : memref<!tpu.dma_semaphore, #tpu.memory_space<semaphore_mem>>)
      } else {
      }
      %dma_wait3A_251 = arith.constant 3 : i32
      %dma_wait3A_252 = arith.constant 0 : i32
      %dma_wait3A_253 = tpu.memref_slice %arg8[%dma_wait3A_251, %dma_wait3A_252] : memref<4x64xi32, #tpu.memory_space<vmem>> -> memref<1x64xi32, #tpu.memory_space<vmem>>
      %dma_wait3A_254 = tpu.memref_squeeze %dma_wait3A_253 : memref<1x64xi32, #tpu.memory_space<vmem>> -> memref<64xi32, #tpu.memory_space<vmem>>
      %dma_wait3A_255 = arith.constant 0 : i32
      %dma_wait3A_256 = arith.constant 0 : i32
      %dma_wait3A_257 = tpu.memref_slice %arg2[%dma_wait3A_255, %dma_wait3A_256] : memref<10240x128xf32, #tpu.memory_space<hbm>> -> memref<10240x128xf32, #tpu.memory_space<hbm>>
      tpu.wait_indirect_dma semaphore(%arg16 : memref<!tpu.dma_semaphore, #tpu.memory_space<semaphore_mem>>) src(%dma_wait3A_257 : memref<10240x128xf32, #tpu.memory_space<hbm>>) dst(%arg12 : memref<64x128xf32, #tpu.memory_space<vmem>>)
      %add3A_258 = arith.constant 3 : i32
      %add3A_259 = arith.addi %mul3A_152, %add3A_258 : i32
      %dma_wait3A_260 = arith.constant 3 : i32
      %dma_wait3A_261 = arith.constant 0 : i32
      %dma_wait3A_262 = tpu.memref_slice %arg7[%dma_wait3A_260, %dma_wait3A_261] : memref<4x64xi32, #tpu.memory_space<vmem>> -> memref<1x64xi32, #tpu.memory_space<vmem>>
      %dma_wait3A_263 = tpu.memref_squeeze %dma_wait3A_262 : memref<1x64xi32, #tpu.memory_space<vmem>> -> memref<64xi32, #tpu.memory_space<vmem>>
      %dma_wait3A_264 = arith.constant 0 : i32
      %dma_wait3A_265 = tpu.memref_slice %arg4[%add3A, %add3A_259, %dma_wait3A_264] : memref<32x160x64xi32, #tpu.memory_space<hbm>> -> memref<1x1x64xi32, #tpu.memory_space<hbm>>
      %dma_wait3A_266 = tpu.memref_squeeze %dma_wait3A_265 : memref<1x1x64xi32, #tpu.memory_space<hbm>> -> memref<64xi32, #tpu.memory_space<hbm>>
      %dma_wait3A_267 = arith.constant 0 : i32
      %dma_wait3A_268 = tpu.memref_slice %arg7[%dma_wait3A_260, %dma_wait3A_267] : memref<4x64xi32, #tpu.memory_space<vmem>> -> memref<1x64xi32, #tpu.memory_space<vmem>>
      %dma_wait3A_269 = tpu.memref_squeeze %dma_wait3A_268 : memref<1x64xi32, #tpu.memory_space<vmem>> -> memref<64xi32, #tpu.memory_space<vmem>>
      %dma_wait3A_270 = arith.constant 0 : i32
      %dma_wait3A_271 = tpu.memref_slice %arg4[%add3A, %add3A_259, %dma_wait3A_270] : memref<32x160x64xi32, #tpu.memory_space<hbm>> -> memref<1x1x64xi32, #tpu.memory_space<hbm>>
      %dma_wait3A_272 = tpu.memref_squeeze %dma_wait3A_271 : memref<1x1x64xi32, #tpu.memory_space<hbm>> -> memref<64xi32, #tpu.memory_space<hbm>>
      tpu.wait_dma2 semaphore(%arg28 : memref<!tpu.dma_semaphore, #tpu.memory_space<semaphore_mem>>) src(%dma_wait3A_272 : memref<64xi32, #tpu.memory_space<hbm>>) dst(%dma_wait3A_269 : memref<64xi32, #tpu.memory_space<vmem>>)
      %dma_start3A_273 = arith.constant 3 : i32
      %dma_start3A_274 = arith.constant 0 : i32
      %dma_start3A_275 = tpu.memref_slice %arg7[%dma_start3A_273, %dma_start3A_274] : memref<4x64xi32, #tpu.memory_space<vmem>> -> memref<1x64xi32, #tpu.memory_space<vmem>>
      %dma_start3A_276 = tpu.memref_squeeze %dma_start3A_275 : memref<1x64xi32, #tpu.memory_space<vmem>> -> memref<64xi32, #tpu.memory_space<vmem>>
      %dma_start3A_277 = arith.constant 0 : i32
      %dma_start3A_278 = arith.constant 0 : i32
      %dma_start3A_279 = tpu.memref_slice %arg6[%dma_start3A_277, %dma_start3A_278] : memref<10240x128xf32, #tpu.memory_space<vmem_shared>> -> memref<10240x128xf32, #tpu.memory_space<vmem_shared>>
      tpu.enqueue_indirect_dma source(%arg12 : memref<64x128xf32, #tpu.memory_space<vmem>>) target(%dma_start3A_279 : memref<10240x128xf32, #tpu.memory_space<vmem_shared>>) offsets(%dma_start3A_276 : memref<64xi32, #tpu.memory_space<vmem>>) semaphore(%arg20 : memref<!tpu.dma_semaphore, #tpu.memory_space<semaphore_mem>>) {add = true}
      %lt3A_280 = arith.constant 39 : i32
      %lt3A_281 = arith.cmpi slt, %add3A_150, %lt3A_280 : i32
      %convert_element_type3A_282 = arith.extui %lt3A_281 : i1 to i32
      %cond3A_283 = arith.constant 0 : i32
      %cond3A_284 = arith.cmpi ne, %convert_element_type3A_282, %cond3A_283 : i32
      scf.if %cond3A_284 {
        %add3A_333 = arith.constant 3 : i32
        %add3A_334 = arith.addi %mul3A_152, %add3A_333 : i32
        %add3A_335 = arith.constant 4 : i32
        %add3A_336 = arith.addi %add3A_334, %add3A_335 : i32
        %dma_start3A_337 = arith.constant 3 : i32
        %dma_start3A_338 = arith.constant 0 : i32
        %dma_start3A_339 = tpu.memref_slice %arg8[%dma_start3A_337, %dma_start3A_338] : memref<4x64xi32, #tpu.memory_space<vmem>> -> memref<1x64xi32, #tpu.memory_space<vmem>>
        %dma_start3A_340 = tpu.memref_squeeze %dma_start3A_339 : memref<1x64xi32, #tpu.memory_space<vmem>> -> memref<64xi32, #tpu.memory_space<vmem>>
        %dma_start3A_341 = arith.constant 0 : i32
        %dma_start3A_342 = tpu.memref_slice %arg3[%add3A, %add3A_336, %dma_start3A_341] : memref<32x160x64xi32, #tpu.memory_space<hbm>> -> memref<1x1x64xi32, #tpu.memory_space<hbm>>
        %dma_start3A_343 = tpu.memref_squeeze %dma_start3A_342 : memref<1x1x64xi32, #tpu.memory_space<hbm>> -> memref<64xi32, #tpu.memory_space<hbm>>
        %dma_start3A_344 = arith.constant 0 : i32
        %dma_start3A_345 = tpu.memref_slice %arg8[%dma_start3A_337, %dma_start3A_344] : memref<4x64xi32, #tpu.memory_space<vmem>> -> memref<1x64xi32, #tpu.memory_space<vmem>>
        %dma_start3A_346 = tpu.memref_squeeze %dma_start3A_345 : memref<1x64xi32, #tpu.memory_space<vmem>> -> memref<64xi32, #tpu.memory_space<vmem>>
        %dma_start3A_347 = arith.constant 0 : i32
        %dma_start3A_348 = tpu.memref_slice %arg3[%add3A, %add3A_336, %dma_start3A_347] : memref<32x160x64xi32, #tpu.memory_space<hbm>> -> memref<1x1x64xi32, #tpu.memory_space<hbm>>
        %dma_start3A_349 = tpu.memref_squeeze %dma_start3A_348 : memref<1x1x64xi32, #tpu.memory_space<hbm>> -> memref<64xi32, #tpu.memory_space<hbm>>
        tpu.enqueue_dma source(%dma_start3A_349 : memref<64xi32, #tpu.memory_space<hbm>>) target(%dma_start3A_346 : memref<64xi32, #tpu.memory_space<vmem>>) target_semaphore(%arg24 : memref<!tpu.dma_semaphore, #tpu.memory_space<semaphore_mem>>)
      } else {
      }
      %dma_wait3A_285 = arith.constant 0 : i32
      %dma_wait3A_286 = arith.constant 0 : i32
      %dma_wait3A_287 = tpu.memref_slice %arg7[%dma_wait3A_285, %dma_wait3A_286] : memref<4x64xi32, #tpu.memory_space<vmem>> -> memref<1x64xi32, #tpu.memory_space<vmem>>
      %dma_wait3A_288 = tpu.memref_squeeze %dma_wait3A_287 : memref<1x64xi32, #tpu.memory_space<vmem>> -> memref<64xi32, #tpu.memory_space<vmem>>
      %dma_wait3A_289 = arith.constant 0 : i32
      %dma_wait3A_290 = arith.constant 0 : i32
      %dma_wait3A_291 = tpu.memref_slice %arg6[%dma_wait3A_289, %dma_wait3A_290] : memref<10240x128xf32, #tpu.memory_space<vmem_shared>> -> memref<10240x128xf32, #tpu.memory_space<vmem_shared>>
      tpu.wait_indirect_dma semaphore(%arg17 : memref<!tpu.dma_semaphore, #tpu.memory_space<semaphore_mem>>) src(%arg9 : memref<64x128xf32, #tpu.memory_space<vmem>>) dst(%dma_wait3A_291 : memref<10240x128xf32, #tpu.memory_space<vmem_shared>>)
      %lt3A_292 = arith.constant 39 : i32
      %lt3A_293 = arith.cmpi slt, %add3A_150, %lt3A_292 : i32
      %convert_element_type3A_294 = arith.extui %lt3A_293 : i1 to i32
      %cond3A_295 = arith.constant 0 : i32
      %cond3A_296 = arith.cmpi ne, %convert_element_type3A_294, %cond3A_295 : i32
      scf.if %cond3A_296 {
        %add3A_333 = arith.constant 0 : i32
        %add3A_334 = arith.addi %mul3A_152, %add3A_333 : i32
        %add3A_335 = arith.constant 4 : i32
        %add3A_336 = arith.addi %add3A_334, %add3A_335 : i32
        %dma_start3A_337 = arith.constant 0 : i32
        %dma_start3A_338 = arith.constant 0 : i32
        %dma_start3A_339 = tpu.memref_slice %arg7[%dma_start3A_337, %dma_start3A_338] : memref<4x64xi32, #tpu.memory_space<vmem>> -> memref<1x64xi32, #tpu.memory_space<vmem>>
        %dma_start3A_340 = tpu.memref_squeeze %dma_start3A_339 : memref<1x64xi32, #tpu.memory_space<vmem>> -> memref<64xi32, #tpu.memory_space<vmem>>
        %dma_start3A_341 = arith.constant 0 : i32
        %dma_start3A_342 = tpu.memref_slice %arg4[%add3A, %add3A_336, %dma_start3A_341] : memref<32x160x64xi32, #tpu.memory_space<hbm>> -> memref<1x1x64xi32, #tpu.memory_space<hbm>>
        %dma_start3A_343 = tpu.memref_squeeze %dma_start3A_342 : memref<1x1x64xi32, #tpu.memory_space<hbm>> -> memref<64xi32, #tpu.memory_space<hbm>>
        %dma_start3A_344 = arith.constant 0 : i32
        %dma_start3A_345 = tpu.memref_slice %arg7[%dma_start3A_337, %dma_start3A_344] : memref<4x64xi32, #tpu.memory_space<vmem>> -> memref<1x64xi32, #tpu.memory_space<vmem>>
        %dma_start3A_346 = tpu.memref_squeeze %dma_start3A_345 : memref<1x64xi32, #tpu.memory_space<vmem>> -> memref<64xi32, #tpu.memory_space<vmem>>
        %dma_start3A_347 = arith.constant 0 : i32
        %dma_start3A_348 = tpu.memref_slice %arg4[%add3A, %add3A_336, %dma_start3A_347] : memref<32x160x64xi32, #tpu.memory_space<hbm>> -> memref<1x1x64xi32, #tpu.memory_space<hbm>>
        %dma_start3A_349 = tpu.memref_squeeze %dma_start3A_348 : memref<1x1x64xi32, #tpu.memory_space<hbm>> -> memref<64xi32, #tpu.memory_space<hbm>>
        tpu.enqueue_dma source(%dma_start3A_349 : memref<64xi32, #tpu.memory_space<hbm>>) target(%dma_start3A_346 : memref<64xi32, #tpu.memory_space<vmem>>) target_semaphore(%arg25 : memref<!tpu.dma_semaphore, #tpu.memory_space<semaphore_mem>>)
        %add3A_350 = arith.constant 0 : i32
        %add3A_351 = arith.addi %mul3A_152, %add3A_350 : i32
        %add3A_352 = arith.constant 4 : i32
        %add3A_353 = arith.addi %add3A_351, %add3A_352 : i32
        %dma_wait3A_354 = arith.constant 0 : i32
        %dma_wait3A_355 = arith.constant 0 : i32
        %dma_wait3A_356 = tpu.memref_slice %arg8[%dma_wait3A_354, %dma_wait3A_355] : memref<4x64xi32, #tpu.memory_space<vmem>> -> memref<1x64xi32, #tpu.memory_space<vmem>>
        %dma_wait3A_357 = tpu.memref_squeeze %dma_wait3A_356 : memref<1x64xi32, #tpu.memory_space<vmem>> -> memref<64xi32, #tpu.memory_space<vmem>>
        %dma_wait3A_358 = arith.constant 0 : i32
        %dma_wait3A_359 = tpu.memref_slice %arg3[%add3A, %add3A_353, %dma_wait3A_358] : memref<32x160x64xi32, #tpu.memory_space<hbm>> -> memref<1x1x64xi32, #tpu.memory_space<hbm>>
        %dma_wait3A_360 = tpu.memref_squeeze %dma_wait3A_359 : memref<1x1x64xi32, #tpu.memory_space<hbm>> -> memref<64xi32, #tpu.memory_space<hbm>>
        %dma_wait3A_361 = arith.constant 0 : i32
        %dma_wait3A_362 = tpu.memref_slice %arg8[%dma_wait3A_354, %dma_wait3A_361] : memref<4x64xi32, #tpu.memory_space<vmem>> -> memref<1x64xi32, #tpu.memory_space<vmem>>
        %dma_wait3A_363 = tpu.memref_squeeze %dma_wait3A_362 : memref<1x64xi32, #tpu.memory_space<vmem>> -> memref<64xi32, #tpu.memory_space<vmem>>
        %dma_wait3A_364 = arith.constant 0 : i32
        %dma_wait3A_365 = tpu.memref_slice %arg3[%add3A, %add3A_353, %dma_wait3A_364] : memref<32x160x64xi32, #tpu.memory_space<hbm>> -> memref<1x1x64xi32, #tpu.memory_space<hbm>>
        %dma_wait3A_366 = tpu.memref_squeeze %dma_wait3A_365 : memref<1x1x64xi32, #tpu.memory_space<hbm>> -> memref<64xi32, #tpu.memory_space<hbm>>
        tpu.wait_dma2 semaphore(%arg21 : memref<!tpu.dma_semaphore, #tpu.memory_space<semaphore_mem>>) src(%dma_wait3A_366 : memref<64xi32, #tpu.memory_space<hbm>>) dst(%dma_wait3A_363 : memref<64xi32, #tpu.memory_space<vmem>>)
        %dma_start3A_367 = arith.constant 0 : i32
        %dma_start3A_368 = arith.constant 0 : i32
        %dma_start3A_369 = tpu.memref_slice %arg8[%dma_start3A_367, %dma_start3A_368] : memref<4x64xi32, #tpu.memory_space<vmem>> -> memref<1x64xi32, #tpu.memory_space<vmem>>
        %dma_start3A_370 = tpu.memref_squeeze %dma_start3A_369 : memref<1x64xi32, #tpu.memory_space<vmem>> -> memref<64xi32, #tpu.memory_space<vmem>>
        %dma_start3A_371 = arith.constant 0 : i32
        %dma_start3A_372 = arith.constant 0 : i32
        %dma_start3A_373 = tpu.memref_slice %arg2[%dma_start3A_371, %dma_start3A_372] : memref<10240x128xf32, #tpu.memory_space<hbm>> -> memref<10240x128xf32, #tpu.memory_space<hbm>>
        tpu.enqueue_indirect_dma source(%dma_start3A_373 : memref<10240x128xf32, #tpu.memory_space<hbm>>) target(%arg9 : memref<64x128xf32, #tpu.memory_space<vmem>>) offsets(%dma_start3A_370 : memref<64xi32, #tpu.memory_space<vmem>>) semaphore(%arg13 : memref<!tpu.dma_semaphore, #tpu.memory_space<semaphore_mem>>)
      } else {
      }
      %dma_wait3A_297 = arith.constant 1 : i32
      %dma_wait3A_298 = arith.constant 0 : i32
      %dma_wait3A_299 = tpu.memref_slice %arg7[%dma_wait3A_297, %dma_wait3A_298] : memref<4x64xi32, #tpu.memory_space<vmem>> -> memref<1x64xi32, #tpu.memory_space<vmem>>
      %dma_wait3A_300 = tpu.memref_squeeze %dma_wait3A_299 : memref<1x64xi32, #tpu.memory_space<vmem>> -> memref<64xi32, #tpu.memory_space<vmem>>
      %dma_wait3A_301 = arith.constant 0 : i32
      %dma_wait3A_302 = arith.constant 0 : i32
      %dma_wait3A_303 = tpu.memref_slice %arg6[%dma_wait3A_301, %dma_wait3A_302] : memref<10240x128xf32, #tpu.memory_space<vmem_shared>> -> memref<10240x128xf32, #tpu.memory_space<vmem_shared>>
      tpu.wait_indirect_dma semaphore(%arg18 : memref<!tpu.dma_semaphore, #tpu.memory_space<semaphore_mem>>) src(%arg10 : memref<64x128xf32, #tpu.memory_space<vmem>>) dst(%dma_wait3A_303 : memref<10240x128xf32, #tpu.memory_space<vmem_shared>>)
      %lt3A_304 = arith.constant 39 : i32
      %lt3A_305 = arith.cmpi slt, %add3A_150, %lt3A_304 : i32
      %convert_element_type3A_306 = arith.extui %lt3A_305 : i1 to i32
      %cond3A_307 = arith.constant 0 : i32
      %cond3A_308 = arith.cmpi ne, %convert_element_type3A_306, %cond3A_307 : i32
      scf.if %cond3A_308 {
        %add3A_333 = arith.constant 1 : i32
        %add3A_334 = arith.addi %mul3A_152, %add3A_333 : i32
        %add3A_335 = arith.constant 4 : i32
        %add3A_336 = arith.addi %add3A_334, %add3A_335 : i32
        %dma_start3A_337 = arith.constant 1 : i32
        %dma_start3A_338 = arith.constant 0 : i32
        %dma_start3A_339 = tpu.memref_slice %arg7[%dma_start3A_337, %dma_start3A_338] : memref<4x64xi32, #tpu.memory_space<vmem>> -> memref<1x64xi32, #tpu.memory_space<vmem>>
        %dma_start3A_340 = tpu.memref_squeeze %dma_start3A_339 : memref<1x64xi32, #tpu.memory_space<vmem>> -> memref<64xi32, #tpu.memory_space<vmem>>
        %dma_start3A_341 = arith.constant 0 : i32
        %dma_start3A_342 = tpu.memref_slice %arg4[%add3A, %add3A_336, %dma_start3A_341] : memref<32x160x64xi32, #tpu.memory_space<hbm>> -> memref<1x1x64xi32, #tpu.memory_space<hbm>>
        %dma_start3A_343 = tpu.memref_squeeze %dma_start3A_342 : memref<1x1x64xi32, #tpu.memory_space<hbm>> -> memref<64xi32, #tpu.memory_space<hbm>>
        %dma_start3A_344 = arith.constant 0 : i32
        %dma_start3A_345 = tpu.memref_slice %arg7[%dma_start3A_337, %dma_start3A_344] : memref<4x64xi32, #tpu.memory_space<vmem>> -> memref<1x64xi32, #tpu.memory_space<vmem>>
        %dma_start3A_346 = tpu.memref_squeeze %dma_start3A_345 : memref<1x64xi32, #tpu.memory_space<vmem>> -> memref<64xi32, #tpu.memory_space<vmem>>
        %dma_start3A_347 = arith.constant 0 : i32
        %dma_start3A_348 = tpu.memref_slice %arg4[%add3A, %add3A_336, %dma_start3A_347] : memref<32x160x64xi32, #tpu.memory_space<hbm>> -> memref<1x1x64xi32, #tpu.memory_space<hbm>>
        %dma_start3A_349 = tpu.memref_squeeze %dma_start3A_348 : memref<1x1x64xi32, #tpu.memory_space<hbm>> -> memref<64xi32, #tpu.memory_space<hbm>>
        tpu.enqueue_dma source(%dma_start3A_349 : memref<64xi32, #tpu.memory_space<hbm>>) target(%dma_start3A_346 : memref<64xi32, #tpu.memory_space<vmem>>) target_semaphore(%arg26 : memref<!tpu.dma_semaphore, #tpu.memory_space<semaphore_mem>>)
        %add3A_350 = arith.constant 1 : i32
        %add3A_351 = arith.addi %mul3A_152, %add3A_350 : i32
        %add3A_352 = arith.constant 4 : i32
        %add3A_353 = arith.addi %add3A_351, %add3A_352 : i32
        %dma_wait3A_354 = arith.constant 1 : i32
        %dma_wait3A_355 = arith.constant 0 : i32
        %dma_wait3A_356 = tpu.memref_slice %arg8[%dma_wait3A_354, %dma_wait3A_355] : memref<4x64xi32, #tpu.memory_space<vmem>> -> memref<1x64xi32, #tpu.memory_space<vmem>>
        %dma_wait3A_357 = tpu.memref_squeeze %dma_wait3A_356 : memref<1x64xi32, #tpu.memory_space<vmem>> -> memref<64xi32, #tpu.memory_space<vmem>>
        %dma_wait3A_358 = arith.constant 0 : i32
        %dma_wait3A_359 = tpu.memref_slice %arg3[%add3A, %add3A_353, %dma_wait3A_358] : memref<32x160x64xi32, #tpu.memory_space<hbm>> -> memref<1x1x64xi32, #tpu.memory_space<hbm>>
        %dma_wait3A_360 = tpu.memref_squeeze %dma_wait3A_359 : memref<1x1x64xi32, #tpu.memory_space<hbm>> -> memref<64xi32, #tpu.memory_space<hbm>>
        %dma_wait3A_361 = arith.constant 0 : i32
        %dma_wait3A_362 = tpu.memref_slice %arg8[%dma_wait3A_354, %dma_wait3A_361] : memref<4x64xi32, #tpu.memory_space<vmem>> -> memref<1x64xi32, #tpu.memory_space<vmem>>
        %dma_wait3A_363 = tpu.memref_squeeze %dma_wait3A_362 : memref<1x64xi32, #tpu.memory_space<vmem>> -> memref<64xi32, #tpu.memory_space<vmem>>
        %dma_wait3A_364 = arith.constant 0 : i32
        %dma_wait3A_365 = tpu.memref_slice %arg3[%add3A, %add3A_353, %dma_wait3A_364] : memref<32x160x64xi32, #tpu.memory_space<hbm>> -> memref<1x1x64xi32, #tpu.memory_space<hbm>>
        %dma_wait3A_366 = tpu.memref_squeeze %dma_wait3A_365 : memref<1x1x64xi32, #tpu.memory_space<hbm>> -> memref<64xi32, #tpu.memory_space<hbm>>
        tpu.wait_dma2 semaphore(%arg22 : memref<!tpu.dma_semaphore, #tpu.memory_space<semaphore_mem>>) src(%dma_wait3A_366 : memref<64xi32, #tpu.memory_space<hbm>>) dst(%dma_wait3A_363 : memref<64xi32, #tpu.memory_space<vmem>>)
        %dma_start3A_367 = arith.constant 1 : i32
        %dma_start3A_368 = arith.constant 0 : i32
        %dma_start3A_369 = tpu.memref_slice %arg8[%dma_start3A_367, %dma_start3A_368] : memref<4x64xi32, #tpu.memory_space<vmem>> -> memref<1x64xi32, #tpu.memory_space<vmem>>
        %dma_start3A_370 = tpu.memref_squeeze %dma_start3A_369 : memref<1x64xi32, #tpu.memory_space<vmem>> -> memref<64xi32, #tpu.memory_space<vmem>>
        %dma_start3A_371 = arith.constant 0 : i32
        %dma_start3A_372 = arith.constant 0 : i32
        %dma_start3A_373 = tpu.memref_slice %arg2[%dma_start3A_371, %dma_start3A_372] : memref<10240x128xf32, #tpu.memory_space<hbm>> -> memref<10240x128xf32, #tpu.memory_space<hbm>>
        tpu.enqueue_indirect_dma source(%dma_start3A_373 : memref<10240x128xf32, #tpu.memory_space<hbm>>) target(%arg10 : memref<64x128xf32, #tpu.memory_space<vmem>>) offsets(%dma_start3A_370 : memref<64xi32, #tpu.memory_space<vmem>>) semaphore(%arg14 : memref<!tpu.dma_semaphore, #tpu.memory_space<semaphore_mem>>)
      } else {
      }
      %dma_wait3A_309 = arith.constant 2 : i32
      %dma_wait3A_310 = arith.constant 0 : i32
      %dma_wait3A_311 = tpu.memref_slice %arg7[%dma_wait3A_309, %dma_wait3A_310] : memref<4x64xi32, #tpu.memory_space<vmem>> -> memref<1x64xi32, #tpu.memory_space<vmem>>
      %dma_wait3A_312 = tpu.memref_squeeze %dma_wait3A_311 : memref<1x64xi32, #tpu.memory_space<vmem>> -> memref<64xi32, #tpu.memory_space<vmem>>
      %dma_wait3A_313 = arith.constant 0 : i32
      %dma_wait3A_314 = arith.constant 0 : i32
      %dma_wait3A_315 = tpu.memref_slice %arg6[%dma_wait3A_313, %dma_wait3A_314] : memref<10240x128xf32, #tpu.memory_space<vmem_shared>> -> memref<10240x128xf32, #tpu.memory_space<vmem_shared>>
      tpu.wait_indirect_dma semaphore(%arg19 : memref<!tpu.dma_semaphore, #tpu.memory_space<semaphore_mem>>) src(%arg11 : memref<64x128xf32, #tpu.memory_space<vmem>>) dst(%dma_wait3A_315 : memref<10240x128xf32, #tpu.memory_space<vmem_shared>>)
      %lt3A_316 = arith.constant 39 : i32
      %lt3A_317 = arith.cmpi slt, %add3A_150, %lt3A_316 : i32
      %convert_element_type3A_318 = arith.extui %lt3A_317 : i1 to i32
      %cond3A_319 = arith.constant 0 : i32
      %cond3A_320 = arith.cmpi ne, %convert_element_type3A_318, %cond3A_319 : i32
      scf.if %cond3A_320 {
        %add3A_333 = arith.constant 2 : i32
        %add3A_334 = arith.addi %mul3A_152, %add3A_333 : i32
        %add3A_335 = arith.constant 4 : i32
        %add3A_336 = arith.addi %add3A_334, %add3A_335 : i32
        %dma_start3A_337 = arith.constant 2 : i32
        %dma_start3A_338 = arith.constant 0 : i32
        %dma_start3A_339 = tpu.memref_slice %arg7[%dma_start3A_337, %dma_start3A_338] : memref<4x64xi32, #tpu.memory_space<vmem>> -> memref<1x64xi32, #tpu.memory_space<vmem>>
        %dma_start3A_340 = tpu.memref_squeeze %dma_start3A_339 : memref<1x64xi32, #tpu.memory_space<vmem>> -> memref<64xi32, #tpu.memory_space<vmem>>
        %dma_start3A_341 = arith.constant 0 : i32
        %dma_start3A_342 = tpu.memref_slice %arg4[%add3A, %add3A_336, %dma_start3A_341] : memref<32x160x64xi32, #tpu.memory_space<hbm>> -> memref<1x1x64xi32, #tpu.memory_space<hbm>>
        %dma_start3A_343 = tpu.memref_squeeze %dma_start3A_342 : memref<1x1x64xi32, #tpu.memory_space<hbm>> -> memref<64xi32, #tpu.memory_space<hbm>>
        %dma_start3A_344 = arith.constant 0 : i32
        %dma_start3A_345 = tpu.memref_slice %arg7[%dma_start3A_337, %dma_start3A_344] : memref<4x64xi32, #tpu.memory_space<vmem>> -> memref<1x64xi32, #tpu.memory_space<vmem>>
        %dma_start3A_346 = tpu.memref_squeeze %dma_start3A_345 : memref<1x64xi32, #tpu.memory_space<vmem>> -> memref<64xi32, #tpu.memory_space<vmem>>
        %dma_start3A_347 = arith.constant 0 : i32
        %dma_start3A_348 = tpu.memref_slice %arg4[%add3A, %add3A_336, %dma_start3A_347] : memref<32x160x64xi32, #tpu.memory_space<hbm>> -> memref<1x1x64xi32, #tpu.memory_space<hbm>>
        %dma_start3A_349 = tpu.memref_squeeze %dma_start3A_348 : memref<1x1x64xi32, #tpu.memory_space<hbm>> -> memref<64xi32, #tpu.memory_space<hbm>>
        tpu.enqueue_dma source(%dma_start3A_349 : memref<64xi32, #tpu.memory_space<hbm>>) target(%dma_start3A_346 : memref<64xi32, #tpu.memory_space<vmem>>) target_semaphore(%arg27 : memref<!tpu.dma_semaphore, #tpu.memory_space<semaphore_mem>>)
        %add3A_350 = arith.constant 2 : i32
        %add3A_351 = arith.addi %mul3A_152, %add3A_350 : i32
        %add3A_352 = arith.constant 4 : i32
        %add3A_353 = arith.addi %add3A_351, %add3A_352 : i32
        %dma_wait3A_354 = arith.constant 2 : i32
        %dma_wait3A_355 = arith.constant 0 : i32
        %dma_wait3A_356 = tpu.memref_slice %arg8[%dma_wait3A_354, %dma_wait3A_355] : memref<4x64xi32, #tpu.memory_space<vmem>> -> memref<1x64xi32, #tpu.memory_space<vmem>>
        %dma_wait3A_357 = tpu.memref_squeeze %dma_wait3A_356 : memref<1x64xi32, #tpu.memory_space<vmem>> -> memref<64xi32, #tpu.memory_space<vmem>>
        %dma_wait3A_358 = arith.constant 0 : i32
        %dma_wait3A_359 = tpu.memref_slice %arg3[%add3A, %add3A_353, %dma_wait3A_358] : memref<32x160x64xi32, #tpu.memory_space<hbm>> -> memref<1x1x64xi32, #tpu.memory_space<hbm>>
        %dma_wait3A_360 = tpu.memref_squeeze %dma_wait3A_359 : memref<1x1x64xi32, #tpu.memory_space<hbm>> -> memref<64xi32, #tpu.memory_space<hbm>>
        %dma_wait3A_361 = arith.constant 0 : i32
        %dma_wait3A_362 = tpu.memref_slice %arg8[%dma_wait3A_354, %dma_wait3A_361] : memref<4x64xi32, #tpu.memory_space<vmem>> -> memref<1x64xi32, #tpu.memory_space<vmem>>
        %dma_wait3A_363 = tpu.memref_squeeze %dma_wait3A_362 : memref<1x64xi32, #tpu.memory_space<vmem>> -> memref<64xi32, #tpu.memory_space<vmem>>
        %dma_wait3A_364 = arith.constant 0 : i32
        %dma_wait3A_365 = tpu.memref_slice %arg3[%add3A, %add3A_353, %dma_wait3A_364] : memref<32x160x64xi32, #tpu.memory_space<hbm>> -> memref<1x1x64xi32, #tpu.memory_space<hbm>>
        %dma_wait3A_366 = tpu.memref_squeeze %dma_wait3A_365 : memref<1x1x64xi32, #tpu.memory_space<hbm>> -> memref<64xi32, #tpu.memory_space<hbm>>
        tpu.wait_dma2 semaphore(%arg23 : memref<!tpu.dma_semaphore, #tpu.memory_space<semaphore_mem>>) src(%dma_wait3A_366 : memref<64xi32, #tpu.memory_space<hbm>>) dst(%dma_wait3A_363 : memref<64xi32, #tpu.memory_space<vmem>>)
        %dma_start3A_367 = arith.constant 2 : i32
        %dma_start3A_368 = arith.constant 0 : i32
        %dma_start3A_369 = tpu.memref_slice %arg8[%dma_start3A_367, %dma_start3A_368] : memref<4x64xi32, #tpu.memory_space<vmem>> -> memref<1x64xi32, #tpu.memory_space<vmem>>
        %dma_start3A_370 = tpu.memref_squeeze %dma_start3A_369 : memref<1x64xi32, #tpu.memory_space<vmem>> -> memref<64xi32, #tpu.memory_space<vmem>>
        %dma_start3A_371 = arith.constant 0 : i32
        %dma_start3A_372 = arith.constant 0 : i32
        %dma_start3A_373 = tpu.memref_slice %arg2[%dma_start3A_371, %dma_start3A_372] : memref<10240x128xf32, #tpu.memory_space<hbm>> -> memref<10240x128xf32, #tpu.memory_space<hbm>>
        tpu.enqueue_indirect_dma source(%dma_start3A_373 : memref<10240x128xf32, #tpu.memory_space<hbm>>) target(%arg11 : memref<64x128xf32, #tpu.memory_space<vmem>>) offsets(%dma_start3A_370 : memref<64xi32, #tpu.memory_space<vmem>>) semaphore(%arg15 : memref<!tpu.dma_semaphore, #tpu.memory_space<semaphore_mem>>)
      } else {
      }
      %dma_wait3A_321 = arith.constant 3 : i32
      %dma_wait3A_322 = arith.constant 0 : i32
      %dma_wait3A_323 = tpu.memref_slice %arg7[%dma_wait3A_321, %dma_wait3A_322] : memref<4x64xi32, #tpu.memory_space<vmem>> -> memref<1x64xi32, #tpu.memory_space<vmem>>
      %dma_wait3A_324 = tpu.memref_squeeze %dma_wait3A_323 : memref<1x64xi32, #tpu.memory_space<vmem>> -> memref<64xi32, #tpu.memory_space<vmem>>
      %dma_wait3A_325 = arith.constant 0 : i32
      %dma_wait3A_326 = arith.constant 0 : i32
      %dma_wait3A_327 = tpu.memref_slice %arg6[%dma_wait3A_325, %dma_wait3A_326] : memref<10240x128xf32, #tpu.memory_space<vmem_shared>> -> memref<10240x128xf32, #tpu.memory_space<vmem_shared>>
      tpu.wait_indirect_dma semaphore(%arg20 : memref<!tpu.dma_semaphore, #tpu.memory_space<semaphore_mem>>) src(%arg12 : memref<64x128xf32, #tpu.memory_space<vmem>>) dst(%dma_wait3A_327 : memref<10240x128xf32, #tpu.memory_space<vmem_shared>>)
      %lt3A_328 = arith.constant 39 : i32
      %lt3A_329 = arith.cmpi slt, %add3A_150, %lt3A_328 : i32
      %convert_element_type3A_330 = arith.extui %lt3A_329 : i1 to i32
      %cond3A_331 = arith.constant 0 : i32
      %cond3A_332 = arith.cmpi ne, %convert_element_type3A_330, %cond3A_331 : i32
      scf.if %cond3A_332 {
        %add3A_333 = arith.constant 3 : i32
        %add3A_334 = arith.addi %mul3A_152, %add3A_333 : i32
        %add3A_335 = arith.constant 4 : i32
        %add3A_336 = arith.addi %add3A_334, %add3A_335 : i32
        %dma_start3A_337 = arith.constant 3 : i32
        %dma_start3A_338 = arith.constant 0 : i32
        %dma_start3A_339 = tpu.memref_slice %arg7[%dma_start3A_337, %dma_start3A_338] : memref<4x64xi32, #tpu.memory_space<vmem>> -> memref<1x64xi32, #tpu.memory_space<vmem>>
        %dma_start3A_340 = tpu.memref_squeeze %dma_start3A_339 : memref<1x64xi32, #tpu.memory_space<vmem>> -> memref<64xi32, #tpu.memory_space<vmem>>
        %dma_start3A_341 = arith.constant 0 : i32
        %dma_start3A_342 = tpu.memref_slice %arg4[%add3A, %add3A_336, %dma_start3A_341] : memref<32x160x64xi32, #tpu.memory_space<hbm>> -> memref<1x1x64xi32, #tpu.memory_space<hbm>>
        %dma_start3A_343 = tpu.memref_squeeze %dma_start3A_342 : memref<1x1x64xi32, #tpu.memory_space<hbm>> -> memref<64xi32, #tpu.memory_space<hbm>>
        %dma_start3A_344 = arith.constant 0 : i32
        %dma_start3A_345 = tpu.memref_slice %arg7[%dma_start3A_337, %dma_start3A_344] : memref<4x64xi32, #tpu.memory_space<vmem>> -> memref<1x64xi32, #tpu.memory_space<vmem>>
        %dma_start3A_346 = tpu.memref_squeeze %dma_start3A_345 : memref<1x64xi32, #tpu.memory_space<vmem>> -> memref<64xi32, #tpu.memory_space<vmem>>
        %dma_start3A_347 = arith.constant 0 : i32
        %dma_start3A_348 = tpu.memref_slice %arg4[%add3A, %add3A_336, %dma_start3A_347] : memref<32x160x64xi32, #tpu.memory_space<hbm>> -> memref<1x1x64xi32, #tpu.memory_space<hbm>>
        %dma_start3A_349 = tpu.memref_squeeze %dma_start3A_348 : memref<1x1x64xi32, #tpu.memory_space<hbm>> -> memref<64xi32, #tpu.memory_space<hbm>>
        tpu.enqueue_dma source(%dma_start3A_349 : memref<64xi32, #tpu.memory_space<hbm>>) target(%dma_start3A_346 : memref<64xi32, #tpu.memory_space<vmem>>) target_semaphore(%arg28 : memref<!tpu.dma_semaphore, #tpu.memory_space<semaphore_mem>>)
        %add3A_350 = arith.constant 3 : i32
        %add3A_351 = arith.addi %mul3A_152, %add3A_350 : i32
        %add3A_352 = arith.constant 4 : i32
        %add3A_353 = arith.addi %add3A_351, %add3A_352 : i32
        %dma_wait3A_354 = arith.constant 3 : i32
        %dma_wait3A_355 = arith.constant 0 : i32
        %dma_wait3A_356 = tpu.memref_slice %arg8[%dma_wait3A_354, %dma_wait3A_355] : memref<4x64xi32, #tpu.memory_space<vmem>> -> memref<1x64xi32, #tpu.memory_space<vmem>>
        %dma_wait3A_357 = tpu.memref_squeeze %dma_wait3A_356 : memref<1x64xi32, #tpu.memory_space<vmem>> -> memref<64xi32, #tpu.memory_space<vmem>>
        %dma_wait3A_358 = arith.constant 0 : i32
        %dma_wait3A_359 = tpu.memref_slice %arg3[%add3A, %add3A_353, %dma_wait3A_358] : memref<32x160x64xi32, #tpu.memory_space<hbm>> -> memref<1x1x64xi32, #tpu.memory_space<hbm>>
        %dma_wait3A_360 = tpu.memref_squeeze %dma_wait3A_359 : memref<1x1x64xi32, #tpu.memory_space<hbm>> -> memref<64xi32, #tpu.memory_space<hbm>>
        %dma_wait3A_361 = arith.constant 0 : i32
        %dma_wait3A_362 = tpu.memref_slice %arg8[%dma_wait3A_354, %dma_wait3A_361] : memref<4x64xi32, #tpu.memory_space<vmem>> -> memref<1x64xi32, #tpu.memory_space<vmem>>
        %dma_wait3A_363 = tpu.memref_squeeze %dma_wait3A_362 : memref<1x64xi32, #tpu.memory_space<vmem>> -> memref<64xi32, #tpu.memory_space<vmem>>
        %dma_wait3A_364 = arith.constant 0 : i32
        %dma_wait3A_365 = tpu.memref_slice %arg3[%add3A, %add3A_353, %dma_wait3A_364] : memref<32x160x64xi32, #tpu.memory_space<hbm>> -> memref<1x1x64xi32, #tpu.memory_space<hbm>>
        %dma_wait3A_366 = tpu.memref_squeeze %dma_wait3A_365 : memref<1x1x64xi32, #tpu.memory_space<hbm>> -> memref<64xi32, #tpu.memory_space<hbm>>
        tpu.wait_dma2 semaphore(%arg24 : memref<!tpu.dma_semaphore, #tpu.memory_space<semaphore_mem>>) src(%dma_wait3A_366 : memref<64xi32, #tpu.memory_space<hbm>>) dst(%dma_wait3A_363 : memref<64xi32, #tpu.memory_space<vmem>>)
        %dma_start3A_367 = arith.constant 3 : i32
        %dma_start3A_368 = arith.constant 0 : i32
        %dma_start3A_369 = tpu.memref_slice %arg8[%dma_start3A_367, %dma_start3A_368] : memref<4x64xi32, #tpu.memory_space<vmem>> -> memref<1x64xi32, #tpu.memory_space<vmem>>
        %dma_start3A_370 = tpu.memref_squeeze %dma_start3A_369 : memref<1x64xi32, #tpu.memory_space<vmem>> -> memref<64xi32, #tpu.memory_space<vmem>>
        %dma_start3A_371 = arith.constant 0 : i32
        %dma_start3A_372 = arith.constant 0 : i32
        %dma_start3A_373 = tpu.memref_slice %arg2[%dma_start3A_371, %dma_start3A_372] : memref<10240x128xf32, #tpu.memory_space<hbm>> -> memref<10240x128xf32, #tpu.memory_space<hbm>>
        tpu.enqueue_indirect_dma source(%dma_start3A_373 : memref<10240x128xf32, #tpu.memory_space<hbm>>) target(%arg12 : memref<64x128xf32, #tpu.memory_space<vmem>>) offsets(%dma_start3A_370 : memref<64xi32, #tpu.memory_space<vmem>>) semaphore(%arg16 : memref<!tpu.dma_semaphore, #tpu.memory_space<semaphore_mem>>)
      } else {
      }
    }
    %scan3A_140 = arith.constant 40 : i32
    %barrier3A_141 = arith.constant 0 : index
    tpu.barrier barrier_id(%barrier3A_141)
    %mul3A_142 = arith.constant 640 : i32
    %mul3A_143 = arith.muli %arg1, %mul3A_142 : i32
    %mul3A_144 = arith.constant 640 : i32
    %mul3A_145 = arith.muli %arg1, %mul3A_144 : i32
    "tpu.region"() ({
      %run_scoped3A_146 = tpu.sem_alloc : memref<!tpu.dma_semaphore, #tpu.memory_space<semaphore_mem>>
      %dma_start3A_147 = arith.constant 0 : i32
      %dma_start3A_148 = tpu.memref_slice %arg5[%arg0, %mul3A_145, %dma_start3A_147] : memref<2x10240x128xf32, #tpu.memory_space<hbm>> -> memref<1x640x128xf32, #tpu.memory_space<hbm>>
      %dma_start3A_149 = tpu.memref_squeeze %dma_start3A_148 : memref<1x640x128xf32, #tpu.memory_space<hbm>> -> memref<640x128xf32, #tpu.memory_space<hbm>>
      %dma_start3A_150 = arith.constant 0 : i32
      %dma_start3A_151 = tpu.memref_slice %arg6[%mul3A_143, %dma_start3A_150] : memref<10240x128xf32, #tpu.memory_space<vmem_shared>> -> memref<640x128xf32, #tpu.memory_space<vmem_shared>>
      tpu.enqueue_dma source(%dma_start3A_151 : memref<640x128xf32, #tpu.memory_space<vmem_shared>>) target(%dma_start3A_149 : memref<640x128xf32, #tpu.memory_space<hbm>>) target_semaphore(%run_scoped3A_146 : memref<!tpu.dma_semaphore, #tpu.memory_space<semaphore_mem>>)
      %dma_wait3A = arith.constant 0 : i32
      %dma_wait3A_152 = tpu.memref_slice %arg5[%arg0, %mul3A_145, %dma_wait3A] : memref<2x10240x128xf32, #tpu.memory_space<hbm>> -> memref<1x640x128xf32, #tpu.memory_space<hbm>>
      %dma_wait3A_153 = tpu.memref_squeeze %dma_wait3A_152 : memref<1x640x128xf32, #tpu.memory_space<hbm>> -> memref<640x128xf32, #tpu.memory_space<hbm>>
      %dma_wait3A_154 = arith.constant 0 : i32
      %dma_wait3A_155 = tpu.memref_slice %arg6[%mul3A_143, %dma_wait3A_154] : memref<10240x128xf32, #tpu.memory_space<vmem_shared>> -> memref<640x128xf32, #tpu.memory_space<vmem_shared>>
      tpu.wait_dma2 semaphore(%run_scoped3A_146 : memref<!tpu.dma_semaphore, #tpu.memory_space<semaphore_mem>>) src(%dma_wait3A_155 : memref<640x128xf32, #tpu.memory_space<vmem_shared>>) dst(%dma_wait3A_153 : memref<640x128xf32, #tpu.memory_space<hbm>>)
      tpu.yield
    }) : () -> ()
    return
  }
}

module attributes {stable_mosaic.version = 14 : i64} {
  func.func @_prep_body(%arg0: i32, %arg1: memref<32x2048xf32, #tpu.memory_space<vmem>>, %arg2: memref<2048x128xf32, #tpu.memory_space<vmem>>, %arg3: memref<128x128xf32, #tpu.memory_space<vmem>>, %arg4: memref<2048x1xf32, #tpu.memory_space<vmem>>, %arg5: memref<2048x128xf32, #tpu.memory_space<vmem>>) attributes {dimension_semantics = [#tpu.dimension_semantics<arbitrary>], iteration_bounds = array<i64: 5>, scalar_prefetch = 0 : i64, scratch_operands = 0 : i64, tpu.core_type = #tpu.core_type<tc>, window_params = [{transform_indices = @transform_0, window_bounds = array<i64: 32, 2048>}, {transform_indices = @transform_1, window_bounds = array<i64: 2048, 128>}, {pipeline_mode = #tpu.pipeline_mode<synchronous>, transform_indices = @transform_2, window_bounds = array<i64: 128, 128>}, {transform_indices = @transform_3, window_bounds = array<i64: 2048, 1>}, {transform_indices = @transform_4, window_bounds = array<i64: 2048, 128>}]} {
    %get3A = arith.constant 0 : index
    %get3A_0 = arith.constant 0 : index
    %get3A_1 = vector.load %arg1[%get3A, %get3A_0] : memref<32x2048xf32, #tpu.memory_space<vmem>>, vector<32x2048xf32>
    %reduce_sum3A = arith.constant dense<0.000000e+00> : vector<2048xf32>
    %reduce_sum3A_2 = vector.multi_reduction <add>, %get3A_1, %reduce_sum3A [0] : vector<32x2048xf32> to vector<2048xf32>
    %add3A = arith.constant 1.000000e+00 : f32
    %add3A_3 = vector.broadcast %add3A : f32 to vector<2048xf32>
    %add3A_4 = arith.addf %reduce_sum3A_2, %add3A_3 : vector<2048xf32>
    %rsqrt3A = math.rsqrt %add3A_4 : vector<2048xf32>
    %broadcast_in_dim3A = vector.shape_cast %rsqrt3A : vector<2048xf32> to vector<2048x1xf32>
    %get3A_5 = arith.constant 0 : index
    %get3A_6 = arith.constant 0 : index
    %get3A_7 = vector.load %arg2[%get3A_5, %get3A_6] : memref<2048x128xf32, #tpu.memory_space<vmem>>, vector<2048x128xf32>
    %get3A_8 = arith.constant 0 : index
    %get3A_9 = arith.constant 0 : index
    %get3A_10 = vector.load %arg3[%get3A_8, %get3A_9] : memref<128x128xf32, #tpu.memory_space<vmem>>, vector<128x128xf32>
    %dot_general3A = arith.constant dense<0.000000e+00> : vector<2048x128xf32>
    %dot_general3A_11 = tpu.matmul %get3A_7, %get3A_10, %dot_general3A {dimension_numbers = #tpu.dot_dimension_numbers<[1], [0], [0], [1], [0, 0, 1, 1], [], []>, precision = #tpu.contract_precision<fp32>, transpose_lhs_hint = false} : vector<2048x128xf32>, vector<128x128xf32>, vector<2048x128xf32> -> vector<2048x128xf32>
    %swap3A = arith.constant 0 : index
    %swap3A_12 = arith.constant 0 : index
    %swap3A_13 = vector.load %arg4[%swap3A, %swap3A_12] : memref<2048x1xf32, #tpu.memory_space<vmem>>, vector<2048x1xf32>
    tpu.vector_store %arg4[%swap3A, %swap3A_12], %broadcast_in_dim3A {strides = array<i32>} : memref<2048x1xf32, #tpu.memory_space<vmem>>, vector<2048x1xf32>,
    %mul3A = vector.broadcast %broadcast_in_dim3A : vector<2048x1xf32> to vector<2048x128xf32>
    %mul3A_14 = arith.mulf %dot_general3A_11, %mul3A : vector<2048x128xf32>
    %swap3A_15 = arith.constant 0 : index
    %swap3A_16 = arith.constant 0 : index
    %swap3A_17 = vector.load %arg5[%swap3A_15, %swap3A_16] : memref<2048x128xf32, #tpu.memory_space<vmem>>, vector<2048x128xf32>
    tpu.vector_store %arg5[%swap3A_15, %swap3A_16], %mul3A_14 {strides = array<i32>} : memref<2048x128xf32, #tpu.memory_space<vmem>>, vector<2048x128xf32>,
    return
  }
  func.func @transform_0(%arg0: i32) -> (i32, i32) {
    %c0_i32 = arith.constant 0 : i32
    %c0_i32_0 = arith.constant 0 : i32
    return %c0_i32, %arg0 : i32, i32
  }
  func.func @transform_1(%arg0: i32) -> (i32, i32) {
    %c0_i32 = arith.constant 0 : i32
    %c0_i32_0 = arith.constant 0 : i32
    return %arg0, %c0_i32 : i32, i32
  }
  func.func @transform_2(%arg0: i32) -> (i32, i32) {
    %c0_i32 = arith.constant 0 : i32
    %c0_i32_0 = arith.constant 0 : i32
    %c0_i32_1 = arith.constant 0 : i32
    return %c0_i32, %c0_i32_0 : i32, i32
  }
  func.func @transform_3(%arg0: i32) -> (i32, i32) {
    %c0_i32 = arith.constant 0 : i32
    %c0_i32_0 = arith.constant 0 : i32
    return %arg0, %c0_i32 : i32, i32
  }
  func.func @transform_4(%arg0: i32) -> (i32, i32) {
    %c0_i32 = arith.constant 0 : i32
    %c0_i32_0 = arith.constant 0 : i32
    return %arg0, %c0_i32 : i32, i32
  }
}

module attributes {stable_mosaic.version = 14 : i64} {
  func.func @_mid_body(%arg0: i32, %arg1: memref<2x2048x128xf32, #tpu.memory_space<vmem>>, %arg2: memref<2048x128xf32, #tpu.memory_space<vmem>>, %arg3: memref<2048x1xf32, #tpu.memory_space<vmem>>, %arg4: memref<1x128xf32, #tpu.memory_space<vmem>>, %arg5: memref<128x128xf32, #tpu.memory_space<vmem>>, %arg6: memref<2048x128xf32, #tpu.memory_space<vmem>>) attributes {dimension_semantics = [#tpu.dimension_semantics<arbitrary>], iteration_bounds = array<i64: 5>, scalar_prefetch = 0 : i64, scratch_operands = 0 : i64, tpu.core_type = #tpu.core_type<tc>, window_params = [{transform_indices = @transform_0, window_bounds = array<i64: 2, 2048, 128>}, {transform_indices = @transform_1, window_bounds = array<i64: 2048, 128>}, {transform_indices = @transform_2, window_bounds = array<i64: 2048, 1>}, {pipeline_mode = #tpu.pipeline_mode<synchronous>, transform_indices = @transform_3, window_bounds = array<i64: 1, 128>}, {pipeline_mode = #tpu.pipeline_mode<synchronous>, transform_indices = @transform_4, window_bounds = array<i64: 128, 128>}, {transform_indices = @transform_5, window_bounds = array<i64: 2048, 128>}]} {
    %get3A = arith.constant 0 : index
    %get3A_0 = arith.constant 0 : index
    %get3A_1 = arith.constant 0 : index
    %get3A_2 = vector.load %arg1[%get3A, %get3A_0, %get3A_1] : memref<2x2048x128xf32, #tpu.memory_space<vmem>>, vector<1x2048x128xf32>
    %get3A_3 = vector.shape_cast %get3A_2 : vector<1x2048x128xf32> to vector<2048x128xf32>
    %get3A_4 = arith.constant 1 : index
    %get3A_5 = arith.constant 0 : index
    %get3A_6 = arith.constant 0 : index
    %get3A_7 = vector.load %arg1[%get3A_4, %get3A_5, %get3A_6] : memref<2x2048x128xf32, #tpu.memory_space<vmem>>, vector<1x2048x128xf32>
    %get3A_8 = vector.shape_cast %get3A_7 : vector<1x2048x128xf32> to vector<2048x128xf32>
    %add3A = arith.addf %get3A_3, %get3A_8 : vector<2048x128xf32>
    %get3A_9 = arith.constant 0 : index
    %get3A_10 = arith.constant 0 : index
    %get3A_11 = vector.load %arg2[%get3A_9, %get3A_10] : memref<2048x128xf32, #tpu.memory_space<vmem>>, vector<2048x128xf32>
    %add3A_12 = arith.addf %add3A, %get3A_11 : vector<2048x128xf32>
    %get3A_13 = arith.constant 0 : index
    %get3A_14 = arith.constant 0 : index
    %get3A_15 = vector.load %arg3[%get3A_13, %get3A_14] : memref<2048x1xf32, #tpu.memory_space<vmem>>, vector<2048x1xf32>
    %mul3A = vector.broadcast %get3A_15 : vector<2048x1xf32> to vector<2048x128xf32>
    %mul3A_16 = arith.mulf %mul3A, %add3A_12 : vector<2048x128xf32>
    %get3A_17 = arith.constant 0 : index
    %get3A_18 = arith.constant 0 : index
    %get3A_19 = vector.load %arg4[%get3A_17, %get3A_18] : memref<1x128xf32, #tpu.memory_space<vmem>>, vector<1x128xf32>
    %add3A_20 = vector.broadcast %get3A_19 : vector<1x128xf32> to vector<2048x128xf32>
    %add3A_21 = arith.addf %mul3A_16, %add3A_20 : vector<2048x128xf32>
    %ge3A = arith.constant 0.000000e+00 : f32
    %ge3A_22 = vector.broadcast %ge3A : f32 to vector<2048x128xf32>
    %ge3A_23 = arith.cmpf oge, %add3A_21, %ge3A_22 : vector<2048x128xf32>
    %mul3A_24 = arith.constant 1.000000e-01 : f32
    %mul3A_25 = vector.broadcast %mul3A_24 : f32 to vector<2048x128xf32>
    %mul3A_26 = arith.mulf %mul3A_25, %add3A_21 : vector<2048x128xf32>
    %select_n3A = arith.select %ge3A_23, %add3A_21, %mul3A_26 : vector<2048x128xi1>, vector<2048x128xf32>
    %get3A_27 = arith.constant 0 : index
    %get3A_28 = arith.constant 0 : index
    %get3A_29 = vector.load %arg5[%get3A_27, %get3A_28] : memref<128x128xf32, #tpu.memory_space<vmem>>, vector<128x128xf32>
    %dot_general3A = arith.constant dense<0.000000e+00> : vector<2048x128xf32>
    %dot_general3A_30 = tpu.matmul %select_n3A, %get3A_29, %dot_general3A {dimension_numbers = #tpu.dot_dimension_numbers<[1], [0], [0], [1], [0, 0, 1, 1], [], []>, precision = #tpu.contract_precision<fp32>, transpose_lhs_hint = false} : vector<2048x128xf32>, vector<128x128xf32>, vector<2048x128xf32> -> vector<2048x128xf32>
    %get3A_31 = arith.constant 0 : index
    %get3A_32 = arith.constant 0 : index
    %get3A_33 = vector.load %arg3[%get3A_31, %get3A_32] : memref<2048x1xf32, #tpu.memory_space<vmem>>, vector<2048x1xf32>
    %mul3A_34 = vector.broadcast %get3A_33 : vector<2048x1xf32> to vector<2048x128xf32>
    %mul3A_35 = arith.mulf %dot_general3A_30, %mul3A_34 : vector<2048x128xf32>
    %swap3A = arith.constant 0 : index
    %swap3A_36 = arith.constant 0 : index
    %swap3A_37 = vector.load %arg6[%swap3A, %swap3A_36] : memref<2048x128xf32, #tpu.memory_space<vmem>>, vector<2048x128xf32>
    tpu.vector_store %arg6[%swap3A, %swap3A_36], %mul3A_35 {strides = array<i32>} : memref<2048x128xf32, #tpu.memory_space<vmem>>, vector<2048x128xf32>,
    return
  }
  func.func @transform_0(%arg0: i32) -> (i32, i32, i32) {
    %c0_i32 = arith.constant 0 : i32
    %c0_i32_0 = arith.constant 0 : i32
    %c0_i32_1 = arith.constant 0 : i32
    return %c0_i32, %arg0, %c0_i32_0 : i32, i32, i32
  }
  func.func @transform_1(%arg0: i32) -> (i32, i32) {
    %c0_i32 = arith.constant 0 : i32
    %c0_i32_0 = arith.constant 0 : i32
    return %arg0, %c0_i32 : i32, i32
  }
  func.func @transform_2(%arg0: i32) -> (i32, i32) {
    %c0_i32 = arith.constant 0 : i32
    %c0_i32_0 = arith.constant 0 : i32
    return %arg0, %c0_i32 : i32, i32
  }
  func.func @transform_3(%arg0: i32) -> (i32, i32) {
    %c0_i32 = arith.constant 0 : i32
    %c0_i32_0 = arith.constant 0 : i32
    %c0_i32_1 = arith.constant 0 : i32
    return %c0_i32, %c0_i32_0 : i32, i32
  }
  func.func @transform_4(%arg0: i32) -> (i32, i32) {
    %c0_i32 = arith.constant 0 : i32
    %c0_i32_0 = arith.constant 0 : i32
    %c0_i32_1 = arith.constant 0 : i32
    return %c0_i32, %c0_i32_0 : i32, i32
  }
  func.func @transform_5(%arg0: i32) -> (i32, i32) {
    %c0_i32 = arith.constant 0 : i32
    %c0_i32_0 = arith.constant 0 : i32
    return %arg0, %c0_i32 : i32, i32
  }
}

module attributes {stable_mosaic.version = 14 : i64} {
  func.func @_pool_body(%arg0: i32, %arg1: memref<2x2048x128xf32, #tpu.memory_space<vmem>>, %arg2: memref<2048x128xf32, #tpu.memory_space<vmem>>, %arg3: memref<2048x1xf32, #tpu.memory_space<vmem>>, %arg4: memref<1x128xf32, #tpu.memory_space<vmem>>, %arg5: memref<1x1x2048xi32, #tpu.memory_space<vmem>>, %arg6: memref<64x128xf32, #tpu.memory_space<vmem>>, %arg7: memref<1x64xf32, #tpu.memory_space<vmem>>, %arg8: memref<64x64xf32, #tpu.memory_space<vmem>>, %arg9: memref<64x128xf32, #tpu.memory_space<vmem>>, %arg10: memref<64x1xf32, #tpu.memory_space<vmem>>) attributes {dimension_semantics = [#tpu.dimension_semantics<arbitrary>], iteration_bounds = array<i64: 5>, scalar_prefetch = 0 : i64, scratch_operands = 2 : i64, tpu.core_type = #tpu.core_type<tc>, window_params = [{transform_indices = @transform_0, window_bounds = array<i64: 2, 2048, 128>}, {transform_indices = @transform_1, window_bounds = array<i64: 2048, 128>}, {transform_indices = @transform_2, window_bounds = array<i64: 2048, 1>}, {pipeline_mode = #tpu.pipeline_mode<synchronous>, transform_indices = @transform_3, window_bounds = array<i64: 1, 128>}, {transform_indices = @transform_4, window_bounds = array<i64: 1, 1, 2048>}, {pipeline_mode = #tpu.pipeline_mode<synchronous>, transform_indices = @transform_5, window_bounds = array<i64: 64, 128>}, {pipeline_mode = #tpu.pipeline_mode<synchronous>, transform_indices = @transform_6, window_bounds = array<i64: 1, 64>}, {pipeline_mode = #tpu.pipeline_mode<synchronous>, transform_indices = @transform_7, window_bounds = array<i64: 64, 64>}]} {
    %get3A = arith.constant 0 : index
    %get3A_0 = arith.constant 0 : index
    %get3A_1 = arith.constant 0 : index
    %get3A_2 = vector.load %arg1[%get3A, %get3A_0, %get3A_1] : memref<2x2048x128xf32, #tpu.memory_space<vmem>>, vector<1x2048x128xf32>
    %get3A_3 = vector.shape_cast %get3A_2 : vector<1x2048x128xf32> to vector<2048x128xf32>
    %get3A_4 = arith.constant 1 : index
    %get3A_5 = arith.constant 0 : index
    %get3A_6 = arith.constant 0 : index
    %get3A_7 = vector.load %arg1[%get3A_4, %get3A_5, %get3A_6] : memref<2x2048x128xf32, #tpu.memory_space<vmem>>, vector<1x2048x128xf32>
    %get3A_8 = vector.shape_cast %get3A_7 : vector<1x2048x128xf32> to vector<2048x128xf32>
    %add3A = arith.addf %get3A_3, %get3A_8 : vector<2048x128xf32>
    %get3A_9 = arith.constant 0 : index
    %get3A_10 = arith.constant 0 : index
    %get3A_11 = vector.load %arg2[%get3A_9, %get3A_10] : memref<2048x128xf32, #tpu.memory_space<vmem>>, vector<2048x128xf32>
    %add3A_12 = arith.addf %add3A, %get3A_11 : vector<2048x128xf32>
    %get3A_13 = arith.constant 0 : index
    %get3A_14 = arith.constant 0 : index
    %get3A_15 = vector.load %arg3[%get3A_13, %get3A_14] : memref<2048x1xf32, #tpu.memory_space<vmem>>, vector<2048x1xf32>
    %mul3A = vector.broadcast %get3A_15 : vector<2048x1xf32> to vector<2048x128xf32>
    %mul3A_16 = arith.mulf %mul3A, %add3A_12 : vector<2048x128xf32>
    %get3A_17 = arith.constant 0 : index
    %get3A_18 = arith.constant 0 : index
    %get3A_19 = vector.load %arg4[%get3A_17, %get3A_18] : memref<1x128xf32, #tpu.memory_space<vmem>>, vector<1x128xf32>
    %add3A_20 = vector.broadcast %get3A_19 : vector<1x128xf32> to vector<2048x128xf32>
    %add3A_21 = arith.addf %mul3A_16, %add3A_20 : vector<2048x128xf32>
    %ge3A = arith.constant 0.000000e+00 : f32
    %ge3A_22 = vector.broadcast %ge3A : f32 to vector<2048x128xf32>
    %ge3A_23 = arith.cmpf oge, %add3A_21, %ge3A_22 : vector<2048x128xf32>
    %mul3A_24 = arith.constant 1.000000e-01 : f32
    %mul3A_25 = vector.broadcast %mul3A_24 : f32 to vector<2048x128xf32>
    %mul3A_26 = arith.mulf %mul3A_25, %add3A_21 : vector<2048x128xf32>
    %select_n3A = arith.select %ge3A_23, %add3A_21, %mul3A_26 : vector<2048x128xi1>, vector<2048x128xf32>
    %get3A_27 = arith.constant 0 : index
    %get3A_28 = arith.constant 0 : index
    %get3A_29 = arith.constant 0 : index
    %get3A_30 = vector.load %arg5[%get3A_27, %get3A_28, %get3A_29] : memref<1x1x2048xi32, #tpu.memory_space<vmem>>, vector<1x1x2048xi32>
    %get3A_31 = vector.shape_cast %get3A_30 : vector<1x1x2048xi32> to vector<2048xi32>
    %iota3A = tpu.iota {dimensions = array<i32: 0>} : vector<64x2048xi32>
    %broadcast_in_dim3A = vector.shape_cast %get3A_31 : vector<2048xi32> to vector<1x2048xi32>
    %eq3A = vector.broadcast %broadcast_in_dim3A : vector<1x2048xi32> to vector<64x2048xi32>
    %eq3A_32 = arith.cmpi eq, %iota3A, %eq3A : vector<64x2048xi32>
    %convert_element_type3A = arith.extui %eq3A_32 : vector<64x2048xi1> to vector<64x2048xi32>
    %convert_element_type3A_33 = arith.sitofp %convert_element_type3A : vector<64x2048xi32> to vector<64x2048xf32>
    %dot_general3A = arith.constant dense<0.000000e+00> : vector<64x128xf32>
    %dot_general3A_34 = tpu.matmul %convert_element_type3A_33, %select_n3A, %dot_general3A {dimension_numbers = #tpu.dot_dimension_numbers<[1], [0], [0], [1], [0, 0, 1, 1], [], []>, precision = #tpu.contract_precision<fp32>, transpose_lhs_hint = false} : vector<64x2048xf32>, vector<2048x128xf32>, vector<64x128xf32> -> vector<64x128xf32>
    %reduce_sum3A = arith.constant dense<0.000000e+00> : vector<64xf32>
    %reduce_sum3A_35 = vector.multi_reduction <add>, %convert_element_type3A_33, %reduce_sum3A [1] : vector<64x2048xf32> to vector<64xf32>
    %broadcast_in_dim3A_36 = vector.shape_cast %reduce_sum3A_35 : vector<64xf32> to vector<64x1xf32>
    %eq3A_37 = arith.constant 0 : i32
    %eq3A_38 = arith.cmpi eq, %arg0, %eq3A_37 : i32
    %convert_element_type3A_39 = arith.extui %eq3A_38 : i1 to i32
    %cond3A = arith.constant 0 : i32
    %cond3A_40 = arith.cmpi ne, %convert_element_type3A_39, %cond3A : i32
    scf.if %cond3A_40 {
      %broadcast_in_dim3A_59 = arith.constant 0.000000e+00 : f32
      %broadcast_in_dim3A_60 = vector.broadcast %broadcast_in_dim3A_59 : f32 to vector<64x128xf32>
      %swap3A_61 = arith.constant 0 : index
      %swap3A_62 = arith.constant 0 : index
      %swap3A_63 = vector.load %arg9[%swap3A_61, %swap3A_62] : memref<64x128xf32, #tpu.memory_space<vmem>>, vector<64x128xf32>
      tpu.vector_store %arg9[%swap3A_61, %swap3A_62], %broadcast_in_dim3A_60 {strides = array<i32>} : memref<64x128xf32, #tpu.memory_space<vmem>>, vector<64x128xf32>,
      %broadcast_in_dim3A_64 = arith.constant 0.000000e+00 : f32
      %broadcast_in_dim3A_65 = vector.broadcast %broadcast_in_dim3A_64 : f32 to vector<64x1xf32>
      %swap3A_66 = arith.constant 0 : index
      %swap3A_67 = arith.constant 0 : index
      %swap3A_68 = vector.load %arg10[%swap3A_66, %swap3A_67] : memref<64x1xf32, #tpu.memory_space<vmem>>, vector<64x1xf32>
      tpu.vector_store %arg10[%swap3A_66, %swap3A_67], %broadcast_in_dim3A_65 {strides = array<i32>} : memref<64x1xf32, #tpu.memory_space<vmem>>, vector<64x1xf32>,
    } else {
    }
    %get3A_41 = arith.constant 0 : index
    %get3A_42 = arith.constant 0 : index
    %get3A_43 = vector.load %arg9[%get3A_41, %get3A_42] : memref<64x128xf32, #tpu.memory_space<vmem>>, vector<64x128xf32>
    %add3A_44 = arith.addf %get3A_43, %dot_general3A_34 : vector<64x128xf32>
    %swap3A = arith.constant 0 : index
    %swap3A_45 = arith.constant 0 : index
    %swap3A_46 = vector.load %arg9[%swap3A, %swap3A_45] : memref<64x128xf32, #tpu.memory_space<vmem>>, vector<64x128xf32>
    tpu.vector_store %arg9[%swap3A, %swap3A_45], %add3A_44 {strides = array<i32>} : memref<64x128xf32, #tpu.memory_space<vmem>>, vector<64x128xf32>,
    %get3A_47 = arith.constant 0 : index
    %get3A_48 = arith.constant 0 : index
    %get3A_49 = vector.load %arg10[%get3A_47, %get3A_48] : memref<64x1xf32, #tpu.memory_space<vmem>>, vector<64x1xf32>
    %add3A_50 = arith.addf %get3A_49, %broadcast_in_dim3A_36 : vector<64x1xf32>
    %swap3A_51 = arith.constant 0 : index
    %swap3A_52 = arith.constant 0 : index
    %swap3A_53 = vector.load %arg10[%swap3A_51, %swap3A_52] : memref<64x1xf32, #tpu.memory_space<vmem>>, vector<64x1xf32>
    tpu.vector_store %arg10[%swap3A_51, %swap3A_52], %add3A_50 {strides = array<i32>} : memref<64x1xf32, #tpu.memory_space<vmem>>, vector<64x1xf32>,
    %eq3A_54 = arith.constant 4 : i32
    %eq3A_55 = arith.cmpi eq, %arg0, %eq3A_54 : i32
    %convert_element_type3A_56 = arith.extui %eq3A_55 : i1 to i32
    %cond3A_57 = arith.constant 0 : i32
    %cond3A_58 = arith.cmpi ne, %convert_element_type3A_56, %cond3A_57 : i32
    scf.if %cond3A_58 {
      %get3A_59 = arith.constant 0 : index
      %get3A_60 = arith.constant 0 : index
      %get3A_61 = vector.load %arg9[%get3A_59, %get3A_60] : memref<64x128xf32, #tpu.memory_space<vmem>>, vector<64x128xf32>
      %get3A_62 = arith.constant 0 : index
      %get3A_63 = arith.constant 0 : index
      %get3A_64 = vector.load %arg10[%get3A_62, %get3A_63] : memref<64x1xf32, #tpu.memory_space<vmem>>, vector<64x1xf32>
      %max3A = arith.constant 1.000000e+00 : f32
      %max3A_65 = vector.broadcast %max3A : f32 to vector<64x1xf32>
      %max3A_66 = arith.maximumf %get3A_64, %max3A_65 : vector<64x1xf32>
      %div3A = vector.broadcast %max3A_66 : vector<64x1xf32> to vector<64x128xf32>
      %div3A_67 = arith.divf %get3A_61, %div3A : vector<64x128xf32>
      %get3A_68 = arith.constant 0 : index
      %get3A_69 = arith.constant 0 : index
      %get3A_70 = vector.load %arg6[%get3A_68, %get3A_69] : memref<64x128xf32, #tpu.memory_space<vmem>>, vector<64x128xf32>
      %dot_general3A_71 = arith.constant dense<0.000000e+00> : vector<64x64xf32>
      %dot_general3A_72 = tpu.matmul %div3A_67, %get3A_70, %dot_general3A_71 {dimension_numbers = #tpu.dot_dimension_numbers<[1], [1], [0], [0], [0, 0, 1, 0], [], []>, precision = #tpu.contract_precision<fp32>, transpose_lhs_hint = false} : vector<64x128xf32>, vector<64x128xf32>, vector<64x64xf32> -> vector<64x64xf32>
      %get3A_73 = arith.constant 0 : index
      %get3A_74 = arith.constant 0 : index
      %get3A_75 = vector.load %arg7[%get3A_73, %get3A_74] : memref<1x64xf32, #tpu.memory_space<vmem>>, vector<1x64xf32>
      %add3A_76 = vector.broadcast %get3A_75 : vector<1x64xf32> to vector<64x64xf32>
      %add3A_77 = arith.addf %dot_general3A_72, %add3A_76 : vector<64x64xf32>
      %swap3A_78 = arith.constant 0 : index
      %swap3A_79 = arith.constant 0 : index
      %swap3A_80 = vector.load %arg8[%swap3A_78, %swap3A_79] : memref<64x64xf32, #tpu.memory_space<vmem>>, vector<64x64xf32>
      tpu.vector_store %arg8[%swap3A_78, %swap3A_79], %add3A_77 {strides = array<i32>} : memref<64x64xf32, #tpu.memory_space<vmem>>, vector<64x64xf32>,
    } else {
    }
    return
  }
  func.func @transform_0(%arg0: i32) -> (i32, i32, i32) {
    %c0_i32 = arith.constant 0 : i32
    %c0_i32_0 = arith.constant 0 : i32
    %c0_i32_1 = arith.constant 0 : i32
    return %c0_i32, %arg0, %c0_i32_0 : i32, i32, i32
  }
  func.func @transform_1(%arg0: i32) -> (i32, i32) {
    %c0_i32 = arith.constant 0 : i32
    %c0_i32_0 = arith.constant 0 : i32
    return %arg0, %c0_i32 : i32, i32
  }
  func.func @transform_2(%arg0: i32) -> (i32, i32) {
    %c0_i32 = arith.constant 0 : i32
    %c0_i32_0 = arith.constant 0 : i32
    return %arg0, %c0_i32 : i32, i32
  }
  func.func @transform_3(%arg0: i32) -> (i32, i32) {
    %c0_i32 = arith.constant 0 : i32
    %c0_i32_0 = arith.constant 0 : i32
    %c0_i32_1 = arith.constant 0 : i32
    return %c0_i32, %c0_i32_0 : i32, i32
  }
  func.func @transform_4(%arg0: i32) -> (i32, i32, i32) {
    %c0_i32 = arith.constant 0 : i32
    %c0_i32_0 = arith.constant 0 : i32
    %c0_i32_1 = arith.constant 0 : i32
    return %arg0, %c0_i32, %c0_i32_0 : i32, i32, i32
  }
  func.func @transform_5(%arg0: i32) -> (i32, i32) {
    %c0_i32 = arith.constant 0 : i32
    %c0_i32_0 = arith.constant 0 : i32
    %c0_i32_1 = arith.constant 0 : i32
    return %c0_i32, %c0_i32_0 : i32, i32
  }
  func.func @transform_6(%arg0: i32) -> (i32, i32) {
    %c0_i32 = arith.constant 0 : i32
    %c0_i32_0 = arith.constant 0 : i32
    %c0_i32_1 = arith.constant 0 : i32
    return %c0_i32, %c0_i32_0 : i32, i32
  }
  func.func @transform_7(%arg0: i32) -> (i32, i32) {
    %c0_i32 = arith.constant 0 : i32
    %c0_i32_0 = arith.constant 0 : i32
    %c0_i32_1 = arith.constant 0 : i32
    return %c0_i32, %c0_i32_0 : i32, i32
  }
}

</mosaic_0001>

<sc_bundles>
// kernel: agg.4.cloned.1.call-start
scs
__scs_entry_jumppad:
0x0: {  	(pc) =	sbr.rel $0x88, $3  }
0x1: {  	(tag) =	ssettag $0x0;
	lr =	simm.s32 $0x1  }
0x2: {  	[smem:$0x3F98] =	sst lr;
	_ =	strace $0xD0000000  }
0x3: {  	_ = 	snop  }
0x4: {  	_ = 	snop  }
0x5: {  	_ = 	snop  }
0x6: {  	_ = 	snop  }
0x7: {  	_ = 	snop  }
__scs_overlays_trampoline_lowered:
0x8: {  	[smem:$0x3FA7] =	sst s0  }
0x9: {  	[smem:$0x3FA8] =	sst s1  }
0xa: {  	[smem:$0x3FA9] =	sst s2  }
0xb: {  	[smem:$0x3FAA] =	sst s3  }
0xc: {  	[smem:$0x3FAB] =	sst s4  }
0xd: {  	[smem:$0x3FAC] =	sst s5  }
0xe: {  	[smem:$0x3FAD] =	sst s6  }
0xf: {  	[smem:$0x3FAE] =	sst s7  }
0x10: {  	[smem:$0x3FAF] =	sst s8  }
0x11: {  	[smem:$0x3FB0] =	sst s9;
	s0 =	simm.s32 @!p0 $0x0  }
0x12: {  	s1 =	sld [smem:$0x3F96];
	s0 =	simm.s32 @p0 $0x1  }
0x13: {  	[smem:$0x3FB1] =	sst s0;
	s0 =	simm.s32 @!p1 $0x0  }
0x14: {  	s2 =	sld [smem:$0x3F95];
	s0 =	simm.s32 @p1 $0x1  }
0x15: {  	[smem:$0x3FB2] =	sst s0;
	s0 =	simm.s32 @!p2 $0x0  }
0x16: {  	s3 =	sld [smem:$0x3FDB];
	s0 =	simm.s32 @p2 $0x1  }
0x17: {  	s4 =	simm.s32 $0x1BF5;
	[smem:$0x3FB4] =	sst s0  }
0x18: {  	s0 =	sld [smem:$0x3F97];
	_ =	swait.ge [sflag:s4], $0x0  }
0x19: {  	s7 =	sld [smem:$0x3F98]  }
0x1a: {  	s8 =	sadd.s32 $0xFFFFE003, lr  }
0x1b: {  	s9 =	sadd.s32 $0xFFFFFEF7, lr;
	s5 =	simm.s32 $0xFFFFFFFF;
	p2 =	slt.u32 s8, $0xFFFFF086  }
0x1c: {  	p1 =	slt.u32 s9, $0xF7A;
	s5 =	simm.s32 @!p2 $0x0  }
0x1d: {  	s5 =	simm.s32 @p1 $0x1;
	p0 =	seq.s32 s7, s2  }
0x1e: {  	s7 =	smul.u32 @!p0 $0xF7A, s2;
	p2 =	seq.s32 @!p0 s5, $0x0  }
0x1f: {  	s9 =	smul.u32 $0xF7A, s1;
	s8 =	simm.s32 @!p0 $0x1BF5;
	p2 =	por !p2, p0  }
0x20: {  	[sflag:s8] =	ssyncset.s32 @!p0 $0xFFFFF086;
	s6 =	sadd.s32 @!p0 s3, s7;
	s7 =	simm.s32 @!p0 $0x108  }
0x21: {  	s3 =	sadd.s32 s3, s9;
	s6 =	sadd.s32 @!p0 $0x88, s6;
	s7 =	simm.s32 @p2 $0x1082  }
0x22: {  	[simem:s7], [sflag:s8] =	dma.local @!p0 [hbm:s6], $0xF7A  }
0x23: {  	s9 =	sor.u32 $0xD0000000, s2;
	s6 =	simm.s32 $0x108;
	_ =	swait.ge @!p0 [sflag:s8], $0x0  }
0x24: {  	s3 =	sadd.s32 $0x88, s3;
	s6 =	simm.s32 @!p1 $0x1082;
	[sflag:s4] =	ssyncset.s32 $0xFFFFF086  }
0x25: {  	[simem:s6], [sflag:s4] =	dma.local [hbm:s3], $0xF7A  }
0x26: {  	[smem:$0x3F98] =	sst s1;
	(tag) =	ssettag s2;
	_ =	strace s9  }
0x27: {  	s1 =	sld [smem:$0x3FA8]  }
0x28: {  	s2 =	sld [smem:$0x3FA9]  }
0x29: {  	s4 =	sld [smem:$0x3FAB]  }
0x2a: {  	p0 =	seq.s32 s5, $0x0;
	s5 =	sld [smem:$0x3FAC]  }
0x2b: {  	s6 =	sld [smem:$0x3FAD]  }
0x2c: {  	s7 =	sld [smem:$0x3FAE]  }
0x2d: {  	s3 =	simm.s32 $0x108;
	s8 =	sld [smem:$0x3FAF]  }
0x2e: {  	s3 =	simm.s32 @!p0 $0x1082;
	s9 =	sld [smem:$0x3FB0]  }
0x2f: {  	lr =	sadd.s32 s0, s3;
	s0 =	sld [smem:$0x3FA7]  }
0x30: {  	s3 =	sld [smem:$0x3FAA]  }
0x31: {  	[smem:$0x3FB3] =	sst s10  }
0x32: {  	s10 =	sld [smem:$0x3FB1];
	_ =	sdelay $0x3  }
0x33: {  	p0 =	seq.s32 s10, $0x1;
	s10 =	sld [smem:$0x3FB3];
	_ =	sdelay $0x3  }
0x34: {  	[smem:$0x3FB3] =	sst s10  }
0x35: {  	s10 =	sld [smem:$0x3FB2];
	_ =	sdelay $0x3  }
0x36: {  	p1 =	seq.s32 s10, $0x1;
	s10 =	sld [smem:$0x3FB3];
	_ =	sdelay $0x3  }
0x37: {  	[smem:$0x3FB3] =	sst s10  }
0x38: {  	s10 =	sld [smem:$0x3FB4]  }
0x39: {  	_ = 	snop;
	(pc) =	sbr.ind lr, $3  }
0x3a: {  	_ = 	snop  }
0x3b: {  	_ = 	snop  }
0x3c: {  	p2 =	seq.s32 s10, $0x1;
	s10 =	sld [smem:$0x3FB3]  }
0x3d: {  	_ =	shalt  }
0x3e: {  	_ =	shalt  }
0x3f: {  	_ =	shalt  }
0x40: {  	_ =	shalt  }
0x41: {  	_ =	shalt  }
0x42: {  	_ =	shalt  }
0x43: {  	_ =	shalt  }
0x44: {  	_ =	shalt  }
0x45: {  	_ =	shalt  }
0x46: {  	_ =	shalt  }
0x47: {  	_ =	shalt  }
0x48: {  	_ =	shalt  }
0x49: {  	_ =	shalt  }
0x4a: {  	_ =	shalt  }
0x4b: {  	_ =	shalt  }
0x4c: {  	_ =	shalt  }
0x4d: {  	_ =	shalt  }
0x4e: {  	_ =	shalt  }
0x4f: {  	_ =	shalt  }
0x50: {  	_ =	shalt  }
0x51: {  	_ =	shalt  }
0x52: {  	_ =	shalt  }
0x53: {  	_ =	shalt  }
0x54: {  	_ =	shalt  }
0x55: {  	_ =	shalt  }
0x56: {  	_ =	shalt  }
0x57: {  	_ =	shalt  }
0x58: {  	_ =	shalt  }
0x59: {  	_ =	shalt  }
0x5a: {  	_ =	shalt  }
0x5b: {  	_ =	shalt  }
0x5c: {  	_ =	shalt  }
0x5d: {  	_ =	shalt  }
0x5e: {  	_ =	shalt  }
0x5f: {  	_ =	shalt  }
0x60: {  	_ =	shalt  }
0x61: {  	_ =	shalt  }
0x62: {  	_ =	shalt  }
0x63: {  	_ =	shalt  }
0x64: {  	_ =	shalt  }
0x65: {  	_ =	shalt  }
0x66: {  	_ =	shalt  }
0x67: {  	_ =	shalt  }
0x68: {  	_ =	shalt  }
0x69: {  	_ =	shalt  }
0x6a: {  	_ =	shalt  }
0x6b: {  	_ =	shalt  }
0x6c: {  	_ =	shalt  }
0x6d: {  	_ =	shalt  }
0x6e: {  	_ =	shalt  }
0x6f: {  	_ =	shalt  }
0x70: {  	_ =	shalt  }
0x71: {  	_ =	shalt  }
0x72: {  	_ =	shalt  }
0x73: {  	_ =	shalt  }
0x74: {  	_ =	shalt  }
0x75: {  	_ =	shalt  }
0x76: {  	_ =	shalt  }
0x77: {  	_ =	shalt  }
0x78: {  	_ =	shalt  }
0x79: {  	_ =	shalt  }
0x7a: {  	_ =	shalt  }
0x7b: {  	_ =	shalt  }
0x7c: {  	_ =	shalt  }
0x7d: {  	_ =	shalt  }
0x7e: {  	_ =	shalt  }
0x7f: {  	_ =	shalt  }
0x80: {  	_ =	shalt  }
0x81: {  	_ =	shalt  }
0x82: {  	_ =	shalt  }
0x83: {  	_ =	shalt  }
0x84: {  	_ =	shalt  }
0x85: {  	_ =	shalt  }
0x86: {  	_ =	shalt  }
0x87: {  	_ =	shalt  }
.Lfunc_end0:
.L_simem_size_0:
called_computation.1_lowered:
.L_overlay_start_0:
0x88: {  	s2 =	sld [smem:$0x3FD9]  }
0x89: {  	s3 =	sld [smem:$0x3FFE];
	_ =	sdelay $0x1  }
0x8a: {  	s1 =	srdreg.scid  }
0x8b: {  	s0 =	sand.u32 $0x1, s1  }
0x8c: {  	s16 =	sshll.u32 s0, $0xA;
	s2 =	sadd.s32 s3, s2  }
0x8d: {  	s2 =	sadd.s32 s2, s16  }
0x8e: {  	[smem:$0x3FBF] =	sst s2  }
0x8f: {  	_ = 	snop  }
0x90: {  	(tm) =	ssettm $0x1  }
0x91: {  	s17 =	sld [smem:$0x3FFB];
	_ =	sdelay $0x3  }
0x92: {  	_ =	strace s17  }
0x93: {  	s2 =	sld [smem:$0x3FFC];
	_ =	sdelay $0x3  }
0x94: {  	_ =	strace s2  }
0x95: {  	s2 =	sld [smem:$0x3FFD];
	_ =	sdelay $0x3  }
0x96: {  	_ =	strace s2  }
0x97: {  	_ =	strace $0x8FFFFFFF  }
0x98: {  	s18 =	sld [smem:$0x3FDB];
	_ =	sdelay $0x1  }
0x99: {  	s19 =	simm.s32 $_scs_section_size  }
0x9a: {  	s4 =	simm.s32 $_size__tile_overlayer_lowered;
	s5 =	simm.s32 $_tile_overlayer_lowered  }
0x9b: {  	s22 =	simm.s32 $0x1BFF;
	s21 =	sshll.u32 s5, $0x1;
	s2 =	sadd.s32 s19, s18  }
0x9c: {  	s6 =	simm.s32 $0x0;
	s20 =	sshll.u32 s4, $0x1;
	s4 =	sadd.s32 s21, s2  }
0x9d: {  	[timem:s6], [sflag:s22] =	dma.local [hbm:s4], s20  }
0x9e: {  	_ =	swait.ge [sflag:s22], s20  }
0x9f: {  	s3 =	ssub.s32 $0x0, s20;
	[sflag:s22] =	ssyncset.done $0x0  }
0xa0: {  	[sflag:s22] =	ssyncadd.s32 s3;
	_ =	sdelay $0x1  }
0xa1: {  	s23 =	simm.s32 $0x1B8B  }
0xa2: {  	_ =	swait.ge [sflag:s23], $0x1  }
0xa3: {  	[sflag:s23] =	ssyncset.done $0x0  }
0xa4: {  	s25 =	simm.s32 $0x1B8E;
	s24 =	sld [smem:$0x3FFE];
	[sflag:s23] =	ssyncadd.s32 $0xFFFFFFFF  }
0xa5: {  	s26 =	simm.s32 $execute0_lowered;
	[smem:$0x3FD2] =	sst s25  }
0xa6: {  	s4 =	sshll.u32 s26, $0x1;
	_ =	strace $0x80000049;
	[dreg:$0x1] =	wrdreg $0xFFFFFFFF  }
0xa7: {  	s28 =	simm.s32 $_size_execute0_lowered;
	s2 =	sadd.s32 s2, s4;
	[dreg:$0x0] =	wrdreg $0x0  }
0xa8: {  	s4 =	sshll.u32 s28, $0x1;
	[dreg:$0x2] =	wrdreg s2  }
0xa9: {  	[dreg:$0x3] =	wrdreg s4  }
0xaa: {  	[dreg:$0x4] =	wrdreg $0xC0  }
0xab: {  	_ =	task [dreg:s6], $0x5FFFF  }
0xac: {  	[dreg:$0x1] =	wrdreg $0xFFFFFFFF  }
0xad: {  	[dreg:$0x0] =	wrdreg $0x60  }
0xae: {  	[dreg:$0x2] =	wrdreg s24  }
0xaf: {  	[dreg:$0x3] =	wrdreg $0x0  }
0xb0: {  	[dreg:$0x4] =	wrdreg $0x9  }
0xb1: {  	_ =	task.clear_ibuf [dreg:s6], $0x5FFFF;
	_ =	strace $0x90000049  }
0xb2: {  	s29 =	simm.s32 $0x9;
	_ =	strace $0x8000004B  }
0xb3: {  	_ =	swait.ge [sflag:s29], $0x1  }
0xb4: {  	[sflag:s29] =	ssyncadd.s32 $0xFFFFFFFF  }
0xb5: {  	_ =	strace $0x9000004B  }
0xb6: {  	_ =	sfence  }
0xb7: {  	s30 =	sld [smem:$0x0];
	_ =	sdelay $0x2  }
0xb8: {  	s31 =	sshll.u32 s1, $0xD;
	s1 =	sshrl.u32 s1, $0x2  }
0xb9: {  	s3 =	sand.u32 $0x4000, s31;
	s1 =	sadd.s32 s1, s30  }
0xba: {  	s0 =	sor.u32 s3, s0;
	s1 =	sshll.u32 s1, $0x11  }
0xbb: {  	s0 =	sor.u32 s1, s0  }
0xbc: {  	s0 =	sadd.s32 $0x8F2B, s0  }
0xbd: {  	[sflag:s0] =	ssyncadd.remote.s32 $0x1  }
0xbe: {  	_ =	sfence.sel $0xFFFF  }
0xbf: {  	[dreg:$0x0] =	wrdreg $0xFFFFFFFF;
	(pc) =	sbr.abs _section_cstart, $3  }
0xc0: {  	[dreg:$0x1] =	wrdreg $0xFFFFFFFF  }
0xc1: {  	_ =	task.clear_ibuf [dreg:s6], $0x2FFFF;
	_ =	strace $0x9FFFFFFF  }
0xc2: {  	(tm) =	ssettm $0x7FFFFFFF  }
0xc3: {  	_ =	shalt  }
tec
execute0_lowered:
.L_overlay_start_1:
0x0: {  	(tag) =	ssettag $0x1  }
0x1: {  	s0 =	rddreg [dreg:$0x0];
	s1 =	srdreg.scid  }
0x2: {  	s2 =	rddreg [dreg:$0x1];
	s10 =	stileid.u32  }
0x3: {  	s3 =	simm.s32 $0x0;
	s29 =	simm.s32 $0x14400;
	s31 =	simm.s32 $0x14000  }
0x4: {  	s28 =	simm.s32 $0x8;
	s1 =	sand.u32 $0x1, s1;
	s5 =	smul.u32 $0x14000, s10  }
0x5: {  	[smem:$0x7FF] =	sst s3;
	s8 =	smul.u32 $0x50000, s10;
	s6 =	sadd.s32 $0x3000, s0  }
0x6: {  	s4 =	smul.u32 $0x140000, s1;
	_ =	strace $0x8000004A;
	s30 =	ssub.s32 $0x2, s1  }
0x7: {  	s1 =	sshll.u32 s1, $0x4;
	s8 =	sshrl.u32 s8, $0x2;
	s9 =	sshrl.u32 s30, $0x1  }
0x8: {  	s1 =	sor.u32 s10, s1;
	s5 =	sadd.s32 s5, s4;
	s13 =	sadd.s32 s8, s2  }
0x9: {  	s4 =	sadd.s32 $0x35000, s0;
	s8 =	sadd.s32 $0x2000, s13;
	[dreg:$0x3] =	wrdreg s13  }
0xa: {  	s7 =	sshrl.u32 s5, $0x3;
	s10 =	sadd.s32 $0x6000, s13;
	[dreg:$0x4] =	wrdreg s8  }
0xb: {  	s5 =	sadd.s32 $0x21000, s0;
	s11 =	sadd.s32 $0x8000, s13;
	[dreg:$0x6] =	wrdreg s10  }
0xc: {  	s12 =	sadd.s32 $0xA000, s13;
	s14 =	sadd.s32 $0xC000, s13;
	[dreg:$0x7] =	wrdreg s11  }
0xd: {  	s16 =	sadd.s32 $0xE000, s13;
	s26 =	sadd.s32 $0x10000, s13;
	[dreg:$0x8] =	wrdreg s12  }
0xe: {  	s0 =	sadd.s32 s7, s0;
	s7 =	ssub.s32 s30, s9;
	[dreg:$0x9] =	wrdreg s14  }
0xf: {  	s9 =	smul.u32 $0x5000, s1;
	s8 =	sadd.s32 $0x4000, s13;
	[dreg:$0xa] =	wrdreg s16  }
0x10: {  	[dreg:$0x15] =	wrdreg s26;
	s30 =	sadd.s32 $0x12000, s13;
	s12 =	simm.s32 $0x11  }
0x11: {  	s14 =	simm.s32 $0x14100;
	s16 =	simm.s32 $0x18400;
	[dreg:$0x5] =	wrdreg s8  }
0x12: {  	s26 =	simm.s32 $0x7;
	s0 =	sadd.s32 $0x5D000, s0;
	[dreg:$0x16] =	wrdreg s30  }
0x13: {  	s11 =	simm.s32 $0xB;
	s25 =	smax.u32 s7, $0x1;
	[dreg:$0x13] =	wrdreg s0  }
0x14: {  	s7 =	simm.s32 $0x0;
	s15 =	sshrl.u32 s9, $0x3;
	[dreg:$0x14] =	wrdreg s25  }
0x15: {  	s25 =	simm.s32 $0x6;
	s0 =	simm.s32 $0xC;
	s17 =	sadd.s32 s6, s15  }
0x16: {  	s18 =	sor.u32 $0x10, s15;
	s19 =	sadd.s32 s5, s15;
	[dreg:$0xb] =	wrdreg s17  }
0x17: {  	s21 =	sor.u32 $0x20, s15;
	[dreg:$0xc] =	wrdreg s19;
	s20 =	sadd.s32 s6, s18  }
0x18: {  	s1 =	sor.u32 $0x30, s15;
	s8 =	sadd.s32 s5, s18;
	[dreg:$0xd] =	wrdreg s20  }
0x19: {  	s15 =	simm.s32 $0x14100;
	s22 =	sadd.s32 s6, s21;
	[dreg:$0xe] =	wrdreg s8  }
0x1a: {  	s23 =	sadd.s32 s5, s21;
	s24 =	sadd.s32 s6, s1;
	[dreg:$0xf] =	wrdreg s22  }
.Ltmp0:
0x1b: {  	s1 =	sadd.s32 s5, s1;
	[dreg:$0x10] =	wrdreg s23;
	(pc) =	sbr.rel .LBB2_1-.Ltmp0, $4  }
0x1c: {  	s17 =	simm.s32 $0x14180;
	s18 =	simm.s32 $0x1A400;
	[dreg:$0x11] =	wrdreg s24  }
0x1d: {  	s21 =	simm.s32 $0xF;
	s19 =	simm.s32 $0x1A400;
	[dreg:$0x12] =	wrdreg s1  }
0x1e: {  	s1 =	simm.s32 $0x40;
	s20 =	simm.s32 $0x3;
	s22 =	simm.s32 $0x4  }
0x1f: {  	v0 =	vimm.f32 $0.0e+00;
	s23 =	simm.s32 $0x10;
	s24 =	simm.s32 $0x5;
	s8 =	simm.s32 $0xA  }
.LBB2_6:
0x20: {  	_ =	swait.ge [sflag:s22], $0x2000  }
0x21: {  	[sflag:s22] =	ssyncset.done $0x0  }
0x22: {  	[sflag:s22] =	ssyncadd.s32 $0xFFFFE000  }
0x23: {  	_ =	swait.ge [sflag:s23], $0x80  }
0x24: {  	[sflag:s23] =	ssyncset.done $0x0  }
0x25: {  	[sflag:s23] =	ssyncadd.s32 $0xFFFFFF80  }
0x26: {  	[spmem:s2] =	stream.indirect.scatter.add.f32 [tilespmem:s18], [sflag:$0x8], $0x80, s17, s1, $0xb8;
	[tilespmem:$0x1C400] =	vst v63  }
0x27: {  	_ =	swait.ge [sflag:s24], $0x2000  }
0x28: {  	[sflag:s24] =	ssyncset.done $0x0  }
0x29: {  	[sflag:s24] =	ssyncadd.s32 $0xFFFFE000  }
0x2a: {  	_ =	swait.ge [sflag:s25], $0x2000  }
0x2b: {  	[sflag:s25] =	ssyncset.done $0x0  }
0x2c: {  	[sflag:s25] =	ssyncadd.s32 $0xFFFFE000  }
0x2d: {  	_ =	swait.ge [sflag:s26], $0x2000  }
0x2e: {  	[sflag:s26] =	ssyncset.done $0x0  }
0x2f: {  	[sflag:s26] =	ssyncadd.s32 $0xFFFFE000  }
0x30: {  	_ =	swait.ge [sflag:s28], $0x2000  }
0x31: {  	[sflag:s28] =	ssyncset.done $0x0  }
0x32: {  	[sflag:s28] =	ssyncadd.s32 $0xFFFFE000  }
0x33: {  	s10 =	stileid.u32;
	[bflag:$0x0] =	sbarrier.arrive $0xFFFF  }
0x34: {  	s10 =	sshll.u32 s10, $0x6;
	s13 =	rddreg [dreg:$0x3]  }
0x35: {  	s10 =	sor.u32 $0x1C11, s10;
	s30 =	rddreg [dreg:$0x13];
	s12 =	sshrl.u32 s13, $0x3  }
0x36: {  	[hbm:s30], [sflag:s10] =	dma.local [spmem:s12], $0x2800  }
0x37: {  	s12 =	simm.s32 $0x11  }
0x38: {  	_ =	swait.ge [sflag:s12], $0x2800  }
0x39: {  	s7 =	rddreg [dreg:$0x17]  }
0x3a: {  	s30 =	rddreg [dreg:$0x14];
	s7 =	sadd.s32 $0x1, s7  }
0x3b: {  	p0 =	sne.s32 s7, s30  }
.Ltmp1:
0x3c: {  	_ = 	snop;
	(pc) =	sbr.rel @!p0 .LBB2_7-.Ltmp1, $3  }
0x3d: {  	_ =	sdelay $0x1  }
0x3e: {  	[sflag:s12] =	ssyncset.done $0x0  }
0x3f: {  	s31 =	simm.s32 $0x14000;
	s14 =	simm.s32 $0x14100;
	[sflag:s12] =	ssyncadd.s32 $0xFFFFD800  }
.LBB2_1:
0x40: {  	[dreg:$0x17] =	wrdreg s7;
	s10 =	simm.s32 $0x0;
	s30 =	simm.s32 $0x200  }
.LBB2_2:
0x41: {  	p0 =	sne.s32 s30, $0x7E00;
	[tilespmem:s10+$0x14470] =	vst v0  }
0x42: {  	[tilespmem:s10+$0x14400] =	vst v0  }
0x43: {  	[tilespmem:s10+$0x14410] =	vst v0  }
.Ltmp2:
0x44: {  	[tilespmem:s10+$0x14420] =	vst v0;
	(pc) =	sbr.rel @p0 .LBB2_2-.Ltmp2, $4  }
0x45: {  	[tilespmem:s10+$0x14430] =	vst v0  }
0x46: {  	[tilespmem:s10+$0x14440] =	vst v0  }
0x47: {  	[tilespmem:s10+$0x14450] =	vst v0  }
0x48: {  	[tilespmem:s10+$0x14460] =	vst v0;
	s10 =	sshra.s32 s30, $0x2;
	s30 =	sadd.s32 $0x200, s30  }
0x49: {  	[tilespmem:s10+$0x14470] =	vst v0  }
0x4a: {  	[tilespmem:s10+$0x14400] =	vst v0  }
0x4b: {  	[tilespmem:s10+$0x14410] =	vst v0  }
0x4c: {  	[tilespmem:s10+$0x14420] =	vst v0  }
0x4d: {  	[tilespmem:s10+$0x14430] =	vst v0  }
0x4e: {  	[tilespmem:s10+$0x14440] =	vst v0  }
0x4f: {  	[tilespmem:s10+$0x14450] =	vst v0  }
0x50: {  	[tilespmem:s10+$0x14460] =	vst v0  }
0x51: {  	[spmem:s13] =	stream.linear.scatter [tilespmem:s29], [sflag:$0x11], $0x2000, $0x38;
	[tilespmem:$0x1C400] =	vst v63  }
0x52: {  	_ =	swait.ge [sflag:s12], $0x2000  }
0x53: {  	[sflag:s12] =	ssyncset.done $0x0  }
0x54: {  	s13 =	rddreg [dreg:$0x4];
	[sflag:s12] =	ssyncadd.s32 $0xFFFFE000  }
0x55: {  	[spmem:s13] =	stream.linear.scatter [tilespmem:s29], [sflag:$0x11], $0x2000, $0x38;
	[tilespmem:$0x1C400] =	vst v63  }
0x56: {  	_ =	swait.ge [sflag:s12], $0x2000  }
0x57: {  	[sflag:s12] =	ssyncset.done $0x0  }
0x58: {  	s30 =	rddreg [dreg:$0x5];
	[sflag:s12] =	ssyncadd.s32 $0xFFFFE000  }
0x59: {  	[spmem:s30] =	stream.linear.scatter [tilespmem:s29], [sflag:$0x11], $0x2000, $0x38;
	[tilespmem:$0x1C400] =	vst v63  }
0x5a: {  	_ =	swait.ge [sflag:s12], $0x2000  }
0x5b: {  	[sflag:s12] =	ssyncset.done $0x0  }
0x5c: {  	s7 =	rddreg [dreg:$0x6];
	[sflag:s12] =	ssyncadd.s32 $0xFFFFE000  }
0x5d: {  	[spmem:s7] =	stream.linear.scatter [tilespmem:s29], [sflag:$0x11], $0x2000, $0x38;
	[tilespmem:$0x1C400] =	vst v63  }
0x5e: {  	_ =	swait.ge [sflag:s12], $0x2000  }
0x5f: {  	[sflag:s12] =	ssyncset.done $0x0  }
0x60: {  	s13 =	rddreg [dreg:$0x7];
	[sflag:s12] =	ssyncadd.s32 $0xFFFFE000  }
0x61: {  	[spmem:s13] =	stream.linear.scatter [tilespmem:s29], [sflag:$0x11], $0x2000, $0x38;
	[tilespmem:$0x1C400] =	vst v63  }
0x62: {  	_ =	swait.ge [sflag:s12], $0x2000  }
0x63: {  	[sflag:s12] =	ssyncset.done $0x0  }
0x64: {  	s30 =	rddreg [dreg:$0x8];
	[sflag:s12] =	ssyncadd.s32 $0xFFFFE000  }
0x65: {  	[spmem:s30] =	stream.linear.scatter [tilespmem:s29], [sflag:$0x11], $0x2000, $0x38;
	[tilespmem:$0x1C400] =	vst v63  }
0x66: {  	_ =	swait.ge [sflag:s12], $0x2000  }
0x67: {  	[sflag:s12] =	ssyncset.done $0x0  }
0x68: {  	s7 =	rddreg [dreg:$0x9];
	[sflag:s12] =	ssyncadd.s32 $0xFFFFE000  }
0x69: {  	[spmem:s7] =	stream.linear.scatter [tilespmem:s29], [sflag:$0x11], $0x2000, $0x38;
	[tilespmem:$0x1C400] =	vst v63  }
0x6a: {  	_ =	swait.ge [sflag:s12], $0x2000  }
0x6b: {  	[sflag:s12] =	ssyncset.done $0x0  }
0x6c: {  	s13 =	rddreg [dreg:$0xa];
	[sflag:s12] =	ssyncadd.s32 $0xFFFFE000  }
0x6d: {  	[spmem:s13] =	stream.linear.scatter [tilespmem:s29], [sflag:$0x11], $0x2000, $0x38;
	[tilespmem:$0x1C400] =	vst v63  }
0x6e: {  	_ =	swait.ge [sflag:s12], $0x2000  }
0x6f: {  	[sflag:s12] =	ssyncset.done $0x0  }
0x70: {  	s30 =	rddreg [dreg:$0x15];
	[sflag:s12] =	ssyncadd.s32 $0xFFFFE000  }
0x71: {  	[spmem:s30] =	stream.linear.scatter [tilespmem:s29], [sflag:$0x11], $0x2000, $0x38;
	[tilespmem:$0x1C400] =	vst v63  }
0x72: {  	_ =	swait.ge [sflag:s12], $0x2000  }
0x73: {  	[sflag:s12] =	ssyncset.done $0x0  }
0x74: {  	s7 =	rddreg [dreg:$0x16];
	[sflag:s12] =	ssyncadd.s32 $0xFFFFE000  }
0x75: {  	[spmem:s7] =	stream.linear.scatter [tilespmem:s29], [sflag:$0x11], $0x2000, $0x38;
	[tilespmem:$0x1C400] =	vst v63  }
0x76: {  	_ =	swait.ge [sflag:s12], $0x2000  }
0x77: {  	[sflag:s12] =	ssyncset.done $0x0  }
0x78: {  	[sflag:s12] =	ssyncadd.s32 $0xFFFFE000  }
0x79: {  	[bflag:$0x0] =	sbarrier.arrive $0xFFFF  }
0x7a: {  	s13 =	rddreg [dreg:$0xb]  }
0x7b: {  	[tilespmem:s31], [sflag:$0xD] =	stream.linear.gather [hbm4b:s13+s3], $0x80, $0x38;
	[tilespmem:$0x1C400] =	vst v63  }
0x7c: {  	s7 =	simm.s32 $0x14200;
	s30 =	rddreg [dreg:$0xc]  }
0x7d: {  	[tilespmem:s7], [sflag:$0x11] =	stream.linear.gather [hbm4b:s30+s3], $0x80, $0x38;
	[tilespmem:$0x1C400] =	vst v63  }
0x7e: {  	_ =	swait.ge [sflag:s12], $0x80  }
0x7f: {  	[sflag:s12] =	ssyncset.done $0x0  }
0x80: {  	[sflag:s12] =	ssyncadd.s32 $0xFFFFFF80  }
0x81: {  	[tilespmem:s29], [sflag:$0x1] =	stream.indirect.gather [hbm4b:s4+s1], $0x80, s7, s1, $0xb8;
	[tilespmem:$0x1C400] =	vst v63  }
0x82: {  	s30 =	rddreg [dreg:$0xd];
	s7 =	simm.s32 $0x14080  }
0x83: {  	[tilespmem:s7], [sflag:$0xE] =	stream.linear.gather [hbm4b:s30+s3], $0x80, $0x38;
	[tilespmem:$0x1C400] =	vst v63  }
0x84: {  	s13 =	rddreg [dreg:$0xe];
	s30 =	simm.s32 $0x14280  }
0x85: {  	[tilespmem:s30], [sflag:$0x11] =	stream.linear.gather [hbm4b:s13+s3], $0x80, $0x38;
	[tilespmem:$0x1C400] =	vst v63  }
0x86: {  	_ =	swait.ge [sflag:s12], $0x80  }
0x87: {  	[sflag:s12] =	ssyncset.done $0x0  }
0x88: {  	s7 =	simm.s32 $0x16400;
	[sflag:s12] =	ssyncadd.s32 $0xFFFFFF80  }
0x89: {  	[tilespmem:s7], [sflag:$0x2] =	stream.indirect.gather [hbm4b:s4+s1], $0x80, s30, s1, $0xb8;
	[tilespmem:$0x1C400] =	vst v63  }
0x8a: {  	s13 =	rddreg [dreg:$0xf]  }
0x8b: {  	[tilespmem:s14], [sflag:$0xF] =	stream.linear.gather [hbm4b:s13+s3], $0x80, $0x38;
	[tilespmem:$0x1C400] =	vst v63  }
0x8c: {  	s30 =	rddreg [dreg:$0x10];
	s7 =	simm.s32 $0x14300  }
0x8d: {  	[tilespmem:s7], [sflag:$0x11] =	stream.linear.gather [hbm4b:s30+s3], $0x80, $0x38;
	[tilespmem:$0x1C400] =	vst v63  }
0x8e: {  	_ =	swait.ge [sflag:s12], $0x80  }
0x8f: {  	[sflag:s12] =	ssyncset.done $0x0  }
0x90: {  	[sflag:s12] =	ssyncadd.s32 $0xFFFFFF80  }
0x91: {  	[tilespmem:s16], [sflag:$0x3] =	stream.indirect.gather [hbm4b:s4+s1], $0x80, s7, s1, $0xb8;
	[tilespmem:$0x1C400] =	vst v63  }
0x92: {  	s13 =	rddreg [dreg:$0x11]  }
0x93: {  	[tilespmem:s17], [sflag:$0x10] =	stream.linear.gather [hbm4b:s13+s3], $0x80, $0x38;
	[tilespmem:$0x1C400] =	vst v63  }
0x94: {  	s30 =	simm.s32 $0x14380;
	s14 =	rddreg [dreg:$0x12]  }
0x95: {  	[tilespmem:s30], [sflag:$0x11] =	stream.linear.gather [hbm4b:s14+s3], $0x80, $0x38;
	[tilespmem:$0x1C400] =	vst v63  }
0x96: {  	_ =	swait.ge [sflag:s12], $0x80  }
0x97: {  	[sflag:s12] =	ssyncset.done $0x0  }
0x98: {  	s10 =	simm.s32 $0x380;
	[sflag:s12] =	ssyncadd.s32 $0xFFFFFF80  }
0x99: {  	[tilespmem:s18], [sflag:$0x4] =	stream.indirect.gather [hbm4b:s4+s1], $0x80, s30, s1, $0xb8;
	[tilespmem:$0x1C400] =	vst v63  }
.LBB2_4:
0x9a: {  	s7 =	simm.s32 $0x1  }
0x9b: {  	_ =	swait.ge [sflag:s7], $0x2000  }
0x9c: {  	[sflag:s7] =	ssyncset.done $0x0  }
0x9d: {  	s30 =	simm.s32 $0xD;
	[sflag:s7] =	ssyncadd.s32 $0xFFFFE000  }
0x9e: {  	_ =	swait.ge [sflag:s30], $0x80  }
0x9f: {  	p0 =	seq.s32 s10, $0x5180;
	[sflag:s30] =	ssyncset.done $0x0  }
0xa0: {  	[sflag:s30] =	ssyncadd.s32 $0xFFFFFF80;
	s30 =	simm.s32 @p0 $0x2  }
0xa1: {  	[spmem:s2] =	stream.indirect.scatter.add.f32 [tilespmem:s29], [sflag:$0x5], $0x80, s31, s1, $0xb8;
	[tilespmem:$0x1C400] =	vst v63  }
0xa2: {  	_ =	swait.ge @p0 [sflag:s30], $0x2000  }
0xa3: {  	[sflag:s30] =	ssyncset.done @p0 $0x0  }
0xa4: {  	[sflag:s30] =	ssyncadd.s32 @p0 $0xFFFFE000;
	s30 =	simm.s32 @p0 $0xE  }
0xa5: {  	_ =	swait.ge @p0 [sflag:s30], $0x80  }
0xa6: {  	s12 =	simm.s32 @p0 $0x16400;
	[sflag:s30] =	ssyncset.done @p0 $0x0  }
0xa7: {  	s31 =	simm.s32 @p0 $0x14080;
	[sflag:s30] =	ssyncadd.s32 @p0 $0xFFFFFF80;
	s30 =	simm.s32 @p0 $0x40  }
0xa8: {  	[spmem:s2] =	stream.indirect.scatter.add.f32 @p0 [tilespmem:s12], [sflag:$0x6], $0x80, s31, s30, $0xb8;
	[tilespmem:$0x1C400] =	vst v63  }
0xa9: {  	s12 =	sadd.s32 @!p0 $0xFFFFFE80, s10  }
0xaa: {  	s30 =	sand.u32 @!p0 $0xFC00, s12  }
0xab: {  	s12 =	sand.u32 @!p0 $0x200, s12;
	s30 =	sadd.s32 @!p0 s9, s30  }
0xac: {  	s12 =	sor.u32 @!p0 s12, s30  }
0xad: {  	s12 =	sshrl.u32 @!p0 s12, $0x3  }
0xae: {  	s31 =	simm.s32 @!p0 $0x14200;
	s30 =	simm.s32 @!p0 $0x0;
	s12 =	sadd.s32 @!p0 s5, s12  }
0xaf: {  	[tilespmem:s31], [sflag:$0x9] =	stream.linear.gather @!p0 [hbm4b:s12+s30], $0x80, $0x38;
	[tilespmem:$0x1C400] =	vst v63  }
0xb0: {  	s12 =	simm.s32 @!p0 $0x2  }
0xb1: {  	_ =	swait.ge @!p0 [sflag:s12], $0x2000  }
0xb2: {  	[sflag:s12] =	ssyncset.done @!p0 $0x0  }
0xb3: {  	[sflag:s12] =	ssyncadd.s32 @!p0 $0xFFFFE000;
	s12 =	simm.s32 @!p0 $0xE  }
0xb4: {  	_ =	swait.ge @!p0 [sflag:s12], $0x80  }
0xb5: {  	s13 =	simm.s32 @!p0 $0x16400;
	[sflag:s12] =	ssyncset.done @!p0 $0x0  }
0xb6: {  	s31 =	simm.s32 @!p0 $0x14080;
	[sflag:s12] =	ssyncadd.s32 @!p0 $0xFFFFFF80;
	s12 =	simm.s32 @!p0 $0x40  }
0xb7: {  	[spmem:s2] =	stream.indirect.scatter.add.f32 @!p0 [tilespmem:s13], [sflag:$0x6], $0x80, s31, s12, $0xb8;
	[tilespmem:$0x1C400] =	vst v63  }
0xb8: {  	s12 =	sadd.s32 @!p0 $0xFFFFFF00, s10  }
0xb9: {  	s13 =	sand.u32 @!p0 $0xFC00, s12  }
0xba: {  	s12 =	sand.u32 @!p0 $0x280, s12;
	s13 =	sadd.s32 @!p0 s9, s13  }
0xbb: {  	s12 =	sor.u32 @!p0 s12, s13  }
0xbc: {  	s12 =	sshrl.u32 @!p0 s12, $0x3  }
0xbd: {  	s13 =	simm.s32 @!p0 $0x14280;
	s12 =	sadd.s32 @!p0 s5, s12  }
0xbe: {  	[tilespmem:s13], [sflag:$0xA] =	stream.linear.gather @!p0 [hbm4b:s12+s30], $0x80, $0x38;
	[tilespmem:$0x1C400] =	vst v63  }
0xbf: {  	_ =	swait.ge [sflag:s20], $0x2000  }
0xc0: {  	[sflag:s20] =	ssyncset.done $0x0  }
.Ltmp3:
0xc1: {  	[sflag:s20] =	ssyncadd.s32 $0xFFFFE000;
	(pc) =	sbr.rel @p0 .LBB2_6-.Ltmp3, $4  }
0xc2: {  	_ =	swait.ge [sflag:s21], $0x80  }
0xc3: {  	[sflag:s21] =	ssyncset.done $0x0  }
0xc4: {  	s14 =	simm.s32 $0x14000;
	[sflag:s21] =	ssyncadd.s32 $0xFFFFFF80  }
0xc5: {  	[spmem:s2] =	stream.indirect.scatter.add.f32 [tilespmem:s16], [sflag:$0x7], $0x80, s15, s1, $0xb8;
	[tilespmem:$0x1C400] =	vst v63  }
0xc6: {  	s12 =	sadd.s32 $0xFFFFFF80, s10  }
0xc7: {  	s13 =	sand.u32 $0xFC00, s12  }
0xc8: {  	s12 =	sand.u32 $0x300, s12;
	s13 =	sadd.s32 s9, s13  }
0xc9: {  	s12 =	sor.u32 s12, s13  }
0xca: {  	s12 =	sshrl.u32 s12, $0x3  }
0xcb: {  	s16 =	simm.s32 $0x14300;
	s30 =	sadd.s32 s5, s12  }
0xcc: {  	[tilespmem:s16], [sflag:$0xB] =	stream.linear.gather [hbm4b:s30+s3], $0x80, $0x38;
	[tilespmem:$0x1C400] =	vst v63  }
0xcd: {  	_ =	swait.ge [sflag:s22], $0x2000  }
0xce: {  	[sflag:s22] =	ssyncset.done $0x0  }
0xcf: {  	s7 =	sand.u32 $0xFC00, s10;
	[sflag:s22] =	ssyncadd.s32 $0xFFFFE000  }
0xd0: {  	s13 =	sadd.s32 s9, s7;
	s30 =	sand.u32 $0x380, s10;
	_ =	swait.ge [sflag:s23], $0x80  }
0xd1: {  	s13 =	sor.u32 s30, s13;
	[sflag:s23] =	ssyncset.done $0x0  }
0xd2: {  	s29 =	simm.s32 $0x14180;
	s13 =	sshrl.u32 s13, $0x3;
	[sflag:s23] =	ssyncadd.s32 $0xFFFFFF80  }
0xd3: {  	[spmem:s2] =	stream.indirect.scatter.add.f32 [tilespmem:s19], [sflag:$0x8], $0x80, s29, s1, $0xb8;
	[tilespmem:$0x1C400] =	vst v63  }
0xd4: {  	s7 =	simm.s32 $0x14380;
	s30 =	sadd.s32 s5, s13  }
0xd5: {  	[tilespmem:s7], [sflag:$0xC] =	stream.linear.gather [hbm4b:s30+s3], $0x80, $0x38;
	[tilespmem:$0x1C400] =	vst v63  }
0xd6: {  	s30 =	sadd.s32 $0xFFFFFE80, s10  }
0xd7: {  	s31 =	sand.u32 $0xFC00, s30  }
0xd8: {  	s30 =	sand.u32 $0x200, s30;
	s31 =	sadd.s32 s9, s31  }
0xd9: {  	_ =	swait.ge [sflag:s24], $0x2000;
	s30 =	sor.u32 s30, s31  }
0xda: {  	[sflag:s24] =	ssyncset.done $0x0;
	s30 =	sshrl.u32 s30, $0x3  }
0xdb: {  	[sflag:s24] =	ssyncadd.s32 $0xFFFFE000;
	s30 =	sadd.s32 s6, s30  }
0xdc: {  	[tilespmem:s14], [sflag:$0xD] =	stream.linear.gather [hbm4b:s30+s3], $0x80, $0x38;
	[tilespmem:$0x1C400] =	vst v63  }
0xdd: {  	s30 =	simm.s32 $0x9  }
0xde: {  	_ =	swait.ge [sflag:s30], $0x80  }
0xdf: {  	s18 =	simm.s32 $0x14400;
	s14 =	sadd.s32 $0xFFFFFF00, s10;
	[sflag:s30] =	ssyncset.done $0x0  }
0xe0: {  	s31 =	sand.u32 $0xFC00, s14;
	[sflag:s30] =	ssyncadd.s32 $0xFFFFFF80;
	s30 =	simm.s32 $0x14200  }
0xe1: {  	[tilespmem:s18], [sflag:$0x1] =	stream.indirect.gather [hbm4b:s4+s1], $0x80, s30, s1, $0xb8;
	[tilespmem:$0x1C400] =	vst v63  }
0xe2: {  	s31 =	sadd.s32 s9, s31;
	s30 =	sand.u32 $0x280, s14  }
0xe3: {  	s30 =	sor.u32 s30, s31;
	_ =	swait.ge [sflag:s25], $0x2000  }
0xe4: {  	[sflag:s25] =	ssyncset.done $0x0;
	s30 =	sshrl.u32 s30, $0x3  }
0xe5: {  	s18 =	simm.s32 $0x14080;
	[sflag:s25] =	ssyncadd.s32 $0xFFFFE000;
	s30 =	sadd.s32 s6, s30  }
0xe6: {  	[tilespmem:s18], [sflag:$0xE] =	stream.linear.gather [hbm4b:s30+s3], $0x80, $0x38;
	[tilespmem:$0x1C400] =	vst v63  }
0xe7: {  	_ =	swait.ge [sflag:s8], $0x80  }
0xe8: {  	[sflag:s8] =	ssyncset.done $0x0  }
0xe9: {  	s14 =	simm.s32 $0x14280;
	s18 =	simm.s32 $0x16400;
	[sflag:s8] =	ssyncadd.s32 $0xFFFFFF80  }
0xea: {  	[tilespmem:s18], [sflag:$0x2] =	stream.indirect.gather [hbm4b:s4+s1], $0x80, s14, s1, $0xb8;
	[tilespmem:$0x1C400] =	vst v63  }
0xeb: {  	_ =	swait.ge [sflag:s26], $0x2000  }
0xec: {  	[sflag:s26] =	ssyncset.done $0x0  }
0xed: {  	s12 =	sadd.s32 s6, s12;
	[sflag:s26] =	ssyncadd.s32 $0xFFFFE000  }
0xee: {  	[tilespmem:s15], [sflag:$0xF] =	stream.linear.gather [hbm4b:s12+s3], $0x80, $0x38;
	[tilespmem:$0x1C400] =	vst v63  }
0xef: {  	_ =	swait.ge [sflag:s11], $0x80  }
0xf0: {  	[sflag:s11] =	ssyncset.done $0x0  }
0xf1: {  	s17 =	simm.s32 $0x18400;
	[sflag:s11] =	ssyncadd.s32 $0xFFFFFF80  }
0xf2: {  	[tilespmem:s17], [sflag:$0x3] =	stream.indirect.gather [hbm4b:s4+s1], $0x80, s16, s1, $0xb8;
	[tilespmem:$0x1C400] =	vst v63  }
0xf3: {  	_ =	swait.ge [sflag:s28], $0x2000  }
0xf4: {  	[sflag:s28] =	ssyncset.done $0x0  }
0xf5: {  	s30 =	sadd.s32 s6, s13;
	[sflag:s28] =	ssyncadd.s32 $0xFFFFE000  }
0xf6: {  	[tilespmem:s29], [sflag:$0x10] =	stream.linear.gather [hbm4b:s30+s3], $0x80, $0x38;
	[tilespmem:$0x1C400] =	vst v63  }
.Ltmp4:
0xf7: {  	_ = 	snop;
	(pc) =	sbr.rel .LBB2_4-.Ltmp4, $4  }
0xf8: {  	s10 =	sadd.s32 $0x200, s10;
	s31 =	simm.s32 $0x14000;
	_ =	swait.ge [sflag:s0], $0x80  }
0xf9: {  	s18 =	simm.s32 $0x1A400;
	s16 =	simm.s32 $0x18400;
	[sflag:s0] =	ssyncset.done $0x0  }
0xfa: {  	s17 =	simm.s32 $0x14180;
	s29 =	simm.s32 $0x14400;
	[sflag:s0] =	ssyncadd.s32 $0xFFFFFF80  }
0xfb: {  	[tilespmem:s19], [sflag:$0x4] =	stream.indirect.gather [hbm4b:s4+s1], $0x80, s7, s1, $0xb8;
	[tilespmem:$0x1C400] =	vst v63  }
.LBB2_7:
0xfc: {  	_ =	sfence.sel $0x180000  }
0xfd: {  	[bflag:$0x0] =	sbarrier.arrive $0xFFFF  }
0xfe: {  	_ =	strace $0x9000004A  }
0xff: {  	s0 =	stileid.u32;
	[bflag:$0x2] =	sbarrier.arrive $0xFFFF  }
0x100: {  	p0 =	sne.s32 s0, $0x0;
	s0 =	rddreg [dreg:$0x2]  }
0x101: {  	s0 =	sadd.s32 @!p0 $0x100000, s0  }
0x102: {  	[sflag:s0] =	ssyncadd.tile.s32 @!p0 $0x1;
	_ =	shalt  }
.Lfunc_end2:
_tile_overlayer_lowered:
.L_overlay_start_2:
0x103: {  	(tag) =	ssettag $0x2  }
0x104: {  	s0 =	rddreg [dreg:$0x0];
	s2 =	stileid.u32  }
0x105: {  	s1 =	rddreg [dreg:$0x1];
	p0 =	sne.s32 s2, $0x0  }
0x106: {  	s3 =	rddreg [dreg:$0x2];
	[bflag:$0x3] =	sbarrier.arrive $0xFFFF;
	s2 =	simm.s32 @!p0 $0x1C11  }
0x107: {  	[timem:s3], [sflag:s2] =	dma.local @!p0 [hbm:s0], s1  }
0x108: {  	s0 =	simm.s32 @!p0 $0x11  }
0x109: {  	_ =	swait.ge @!p0 [sflag:s0], s1  }
0x10a: {  	s1 =	ssub.s32 @!p0 $0x0, s1;
	[sflag:s0] =	ssyncset.done @!p0 $0x0  }
0x10b: {  	[sflag:s0] =	ssyncadd.s32 @!p0 s1  }
0x10c: {  	[bflag:$0x3] =	sbarrier.arrive $0xFFFF  }
0x10d: {  	_ =	shalt  }

// kernel: agg.7.cloned.1.call-start
scs
__scs_entry_jumppad:
0x0: {  	(pc) =	sbr.rel $0x88, $3  }
0x1: {  	(tag) =	ssettag $0x0;
	lr =	simm.s32 $0x1  }
0x2: {  	[smem:$0x3F98] =	sst lr;
	_ =	strace $0xD0000000  }
0x3: {  	_ = 	snop  }
0x4: {  	_ = 	snop  }
0x5: {  	_ = 	snop  }
0x6: {  	_ = 	snop  }
0x7: {  	_ = 	snop  }
__scs_overlays_trampoline_lowered:
0x8: {  	[smem:$0x3FA7] =	sst s0  }
0x9: {  	[smem:$0x3FA8] =	sst s1  }
0xa: {  	[smem:$0x3FA9] =	sst s2  }
0xb: {  	[smem:$0x3FAA] =	sst s3  }
0xc: {  	[smem:$0x3FAB] =	sst s4  }
0xd: {  	[smem:$0x3FAC] =	sst s5  }
0xe: {  	[smem:$0x3FAD] =	sst s6  }
0xf: {  	[smem:$0x3FAE] =	sst s7  }
0x10: {  	[smem:$0x3FAF] =	sst s8  }
0x11: {  	[smem:$0x3FB0] =	sst s9;
	s0 =	simm.s32 @!p0 $0x0  }
0x12: {  	s1 =	sld [smem:$0x3F96];
	s0 =	simm.s32 @p0 $0x1  }
0x13: {  	[smem:$0x3FB1] =	sst s0;
	s0 =	simm.s32 @!p1 $0x0  }
0x14: {  	s2 =	sld [smem:$0x3F95];
	s0 =	simm.s32 @p1 $0x1  }
0x15: {  	[smem:$0x3FB2] =	sst s0;
	s0 =	simm.s32 @!p2 $0x0  }
0x16: {  	s3 =	sld [smem:$0x3FDB];
	s0 =	simm.s32 @p2 $0x1  }
0x17: {  	s4 =	simm.s32 $0x1BF5;
	[smem:$0x3FB4] =	sst s0  }
0x18: {  	s0 =	sld [smem:$0x3F97];
	_ =	swait.ge [sflag:s4], $0x0  }
0x19: {  	s7 =	sld [smem:$0x3F98]  }
0x1a: {  	s8 =	sadd.s32 $0xFFFFE003, lr  }
0x1b: {  	s9 =	sadd.s32 $0xFFFFFEF7, lr;
	s5 =	simm.s32 $0xFFFFFFFF;
	p2 =	slt.u32 s8, $0xFFFFF086  }
0x1c: {  	p1 =	slt.u32 s9, $0xF7A;
	s5 =	simm.s32 @!p2 $0x0  }
0x1d: {  	s5 =	simm.s32 @p1 $0x1;
	p0 =	seq.s32 s7, s2  }
0x1e: {  	s7 =	smul.u32 @!p0 $0xF7A, s2;
	p2 =	seq.s32 @!p0 s5, $0x0  }
0x1f: {  	s9 =	smul.u32 $0xF7A, s1;
	s8 =	simm.s32 @!p0 $0x1BF5;
	p2 =	por !p2, p0  }
0x20: {  	[sflag:s8] =	ssyncset.s32 @!p0 $0xFFFFF086;
	s6 =	sadd.s32 @!p0 s3, s7;
	s7 =	simm.s32 @!p0 $0x108  }
0x21: {  	s3 =	sadd.s32 s3, s9;
	s6 =	sadd.s32 @!p0 $0x88, s6;
	s7 =	simm.s32 @p2 $0x1082  }
0x22: {  	[simem:s7], [sflag:s8] =	dma.local @!p0 [hbm:s6], $0xF7A  }
0x23: {  	s9 =	sor.u32 $0xD0000000, s2;
	s6 =	simm.s32 $0x108;
	_ =	swait.ge @!p0 [sflag:s8], $0x0  }
0x24: {  	s3 =	sadd.s32 $0x88, s3;
	s6 =	simm.s32 @!p1 $0x1082;
	[sflag:s4] =	ssyncset.s32 $0xFFFFF086  }
0x25: {  	[simem:s6], [sflag:s4] =	dma.local [hbm:s3], $0xF7A  }
0x26: {  	[smem:$0x3F98] =	sst s1;
	(tag) =	ssettag s2;
	_ =	strace s9  }
0x27: {  	s1 =	sld [smem:$0x3FA8]  }
0x28: {  	s2 =	sld [smem:$0x3FA9]  }
0x29: {  	s4 =	sld [smem:$0x3FAB]  }
0x2a: {  	p0 =	seq.s32 s5, $0x0;
	s5 =	sld [smem:$0x3FAC]  }
0x2b: {  	s6 =	sld [smem:$0x3FAD]  }
0x2c: {  	s7 =	sld [smem:$0x3FAE]  }
0x2d: {  	s3 =	simm.s32 $0x108;
	s8 =	sld [smem:$0x3FAF]  }
0x2e: {  	s3 =	simm.s32 @!p0 $0x1082;
	s9 =	sld [smem:$0x3FB0]  }
0x2f: {  	lr =	sadd.s32 s0, s3;
	s0 =	sld [smem:$0x3FA7]  }
0x30: {  	s3 =	sld [smem:$0x3FAA]  }
0x31: {  	[smem:$0x3FB3] =	sst s10  }
0x32: {  	s10 =	sld [smem:$0x3FB1];
	_ =	sdelay $0x3  }
0x33: {  	p0 =	seq.s32 s10, $0x1;
	s10 =	sld [smem:$0x3FB3];
	_ =	sdelay $0x3  }
0x34: {  	[smem:$0x3FB3] =	sst s10  }
0x35: {  	s10 =	sld [smem:$0x3FB2];
	_ =	sdelay $0x3  }
0x36: {  	p1 =	seq.s32 s10, $0x1;
	s10 =	sld [smem:$0x3FB3];
	_ =	sdelay $0x3  }
0x37: {  	[smem:$0x3FB3] =	sst s10  }
0x38: {  	s10 =	sld [smem:$0x3FB4]  }
0x39: {  	_ = 	snop;
	(pc) =	sbr.ind lr, $3  }
0x3a: {  	_ = 	snop  }
0x3b: {  	_ = 	snop  }
0x3c: {  	p2 =	seq.s32 s10, $0x1;
	s10 =	sld [smem:$0x3FB3]  }
0x3d: {  	_ =	shalt  }
0x3e: {  	_ =	shalt  }
0x3f: {  	_ =	shalt  }
0x40: {  	_ =	shalt  }
0x41: {  	_ =	shalt  }
0x42: {  	_ =	shalt  }
0x43: {  	_ =	shalt  }
0x44: {  	_ =	shalt  }
0x45: {  	_ =	shalt  }
0x46: {  	_ =	shalt  }
0x47: {  	_ =	shalt  }
0x48: {  	_ =	shalt  }
0x49: {  	_ =	shalt  }
0x4a: {  	_ =	shalt  }
0x4b: {  	_ =	shalt  }
0x4c: {  	_ =	shalt  }
0x4d: {  	_ =	shalt  }
0x4e: {  	_ =	shalt  }
0x4f: {  	_ =	shalt  }
0x50: {  	_ =	shalt  }
0x51: {  	_ =	shalt  }
0x52: {  	_ =	shalt  }
0x53: {  	_ =	shalt  }
0x54: {  	_ =	shalt  }
0x55: {  	_ =	shalt  }
0x56: {  	_ =	shalt  }
0x57: {  	_ =	shalt  }
0x58: {  	_ =	shalt  }
0x59: {  	_ =	shalt  }
0x5a: {  	_ =	shalt  }
0x5b: {  	_ =	shalt  }
0x5c: {  	_ =	shalt  }
0x5d: {  	_ =	shalt  }
0x5e: {  	_ =	shalt  }
0x5f: {  	_ =	shalt  }
0x60: {  	_ =	shalt  }
0x61: {  	_ =	shalt  }
0x62: {  	_ =	shalt  }
0x63: {  	_ =	shalt  }
0x64: {  	_ =	shalt  }
0x65: {  	_ =	shalt  }
0x66: {  	_ =	shalt  }
0x67: {  	_ =	shalt  }
0x68: {  	_ =	shalt  }
0x69: {  	_ =	shalt  }
0x6a: {  	_ =	shalt  }
0x6b: {  	_ =	shalt  }
0x6c: {  	_ =	shalt  }
0x6d: {  	_ =	shalt  }
0x6e: {  	_ =	shalt  }
0x6f: {  	_ =	shalt  }
0x70: {  	_ =	shalt  }
0x71: {  	_ =	shalt  }
0x72: {  	_ =	shalt  }
0x73: {  	_ =	shalt  }
0x74: {  	_ =	shalt  }
0x75: {  	_ =	shalt  }
0x76: {  	_ =	shalt  }
0x77: {  	_ =	shalt  }
0x78: {  	_ =	shalt  }
0x79: {  	_ =	shalt  }
0x7a: {  	_ =	shalt  }
0x7b: {  	_ =	shalt  }
0x7c: {  	_ =	shalt  }
0x7d: {  	_ =	shalt  }
0x7e: {  	_ =	shalt  }
0x7f: {  	_ =	shalt  }
0x80: {  	_ =	shalt  }
0x81: {  	_ =	shalt  }
0x82: {  	_ =	shalt  }
0x83: {  	_ =	shalt  }
0x84: {  	_ =	shalt  }
0x85: {  	_ =	shalt  }
0x86: {  	_ =	shalt  }
0x87: {  	_ =	shalt  }
.Lfunc_end0:
.L_simem_size_0:
called_computation.2_lowered:
.L_overlay_start_0:
0x88: {  	s2 =	sld [smem:$0x3FD9]  }
0x89: {  	s3 =	sld [smem:$0x3FFE];
	_ =	sdelay $0x1  }
0x8a: {  	s1 =	srdreg.scid  }
0x8b: {  	s0 =	sand.u32 $0x1, s1  }
0x8c: {  	s16 =	sshll.u32 s0, $0xA;
	s2 =	sadd.s32 s3, s2  }
0x8d: {  	s2 =	sadd.s32 s2, s16  }
0x8e: {  	[smem:$0x3FBF] =	sst s2  }
0x8f: {  	_ = 	snop  }
0x90: {  	(tm) =	ssettm $0x1  }
0x91: {  	s17 =	sld [smem:$0x3FFB];
	_ =	sdelay $0x3  }
0x92: {  	_ =	strace s17  }
0x93: {  	s2 =	sld [smem:$0x3FFC];
	_ =	sdelay $0x3  }
0x94: {  	_ =	strace s2  }
0x95: {  	s2 =	sld [smem:$0x3FFD];
	_ =	sdelay $0x3  }
0x96: {  	_ =	strace s2  }
0x97: {  	_ =	strace $0x8FFFFFFF  }
0x98: {  	s18 =	sld [smem:$0x3FDB];
	_ =	sdelay $0x1  }
0x99: {  	s19 =	simm.s32 $_scs_section_size  }
0x9a: {  	s4 =	simm.s32 $_size__tile_overlayer_lowered;
	s5 =	simm.s32 $_tile_overlayer_lowered  }
0x9b: {  	s22 =	simm.s32 $0x1BFF;
	s21 =	sshll.u32 s5, $0x1;
	s2 =	sadd.s32 s19, s18  }
0x9c: {  	s6 =	simm.s32 $0x0;
	s20 =	sshll.u32 s4, $0x1;
	s4 =	sadd.s32 s21, s2  }
0x9d: {  	[timem:s6], [sflag:s22] =	dma.local [hbm:s4], s20  }
0x9e: {  	_ =	swait.ge [sflag:s22], s20  }
0x9f: {  	s3 =	ssub.s32 $0x0, s20;
	[sflag:s22] =	ssyncset.done $0x0  }
0xa0: {  	[sflag:s22] =	ssyncadd.s32 s3;
	_ =	sdelay $0x1  }
0xa1: {  	s23 =	simm.s32 $0x1B8B  }
0xa2: {  	_ =	swait.ge [sflag:s23], $0x1  }
0xa3: {  	[sflag:s23] =	ssyncset.done $0x0  }
0xa4: {  	s25 =	simm.s32 $0x1B8E;
	s24 =	sld [smem:$0x3FFE];
	[sflag:s23] =	ssyncadd.s32 $0xFFFFFFFF  }
0xa5: {  	s26 =	simm.s32 $execute0_lowered;
	[smem:$0x3FD2] =	sst s25  }
0xa6: {  	s4 =	sshll.u32 s26, $0x1;
	_ =	strace $0x8000004C;
	[dreg:$0x1] =	wrdreg $0xFFFFFFFF  }
0xa7: {  	s28 =	simm.s32 $_size_execute0_lowered;
	s2 =	sadd.s32 s2, s4;
	[dreg:$0x0] =	wrdreg $0x0  }
0xa8: {  	s4 =	sshll.u32 s28, $0x1;
	[dreg:$0x2] =	wrdreg s2  }
0xa9: {  	[dreg:$0x3] =	wrdreg s4  }
0xaa: {  	[dreg:$0x4] =	wrdreg $0xC0  }
0xab: {  	_ =	task [dreg:s6], $0x5FFFF  }
0xac: {  	[dreg:$0x1] =	wrdreg $0xFFFFFFFF  }
0xad: {  	[dreg:$0x0] =	wrdreg $0x60  }
0xae: {  	[dreg:$0x2] =	wrdreg s24  }
0xaf: {  	[dreg:$0x3] =	wrdreg $0x0  }
0xb0: {  	[dreg:$0x4] =	wrdreg $0x9  }
0xb1: {  	_ =	task.clear_ibuf [dreg:s6], $0x5FFFF;
	_ =	strace $0x9000004C  }
0xb2: {  	s29 =	simm.s32 $0x9;
	_ =	strace $0x8000004E  }
0xb3: {  	_ =	swait.ge [sflag:s29], $0x1  }
0xb4: {  	[sflag:s29] =	ssyncadd.s32 $0xFFFFFFFF  }
0xb5: {  	_ =	strace $0x9000004E  }
0xb6: {  	_ =	sfence  }
0xb7: {  	s30 =	sld [smem:$0x0];
	_ =	sdelay $0x2  }
0xb8: {  	s31 =	sshll.u32 s1, $0xD;
	s1 =	sshrl.u32 s1, $0x2  }
0xb9: {  	s3 =	sand.u32 $0x4000, s31;
	s1 =	sadd.s32 s1, s30  }
0xba: {  	s0 =	sor.u32 s3, s0;
	s1 =	sshll.u32 s1, $0x11  }
0xbb: {  	s0 =	sor.u32 s1, s0  }
0xbc: {  	s0 =	sadd.s32 $0x8F2B, s0  }
0xbd: {  	[sflag:s0] =	ssyncadd.remote.s32 $0x1  }
0xbe: {  	_ =	sfence.sel $0xFFFF  }
0xbf: {  	[dreg:$0x0] =	wrdreg $0xFFFFFFFF;
	(pc) =	sbr.abs _section_cstart, $3  }
0xc0: {  	[dreg:$0x1] =	wrdreg $0xFFFFFFFF  }
0xc1: {  	_ =	task.clear_ibuf [dreg:s6], $0x2FFFF;
	_ =	strace $0x9FFFFFFF  }
0xc2: {  	(tm) =	ssettm $0x7FFFFFFF  }
0xc3: {  	_ =	shalt  }
tec
execute0_lowered:
.L_overlay_start_1:
0x0: {  	(tag) =	ssettag $0x1  }
0x1: {  	s0 =	rddreg [dreg:$0x0];
	s1 =	srdreg.scid  }
0x2: {  	s2 =	rddreg [dreg:$0x1];
	s10 =	stileid.u32  }
0x3: {  	s3 =	simm.s32 $0x0;
	s29 =	simm.s32 $0x14400;
	s31 =	simm.s32 $0x14000  }
0x4: {  	s28 =	simm.s32 $0x8;
	s1 =	sand.u32 $0x1, s1;
	s5 =	smul.u32 $0x14000, s10  }
0x5: {  	[smem:$0x7FF] =	sst s3;
	s8 =	smul.u32 $0x50000, s10;
	s6 =	sadd.s32 $0x3000, s0  }
0x6: {  	s4 =	smul.u32 $0x140000, s1;
	_ =	strace $0x8000004D;
	s30 =	ssub.s32 $0x2, s1  }
0x7: {  	s1 =	sshll.u32 s1, $0x4;
	s8 =	sshrl.u32 s8, $0x2;
	s9 =	sshrl.u32 s30, $0x1  }
0x8: {  	s1 =	sor.u32 s10, s1;
	s5 =	sadd.s32 s5, s4;
	s13 =	sadd.s32 s8, s2  }
0x9: {  	s4 =	sadd.s32 $0x35000, s0;
	s8 =	sadd.s32 $0x2000, s13;
	[dreg:$0x3] =	wrdreg s13  }
0xa: {  	s7 =	sshrl.u32 s5, $0x3;
	s10 =	sadd.s32 $0x6000, s13;
	[dreg:$0x4] =	wrdreg s8  }
0xb: {  	s5 =	sadd.s32 $0x21000, s0;
	s11 =	sadd.s32 $0x8000, s13;
	[dreg:$0x6] =	wrdreg s10  }
0xc: {  	s12 =	sadd.s32 $0xA000, s13;
	s14 =	sadd.s32 $0xC000, s13;
	[dreg:$0x7] =	wrdreg s11  }
0xd: {  	s16 =	sadd.s32 $0xE000, s13;
	s26 =	sadd.s32 $0x10000, s13;
	[dreg:$0x8] =	wrdreg s12  }
0xe: {  	s0 =	sadd.s32 s7, s0;
	s7 =	ssub.s32 s30, s9;
	[dreg:$0x9] =	wrdreg s14  }
0xf: {  	s9 =	smul.u32 $0x5000, s1;
	s8 =	sadd.s32 $0x4000, s13;
	[dreg:$0xa] =	wrdreg s16  }
0x10: {  	[dreg:$0x15] =	wrdreg s26;
	s30 =	sadd.s32 $0x12000, s13;
	s12 =	simm.s32 $0x11  }
0x11: {  	s14 =	simm.s32 $0x14100;
	s16 =	simm.s32 $0x18400;
	[dreg:$0x5] =	wrdreg s8  }
0x12: {  	s26 =	simm.s32 $0x7;
	s0 =	sadd.s32 $0x5D000, s0;
	[dreg:$0x16] =	wrdreg s30  }
0x13: {  	s11 =	simm.s32 $0xB;
	s25 =	smax.u32 s7, $0x1;
	[dreg:$0x13] =	wrdreg s0  }
0x14: {  	s7 =	simm.s32 $0x0;
	s15 =	sshrl.u32 s9, $0x3;
	[dreg:$0x14] =	wrdreg s25  }
0x15: {  	s25 =	simm.s32 $0x6;
	s0 =	simm.s32 $0xC;
	s17 =	sadd.s32 s6, s15  }
0x16: {  	s18 =	sor.u32 $0x10, s15;
	s19 =	sadd.s32 s5, s15;
	[dreg:$0xb] =	wrdreg s17  }
0x17: {  	s21 =	sor.u32 $0x20, s15;
	[dreg:$0xc] =	wrdreg s19;
	s20 =	sadd.s32 s6, s18  }
0x18: {  	s1 =	sor.u32 $0x30, s15;
	s8 =	sadd.s32 s5, s18;
	[dreg:$0xd] =	wrdreg s20  }
0x19: {  	s15 =	simm.s32 $0x14100;
	s22 =	sadd.s32 s6, s21;
	[dreg:$0xe] =	wrdreg s8  }
0x1a: {  	s23 =	sadd.s32 s5, s21;
	s24 =	sadd.s32 s6, s1;
	[dreg:$0xf] =	wrdreg s22  }
.Ltmp0:
0x1b: {  	s1 =	sadd.s32 s5, s1;
	[dreg:$0x10] =	wrdreg s23;
	(pc) =	sbr.rel .LBB2_1-.Ltmp0, $4  }
0x1c: {  	s17 =	simm.s32 $0x14180;
	s18 =	simm.s32 $0x1A400;
	[dreg:$0x11] =	wrdreg s24  }
0x1d: {  	s21 =	simm.s32 $0xF;
	s19 =	simm.s32 $0x1A400;
	[dreg:$0x12] =	wrdreg s1  }
0x1e: {  	s1 =	simm.s32 $0x40;
	s20 =	simm.s32 $0x3;
	s22 =	simm.s32 $0x4  }
0x1f: {  	v0 =	vimm.f32 $0.0e+00;
	s23 =	simm.s32 $0x10;
	s24 =	simm.s32 $0x5;
	s8 =	simm.s32 $0xA  }
.LBB2_6:
0x20: {  	_ =	swait.ge [sflag:s22], $0x2000  }
0x21: {  	[sflag:s22] =	ssyncset.done $0x0  }
0x22: {  	[sflag:s22] =	ssyncadd.s32 $0xFFFFE000  }
0x23: {  	_ =	swait.ge [sflag:s23], $0x80  }
0x24: {  	[sflag:s23] =	ssyncset.done $0x0  }
0x25: {  	[sflag:s23] =	ssyncadd.s32 $0xFFFFFF80  }
0x26: {  	[spmem:s2] =	stream.indirect.scatter.add.f32 [tilespmem:s18], [sflag:$0x8], $0x80, s17, s1, $0xb8;
	[tilespmem:$0x1C400] =	vst v63  }
0x27: {  	_ =	swait.ge [sflag:s24], $0x2000  }
0x28: {  	[sflag:s24] =	ssyncset.done $0x0  }
0x29: {  	[sflag:s24] =	ssyncadd.s32 $0xFFFFE000  }
0x2a: {  	_ =	swait.ge [sflag:s25], $0x2000  }
0x2b: {  	[sflag:s25] =	ssyncset.done $0x0  }
0x2c: {  	[sflag:s25] =	ssyncadd.s32 $0xFFFFE000  }
0x2d: {  	_ =	swait.ge [sflag:s26], $0x2000  }
0x2e: {  	[sflag:s26] =	ssyncset.done $0x0  }
0x2f: {  	[sflag:s26] =	ssyncadd.s32 $0xFFFFE000  }
0x30: {  	_ =	swait.ge [sflag:s28], $0x2000  }
0x31: {  	[sflag:s28] =	ssyncset.done $0x0  }
0x32: {  	[sflag:s28] =	ssyncadd.s32 $0xFFFFE000  }
0x33: {  	s10 =	stileid.u32;
	[bflag:$0x0] =	sbarrier.arrive $0xFFFF  }
0x34: {  	s10 =	sshll.u32 s10, $0x6;
	s13 =	rddreg [dreg:$0x3]  }
0x35: {  	s10 =	sor.u32 $0x1C11, s10;
	s30 =	rddreg [dreg:$0x13];
	s12 =	sshrl.u32 s13, $0x3  }
0x36: {  	[hbm:s30], [sflag:s10] =	dma.local [spmem:s12], $0x2800  }
0x37: {  	s12 =	simm.s32 $0x11  }
0x38: {  	_ =	swait.ge [sflag:s12], $0x2800  }
0x39: {  	s7 =	rddreg [dreg:$0x17]  }
0x3a: {  	s30 =	rddreg [dreg:$0x14];
	s7 =	sadd.s32 $0x1, s7  }
0x3b: {  	p0 =	sne.s32 s7, s30  }
.Ltmp1:
0x3c: {  	_ = 	snop;
	(pc) =	sbr.rel @!p0 .LBB2_7-.Ltmp1, $3  }
0x3d: {  	_ =	sdelay $0x1  }
0x3e: {  	[sflag:s12] =	ssyncset.done $0x0  }
0x3f: {  	s31 =	simm.s32 $0x14000;
	s14 =	simm.s32 $0x14100;
	[sflag:s12] =	ssyncadd.s32 $0xFFFFD800  }
.LBB2_1:
0x40: {  	[dreg:$0x17] =	wrdreg s7;
	s10 =	simm.s32 $0x0;
	s30 =	simm.s32 $0x200  }
.LBB2_2:
0x41: {  	p0 =	sne.s32 s30, $0x7E00;
	[tilespmem:s10+$0x14470] =	vst v0  }
0x42: {  	[tilespmem:s10+$0x14400] =	vst v0  }
0x43: {  	[tilespmem:s10+$0x14410] =	vst v0  }
.Ltmp2:
0x44: {  	[tilespmem:s10+$0x14420] =	vst v0;
	(pc) =	sbr.rel @p0 .LBB2_2-.Ltmp2, $4  }
0x45: {  	[tilespmem:s10+$0x14430] =	vst v0  }
0x46: {  	[tilespmem:s10+$0x14440] =	vst v0  }
0x47: {  	[tilespmem:s10+$0x14450] =	vst v0  }
0x48: {  	[tilespmem:s10+$0x14460] =	vst v0;
	s10 =	sshra.s32 s30, $0x2;
	s30 =	sadd.s32 $0x200, s30  }
0x49: {  	[tilespmem:s10+$0x14470] =	vst v0  }
0x4a: {  	[tilespmem:s10+$0x14400] =	vst v0  }
0x4b: {  	[tilespmem:s10+$0x14410] =	vst v0  }
0x4c: {  	[tilespmem:s10+$0x14420] =	vst v0  }
0x4d: {  	[tilespmem:s10+$0x14430] =	vst v0  }
0x4e: {  	[tilespmem:s10+$0x14440] =	vst v0  }
0x4f: {  	[tilespmem:s10+$0x14450] =	vst v0  }
0x50: {  	[tilespmem:s10+$0x14460] =	vst v0  }
0x51: {  	[spmem:s13] =	stream.linear.scatter [tilespmem:s29], [sflag:$0x11], $0x2000, $0x38;
	[tilespmem:$0x1C400] =	vst v63  }
0x52: {  	_ =	swait.ge [sflag:s12], $0x2000  }
0x53: {  	[sflag:s12] =	ssyncset.done $0x0  }
0x54: {  	s13 =	rddreg [dreg:$0x4];
	[sflag:s12] =	ssyncadd.s32 $0xFFFFE000  }
0x55: {  	[spmem:s13] =	stream.linear.scatter [tilespmem:s29], [sflag:$0x11], $0x2000, $0x38;
	[tilespmem:$0x1C400] =	vst v63  }
0x56: {  	_ =	swait.ge [sflag:s12], $0x2000  }
0x57: {  	[sflag:s12] =	ssyncset.done $0x0  }
0x58: {  	s30 =	rddreg [dreg:$0x5];
	[sflag:s12] =	ssyncadd.s32 $0xFFFFE000  }
0x59: {  	[spmem:s30] =	stream.linear.scatter [tilespmem:s29], [sflag:$0x11], $0x2000, $0x38;
	[tilespmem:$0x1C400] =	vst v63  }
0x5a: {  	_ =	swait.ge [sflag:s12], $0x2000  }
0x5b: {  	[sflag:s12] =	ssyncset.done $0x0  }
0x5c: {  	s7 =	rddreg [dreg:$0x6];
	[sflag:s12] =	ssyncadd.s32 $0xFFFFE000  }
0x5d: {  	[spmem:s7] =	stream.linear.scatter [tilespmem:s29], [sflag:$0x11], $0x2000, $0x38;
	[tilespmem:$0x1C400] =	vst v63  }
0x5e: {  	_ =	swait.ge [sflag:s12], $0x2000  }
0x5f: {  	[sflag:s12] =	ssyncset.done $0x0  }
0x60: {  	s13 =	rddreg [dreg:$0x7];
	[sflag:s12] =	ssyncadd.s32 $0xFFFFE000  }
0x61: {  	[spmem:s13] =	stream.linear.scatter [tilespmem:s29], [sflag:$0x11], $0x2000, $0x38;
	[tilespmem:$0x1C400] =	vst v63  }
0x62: {  	_ =	swait.ge [sflag:s12], $0x2000  }
0x63: {  	[sflag:s12] =	ssyncset.done $0x0  }
0x64: {  	s30 =	rddreg [dreg:$0x8];
	[sflag:s12] =	ssyncadd.s32 $0xFFFFE000  }
0x65: {  	[spmem:s30] =	stream.linear.scatter [tilespmem:s29], [sflag:$0x11], $0x2000, $0x38;
	[tilespmem:$0x1C400] =	vst v63  }
0x66: {  	_ =	swait.ge [sflag:s12], $0x2000  }
0x67: {  	[sflag:s12] =	ssyncset.done $0x0  }
0x68: {  	s7 =	rddreg [dreg:$0x9];
	[sflag:s12] =	ssyncadd.s32 $0xFFFFE000  }
0x69: {  	[spmem:s7] =	stream.linear.scatter [tilespmem:s29], [sflag:$0x11], $0x2000, $0x38;
	[tilespmem:$0x1C400] =	vst v63  }
0x6a: {  	_ =	swait.ge [sflag:s12], $0x2000  }
0x6b: {  	[sflag:s12] =	ssyncset.done $0x0  }
0x6c: {  	s13 =	rddreg [dreg:$0xa];
	[sflag:s12] =	ssyncadd.s32 $0xFFFFE000  }
0x6d: {  	[spmem:s13] =	stream.linear.scatter [tilespmem:s29], [sflag:$0x11], $0x2000, $0x38;
	[tilespmem:$0x1C400] =	vst v63  }
0x6e: {  	_ =	swait.ge [sflag:s12], $0x2000  }
0x6f: {  	[sflag:s12] =	ssyncset.done $0x0  }
0x70: {  	s30 =	rddreg [dreg:$0x15];
	[sflag:s12] =	ssyncadd.s32 $0xFFFFE000  }
0x71: {  	[spmem:s30] =	stream.linear.scatter [tilespmem:s29], [sflag:$0x11], $0x2000, $0x38;
	[tilespmem:$0x1C400] =	vst v63  }
0x72: {  	_ =	swait.ge [sflag:s12], $0x2000  }
0x73: {  	[sflag:s12] =	ssyncset.done $0x0  }
0x74: {  	s7 =	rddreg [dreg:$0x16];
	[sflag:s12] =	ssyncadd.s32 $0xFFFFE000  }
0x75: {  	[spmem:s7] =	stream.linear.scatter [tilespmem:s29], [sflag:$0x11], $0x2000, $0x38;
	[tilespmem:$0x1C400] =	vst v63  }
0x76: {  	_ =	swait.ge [sflag:s12], $0x2000  }
0x77: {  	[sflag:s12] =	ssyncset.done $0x0  }
0x78: {  	[sflag:s12] =	ssyncadd.s32 $0xFFFFE000  }
0x79: {  	[bflag:$0x0] =	sbarrier.arrive $0xFFFF  }
0x7a: {  	s13 =	rddreg [dreg:$0xb]  }
0x7b: {  	[tilespmem:s31], [sflag:$0xD] =	stream.linear.gather [hbm4b:s13+s3], $0x80, $0x38;
	[tilespmem:$0x1C400] =	vst v63  }
0x7c: {  	s7 =	simm.s32 $0x14200;
	s30 =	rddreg [dreg:$0xc]  }
0x7d: {  	[tilespmem:s7], [sflag:$0x11] =	stream.linear.gather [hbm4b:s30+s3], $0x80, $0x38;
	[tilespmem:$0x1C400] =	vst v63  }
0x7e: {  	_ =	swait.ge [sflag:s12], $0x80  }
0x7f: {  	[sflag:s12] =	ssyncset.done $0x0  }
0x80: {  	[sflag:s12] =	ssyncadd.s32 $0xFFFFFF80  }
0x81: {  	[tilespmem:s29], [sflag:$0x1] =	stream.indirect.gather [hbm4b:s4+s1], $0x80, s7, s1, $0xb8;
	[tilespmem:$0x1C400] =	vst v63  }
0x82: {  	s30 =	rddreg [dreg:$0xd];
	s7 =	simm.s32 $0x14080  }
0x83: {  	[tilespmem:s7], [sflag:$0xE] =	stream.linear.gather [hbm4b:s30+s3], $0x80, $0x38;
	[tilespmem:$0x1C400] =	vst v63  }
0x84: {  	s13 =	rddreg [dreg:$0xe];
	s30 =	simm.s32 $0x14280  }
0x85: {  	[tilespmem:s30], [sflag:$0x11] =	stream.linear.gather [hbm4b:s13+s3], $0x80, $0x38;
	[tilespmem:$0x1C400] =	vst v63  }
0x86: {  	_ =	swait.ge [sflag:s12], $0x80  }
0x87: {  	[sflag:s12] =	ssyncset.done $0x0  }
0x88: {  	s7 =	simm.s32 $0x16400;
	[sflag:s12] =	ssyncadd.s32 $0xFFFFFF80  }
0x89: {  	[tilespmem:s7], [sflag:$0x2] =	stream.indirect.gather [hbm4b:s4+s1], $0x80, s30, s1, $0xb8;
	[tilespmem:$0x1C400] =	vst v63  }
0x8a: {  	s13 =	rddreg [dreg:$0xf]  }
0x8b: {  	[tilespmem:s14], [sflag:$0xF] =	stream.linear.gather [hbm4b:s13+s3], $0x80, $0x38;
	[tilespmem:$0x1C400] =	vst v63  }
0x8c: {  	s30 =	rddreg [dreg:$0x10];
	s7 =	simm.s32 $0x14300  }
0x8d: {  	[tilespmem:s7], [sflag:$0x11] =	stream.linear.gather [hbm4b:s30+s3], $0x80, $0x38;
	[tilespmem:$0x1C400] =	vst v63  }
0x8e: {  	_ =	swait.ge [sflag:s12], $0x80  }
0x8f: {  	[sflag:s12] =	ssyncset.done $0x0  }
0x90: {  	[sflag:s12] =	ssyncadd.s32 $0xFFFFFF80  }
0x91: {  	[tilespmem:s16], [sflag:$0x3] =	stream.indirect.gather [hbm4b:s4+s1], $0x80, s7, s1, $0xb8;
	[tilespmem:$0x1C400] =	vst v63  }
0x92: {  	s13 =	rddreg [dreg:$0x11]  }
0x93: {  	[tilespmem:s17], [sflag:$0x10] =	stream.linear.gather [hbm4b:s13+s3], $0x80, $0x38;
	[tilespmem:$0x1C400] =	vst v63  }
0x94: {  	s30 =	simm.s32 $0x14380;
	s14 =	rddreg [dreg:$0x12]  }
0x95: {  	[tilespmem:s30], [sflag:$0x11] =	stream.linear.gather [hbm4b:s14+s3], $0x80, $0x38;
	[tilespmem:$0x1C400] =	vst v63  }
0x96: {  	_ =	swait.ge [sflag:s12], $0x80  }
0x97: {  	[sflag:s12] =	ssyncset.done $0x0  }
0x98: {  	s10 =	simm.s32 $0x380;
	[sflag:s12] =	ssyncadd.s32 $0xFFFFFF80  }
0x99: {  	[tilespmem:s18], [sflag:$0x4] =	stream.indirect.gather [hbm4b:s4+s1], $0x80, s30, s1, $0xb8;
	[tilespmem:$0x1C400] =	vst v63  }
.LBB2_4:
0x9a: {  	s7 =	simm.s32 $0x1  }
0x9b: {  	_ =	swait.ge [sflag:s7], $0x2000  }
0x9c: {  	[sflag:s7] =	ssyncset.done $0x0  }
0x9d: {  	s30 =	simm.s32 $0xD;
	[sflag:s7] =	ssyncadd.s32 $0xFFFFE000  }
0x9e: {  	_ =	swait.ge [sflag:s30], $0x80  }
0x9f: {  	p0 =	seq.s32 s10, $0x5180;
	[sflag:s30] =	ssyncset.done $0x0  }
0xa0: {  	[sflag:s30] =	ssyncadd.s32 $0xFFFFFF80;
	s30 =	simm.s32 @p0 $0x2  }
0xa1: {  	[spmem:s2] =	stream.indirect.scatter.add.f32 [tilespmem:s29], [sflag:$0x5], $0x80, s31, s1, $0xb8;
	[tilespmem:$0x1C400] =	vst v63  }
0xa2: {  	_ =	swait.ge @p0 [sflag:s30], $0x2000  }
0xa3: {  	[sflag:s30] =	ssyncset.done @p0 $0x0  }
0xa4: {  	[sflag:s30] =	ssyncadd.s32 @p0 $0xFFFFE000;
	s30 =	simm.s32 @p0 $0xE  }
0xa5: {  	_ =	swait.ge @p0 [sflag:s30], $0x80  }
0xa6: {  	s12 =	simm.s32 @p0 $0x16400;
	[sflag:s30] =	ssyncset.done @p0 $0x0  }
0xa7: {  	s31 =	simm.s32 @p0 $0x14080;
	[sflag:s30] =	ssyncadd.s32 @p0 $0xFFFFFF80;
	s30 =	simm.s32 @p0 $0x40  }
0xa8: {  	[spmem:s2] =	stream.indirect.scatter.add.f32 @p0 [tilespmem:s12], [sflag:$0x6], $0x80, s31, s30, $0xb8;
	[tilespmem:$0x1C400] =	vst v63  }
0xa9: {  	s12 =	sadd.s32 @!p0 $0xFFFFFE80, s10  }
0xaa: {  	s30 =	sand.u32 @!p0 $0xFC00, s12  }
0xab: {  	s12 =	sand.u32 @!p0 $0x200, s12;
	s30 =	sadd.s32 @!p0 s9, s30  }
0xac: {  	s12 =	sor.u32 @!p0 s12, s30  }
0xad: {  	s12 =	sshrl.u32 @!p0 s12, $0x3  }
0xae: {  	s31 =	simm.s32 @!p0 $0x14200;
	s30 =	simm.s32 @!p0 $0x0;
	s12 =	sadd.s32 @!p0 s5, s12  }
0xaf: {  	[tilespmem:s31], [sflag:$0x9] =	stream.linear.gather @!p0 [hbm4b:s12+s30], $0x80, $0x38;
	[tilespmem:$0x1C400] =	vst v63  }
0xb0: {  	s12 =	simm.s32 @!p0 $0x2  }
0xb1: {  	_ =	swait.ge @!p0 [sflag:s12], $0x2000  }
0xb2: {  	[sflag:s12] =	ssyncset.done @!p0 $0x0  }
0xb3: {  	[sflag:s12] =	ssyncadd.s32 @!p0 $0xFFFFE000;
	s12 =	simm.s32 @!p0 $0xE  }
0xb4: {  	_ =	swait.ge @!p0 [sflag:s12], $0x80  }
0xb5: {  	s13 =	simm.s32 @!p0 $0x16400;
	[sflag:s12] =	ssyncset.done @!p0 $0x0  }
0xb6: {  	s31 =	simm.s32 @!p0 $0x14080;
	[sflag:s12] =	ssyncadd.s32 @!p0 $0xFFFFFF80;
	s12 =	simm.s32 @!p0 $0x40  }
0xb7: {  	[spmem:s2] =	stream.indirect.scatter.add.f32 @!p0 [tilespmem:s13], [sflag:$0x6], $0x80, s31, s12, $0xb8;
	[tilespmem:$0x1C400] =	vst v63  }
0xb8: {  	s12 =	sadd.s32 @!p0 $0xFFFFFF00, s10  }
0xb9: {  	s13 =	sand.u32 @!p0 $0xFC00, s12  }
0xba: {  	s12 =	sand.u32 @!p0 $0x280, s12;
	s13 =	sadd.s32 @!p0 s9, s13  }
0xbb: {  	s12 =	sor.u32 @!p0 s12, s13  }
0xbc: {  	s12 =	sshrl.u32 @!p0 s12, $0x3  }
0xbd: {  	s13 =	simm.s32 @!p0 $0x14280;
	s12 =	sadd.s32 @!p0 s5, s12  }
0xbe: {  	[tilespmem:s13], [sflag:$0xA] =	stream.linear.gather @!p0 [hbm4b:s12+s30], $0x80, $0x38;
	[tilespmem:$0x1C400] =	vst v63  }
0xbf: {  	_ =	swait.ge [sflag:s20], $0x2000  }
0xc0: {  	[sflag:s20] =	ssyncset.done $0x0  }
.Ltmp3:
0xc1: {  	[sflag:s20] =	ssyncadd.s32 $0xFFFFE000;
	(pc) =	sbr.rel @p0 .LBB2_6-.Ltmp3, $4  }
0xc2: {  	_ =	swait.ge [sflag:s21], $0x80  }
0xc3: {  	[sflag:s21] =	ssyncset.done $0x0  }
0xc4: {  	s14 =	simm.s32 $0x14000;
	[sflag:s21] =	ssyncadd.s32 $0xFFFFFF80  }
0xc5: {  	[spmem:s2] =	stream.indirect.scatter.add.f32 [tilespmem:s16], [sflag:$0x7], $0x80, s15, s1, $0xb8;
	[tilespmem:$0x1C400] =	vst v63  }
0xc6: {  	s12 =	sadd.s32 $0xFFFFFF80, s10  }
0xc7: {  	s13 =	sand.u32 $0xFC00, s12  }
0xc8: {  	s12 =	sand.u32 $0x300, s12;
	s13 =	sadd.s32 s9, s13  }
0xc9: {  	s12 =	sor.u32 s12, s13  }
0xca: {  	s12 =	sshrl.u32 s12, $0x3  }
0xcb: {  	s16 =	simm.s32 $0x14300;
	s30 =	sadd.s32 s5, s12  }
0xcc: {  	[tilespmem:s16], [sflag:$0xB] =	stream.linear.gather [hbm4b:s30+s3], $0x80, $0x38;
	[tilespmem:$0x1C400] =	vst v63  }
0xcd: {  	_ =	swait.ge [sflag:s22], $0x2000  }
0xce: {  	[sflag:s22] =	ssyncset.done $0x0  }
0xcf: {  	s7 =	sand.u32 $0xFC00, s10;
	[sflag:s22] =	ssyncadd.s32 $0xFFFFE000  }
0xd0: {  	s13 =	sadd.s32 s9, s7;
	s30 =	sand.u32 $0x380, s10;
	_ =	swait.ge [sflag:s23], $0x80  }
0xd1: {  	s13 =	sor.u32 s30, s13;
	[sflag:s23] =	ssyncset.done $0x0  }
0xd2: {  	s29 =	simm.s32 $0x14180;
	s13 =	sshrl.u32 s13, $0x3;
	[sflag:s23] =	ssyncadd.s32 $0xFFFFFF80  }
0xd3: {  	[spmem:s2] =	stream.indirect.scatter.add.f32 [tilespmem:s19], [sflag:$0x8], $0x80, s29, s1, $0xb8;
	[tilespmem:$0x1C400] =	vst v63  }
0xd4: {  	s7 =	simm.s32 $0x14380;
	s30 =	sadd.s32 s5, s13  }
0xd5: {  	[tilespmem:s7], [sflag:$0xC] =	stream.linear.gather [hbm4b:s30+s3], $0x80, $0x38;
	[tilespmem:$0x1C400] =	vst v63  }
0xd6: {  	s30 =	sadd.s32 $0xFFFFFE80, s10  }
0xd7: {  	s31 =	sand.u32 $0xFC00, s30  }
0xd8: {  	s30 =	sand.u32 $0x200, s30;
	s31 =	sadd.s32 s9, s31  }
0xd9: {  	_ =	swait.ge [sflag:s24], $0x2000;
	s30 =	sor.u32 s30, s31  }
0xda: {  	[sflag:s24] =	ssyncset.done $0x0;
	s30 =	sshrl.u32 s30, $0x3  }
0xdb: {  	[sflag:s24] =	ssyncadd.s32 $0xFFFFE000;
	s30 =	sadd.s32 s6, s30  }
0xdc: {  	[tilespmem:s14], [sflag:$0xD] =	stream.linear.gather [hbm4b:s30+s3], $0x80, $0x38;
	[tilespmem:$0x1C400] =	vst v63  }
0xdd: {  	s30 =	simm.s32 $0x9  }
0xde: {  	_ =	swait.ge [sflag:s30], $0x80  }
0xdf: {  	s18 =	simm.s32 $0x14400;
	s14 =	sadd.s32 $0xFFFFFF00, s10;
	[sflag:s30] =	ssyncset.done $0x0  }
0xe0: {  	s31 =	sand.u32 $0xFC00, s14;
	[sflag:s30] =	ssyncadd.s32 $0xFFFFFF80;
	s30 =	simm.s32 $0x14200  }
0xe1: {  	[tilespmem:s18], [sflag:$0x1] =	stream.indirect.gather [hbm4b:s4+s1], $0x80, s30, s1, $0xb8;
	[tilespmem:$0x1C400] =	vst v63  }
0xe2: {  	s31 =	sadd.s32 s9, s31;
	s30 =	sand.u32 $0x280, s14  }
0xe3: {  	s30 =	sor.u32 s30, s31;
	_ =	swait.ge [sflag:s25], $0x2000  }
0xe4: {  	[sflag:s25] =	ssyncset.done $0x0;
	s30 =	sshrl.u32 s30, $0x3  }
0xe5: {  	s18 =	simm.s32 $0x14080;
	[sflag:s25] =	ssyncadd.s32 $0xFFFFE000;
	s30 =	sadd.s32 s6, s30  }
0xe6: {  	[tilespmem:s18], [sflag:$0xE] =	stream.linear.gather [hbm4b:s30+s3], $0x80, $0x38;
	[tilespmem:$0x1C400] =	vst v63  }
0xe7: {  	_ =	swait.ge [sflag:s8], $0x80  }
0xe8: {  	[sflag:s8] =	ssyncset.done $0x0  }
0xe9: {  	s14 =	simm.s32 $0x14280;
	s18 =	simm.s32 $0x16400;
	[sflag:s8] =	ssyncadd.s32 $0xFFFFFF80  }
0xea: {  	[tilespmem:s18], [sflag:$0x2] =	stream.indirect.gather [hbm4b:s4+s1], $0x80, s14, s1, $0xb8;
	[tilespmem:$0x1C400] =	vst v63  }
0xeb: {  	_ =	swait.ge [sflag:s26], $0x2000  }
0xec: {  	[sflag:s26] =	ssyncset.done $0x0  }
0xed: {  	s12 =	sadd.s32 s6, s12;
	[sflag:s26] =	ssyncadd.s32 $0xFFFFE000  }
0xee: {  	[tilespmem:s15], [sflag:$0xF] =	stream.linear.gather [hbm4b:s12+s3], $0x80, $0x38;
	[tilespmem:$0x1C400] =	vst v63  }
0xef: {  	_ =	swait.ge [sflag:s11], $0x80  }
0xf0: {  	[sflag:s11] =	ssyncset.done $0x0  }
0xf1: {  	s17 =	simm.s32 $0x18400;
	[sflag:s11] =	ssyncadd.s32 $0xFFFFFF80  }
0xf2: {  	[tilespmem:s17], [sflag:$0x3] =	stream.indirect.gather [hbm4b:s4+s1], $0x80, s16, s1, $0xb8;
	[tilespmem:$0x1C400] =	vst v63  }
0xf3: {  	_ =	swait.ge [sflag:s28], $0x2000  }
0xf4: {  	[sflag:s28] =	ssyncset.done $0x0  }
0xf5: {  	s30 =	sadd.s32 s6, s13;
	[sflag:s28] =	ssyncadd.s32 $0xFFFFE000  }
0xf6: {  	[tilespmem:s29], [sflag:$0x10] =	stream.linear.gather [hbm4b:s30+s3], $0x80, $0x38;
	[tilespmem:$0x1C400] =	vst v63  }
.Ltmp4:
0xf7: {  	_ = 	snop;
	(pc) =	sbr.rel .LBB2_4-.Ltmp4, $4  }
0xf8: {  	s10 =	sadd.s32 $0x200, s10;
	s31 =	simm.s32 $0x14000;
	_ =	swait.ge [sflag:s0], $0x80  }
0xf9: {  	s18 =	simm.s32 $0x1A400;
	s16 =	simm.s32 $0x18400;
	[sflag:s0] =	ssyncset.done $0x0  }
0xfa: {  	s17 =	simm.s32 $0x14180;
	s29 =	simm.s32 $0x14400;
	[sflag:s0] =	ssyncadd.s32 $0xFFFFFF80  }
0xfb: {  	[tilespmem:s19], [sflag:$0x4] =	stream.indirect.gather [hbm4b:s4+s1], $0x80, s7, s1, $0xb8;
	[tilespmem:$0x1C400] =	vst v63  }
.LBB2_7:
0xfc: {  	_ =	sfence.sel $0x180000  }
0xfd: {  	[bflag:$0x0] =	sbarrier.arrive $0xFFFF  }
0xfe: {  	_ =	strace $0x9000004D  }
0xff: {  	s0 =	stileid.u32;
	[bflag:$0x2] =	sbarrier.arrive $0xFFFF  }
0x100: {  	p0 =	sne.s32 s0, $0x0;
	s0 =	rddreg [dreg:$0x2]  }
0x101: {  	s0 =	sadd.s32 @!p0 $0x100000, s0  }
0x102: {  	[sflag:s0] =	ssyncadd.tile.s32 @!p0 $0x1;
	_ =	shalt  }
.Lfunc_end2:
_tile_overlayer_lowered:
.L_overlay_start_2:
0x103: {  	(tag) =	ssettag $0x2  }
0x104: {  	s0 =	rddreg [dreg:$0x0];
	s2 =	stileid.u32  }
0x105: {  	s1 =	rddreg [dreg:$0x1];
	p0 =	sne.s32 s2, $0x0  }
0x106: {  	s3 =	rddreg [dreg:$0x2];
	[bflag:$0x3] =	sbarrier.arrive $0xFFFF;
	s2 =	simm.s32 @!p0 $0x1C11  }
0x107: {  	[timem:s3], [sflag:s2] =	dma.local @!p0 [hbm:s0], s1  }
0x108: {  	s0 =	simm.s32 @!p0 $0x11  }
0x109: {  	_ =	swait.ge @!p0 [sflag:s0], s1  }
0x10a: {  	s1 =	ssub.s32 @!p0 $0x0, s1;
	[sflag:s0] =	ssyncset.done @!p0 $0x0  }
0x10b: {  	[sflag:s0] =	ssyncadd.s32 @!p0 s1  }
0x10c: {  	[bflag:$0x3] =	sbarrier.arrive $0xFFFF  }
0x10d: {  	_ =	shalt  }

// kernel: kernel.6.cloned.1.call-start
scs
__scs_entry_jumppad:
0x0: {  	(pc) =	sbr.rel $0x88, $3  }
0x1: {  	(tag) =	ssettag $0x0;
	lr =	simm.s32 $0x1  }
0x2: {  	[smem:$0x3F98] =	sst lr;
	_ =	strace $0xD0000000  }
0x3: {  	_ = 	snop  }
0x4: {  	_ = 	snop  }
0x5: {  	_ = 	snop  }
0x6: {  	_ = 	snop  }
0x7: {  	_ = 	snop  }
__scs_overlays_trampoline_lowered:
0x8: {  	[smem:$0x3FA7] =	sst s0  }
0x9: {  	[smem:$0x3FA8] =	sst s1  }
0xa: {  	[smem:$0x3FA9] =	sst s2  }
0xb: {  	[smem:$0x3FAA] =	sst s3  }
0xc: {  	[smem:$0x3FAB] =	sst s4  }
0xd: {  	[smem:$0x3FAC] =	sst s5  }
0xe: {  	[smem:$0x3FAD] =	sst s6  }
0xf: {  	[smem:$0x3FAE] =	sst s7  }
0x10: {  	[smem:$0x3FAF] =	sst s8  }
0x11: {  	[smem:$0x3FB0] =	sst s9;
	s0 =	simm.s32 @!p0 $0x0  }
0x12: {  	s1 =	sld [smem:$0x3F96];
	s0 =	simm.s32 @p0 $0x1  }
0x13: {  	[smem:$0x3FB1] =	sst s0;
	s0 =	simm.s32 @!p1 $0x0  }
0x14: {  	s2 =	sld [smem:$0x3F95];
	s0 =	simm.s32 @p1 $0x1  }
0x15: {  	[smem:$0x3FB2] =	sst s0;
	s0 =	simm.s32 @!p2 $0x0  }
0x16: {  	s3 =	sld [smem:$0x3FDB];
	s0 =	simm.s32 @p2 $0x1  }
0x17: {  	s4 =	simm.s32 $0x1BF5;
	[smem:$0x3FB4] =	sst s0  }
0x18: {  	s0 =	sld [smem:$0x3F97];
	_ =	swait.ge [sflag:s4], $0x0  }
0x19: {  	s7 =	sld [smem:$0x3F98]  }
0x1a: {  	s8 =	sadd.s32 $0xFFFFE003, lr  }
0x1b: {  	s9 =	sadd.s32 $0xFFFFFEF7, lr;
	s5 =	simm.s32 $0xFFFFFFFF;
	p2 =	slt.u32 s8, $0xFFFFF086  }
0x1c: {  	p1 =	slt.u32 s9, $0xF7A;
	s5 =	simm.s32 @!p2 $0x0  }
0x1d: {  	s5 =	simm.s32 @p1 $0x1;
	p0 =	seq.s32 s7, s2  }
0x1e: {  	s7 =	smul.u32 @!p0 $0xF7A, s2;
	p2 =	seq.s32 @!p0 s5, $0x0  }
0x1f: {  	s9 =	smul.u32 $0xF7A, s1;
	s8 =	simm.s32 @!p0 $0x1BF5;
	p2 =	por !p2, p0  }
0x20: {  	[sflag:s8] =	ssyncset.s32 @!p0 $0xFFFFF086;
	s6 =	sadd.s32 @!p0 s3, s7;
	s7 =	simm.s32 @!p0 $0x108  }
0x21: {  	s3 =	sadd.s32 s3, s9;
	s6 =	sadd.s32 @!p0 $0x88, s6;
	s7 =	simm.s32 @p2 $0x1082  }
0x22: {  	[simem:s7], [sflag:s8] =	dma.local @!p0 [hbm:s6], $0xF7A  }
0x23: {  	s9 =	sor.u32 $0xD0000000, s2;
	s6 =	simm.s32 $0x108;
	_ =	swait.ge @!p0 [sflag:s8], $0x0  }
0x24: {  	s3 =	sadd.s32 $0x88, s3;
	s6 =	simm.s32 @!p1 $0x1082;
	[sflag:s4] =	ssyncset.s32 $0xFFFFF086  }
0x25: {  	[simem:s6], [sflag:s4] =	dma.local [hbm:s3], $0xF7A  }
0x26: {  	[smem:$0x3F98] =	sst s1;
	(tag) =	ssettag s2;
	_ =	strace s9  }
0x27: {  	s1 =	sld [smem:$0x3FA8]  }
0x28: {  	s2 =	sld [smem:$0x3FA9]  }
0x29: {  	s4 =	sld [smem:$0x3FAB]  }
0x2a: {  	p0 =	seq.s32 s5, $0x0;
	s5 =	sld [smem:$0x3FAC]  }
0x2b: {  	s6 =	sld [smem:$0x3FAD]  }
0x2c: {  	s7 =	sld [smem:$0x3FAE]  }
0x2d: {  	s3 =	simm.s32 $0x108;
	s8 =	sld [smem:$0x3FAF]  }
0x2e: {  	s3 =	simm.s32 @!p0 $0x1082;
	s9 =	sld [smem:$0x3FB0]  }
0x2f: {  	lr =	sadd.s32 s0, s3;
	s0 =	sld [smem:$0x3FA7]  }
0x30: {  	s3 =	sld [smem:$0x3FAA]  }
0x31: {  	[smem:$0x3FB3] =	sst s10  }
0x32: {  	s10 =	sld [smem:$0x3FB1];
	_ =	sdelay $0x3  }
0x33: {  	p0 =	seq.s32 s10, $0x1;
	s10 =	sld [smem:$0x3FB3];
	_ =	sdelay $0x3  }
0x34: {  	[smem:$0x3FB3] =	sst s10  }
0x35: {  	s10 =	sld [smem:$0x3FB2];
	_ =	sdelay $0x3  }
0x36: {  	p1 =	seq.s32 s10, $0x1;
	s10 =	sld [smem:$0x3FB3];
	_ =	sdelay $0x3  }
0x37: {  	[smem:$0x3FB3] =	sst s10  }
0x38: {  	s10 =	sld [smem:$0x3FB4]  }
0x39: {  	_ = 	snop;
	(pc) =	sbr.ind lr, $3  }
0x3a: {  	_ = 	snop  }
0x3b: {  	_ = 	snop  }
0x3c: {  	p2 =	seq.s32 s10, $0x1;
	s10 =	sld [smem:$0x3FB3]  }
0x3d: {  	_ =	shalt  }
0x3e: {  	_ =	shalt  }
0x3f: {  	_ =	shalt  }
0x40: {  	_ =	shalt  }
0x41: {  	_ =	shalt  }
0x42: {  	_ =	shalt  }
0x43: {  	_ =	shalt  }
0x44: {  	_ =	shalt  }
0x45: {  	_ =	shalt  }
0x46: {  	_ =	shalt  }
0x47: {  	_ =	shalt  }
0x48: {  	_ =	shalt  }
0x49: {  	_ =	shalt  }
0x4a: {  	_ =	shalt  }
0x4b: {  	_ =	shalt  }
0x4c: {  	_ =	shalt  }
0x4d: {  	_ =	shalt  }
0x4e: {  	_ =	shalt  }
0x4f: {  	_ =	shalt  }
0x50: {  	_ =	shalt  }
0x51: {  	_ =	shalt  }
0x52: {  	_ =	shalt  }
0x53: {  	_ =	shalt  }
0x54: {  	_ =	shalt  }
0x55: {  	_ =	shalt  }
0x56: {  	_ =	shalt  }
0x57: {  	_ =	shalt  }
0x58: {  	_ =	shalt  }
0x59: {  	_ =	shalt  }
0x5a: {  	_ =	shalt  }
0x5b: {  	_ =	shalt  }
0x5c: {  	_ =	shalt  }
0x5d: {  	_ =	shalt  }
0x5e: {  	_ =	shalt  }
0x5f: {  	_ =	shalt  }
0x60: {  	_ =	shalt  }
0x61: {  	_ =	shalt  }
0x62: {  	_ =	shalt  }
0x63: {  	_ =	shalt  }
0x64: {  	_ =	shalt  }
0x65: {  	_ =	shalt  }
0x66: {  	_ =	shalt  }
0x67: {  	_ =	shalt  }
0x68: {  	_ =	shalt  }
0x69: {  	_ =	shalt  }
0x6a: {  	_ =	shalt  }
0x6b: {  	_ =	shalt  }
0x6c: {  	_ =	shalt  }
0x6d: {  	_ =	shalt  }
0x6e: {  	_ =	shalt  }
0x6f: {  	_ =	shalt  }
0x70: {  	_ =	shalt  }
0x71: {  	_ =	shalt  }
0x72: {  	_ =	shalt  }
0x73: {  	_ =	shalt  }
0x74: {  	_ =	shalt  }
0x75: {  	_ =	shalt  }
0x76: {  	_ =	shalt  }
0x77: {  	_ =	shalt  }
0x78: {  	_ =	shalt  }
0x79: {  	_ =	shalt  }
0x7a: {  	_ =	shalt  }
0x7b: {  	_ =	shalt  }
0x7c: {  	_ =	shalt  }
0x7d: {  	_ =	shalt  }
0x7e: {  	_ =	shalt  }
0x7f: {  	_ =	shalt  }
0x80: {  	_ =	shalt  }
0x81: {  	_ =	shalt  }
0x82: {  	_ =	shalt  }
0x83: {  	_ =	shalt  }
0x84: {  	_ =	shalt  }
0x85: {  	_ =	shalt  }
0x86: {  	_ =	shalt  }
0x87: {  	_ =	shalt  }
.Lfunc_end0:
.L_simem_size_0:
called_computation_lowered:
.L_overlay_start_0:
0x88: {  	s2 =	sld [smem:$0x3FD9]  }
0x89: {  	s3 =	sld [smem:$0x3FFE];
	_ =	sdelay $0x1  }
0x8a: {  	s1 =	srdreg.scid  }
0x8b: {  	s0 =	sand.u32 $0x1, s1  }
0x8c: {  	s16 =	sshll.u32 s0, $0xA;
	s2 =	sadd.s32 s3, s2  }
0x8d: {  	s2 =	sadd.s32 s2, s16  }
0x8e: {  	[smem:$0x3FBF] =	sst s2  }
0x8f: {  	_ = 	snop  }
0x90: {  	(tm) =	ssettm $0x1  }
0x91: {  	s17 =	sld [smem:$0x3FFB];
	_ =	sdelay $0x3  }
0x92: {  	_ =	strace s17  }
0x93: {  	s2 =	sld [smem:$0x3FFC];
	_ =	sdelay $0x3  }
0x94: {  	_ =	strace s2  }
0x95: {  	s2 =	sld [smem:$0x3FFD];
	_ =	sdelay $0x3  }
0x96: {  	_ =	strace s2  }
0x97: {  	_ =	strace $0x8FFFFFFF  }
0x98: {  	s18 =	sld [smem:$0x3FDB];
	_ =	sdelay $0x1  }
0x99: {  	s19 =	simm.s32 $_scs_section_size  }
0x9a: {  	s4 =	simm.s32 $_size__tile_overlayer_lowered;
	s5 =	simm.s32 $_tile_overlayer_lowered  }
0x9b: {  	s22 =	simm.s32 $0x1BFF;
	s21 =	sshll.u32 s5, $0x1;
	s2 =	sadd.s32 s19, s18  }
0x9c: {  	s6 =	simm.s32 $0x0;
	s20 =	sshll.u32 s4, $0x1;
	s4 =	sadd.s32 s21, s2  }
0x9d: {  	[timem:s6], [sflag:s22] =	dma.local [hbm:s4], s20  }
0x9e: {  	_ =	swait.ge [sflag:s22], s20  }
0x9f: {  	s3 =	ssub.s32 $0x0, s20;
	[sflag:s22] =	ssyncset.done $0x0  }
0xa0: {  	[sflag:s22] =	ssyncadd.s32 s3;
	_ =	sdelay $0x1  }
0xa1: {  	s23 =	simm.s32 $0x1B8B  }
0xa2: {  	_ =	swait.ge [sflag:s23], $0x1  }
0xa3: {  	[sflag:s23] =	ssyncset.done $0x0  }
0xa4: {  	s25 =	simm.s32 $0x1B8E;
	s24 =	sld [smem:$0x3FFE];
	[sflag:s23] =	ssyncadd.s32 $0xFFFFFFFF  }
0xa5: {  	s26 =	simm.s32 $execute0_lowered;
	[smem:$0x3FD2] =	sst s25  }
0xa6: {  	s4 =	sshll.u32 s26, $0x1;
	_ =	strace $0x80000046;
	[dreg:$0x1] =	wrdreg $0xFFFFFFFF  }
0xa7: {  	s28 =	simm.s32 $_size_execute0_lowered;
	s2 =	sadd.s32 s2, s4;
	[dreg:$0x0] =	wrdreg $0x0  }
0xa8: {  	s4 =	sshll.u32 s28, $0x1;
	[dreg:$0x2] =	wrdreg s2  }
0xa9: {  	[dreg:$0x3] =	wrdreg s4  }
0xaa: {  	[dreg:$0x4] =	wrdreg $0xC0  }
0xab: {  	_ =	task [dreg:s6], $0x5FFFF  }
0xac: {  	[dreg:$0x1] =	wrdreg $0xFFFFFFFF  }
0xad: {  	[dreg:$0x0] =	wrdreg $0x60  }
0xae: {  	[dreg:$0x2] =	wrdreg s24  }
0xaf: {  	[dreg:$0x3] =	wrdreg $0x9  }
0xb0: {  	_ =	task.clear_ibuf [dreg:s6], $0x4FFFF;
	_ =	strace $0x90000046  }
0xb1: {  	s29 =	simm.s32 $0x9;
	_ =	strace $0x80000048  }
0xb2: {  	_ =	swait.ge [sflag:s29], $0x1  }
0xb3: {  	[sflag:s29] =	ssyncadd.s32 $0xFFFFFFFF  }
0xb4: {  	_ =	strace $0x90000048  }
0xb5: {  	_ =	sfence  }
0xb6: {  	s30 =	sld [smem:$0x0];
	_ =	sdelay $0x2  }
0xb7: {  	s31 =	sshll.u32 s1, $0xD;
	s1 =	sshrl.u32 s1, $0x2  }
0xb8: {  	s3 =	sand.u32 $0x4000, s31;
	s1 =	sadd.s32 s1, s30  }
0xb9: {  	s0 =	sor.u32 s3, s0;
	s1 =	sshll.u32 s1, $0x11  }
0xba: {  	s0 =	sor.u32 s1, s0  }
0xbb: {  	s0 =	sadd.s32 $0x8F2B, s0  }
0xbc: {  	[sflag:s0] =	ssyncadd.remote.s32 $0x1  }
0xbd: {  	_ =	sfence.sel $0xFFFF  }
0xbe: {  	[dreg:$0x0] =	wrdreg $0xFFFFFFFF;
	(pc) =	sbr.abs _section_cstart, $3  }
0xbf: {  	[dreg:$0x1] =	wrdreg $0xFFFFFFFF  }
0xc0: {  	_ =	task.clear_ibuf [dreg:s6], $0x2FFFF;
	_ =	strace $0x9FFFFFFF  }
0xc1: {  	(tm) =	ssettm $0x7FFFFFFF  }
tec
execute0_lowered:
.L_overlay_start_1:
0x0: {  	(tag) =	ssettag $0x1  }
0x1: {  	s0 =	srdreg.scid  }
0x2: {  	s5 =	rddreg [dreg:$0x0];
	s3 =	sand.u32 $0x1, s0  }
0x3: {  	s2 =	simm.s32 $0x0;
	s0 =	stileid.u32;
	s1 =	sshll.u32 s3, $0x4  }
0x4: {  	s8 =	simm.s32 $0x80;
	s9 =	simm.s32 $0x400;
	s4 =	sor.u32 s0, s1  }
0x5: {  	s10 =	simm.s32 $0x0;
	[smem:$0x7FF] =	sst s2;
	s1 =	sshrl.u32 s4, $0x3  }
0x6: {  	s7 =	sshll.u32 s0, $0x7;
	s3 =	ssub.s32 $0x2, s3;
	s6 =	smul.u32 $0x14000, s1  }
0x7: {  	s7 =	sand.u32 $0x380, s7;
	s31 =	sshrl.u32 s3, $0x1;
	s4 =	smul.u32 $0xA00, s4  }
0x8: {  	s1 =	rddreg [dreg:$0x1];
	_ =	strace $0x80000047;
	s6 =	sor.u32 s7, s6  }
0x9: {  	s4 =	sadd.s32 s4, s5;
	s7 =	simm.s32 $0x1;
	s6 =	sshrl.u32 s6, $0x3  }
0xa: {  	s5 =	sadd.s32 s6, s5;
	s6 =	ssub.s32 s3, s31;
	s3 =	sadd.s32 $0x3000, s4  }
0xb: {  	v0 =	vimm.f32 $0.0e+00;
	v1 =	vimm.f32 $1.000000000e+00;
	s4 =	sadd.s32 $0x17000, s5;
	s5 =	smax.u32 s6, $0x1;
	s6 =	simm.s32 $0x2800  }
.LBB2_1:
0xc: {  	s11 =	simm.s32 $0x40;
	s12 =	simm.s32 $0x0  }
.LBB2_2:
0xd: {  	p0 =	sne.s32 s11, $0x9FC0;
	[tilespmem:s12+$0x0] =	vst v0;
	s12 =	smov.u32 s11;
	s11 =	sadd.s32 $0x40, s11  }
.Ltmp0:
0xe: {  	(pc) =	sbr.rel @p0 .LBB2_2-.Ltmp0, $2  }
0xf: {  	_ =	sdelay $0x2  }
0x10: {  	s12 =	sshra.s32 s12, $0x2  }
0x11: {  	[tilespmem:s12+$0x0] =	vst v0;
	s11 =	simm.s32 $0x0  }
0x12: {  	[tilespmem:s6], [sflag:$0x1] =	stream.linear.gather [hbm4b:s3+s11], $0x5000, $0x38;
	[tilespmem:$0x7800] =	vst v63  }
0x13: {  	_ =	swait.ge [sflag:s7], $0x5000  }
0x14: {  	[sflag:s7] =	ssyncset.done $0x0  }
0x15: {  	[sflag:s7] =	ssyncadd.s32 $0xFFFFB000  }
.LBB2_4:
0x16: {  	s12 =	sshra.s32 s11, $0x2  }
0x17: {  	v2 =	vld [tilespmem:s12+$0x2800];
	_ =	sdelay $0x7  }
0x18: {  	[tilespmem:v2+s2+$0x0] =	vst.idx.add.f32.msk $0xffff, v1  }
0x19: {  	v2 =	vld [tilespmem:s12+$0x2810];
	_ =	sdelay $0x7  }
0x1a: {  	[tilespmem:v2+s2+$0x0] =	vst.idx.add.f32.msk $0xffff, v1  }
0x1b: {  	v2 =	vld [tilespmem:s12+$0x2820];
	_ =	sdelay $0x7  }
0x1c: {  	[tilespmem:v2+s2+$0x0] =	vst.idx.add.f32.msk $0xffff, v1  }
0x1d: {  	v2 =	vld [tilespmem:s12+$0x2830];
	_ =	sdelay $0x2  }
0x1e: {  	p0 =	sne.s32 s11, $0x13E00  }
.Ltmp1:
0x1f: {  	_ = 	snop;
	(pc) =	sbr.rel @p0 .LBB2_4-.Ltmp1, $2  }
0x20: {  	_ =	sdelay $0x2  }
0x21: {  	s11 =	sadd.s32 $0x200, s11;
	[tilespmem:v2+s2+$0x0] =	vst.idx.add.f32.msk $0xffff, v1  }
0x22: {  	s10 =	sadd.s32 $0x1, s10  }
0x23: {  	p0 =	sne.s32 s10, s5  }
.Ltmp2:
0x24: {  	_ = 	snop;
	(pc) =	sbr.rel @p0 .LBB2_1-.Ltmp2, $4  }
0x25: {  	[hbm4b:s4+s8] =	stream.strided.scatter [tilespmem:s2], [sflag:$0x1], $0x2800, s9, s8, $0x38;
	[tilespmem:$0x7800] =	vst v63  }
0x26: {  	_ =	swait.ge [sflag:s7], $0x2800  }
0x27: {  	[sflag:s7] =	ssyncset.done $0x0  }
0x28: {  	[sflag:s7] =	ssyncadd.s32 $0xFFFFD800  }
0x29: {  	_ =	sfence.sel $0x180000  }
0x2a: {  	[bflag:$0x0] =	sbarrier.arrive $0xFFFF  }
0x2b: {  	p0 =	sne.s32 s0, $0x0;
	_ =	strace $0x90000047  }
0x2c: {  	s0 =	sadd.s32 @!p0 $0x100000, s1;
	[bflag:$0x2] =	sbarrier.arrive $0xFFFF  }
0x2d: {  	[sflag:s0] =	ssyncadd.tile.s32 @!p0 $0x1;
	_ =	shalt  }
.Lfunc_end2:
_tile_overlayer_lowered:
.L_overlay_start_2:
0x2e: {  	(tag) =	ssettag $0x2  }
0x2f: {  	s0 =	rddreg [dreg:$0x0];
	s2 =	stileid.u32  }
0x30: {  	s1 =	rddreg [dreg:$0x1];
	p0 =	sne.s32 s2, $0x0  }
0x31: {  	s3 =	rddreg [dreg:$0x2];
	[bflag:$0x3] =	sbarrier.arrive $0xFFFF;
	s2 =	simm.s32 @!p0 $0x1C01  }
0x32: {  	[timem:s3], [sflag:s2] =	dma.local @!p0 [hbm:s0], s1  }
0x33: {  	s0 =	simm.s32 @!p0 $0x1  }
0x34: {  	_ =	swait.ge @!p0 [sflag:s0], s1  }
0x35: {  	s1 =	ssub.s32 @!p0 $0x0, s1;
	[sflag:s0] =	ssyncset.done @!p0 $0x0  }
0x36: {  	[sflag:s0] =	ssyncadd.s32 @!p0 s1  }
0x37: {  	[bflag:$0x3] =	sbarrier.arrive $0xFFFF  }
0x38: {  	_ =	shalt  }

</sc_bundles>
